<compile_context>
chip_gen: v7x
topology: tpu7x:2x2x1
jax: 0.10.2.dev20260603
libtpu: 0.0.44.dev20260713+nightly
codegen_flags: <defaults>
</compile_context>

<pallas_src>
import functools

import jax
import jax.numpy as jnp
from jax import lax
from jax.experimental import pallas as pl
from jax.experimental.pallas import tpu as pltpu
from jax.experimental.pallas import tpu_sc as plsc

NC = 2
NS = 16
NW = NC * NS
CH = 128
D = 128


def _mesh():
    return plsc.VectorSubcoreMesh(
        core_axis_name="c", subcore_axis_name="s", num_cores=NC, num_subcores=NS
    )


@functools.lru_cache(maxsize=None)
def _make_scatter(n_acc, cpw):
    zpt = n_acc // NS
    zc = zpt // CH

    @functools.partial(
        pl.kernel,
        out_type=jax.ShapeDtypeStruct((NC, n_acc, D), jnp.float32),
        mesh=_mesh(),
        scratch_types=[
            pltpu.VMEM((cpw, CH), jnp.int32),
            pltpu.VMEM((cpw, CH), jnp.int32),
            pltpu.VMEM((CH, D), jnp.float32),
            pltpu.VMEM_SHARED((n_acc, D), jnp.float32),
            pltpu.SemaphoreType.DMA,
        ],
    )
    def k(y_hbm, src_hbm, dst_hbm, out_hbm, sbuf, dbuf, rows, acc, sem):
        cid = lax.axis_index("c")
        tid = lax.axis_index("s")
        wid = tid * NC + cid

        def zf(i, _):
            for kk in range(D // 16):
                rows[i, pl.ds(kk * 16, 16)] = jnp.zeros((16,), jnp.float32)
            return 0

        lax.fori_loop(0, CH, zf, 0)
        for m in range(zc):
            pltpu.sync_copy(rows, acc.at[pl.ds(tid * zpt + m * CH, CH)])

        pltpu.sync_copy(src_hbm.at[wid], sbuf)
        pltpu.sync_copy(dst_hbm.at[wid], dbuf)
        plsc.subcore_barrier()

        def body(j, _):
            pltpu.async_copy(y_hbm.at[sbuf.at[j]], rows, sem).wait()
            pltpu.sync_copy(rows, acc.at[dbuf.at[j]], add=True)
            return 0

        lax.fori_loop(0, cpw, body, 0)
        plsc.subcore_barrier()

        for m in range(zc):
            r0 = tid * zpt + m * CH
            pltpu.sync_copy(acc.at[pl.ds(r0, CH)], rows)
            pltpu.sync_copy(rows, out_hbm.at[cid, pl.ds(r0, CH)])

    return k


@functools.lru_cache(maxsize=None)
def _make_deg(n_acc, cpw):
    zpt = n_acc // NS

    @functools.partial(
        pl.kernel,
        out_type=jax.ShapeDtypeStruct((NC, n_acc), jnp.float32),
        mesh=_mesh(),
        scratch_types=[
            pltpu.VMEM((cpw, CH), jnp.int32),
            pltpu.VMEM((CH,), jnp.float32),
            pltpu.VMEM((zpt,), jnp.float32),
            pltpu.VMEM_SHARED((n_acc,), jnp.float32),
        ],
    )
    def k(dst_hbm, out_hbm, dbuf, ones_v, zbuf, accd):
        cid = lax.axis_index("c")
        tid = lax.axis_index("s")
        wid = tid * NC + cid

        def zf(i, _):
            zbuf[pl.ds(i * 16, 16)] = jnp.zeros((16,), jnp.float32)
            return 0

        lax.fori_loop(0, zpt // 16, zf, 0)
        pltpu.sync_copy(zbuf, accd.at[pl.ds(tid * zpt, zpt)])
        for kk in range(CH // 16):
            ones_v[pl.ds(kk * 16, 16)] = jnp.ones((16,), jnp.float32)
        pltpu.sync_copy(dst_hbm.at[wid], dbuf)
        plsc.subcore_barrier()

        def body(j, _):
            pltpu.sync_copy(ones_v, accd.at[dbuf.at[j]], add=True)
            return 0

        lax.fori_loop(0, cpw, body, 0)
        plsc.subcore_barrier()
        pltpu.sync_copy(accd.at[pl.ds(tid * zpt, zpt)], zbuf)
        pltpu.sync_copy(zbuf, out_hbm.at[cid, pl.ds(tid * zpt, zpt)])

    return k


def _tc_pre(x, degt, w0):
    n = x.shape[0]
    r = 2000

    def body(x_ref, dg_ref, w_ref, y_ref, dis_ref):
        dis = lax.rsqrt(dg_ref[:, 0:1] + dg_ref[:, 1:2] + 1.0)
        xw = jnp.dot(x_ref[...], w_ref[...], preferred_element_type=jnp.float32)
        y_ref[...] = xw * dis
        dis_ref[...] = dis

    return pl.pallas_call(
        body,
        grid=(n // r,),
        in_specs=[
            pl.BlockSpec((r, D), lambda i: (i, 0)),
            pl.BlockSpec((r, 2), lambda i: (i, 0)),
            pl.BlockSpec((D, D), lambda i: (0, 0)),
        ],
        out_specs=[
            pl.BlockSpec((r, D), lambda i: (i, 0)),
            pl.BlockSpec((r, 1), lambda i: (i, 0)),
        ],
        out_shape=[
            jax.ShapeDtypeStruct((n, D), jnp.float32),
            jax.ShapeDtypeStruct((n, 1), jnp.float32),
        ],
    )(x, degt, w0)


def _tc_mid(p0, p1, y, dis, b, w_next):
    n = y.shape[0]
    r = 2000

    def body(p0_ref, p1_ref, y_ref, dis_ref, b_ref, w_ref, o_ref):
        dis = dis_ref[...]
        z = (p0_ref[...] + p1_ref[...] + y_ref[...]) * dis + b_ref[...]
        h = jnp.maximum(z, 0.0)
        o_ref[...] = (
            jnp.dot(h, w_ref[...], preferred_element_type=jnp.float32) * dis
        )

    return pl.pallas_call(
        body,
        grid=(n // r,),
        in_specs=[
            pl.BlockSpec((r, D), lambda i: (i, 0)),
            pl.BlockSpec((r, D), lambda i: (i, 0)),
            pl.BlockSpec((r, D), lambda i: (i, 0)),
            pl.BlockSpec((r, 1), lambda i: (i, 0)),
            pl.BlockSpec((1, D), lambda i: (0, 0)),
            pl.BlockSpec((D, D), lambda i: (0, 0)),
        ],
        out_specs=pl.BlockSpec((r, D), lambda i: (i, 0)),
        out_shape=jax.ShapeDtypeStruct((n, D), jnp.float32),
    )(p0, p1, y, dis, b, w_next)


def _tc_fin(p0, p1, y, dis, b):
    n = y.shape[0]
    r = 2000

    def body(p0_ref, p1_ref, y_ref, dis_ref, b_ref, o_ref):
        o_ref[...] = (
            (p0_ref[...] + p1_ref[...] + y_ref[...]) * dis_ref[...] + b_ref[...]
        )

    return pl.pallas_call(
        body,
        grid=(n // r,),
        in_specs=[
            pl.BlockSpec((r, D), lambda i: (i, 0)),
            pl.BlockSpec((r, D), lambda i: (i, 0)),
            pl.BlockSpec((r, D), lambda i: (i, 0)),
            pl.BlockSpec((r, 1), lambda i: (i, 0)),
            pl.BlockSpec((1, D), lambda i: (0, 0)),
        ],
        out_specs=pl.BlockSpec((r, D), lambda i: (i, 0)),
        out_shape=jax.ShapeDtypeStruct((n, D), jnp.float32),
    )(p0, p1, y, dis, b)


def kernel(x, edge_index, W0, b0, W1, b1, W2, b2, W3, b3, W4, b4):
    n = x.shape[0]
    e = edge_index.shape[1]
    n_acc = -(-(n + 1) // (NS * CH)) * (NS * CH)
    cpw = -(-e // (NW * CH))
    e_pad = cpw * CH * NW

    src = edge_index[0]
    dst = edge_index[1]
    pad = e_pad - e
    srcp = jnp.concatenate([src, jnp.zeros((pad,), src.dtype)]).reshape(NW, cpw, CH)
    dstp = jnp.concatenate([dst, jnp.full((pad,), n, dst.dtype)]).reshape(NW, cpw, CH)

    degp = _make_deg(n_acc, cpw)(dstp)
    degt = jnp.stack([degp[0, :n], degp[1, :n]], axis=1)
    y, dis = _tc_pre(x, degt, W0)

    scatter = _make_scatter(n_acc, cpw)
    ws = [W1, W2, W3, W4]
    bs = [b0, b1, b2, b3, b4]
    for i in range(5):
        p = scatter(y, srcp, dstp)
        p0 = p[0, :n]
        p1 = p[1, :n]
        if i < 4:
            y = _tc_mid(p0, p1, y, dis, bs[i].reshape(1, D), ws[i])
        else:
            out = _tc_fin(p0, p1, y, dis, bs[i].reshape(1, D))
    return out

# --- scband reference (transcript-rebuilt; emitter-appended) ---
"""Pipeline reference for scband-gnnmodel-53042846106050 (READ-ONLY COPY).

The authoritative reference and input builder live on the scoring server;
editing this copy changes nothing except your own understanding.
"""

import jax, jax.numpy as jnp
import numpy as np

N = 10000
E = 320000
D_IN = 128
D_HID = 128
D_OUT = 128
NUM_LAYERS = 5


def _glorot(key, fan_in, fan_out):
    limit = np.sqrt(6.0 / (fan_in + fan_out))
    return jax.random.uniform(key, (fan_in, fan_out), dtype=jnp.float32, minval=-limit, maxval=limit)


def setup_inputs(seed: int = 0) -> dict:
    key = jax.random.key(seed)
    ks = jax.random.split(key, 2 + 2 * NUM_LAYERS)
    x = jax.random.normal(ks[0], (N, D_IN), dtype=jnp.float32)
    edge_index = jax.random.randint(ks[1], (2, E), 0, N, dtype=jnp.int32)
    inp = {"x": x, "edge_index": edge_index}
    dims = [D_IN] + [D_HID] * (NUM_LAYERS - 1) + [D_OUT]
    for i in range(NUM_LAYERS):
        inp[f"W{i}"] = _glorot(ks[2 + 2 * i], dims[i], dims[i + 1])
        inp[f"b{i}"] = jnp.zeros((dims[i + 1],), dtype=jnp.float32)
    return inp


def _gcn_conv(x, src, dst, deg_inv_sqrt, W, b):
    # PyG GCNConv (eval): x' = D^{-1/2} (A + I) D^{-1/2} (x @ W) + b
    n = x.shape[0]
    xw = x @ W
    norm = deg_inv_sqrt[src] * deg_inv_sqrt[dst]
    msgs = xw[src] * norm[:, None]
    out = jnp.zeros((n, xw.shape[1]), dtype=xw.dtype).at[dst].add(msgs)
    return out + b


def reference(x, edge_index, W0, b0, W1, b1, W2, b2, W3, b3, W4, b4):
    n = x.shape[0]
    loop = jnp.arange(n, dtype=edge_index.dtype)
    src = jnp.concatenate([edge_index[0], loop])
    dst = jnp.concatenate([edge_index[1], loop])
    deg = jnp.zeros((n,), dtype=jnp.float32).at[dst].add(1.0)
    deg_inv_sqrt = jnp.where(deg > 0, 1.0 / jnp.sqrt(deg), 0.0)
    Ws = [W0, W1, W2, W3, W4]
    bs = [b0, b1, b2, b3, b4]
    h = x
    for i in range(NUM_LAYERS):
        h = _gcn_conv(h, src, dst, deg_inv_sqrt, Ws[i], bs[i])
        if i < NUM_LAYERS - 1:
            h = jax.nn.relu(h)  # dropout is identity in eval mode
    return h

if __name__ == "__main__":
    import jax
    _d = setup_inputs()
    print(jax.jit(kernel)(*tuple(_d.values())))

</pallas_src>

<mosaic_0001>
#map = affine_map<(d0, d1) -> (0, 0)>
#map1 = affine_map<(d0, d1) -> (0, 0, 0)>
module attributes {stable_mosaic.version = 14 : i64} {
  func.func @k(%arg0: i32, %arg1: i32, %arg2: memref<10000x128xf32, #tpu.memory_space<hbm>>, %arg3: memref<32x79x128xi32, #tpu.memory_space<hbm>>, %arg4: memref<32x79x128xi32, #tpu.memory_space<hbm>>, %arg5: memref<2x10240x128xf32, #tpu.memory_space<hbm>>, %arg6: memref<79x128xi32, #tpu.memory_space<vmem>>, %arg7: memref<79x128xi32, #tpu.memory_space<vmem>>, %arg8: memref<128x128xf32, #tpu.memory_space<vmem>>, %arg9: memref<10240x128xf32, #tpu.memory_space<vmem_shared>>, %arg10: memref<!tpu.dma_semaphore, #tpu.memory_space<semaphore_mem>>) attributes {dimension_semantics = [#tpu.dimension_semantics<core_parallel>, #tpu.dimension_semantics<subcore_parallel>], iteration_bounds = array<i64: 2, 16>, scalar_prefetch = 0 : i64, scratch_operands = 5 : i64, tpu.core_type = #tpu.core_type<sc_vector_subcore>, window_params = [{transform_indices = #map}, {transform_indices = #map1}, {transform_indices = #map1}, {transform_indices = #map1}]} {
    %mul3A = arith.constant 2 : i32
    %mul3A_0 = arith.muli %arg1, %mul3A : i32
    %add3A = arith.addi %mul3A_0, %arg0 : i32
    %scan3A = arith.constant 0 : i32
    %scan3A_1 = arith.constant 0 : i32
    %scan3A_2 = arith.constant 128 : i32
    %scan3A_3 = arith.addi %scan3A_1, %scan3A_2 : i32
    %scan3A_4 = arith.constant 1 : i32
    %scan3A_5 = scf.for %scan3A_55 = %scan3A_1 to %scan3A_3 step %scan3A_4 iter_args(%scan3A_56 = %scan3A) -> (i32)  : i32 {
      %broadcast_in_dim3A = arith.constant 0.000000e+00 : f32
      %broadcast_in_dim3A_57 = vector.broadcast %broadcast_in_dim3A : f32 to vector<16xf32>
      %swap3A = arith.index_cast %scan3A_55 : i32 to index
      %swap3A_58 = arith.constant 0 : index
      %swap3A_59 = tpu.vector_load %arg8[%swap3A, %swap3A_58] {strides = array<i32>} : memref<128x128xf32, #tpu.memory_space<vmem>>, vector<1x16xf32>,
      %swap3A_60 = vector.shape_cast %swap3A_59 : vector<1x16xf32> to vector<16xf32>
      %swap3A_61 = vector.shape_cast %broadcast_in_dim3A_57 : vector<16xf32> to vector<1x16xf32>
      tpu.vector_store %arg8[%swap3A, %swap3A_58], %swap3A_61 {strides = array<i32>} : memref<128x128xf32, #tpu.memory_space<vmem>>, vector<1x16xf32>,
      %broadcast_in_dim3A_62 = arith.constant 0.000000e+00 : f32
      %broadcast_in_dim3A_63 = vector.broadcast %broadcast_in_dim3A_62 : f32 to vector<16xf32>
      %swap3A_64 = arith.index_cast %scan3A_55 : i32 to index
      %swap3A_65 = arith.constant 16 : index
      %swap3A_66 = tpu.vector_load %arg8[%swap3A_64, %swap3A_65] {strides = array<i32>} : memref<128x128xf32, #tpu.memory_space<vmem>>, vector<1x16xf32>,
      %swap3A_67 = vector.shape_cast %swap3A_66 : vector<1x16xf32> to vector<16xf32>
      %swap3A_68 = vector.shape_cast %broadcast_in_dim3A_63 : vector<16xf32> to vector<1x16xf32>
      tpu.vector_store %arg8[%swap3A_64, %swap3A_65], %swap3A_68 {strides = array<i32>} : memref<128x128xf32, #tpu.memory_space<vmem>>, vector<1x16xf32>,
      %broadcast_in_dim3A_69 = arith.constant 0.000000e+00 : f32
      %broadcast_in_dim3A_70 = vector.broadcast %broadcast_in_dim3A_69 : f32 to vector<16xf32>
      %swap3A_71 = arith.index_cast %scan3A_55 : i32 to index
      %swap3A_72 = arith.constant 32 : index
      %swap3A_73 = tpu.vector_load %arg8[%swap3A_71, %swap3A_72] {strides = array<i32>} : memref<128x128xf32, #tpu.memory_space<vmem>>, vector<1x16xf32>,
      %swap3A_74 = vector.shape_cast %swap3A_73 : vector<1x16xf32> to vector<16xf32>
      %swap3A_75 = vector.shape_cast %broadcast_in_dim3A_70 : vector<16xf32> to vector<1x16xf32>
      tpu.vector_store %arg8[%swap3A_71, %swap3A_72], %swap3A_75 {strides = array<i32>} : memref<128x128xf32, #tpu.memory_space<vmem>>, vector<1x16xf32>,
      %broadcast_in_dim3A_76 = arith.constant 0.000000e+00 : f32
      %broadcast_in_dim3A_77 = vector.broadcast %broadcast_in_dim3A_76 : f32 to vector<16xf32>
      %swap3A_78 = arith.index_cast %scan3A_55 : i32 to index
      %swap3A_79 = arith.constant 48 : index
      %swap3A_80 = tpu.vector_load %arg8[%swap3A_78, %swap3A_79] {strides = array<i32>} : memref<128x128xf32, #tpu.memory_space<vmem>>, vector<1x16xf32>,
      %swap3A_81 = vector.shape_cast %swap3A_80 : vector<1x16xf32> to vector<16xf32>
      %swap3A_82 = vector.shape_cast %broadcast_in_dim3A_77 : vector<16xf32> to vector<1x16xf32>
      tpu.vector_store %arg8[%swap3A_78, %swap3A_79], %swap3A_82 {strides = array<i32>} : memref<128x128xf32, #tpu.memory_space<vmem>>, vector<1x16xf32>,
      %broadcast_in_dim3A_83 = arith.constant 0.000000e+00 : f32
      %broadcast_in_dim3A_84 = vector.broadcast %broadcast_in_dim3A_83 : f32 to vector<16xf32>
      %swap3A_85 = arith.index_cast %scan3A_55 : i32 to index
      %swap3A_86 = arith.constant 64 : index
      %swap3A_87 = tpu.vector_load %arg8[%swap3A_85, %swap3A_86] {strides = array<i32>} : memref<128x128xf32, #tpu.memory_space<vmem>>, vector<1x16xf32>,
      %swap3A_88 = vector.shape_cast %swap3A_87 : vector<1x16xf32> to vector<16xf32>
      %swap3A_89 = vector.shape_cast %broadcast_in_dim3A_84 : vector<16xf32> to vector<1x16xf32>
      tpu.vector_store %arg8[%swap3A_85, %swap3A_86], %swap3A_89 {strides = array<i32>} : memref<128x128xf32, #tpu.memory_space<vmem>>, vector<1x16xf32>,
      %broadcast_in_dim3A_90 = arith.constant 0.000000e+00 : f32
      %broadcast_in_dim3A_91 = vector.broadcast %broadcast_in_dim3A_90 : f32 to vector<16xf32>
      %swap3A_92 = arith.index_cast %scan3A_55 : i32 to index
      %swap3A_93 = arith.constant 80 : index
      %swap3A_94 = tpu.vector_load %arg8[%swap3A_92, %swap3A_93] {strides = array<i32>} : memref<128x128xf32, #tpu.memory_space<vmem>>, vector<1x16xf32>,
      %swap3A_95 = vector.shape_cast %swap3A_94 : vector<1x16xf32> to vector<16xf32>
      %swap3A_96 = vector.shape_cast %broadcast_in_dim3A_91 : vector<16xf32> to vector<1x16xf32>
      tpu.vector_store %arg8[%swap3A_92, %swap3A_93], %swap3A_96 {strides = array<i32>} : memref<128x128xf32, #tpu.memory_space<vmem>>, vector<1x16xf32>,
      %broadcast_in_dim3A_97 = arith.constant 0.000000e+00 : f32
      %broadcast_in_dim3A_98 = vector.broadcast %broadcast_in_dim3A_97 : f32 to vector<16xf32>
      %swap3A_99 = arith.index_cast %scan3A_55 : i32 to index
      %swap3A_100 = arith.constant 96 : index
      %swap3A_101 = tpu.vector_load %arg8[%swap3A_99, %swap3A_100] {strides = array<i32>} : memref<128x128xf32, #tpu.memory_space<vmem>>, vector<1x16xf32>,
      %swap3A_102 = vector.shape_cast %swap3A_101 : vector<1x16xf32> to vector<16xf32>
      %swap3A_103 = vector.shape_cast %broadcast_in_dim3A_98 : vector<16xf32> to vector<1x16xf32>
      tpu.vector_store %arg8[%swap3A_99, %swap3A_100], %swap3A_103 {strides = array<i32>} : memref<128x128xf32, #tpu.memory_space<vmem>>, vector<1x16xf32>,
      %broadcast_in_dim3A_104 = arith.constant 0.000000e+00 : f32
      %broadcast_in_dim3A_105 = vector.broadcast %broadcast_in_dim3A_104 : f32 to vector<16xf32>
      %swap3A_106 = arith.index_cast %scan3A_55 : i32 to index
      %swap3A_107 = arith.constant 112 : index
      %swap3A_108 = tpu.vector_load %arg8[%swap3A_106, %swap3A_107] {strides = array<i32>} : memref<128x128xf32, #tpu.memory_space<vmem>>, vector<1x16xf32>,
      %swap3A_109 = vector.shape_cast %swap3A_108 : vector<1x16xf32> to vector<16xf32>
      %swap3A_110 = vector.shape_cast %broadcast_in_dim3A_105 : vector<16xf32> to vector<1x16xf32>
      tpu.vector_store %arg8[%swap3A_106, %swap3A_107], %swap3A_110 {strides = array<i32>} : memref<128x128xf32, #tpu.memory_space<vmem>>, vector<1x16xf32>,
      %scan3A_111 = arith.constant 0 : i32
      scf.yield %scan3A_111 : i32
    }
    %scan3A_6 = arith.constant 128 : i32
    %mul3A_7 = arith.constant 640 : i32
    %mul3A_8 = arith.muli %arg1, %mul3A_7 : i32
    %add3A_9 = arith.constant 0 : i32
    %add3A_10 = arith.addi %mul3A_8, %add3A_9 : i32
    "tpu.region"() ({
      %run_scoped3A = tpu.sem_alloc : memref<!tpu.dma_semaphore, #tpu.memory_space<semaphore_mem>>
      %dma_start3A = arith.constant 0 : i32
      %dma_start3A_55 = tpu.memref_slice %arg9[%add3A_10, %dma_start3A] : memref<10240x128xf32, #tpu.memory_space<vmem_shared>> -> memref<128x128xf32, #tpu.memory_space<vmem_shared>>
      %dma_start3A_56 = arith.constant 0 : i32
      %dma_start3A_57 = tpu.memref_slice %arg9[%add3A_10, %dma_start3A_56] : memref<10240x128xf32, #tpu.memory_space<vmem_shared>> -> memref<128x128xf32, #tpu.memory_space<vmem_shared>>
      tpu.enqueue_dma source(%arg8 : memref<128x128xf32, #tpu.memory_space<vmem>>) target(%dma_start3A_57 : memref<128x128xf32, #tpu.memory_space<vmem_shared>>) target_semaphore(%run_scoped3A : memref<!tpu.dma_semaphore, #tpu.memory_space<semaphore_mem>>)
      %dma_wait3A = arith.constant 0 : i32
      %dma_wait3A_58 = tpu.memref_slice %arg9[%add3A_10, %dma_wait3A] : memref<10240x128xf32, #tpu.memory_space<vmem_shared>> -> memref<128x128xf32, #tpu.memory_space<vmem_shared>>
      %dma_wait3A_59 = arith.constant 0 : i32
      %dma_wait3A_60 = tpu.memref_slice %arg9[%add3A_10, %dma_wait3A_59] : memref<10240x128xf32, #tpu.memory_space<vmem_shared>> -> memref<128x128xf32, #tpu.memory_space<vmem_shared>>
      tpu.wait_dma2 semaphore(%run_scoped3A : memref<!tpu.dma_semaphore, #tpu.memory_space<semaphore_mem>>) src(%arg8 : memref<128x128xf32, #tpu.memory_space<vmem>>) dst(%dma_wait3A_60 : memref<128x128xf32, #tpu.memory_space<vmem_shared>>)
      tpu.yield
    }) : () -> ()
    %mul3A_11 = arith.constant 640 : i32
    %mul3A_12 = arith.muli %arg1, %mul3A_11 : i32
    %add3A_13 = arith.constant 128 : i32
    %add3A_14 = arith.addi %mul3A_12, %add3A_13 : i32
    "tpu.region"() ({
      %run_scoped3A = tpu.sem_alloc : memref<!tpu.dma_semaphore, #tpu.memory_space<semaphore_mem>>
      %dma_start3A = arith.constant 0 : i32
      %dma_start3A_55 = tpu.memref_slice %arg9[%add3A_14, %dma_start3A] : memref<10240x128xf32, #tpu.memory_space<vmem_shared>> -> memref<128x128xf32, #tpu.memory_space<vmem_shared>>
      %dma_start3A_56 = arith.constant 0 : i32
      %dma_start3A_57 = tpu.memref_slice %arg9[%add3A_14, %dma_start3A_56] : memref<10240x128xf32, #tpu.memory_space<vmem_shared>> -> memref<128x128xf32, #tpu.memory_space<vmem_shared>>
      tpu.enqueue_dma source(%arg8 : memref<128x128xf32, #tpu.memory_space<vmem>>) target(%dma_start3A_57 : memref<128x128xf32, #tpu.memory_space<vmem_shared>>) target_semaphore(%run_scoped3A : memref<!tpu.dma_semaphore, #tpu.memory_space<semaphore_mem>>)
      %dma_wait3A = arith.constant 0 : i32
      %dma_wait3A_58 = tpu.memref_slice %arg9[%add3A_14, %dma_wait3A] : memref<10240x128xf32, #tpu.memory_space<vmem_shared>> -> memref<128x128xf32, #tpu.memory_space<vmem_shared>>
      %dma_wait3A_59 = arith.constant 0 : i32
      %dma_wait3A_60 = tpu.memref_slice %arg9[%add3A_14, %dma_wait3A_59] : memref<10240x128xf32, #tpu.memory_space<vmem_shared>> -> memref<128x128xf32, #tpu.memory_space<vmem_shared>>
      tpu.wait_dma2 semaphore(%run_scoped3A : memref<!tpu.dma_semaphore, #tpu.memory_space<semaphore_mem>>) src(%arg8 : memref<128x128xf32, #tpu.memory_space<vmem>>) dst(%dma_wait3A_60 : memref<128x128xf32, #tpu.memory_space<vmem_shared>>)
      tpu.yield
    }) : () -> ()
    %mul3A_15 = arith.constant 640 : i32
    %mul3A_16 = arith.muli %arg1, %mul3A_15 : i32
    %add3A_17 = arith.constant 256 : i32
    %add3A_18 = arith.addi %mul3A_16, %add3A_17 : i32
    "tpu.region"() ({
      %run_scoped3A = tpu.sem_alloc : memref<!tpu.dma_semaphore, #tpu.memory_space<semaphore_mem>>
      %dma_start3A = arith.constant 0 : i32
      %dma_start3A_55 = tpu.memref_slice %arg9[%add3A_18, %dma_start3A] : memref<10240x128xf32, #tpu.memory_space<vmem_shared>> -> memref<128x128xf32, #tpu.memory_space<vmem_shared>>
      %dma_start3A_56 = arith.constant 0 : i32
      %dma_start3A_57 = tpu.memref_slice %arg9[%add3A_18, %dma_start3A_56] : memref<10240x128xf32, #tpu.memory_space<vmem_shared>> -> memref<128x128xf32, #tpu.memory_space<vmem_shared>>
      tpu.enqueue_dma source(%arg8 : memref<128x128xf32, #tpu.memory_space<vmem>>) target(%dma_start3A_57 : memref<128x128xf32, #tpu.memory_space<vmem_shared>>) target_semaphore(%run_scoped3A : memref<!tpu.dma_semaphore, #tpu.memory_space<semaphore_mem>>)
      %dma_wait3A = arith.constant 0 : i32
      %dma_wait3A_58 = tpu.memref_slice %arg9[%add3A_18, %dma_wait3A] : memref<10240x128xf32, #tpu.memory_space<vmem_shared>> -> memref<128x128xf32, #tpu.memory_space<vmem_shared>>
      %dma_wait3A_59 = arith.constant 0 : i32
      %dma_wait3A_60 = tpu.memref_slice %arg9[%add3A_18, %dma_wait3A_59] : memref<10240x128xf32, #tpu.memory_space<vmem_shared>> -> memref<128x128xf32, #tpu.memory_space<vmem_shared>>
      tpu.wait_dma2 semaphore(%run_scoped3A : memref<!tpu.dma_semaphore, #tpu.memory_space<semaphore_mem>>) src(%arg8 : memref<128x128xf32, #tpu.memory_space<vmem>>) dst(%dma_wait3A_60 : memref<128x128xf32, #tpu.memory_space<vmem_shared>>)
      tpu.yield
    }) : () -> ()
    %mul3A_19 = arith.constant 640 : i32
    %mul3A_20 = arith.muli %arg1, %mul3A_19 : i32
    %add3A_21 = arith.constant 384 : i32
    %add3A_22 = arith.addi %mul3A_20, %add3A_21 : i32
    "tpu.region"() ({
      %run_scoped3A = tpu.sem_alloc : memref<!tpu.dma_semaphore, #tpu.memory_space<semaphore_mem>>
      %dma_start3A = arith.constant 0 : i32
      %dma_start3A_55 = tpu.memref_slice %arg9[%add3A_22, %dma_start3A] : memref<10240x128xf32, #tpu.memory_space<vmem_shared>> -> memref<128x128xf32, #tpu.memory_space<vmem_shared>>
      %dma_start3A_56 = arith.constant 0 : i32
      %dma_start3A_57 = tpu.memref_slice %arg9[%add3A_22, %dma_start3A_56] : memref<10240x128xf32, #tpu.memory_space<vmem_shared>> -> memref<128x128xf32, #tpu.memory_space<vmem_shared>>
      tpu.enqueue_dma source(%arg8 : memref<128x128xf32, #tpu.memory_space<vmem>>) target(%dma_start3A_57 : memref<128x128xf32, #tpu.memory_space<vmem_shared>>) target_semaphore(%run_scoped3A : memref<!tpu.dma_semaphore, #tpu.memory_space<semaphore_mem>>)
      %dma_wait3A = arith.constant 0 : i32
      %dma_wait3A_58 = tpu.memref_slice %arg9[%add3A_22, %dma_wait3A] : memref<10240x128xf32, #tpu.memory_space<vmem_shared>> -> memref<128x128xf32, #tpu.memory_space<vmem_shared>>
      %dma_wait3A_59 = arith.constant 0 : i32
      %dma_wait3A_60 = tpu.memref_slice %arg9[%add3A_22, %dma_wait3A_59] : memref<10240x128xf32, #tpu.memory_space<vmem_shared>> -> memref<128x128xf32, #tpu.memory_space<vmem_shared>>
      tpu.wait_dma2 semaphore(%run_scoped3A : memref<!tpu.dma_semaphore, #tpu.memory_space<semaphore_mem>>) src(%arg8 : memref<128x128xf32, #tpu.memory_space<vmem>>) dst(%dma_wait3A_60 : memref<128x128xf32, #tpu.memory_space<vmem_shared>>)
      tpu.yield
    }) : () -> ()
    %mul3A_23 = arith.constant 640 : i32
    %mul3A_24 = arith.muli %arg1, %mul3A_23 : i32
    %add3A_25 = arith.constant 512 : i32
    %add3A_26 = arith.addi %mul3A_24, %add3A_25 : i32
    "tpu.region"() ({
      %run_scoped3A = tpu.sem_alloc : memref<!tpu.dma_semaphore, #tpu.memory_space<semaphore_mem>>
      %dma_start3A = arith.constant 0 : i32
      %dma_start3A_55 = tpu.memref_slice %arg9[%add3A_26, %dma_start3A] : memref<10240x128xf32, #tpu.memory_space<vmem_shared>> -> memref<128x128xf32, #tpu.memory_space<vmem_shared>>
      %dma_start3A_56 = arith.constant 0 : i32
      %dma_start3A_57 = tpu.memref_slice %arg9[%add3A_26, %dma_start3A_56] : memref<10240x128xf32, #tpu.memory_space<vmem_shared>> -> memref<128x128xf32, #tpu.memory_space<vmem_shared>>
      tpu.enqueue_dma source(%arg8 : memref<128x128xf32, #tpu.memory_space<vmem>>) target(%dma_start3A_57 : memref<128x128xf32, #tpu.memory_space<vmem_shared>>) target_semaphore(%run_scoped3A : memref<!tpu.dma_semaphore, #tpu.memory_space<semaphore_mem>>)
      %dma_wait3A = arith.constant 0 : i32
      %dma_wait3A_58 = tpu.memref_slice %arg9[%add3A_26, %dma_wait3A] : memref<10240x128xf32, #tpu.memory_space<vmem_shared>> -> memref<128x128xf32, #tpu.memory_space<vmem_shared>>
      %dma_wait3A_59 = arith.constant 0 : i32
      %dma_wait3A_60 = tpu.memref_slice %arg9[%add3A_26, %dma_wait3A_59] : memref<10240x128xf32, #tpu.memory_space<vmem_shared>> -> memref<128x128xf32, #tpu.memory_space<vmem_shared>>
      tpu.wait_dma2 semaphore(%run_scoped3A : memref<!tpu.dma_semaphore, #tpu.memory_space<semaphore_mem>>) src(%arg8 : memref<128x128xf32, #tpu.memory_space<vmem>>) dst(%dma_wait3A_60 : memref<128x128xf32, #tpu.memory_space<vmem_shared>>)
      tpu.yield
    }) : () -> ()
    "tpu.region"() ({
      %run_scoped3A = tpu.sem_alloc : memref<!tpu.dma_semaphore, #tpu.memory_space<semaphore_mem>>
      %dma_start3A = arith.constant 0 : i32
      %dma_start3A_55 = arith.constant 0 : i32
      %dma_start3A_56 = tpu.memref_slice %arg3[%add3A, %dma_start3A, %dma_start3A_55] : memref<32x79x128xi32, #tpu.memory_space<hbm>> -> memref<1x79x128xi32, #tpu.memory_space<hbm>>
      %dma_start3A_57 = tpu.memref_squeeze %dma_start3A_56 : memref<1x79x128xi32, #tpu.memory_space<hbm>> -> memref<79x128xi32, #tpu.memory_space<hbm>>
      %dma_start3A_58 = arith.constant 0 : i32
      %dma_start3A_59 = arith.constant 0 : i32
      %dma_start3A_60 = tpu.memref_slice %arg3[%add3A, %dma_start3A_58, %dma_start3A_59] : memref<32x79x128xi32, #tpu.memory_space<hbm>> -> memref<1x79x128xi32, #tpu.memory_space<hbm>>
      %dma_start3A_61 = tpu.memref_squeeze %dma_start3A_60 : memref<1x79x128xi32, #tpu.memory_space<hbm>> -> memref<79x128xi32, #tpu.memory_space<hbm>>
      tpu.enqueue_dma source(%dma_start3A_61 : memref<79x128xi32, #tpu.memory_space<hbm>>) target(%arg6 : memref<79x128xi32, #tpu.memory_space<vmem>>) target_semaphore(%run_scoped3A : memref<!tpu.dma_semaphore, #tpu.memory_space<semaphore_mem>>)
      %dma_wait3A = arith.constant 0 : i32
      %dma_wait3A_62 = arith.constant 0 : i32
      %dma_wait3A_63 = tpu.memref_slice %arg3[%add3A, %dma_wait3A, %dma_wait3A_62] : memref<32x79x128xi32, #tpu.memory_space<hbm>> -> memref<1x79x128xi32, #tpu.memory_space<hbm>>
      %dma_wait3A_64 = tpu.memref_squeeze %dma_wait3A_63 : memref<1x79x128xi32, #tpu.memory_space<hbm>> -> memref<79x128xi32, #tpu.memory_space<hbm>>
      %dma_wait3A_65 = arith.constant 0 : i32
      %dma_wait3A_66 = arith.constant 0 : i32
      %dma_wait3A_67 = tpu.memref_slice %arg3[%add3A, %dma_wait3A_65, %dma_wait3A_66] : memref<32x79x128xi32, #tpu.memory_space<hbm>> -> memref<1x79x128xi32, #tpu.memory_space<hbm>>
      %dma_wait3A_68 = tpu.memref_squeeze %dma_wait3A_67 : memref<1x79x128xi32, #tpu.memory_space<hbm>> -> memref<79x128xi32, #tpu.memory_space<hbm>>
      tpu.wait_dma2 semaphore(%run_scoped3A : memref<!tpu.dma_semaphore, #tpu.memory_space<semaphore_mem>>) src(%dma_wait3A_68 : memref<79x128xi32, #tpu.memory_space<hbm>>) dst(%arg6 : memref<79x128xi32, #tpu.memory_space<vmem>>)
      tpu.yield
    }) : () -> ()
    "tpu.region"() ({
      %run_scoped3A = tpu.sem_alloc : memref<!tpu.dma_semaphore, #tpu.memory_space<semaphore_mem>>
      %dma_start3A = arith.constant 0 : i32
      %dma_start3A_55 = arith.constant 0 : i32
      %dma_start3A_56 = tpu.memref_slice %arg4[%add3A, %dma_start3A, %dma_start3A_55] : memref<32x79x128xi32, #tpu.memory_space<hbm>> -> memref<1x79x128xi32, #tpu.memory_space<hbm>>
      %dma_start3A_57 = tpu.memref_squeeze %dma_start3A_56 : memref<1x79x128xi32, #tpu.memory_space<hbm>> -> memref<79x128xi32, #tpu.memory_space<hbm>>
      %dma_start3A_58 = arith.constant 0 : i32
      %dma_start3A_59 = arith.constant 0 : i32
      %dma_start3A_60 = tpu.memref_slice %arg4[%add3A, %dma_start3A_58, %dma_start3A_59] : memref<32x79x128xi32, #tpu.memory_space<hbm>> -> memref<1x79x128xi32, #tpu.memory_space<hbm>>
      %dma_start3A_61 = tpu.memref_squeeze %dma_start3A_60 : memref<1x79x128xi32, #tpu.memory_space<hbm>> -> memref<79x128xi32, #tpu.memory_space<hbm>>
      tpu.enqueue_dma source(%dma_start3A_61 : memref<79x128xi32, #tpu.memory_space<hbm>>) target(%arg7 : memref<79x128xi32, #tpu.memory_space<vmem>>) target_semaphore(%run_scoped3A : memref<!tpu.dma_semaphore, #tpu.memory_space<semaphore_mem>>)
      %dma_wait3A = arith.constant 0 : i32
      %dma_wait3A_62 = arith.constant 0 : i32
      %dma_wait3A_63 = tpu.memref_slice %arg4[%add3A, %dma_wait3A, %dma_wait3A_62] : memref<32x79x128xi32, #tpu.memory_space<hbm>> -> memref<1x79x128xi32, #tpu.memory_space<hbm>>
      %dma_wait3A_64 = tpu.memref_squeeze %dma_wait3A_63 : memref<1x79x128xi32, #tpu.memory_space<hbm>> -> memref<79x128xi32, #tpu.memory_space<hbm>>
      %dma_wait3A_65 = arith.constant 0 : i32
      %dma_wait3A_66 = arith.constant 0 : i32
      %dma_wait3A_67 = tpu.memref_slice %arg4[%add3A, %dma_wait3A_65, %dma_wait3A_66] : memref<32x79x128xi32, #tpu.memory_space<hbm>> -> memref<1x79x128xi32, #tpu.memory_space<hbm>>
      %dma_wait3A_68 = tpu.memref_squeeze %dma_wait3A_67 : memref<1x79x128xi32, #tpu.memory_space<hbm>> -> memref<79x128xi32, #tpu.memory_space<hbm>>
      tpu.wait_dma2 semaphore(%run_scoped3A : memref<!tpu.dma_semaphore, #tpu.memory_space<semaphore_mem>>) src(%dma_wait3A_68 : memref<79x128xi32, #tpu.memory_space<hbm>>) dst(%arg7 : memref<79x128xi32, #tpu.memory_space<vmem>>)
      tpu.yield
    }) : () -> ()
    %barrier3A = arith.constant 0 : index
    tpu.barrier barrier_id(%barrier3A)
    %scan3A_27 = arith.constant 0 : i32
    %scan3A_28 = arith.constant 0 : i32
    %scan3A_29 = arith.constant 79 : i32
    %scan3A_30 = arith.addi %scan3A_28, %scan3A_29 : i32
    %scan3A_31 = arith.constant 1 : i32
    %scan3A_32 = scf.for %scan3A_55 = %scan3A_28 to %scan3A_30 step %scan3A_31 iter_args(%scan3A_56 = %scan3A_27) -> (i32)  : i32 {
      %dma_start3A = arith.constant 0 : i32
      %dma_start3A_57 = tpu.memref_slice %arg6[%scan3A_55, %dma_start3A] : memref<79x128xi32, #tpu.memory_space<vmem>> -> memref<1x128xi32, #tpu.memory_space<vmem>>
      %dma_start3A_58 = tpu.memref_squeeze %dma_start3A_57 : memref<1x128xi32, #tpu.memory_space<vmem>> -> memref<128xi32, #tpu.memory_space<vmem>>
      %dma_start3A_59 = arith.constant 0 : i32
      %dma_start3A_60 = arith.constant 0 : i32
      %dma_start3A_61 = tpu.memref_slice %arg2[%dma_start3A_59, %dma_start3A_60] : memref<10000x128xf32, #tpu.memory_space<hbm>> -> memref<10000x128xf32, #tpu.memory_space<hbm>>
      tpu.enqueue_indirect_dma source(%dma_start3A_61 : memref<10000x128xf32, #tpu.memory_space<hbm>>) target(%arg8 : memref<128x128xf32, #tpu.memory_space<vmem>>) offsets(%dma_start3A_58 : memref<128xi32, #tpu.memory_space<vmem>>) semaphore(%arg10 : memref<!tpu.dma_semaphore, #tpu.memory_space<semaphore_mem>>)
      %dma_wait3A = arith.constant 0 : i32
      %dma_wait3A_62 = tpu.memref_slice %arg6[%scan3A_55, %dma_wait3A] : memref<79x128xi32, #tpu.memory_space<vmem>> -> memref<1x128xi32, #tpu.memory_space<vmem>>
      %dma_wait3A_63 = tpu.memref_squeeze %dma_wait3A_62 : memref<1x128xi32, #tpu.memory_space<vmem>> -> memref<128xi32, #tpu.memory_space<vmem>>
      %dma_wait3A_64 = arith.constant 0 : i32
      %dma_wait3A_65 = arith.constant 0 : i32
      %dma_wait3A_66 = tpu.memref_slice %arg2[%dma_wait3A_64, %dma_wait3A_65] : memref<10000x128xf32, #tpu.memory_space<hbm>> -> memref<10000x128xf32, #tpu.memory_space<hbm>>
      tpu.wait_indirect_dma semaphore(%arg10 : memref<!tpu.dma_semaphore, #tpu.memory_space<semaphore_mem>>) src(%dma_wait3A_66 : memref<10000x128xf32, #tpu.memory_space<hbm>>) dst(%arg8 : memref<128x128xf32, #tpu.memory_space<vmem>>)
      "tpu.region"() ({
        %run_scoped3A = tpu.sem_alloc : memref<!tpu.dma_semaphore, #tpu.memory_space<semaphore_mem>>
        %dma_start3A_68 = arith.constant 0 : i32
        %dma_start3A_69 = tpu.memref_slice %arg7[%scan3A_55, %dma_start3A_68] : memref<79x128xi32, #tpu.memory_space<vmem>> -> memref<1x128xi32, #tpu.memory_space<vmem>>
        %dma_start3A_70 = tpu.memref_squeeze %dma_start3A_69 : memref<1x128xi32, #tpu.memory_space<vmem>> -> memref<128xi32, #tpu.memory_space<vmem>>
        %dma_start3A_71 = arith.constant 0 : i32
        %dma_start3A_72 = arith.constant 0 : i32
        %dma_start3A_73 = tpu.memref_slice %arg9[%dma_start3A_71, %dma_start3A_72] : memref<10240x128xf32, #tpu.memory_space<vmem_shared>> -> memref<10240x128xf32, #tpu.memory_space<vmem_shared>>
        tpu.enqueue_indirect_dma source(%arg8 : memref<128x128xf32, #tpu.memory_space<vmem>>) target(%dma_start3A_73 : memref<10240x128xf32, #tpu.memory_space<vmem_shared>>) offsets(%dma_start3A_70 : memref<128xi32, #tpu.memory_space<vmem>>) semaphore(%run_scoped3A : memref<!tpu.dma_semaphore, #tpu.memory_space<semaphore_mem>>) {add = true}
        %dma_wait3A_74 = arith.constant 0 : i32
        %dma_wait3A_75 = tpu.memref_slice %arg7[%scan3A_55, %dma_wait3A_74] : memref<79x128xi32, #tpu.memory_space<vmem>> -> memref<1x128xi32, #tpu.memory_space<vmem>>
        %dma_wait3A_76 = tpu.memref_squeeze %dma_wait3A_75 : memref<1x128xi32, #tpu.memory_space<vmem>> -> memref<128xi32, #tpu.memory_space<vmem>>
        %dma_wait3A_77 = arith.constant 0 : i32
        %dma_wait3A_78 = arith.constant 0 : i32
        %dma_wait3A_79 = tpu.memref_slice %arg9[%dma_wait3A_77, %dma_wait3A_78] : memref<10240x128xf32, #tpu.memory_space<vmem_shared>> -> memref<10240x128xf32, #tpu.memory_space<vmem_shared>>
        tpu.wait_indirect_dma semaphore(%run_scoped3A : memref<!tpu.dma_semaphore, #tpu.memory_space<semaphore_mem>>) src(%arg8 : memref<128x128xf32, #tpu.memory_space<vmem>>) dst(%dma_wait3A_79 : memref<10240x128xf32, #tpu.memory_space<vmem_shared>>)
        tpu.yield
      }) : () -> ()
      %scan3A_67 = arith.constant 0 : i32
      scf.yield %scan3A_67 : i32
    }
    %scan3A_33 = arith.constant 79 : i32
    %barrier3A_34 = arith.constant 0 : index
    tpu.barrier barrier_id(%barrier3A_34)
    %mul3A_35 = arith.constant 640 : i32
    %mul3A_36 = arith.muli %arg1, %mul3A_35 : i32
    %add3A_37 = arith.constant 0 : i32
    %add3A_38 = arith.addi %mul3A_36, %add3A_37 : i32
    "tpu.region"() ({
      %run_scoped3A = tpu.sem_alloc : memref<!tpu.dma_semaphore, #tpu.memory_space<semaphore_mem>>
      %dma_start3A = arith.constant 0 : i32
      %dma_start3A_55 = tpu.memref_slice %arg9[%add3A_38, %dma_start3A] : memref<10240x128xf32, #tpu.memory_space<vmem_shared>> -> memref<128x128xf32, #tpu.memory_space<vmem_shared>>
      %dma_start3A_56 = arith.constant 0 : i32
      %dma_start3A_57 = tpu.memref_slice %arg9[%add3A_38, %dma_start3A_56] : memref<10240x128xf32, #tpu.memory_space<vmem_shared>> -> memref<128x128xf32, #tpu.memory_space<vmem_shared>>
      tpu.enqueue_dma source(%dma_start3A_57 : memref<128x128xf32, #tpu.memory_space<vmem_shared>>) target(%arg8 : memref<128x128xf32, #tpu.memory_space<vmem>>) target_semaphore(%run_scoped3A : memref<!tpu.dma_semaphore, #tpu.memory_space<semaphore_mem>>)
      %dma_wait3A = arith.constant 0 : i32
      %dma_wait3A_58 = tpu.memref_slice %arg9[%add3A_38, %dma_wait3A] : memref<10240x128xf32, #tpu.memory_space<vmem_shared>> -> memref<128x128xf32, #tpu.memory_space<vmem_shared>>
      %dma_wait3A_59 = arith.constant 0 : i32
      %dma_wait3A_60 = tpu.memref_slice %arg9[%add3A_38, %dma_wait3A_59] : memref<10240x128xf32, #tpu.memory_space<vmem_shared>> -> memref<128x128xf32, #tpu.memory_space<vmem_shared>>
      tpu.wait_dma2 semaphore(%run_scoped3A : memref<!tpu.dma_semaphore, #tpu.memory_space<semaphore_mem>>) src(%dma_wait3A_60 : memref<128x128xf32, #tpu.memory_space<vmem_shared>>) dst(%arg8 : memref<128x128xf32, #tpu.memory_space<vmem>>)
      tpu.yield
    }) : () -> ()
    "tpu.region"() ({
      %run_scoped3A = tpu.sem_alloc : memref<!tpu.dma_semaphore, #tpu.memory_space<semaphore_mem>>
      %dma_start3A = arith.constant 0 : i32
      %dma_start3A_55 = tpu.memref_slice %arg5[%arg0, %add3A_38, %dma_start3A] : memref<2x10240x128xf32, #tpu.memory_space<hbm>> -> memref<1x128x128xf32, #tpu.memory_space<hbm>>
      %dma_start3A_56 = tpu.memref_squeeze %dma_start3A_55 : memref<1x128x128xf32, #tpu.memory_space<hbm>> -> memref<128x128xf32, #tpu.memory_space<hbm>>
      %dma_start3A_57 = arith.constant 0 : i32
      %dma_start3A_58 = tpu.memref_slice %arg5[%arg0, %add3A_38, %dma_start3A_57] : memref<2x10240x128xf32, #tpu.memory_space<hbm>> -> memref<1x128x128xf32, #tpu.memory_space<hbm>>
      %dma_start3A_59 = tpu.memref_squeeze %dma_start3A_58 : memref<1x128x128xf32, #tpu.memory_space<hbm>> -> memref<128x128xf32, #tpu.memory_space<hbm>>
      tpu.enqueue_dma source(%arg8 : memref<128x128xf32, #tpu.memory_space<vmem>>) target(%dma_start3A_59 : memref<128x128xf32, #tpu.memory_space<hbm>>) target_semaphore(%run_scoped3A : memref<!tpu.dma_semaphore, #tpu.memory_space<semaphore_mem>>)
      %dma_wait3A = arith.constant 0 : i32
      %dma_wait3A_60 = tpu.memref_slice %arg5[%arg0, %add3A_38, %dma_wait3A] : memref<2x10240x128xf32, #tpu.memory_space<hbm>> -> memref<1x128x128xf32, #tpu.memory_space<hbm>>
      %dma_wait3A_61 = tpu.memref_squeeze %dma_wait3A_60 : memref<1x128x128xf32, #tpu.memory_space<hbm>> -> memref<128x128xf32, #tpu.memory_space<hbm>>
      %dma_wait3A_62 = arith.constant 0 : i32
      %dma_wait3A_63 = tpu.memref_slice %arg5[%arg0, %add3A_38, %dma_wait3A_62] : memref<2x10240x128xf32, #tpu.memory_space<hbm>> -> memref<1x128x128xf32, #tpu.memory_space<hbm>>
      %dma_wait3A_64 = tpu.memref_squeeze %dma_wait3A_63 : memref<1x128x128xf32, #tpu.memory_space<hbm>> -> memref<128x128xf32, #tpu.memory_space<hbm>>
      tpu.wait_dma2 semaphore(%run_scoped3A : memref<!tpu.dma_semaphore, #tpu.memory_space<semaphore_mem>>) src(%arg8 : memref<128x128xf32, #tpu.memory_space<vmem>>) dst(%dma_wait3A_64 : memref<128x128xf32, #tpu.memory_space<hbm>>)
      tpu.yield
    }) : () -> ()
    %mul3A_39 = arith.constant 640 : i32
    %mul3A_40 = arith.muli %arg1, %mul3A_39 : i32
    %add3A_41 = arith.constant 128 : i32
    %add3A_42 = arith.addi %mul3A_40, %add3A_41 : i32
    "tpu.region"() ({
      %run_scoped3A = tpu.sem_alloc : memref<!tpu.dma_semaphore, #tpu.memory_space<semaphore_mem>>
      %dma_start3A = arith.constant 0 : i32
      %dma_start3A_55 = tpu.memref_slice %arg9[%add3A_42, %dma_start3A] : memref<10240x128xf32, #tpu.memory_space<vmem_shared>> -> memref<128x128xf32, #tpu.memory_space<vmem_shared>>
      %dma_start3A_56 = arith.constant 0 : i32
      %dma_start3A_57 = tpu.memref_slice %arg9[%add3A_42, %dma_start3A_56] : memref<10240x128xf32, #tpu.memory_space<vmem_shared>> -> memref<128x128xf32, #tpu.memory_space<vmem_shared>>
      tpu.enqueue_dma source(%dma_start3A_57 : memref<128x128xf32, #tpu.memory_space<vmem_shared>>) target(%arg8 : memref<128x128xf32, #tpu.memory_space<vmem>>) target_semaphore(%run_scoped3A : memref<!tpu.dma_semaphore, #tpu.memory_space<semaphore_mem>>)
      %dma_wait3A = arith.constant 0 : i32
      %dma_wait3A_58 = tpu.memref_slice %arg9[%add3A_42, %dma_wait3A] : memref<10240x128xf32, #tpu.memory_space<vmem_shared>> -> memref<128x128xf32, #tpu.memory_space<vmem_shared>>
      %dma_wait3A_59 = arith.constant 0 : i32
      %dma_wait3A_60 = tpu.memref_slice %arg9[%add3A_42, %dma_wait3A_59] : memref<10240x128xf32, #tpu.memory_space<vmem_shared>> -> memref<128x128xf32, #tpu.memory_space<vmem_shared>>
      tpu.wait_dma2 semaphore(%run_scoped3A : memref<!tpu.dma_semaphore, #tpu.memory_space<semaphore_mem>>) src(%dma_wait3A_60 : memref<128x128xf32, #tpu.memory_space<vmem_shared>>) dst(%arg8 : memref<128x128xf32, #tpu.memory_space<vmem>>)
      tpu.yield
    }) : () -> ()
    "tpu.region"() ({
      %run_scoped3A = tpu.sem_alloc : memref<!tpu.dma_semaphore, #tpu.memory_space<semaphore_mem>>
      %dma_start3A = arith.constant 0 : i32
      %dma_start3A_55 = tpu.memref_slice %arg5[%arg0, %add3A_42, %dma_start3A] : memref<2x10240x128xf32, #tpu.memory_space<hbm>> -> memref<1x128x128xf32, #tpu.memory_space<hbm>>
      %dma_start3A_56 = tpu.memref_squeeze %dma_start3A_55 : memref<1x128x128xf32, #tpu.memory_space<hbm>> -> memref<128x128xf32, #tpu.memory_space<hbm>>
      %dma_start3A_57 = arith.constant 0 : i32
      %dma_start3A_58 = tpu.memref_slice %arg5[%arg0, %add3A_42, %dma_start3A_57] : memref<2x10240x128xf32, #tpu.memory_space<hbm>> -> memref<1x128x128xf32, #tpu.memory_space<hbm>>
      %dma_start3A_59 = tpu.memref_squeeze %dma_start3A_58 : memref<1x128x128xf32, #tpu.memory_space<hbm>> -> memref<128x128xf32, #tpu.memory_space<hbm>>
      tpu.enqueue_dma source(%arg8 : memref<128x128xf32, #tpu.memory_space<vmem>>) target(%dma_start3A_59 : memref<128x128xf32, #tpu.memory_space<hbm>>) target_semaphore(%run_scoped3A : memref<!tpu.dma_semaphore, #tpu.memory_space<semaphore_mem>>)
      %dma_wait3A = arith.constant 0 : i32
      %dma_wait3A_60 = tpu.memref_slice %arg5[%arg0, %add3A_42, %dma_wait3A] : memref<2x10240x128xf32, #tpu.memory_space<hbm>> -> memref<1x128x128xf32, #tpu.memory_space<hbm>>
      %dma_wait3A_61 = tpu.memref_squeeze %dma_wait3A_60 : memref<1x128x128xf32, #tpu.memory_space<hbm>> -> memref<128x128xf32, #tpu.memory_space<hbm>>
      %dma_wait3A_62 = arith.constant 0 : i32
      %dma_wait3A_63 = tpu.memref_slice %arg5[%arg0, %add3A_42, %dma_wait3A_62] : memref<2x10240x128xf32, #tpu.memory_space<hbm>> -> memref<1x128x128xf32, #tpu.memory_space<hbm>>
      %dma_wait3A_64 = tpu.memref_squeeze %dma_wait3A_63 : memref<1x128x128xf32, #tpu.memory_space<hbm>> -> memref<128x128xf32, #tpu.memory_space<hbm>>
      tpu.wait_dma2 semaphore(%run_scoped3A : memref<!tpu.dma_semaphore, #tpu.memory_space<semaphore_mem>>) src(%arg8 : memref<128x128xf32, #tpu.memory_space<vmem>>) dst(%dma_wait3A_64 : memref<128x128xf32, #tpu.memory_space<hbm>>)
      tpu.yield
    }) : () -> ()
    %mul3A_43 = arith.constant 640 : i32
    %mul3A_44 = arith.muli %arg1, %mul3A_43 : i32
    %add3A_45 = arith.constant 256 : i32
    %add3A_46 = arith.addi %mul3A_44, %add3A_45 : i32
    "tpu.region"() ({
      %run_scoped3A = tpu.sem_alloc : memref<!tpu.dma_semaphore, #tpu.memory_space<semaphore_mem>>
      %dma_start3A = arith.constant 0 : i32
      %dma_start3A_55 = tpu.memref_slice %arg9[%add3A_46, %dma_start3A] : memref<10240x128xf32, #tpu.memory_space<vmem_shared>> -> memref<128x128xf32, #tpu.memory_space<vmem_shared>>
      %dma_start3A_56 = arith.constant 0 : i32
      %dma_start3A_57 = tpu.memref_slice %arg9[%add3A_46, %dma_start3A_56] : memref<10240x128xf32, #tpu.memory_space<vmem_shared>> -> memref<128x128xf32, #tpu.memory_space<vmem_shared>>
      tpu.enqueue_dma source(%dma_start3A_57 : memref<128x128xf32, #tpu.memory_space<vmem_shared>>) target(%arg8 : memref<128x128xf32, #tpu.memory_space<vmem>>) target_semaphore(%run_scoped3A : memref<!tpu.dma_semaphore, #tpu.memory_space<semaphore_mem>>)
      %dma_wait3A = arith.constant 0 : i32
      %dma_wait3A_58 = tpu.memref_slice %arg9[%add3A_46, %dma_wait3A] : memref<10240x128xf32, #tpu.memory_space<vmem_shared>> -> memref<128x128xf32, #tpu.memory_space<vmem_shared>>
      %dma_wait3A_59 = arith.constant 0 : i32
      %dma_wait3A_60 = tpu.memref_slice %arg9[%add3A_46, %dma_wait3A_59] : memref<10240x128xf32, #tpu.memory_space<vmem_shared>> -> memref<128x128xf32, #tpu.memory_space<vmem_shared>>
      tpu.wait_dma2 semaphore(%run_scoped3A : memref<!tpu.dma_semaphore, #tpu.memory_space<semaphore_mem>>) src(%dma_wait3A_60 : memref<128x128xf32, #tpu.memory_space<vmem_shared>>) dst(%arg8 : memref<128x128xf32, #tpu.memory_space<vmem>>)
      tpu.yield
    }) : () -> ()
    "tpu.region"() ({
      %run_scoped3A = tpu.sem_alloc : memref<!tpu.dma_semaphore, #tpu.memory_space<semaphore_mem>>
      %dma_start3A = arith.constant 0 : i32
      %dma_start3A_55 = tpu.memref_slice %arg5[%arg0, %add3A_46, %dma_start3A] : memref<2x10240x128xf32, #tpu.memory_space<hbm>> -> memref<1x128x128xf32, #tpu.memory_space<hbm>>
      %dma_start3A_56 = tpu.memref_squeeze %dma_start3A_55 : memref<1x128x128xf32, #tpu.memory_space<hbm>> -> memref<128x128xf32, #tpu.memory_space<hbm>>
      %dma_start3A_57 = arith.constant 0 : i32
      %dma_start3A_58 = tpu.memref_slice %arg5[%arg0, %add3A_46, %dma_start3A_57] : memref<2x10240x128xf32, #tpu.memory_space<hbm>> -> memref<1x128x128xf32, #tpu.memory_space<hbm>>
      %dma_start3A_59 = tpu.memref_squeeze %dma_start3A_58 : memref<1x128x128xf32, #tpu.memory_space<hbm>> -> memref<128x128xf32, #tpu.memory_space<hbm>>
      tpu.enqueue_dma source(%arg8 : memref<128x128xf32, #tpu.memory_space<vmem>>) target(%dma_start3A_59 : memref<128x128xf32, #tpu.memory_space<hbm>>) target_semaphore(%run_scoped3A : memref<!tpu.dma_semaphore, #tpu.memory_space<semaphore_mem>>)
      %dma_wait3A = arith.constant 0 : i32
      %dma_wait3A_60 = tpu.memref_slice %arg5[%arg0, %add3A_46, %dma_wait3A] : memref<2x10240x128xf32, #tpu.memory_space<hbm>> -> memref<1x128x128xf32, #tpu.memory_space<hbm>>
      %dma_wait3A_61 = tpu.memref_squeeze %dma_wait3A_60 : memref<1x128x128xf32, #tpu.memory_space<hbm>> -> memref<128x128xf32, #tpu.memory_space<hbm>>
      %dma_wait3A_62 = arith.constant 0 : i32
      %dma_wait3A_63 = tpu.memref_slice %arg5[%arg0, %add3A_46, %dma_wait3A_62] : memref<2x10240x128xf32, #tpu.memory_space<hbm>> -> memref<1x128x128xf32, #tpu.memory_space<hbm>>
      %dma_wait3A_64 = tpu.memref_squeeze %dma_wait3A_63 : memref<1x128x128xf32, #tpu.memory_space<hbm>> -> memref<128x128xf32, #tpu.memory_space<hbm>>
      tpu.wait_dma2 semaphore(%run_scoped3A : memref<!tpu.dma_semaphore, #tpu.memory_space<semaphore_mem>>) src(%arg8 : memref<128x128xf32, #tpu.memory_space<vmem>>) dst(%dma_wait3A_64 : memref<128x128xf32, #tpu.memory_space<hbm>>)
      tpu.yield
    }) : () -> ()
    %mul3A_47 = arith.constant 640 : i32
    %mul3A_48 = arith.muli %arg1, %mul3A_47 : i32
    %add3A_49 = arith.constant 384 : i32
    %add3A_50 = arith.addi %mul3A_48, %add3A_49 : i32
    "tpu.region"() ({
      %run_scoped3A = tpu.sem_alloc : memref<!tpu.dma_semaphore, #tpu.memory_space<semaphore_mem>>
      %dma_start3A = arith.constant 0 : i32
      %dma_start3A_55 = tpu.memref_slice %arg9[%add3A_50, %dma_start3A] : memref<10240x128xf32, #tpu.memory_space<vmem_shared>> -> memref<128x128xf32, #tpu.memory_space<vmem_shared>>
      %dma_start3A_56 = arith.constant 0 : i32
      %dma_start3A_57 = tpu.memref_slice %arg9[%add3A_50, %dma_start3A_56] : memref<10240x128xf32, #tpu.memory_space<vmem_shared>> -> memref<128x128xf32, #tpu.memory_space<vmem_shared>>
      tpu.enqueue_dma source(%dma_start3A_57 : memref<128x128xf32, #tpu.memory_space<vmem_shared>>) target(%arg8 : memref<128x128xf32, #tpu.memory_space<vmem>>) target_semaphore(%run_scoped3A : memref<!tpu.dma_semaphore, #tpu.memory_space<semaphore_mem>>)
      %dma_wait3A = arith.constant 0 : i32
      %dma_wait3A_58 = tpu.memref_slice %arg9[%add3A_50, %dma_wait3A] : memref<10240x128xf32, #tpu.memory_space<vmem_shared>> -> memref<128x128xf32, #tpu.memory_space<vmem_shared>>
      %dma_wait3A_59 = arith.constant 0 : i32
      %dma_wait3A_60 = tpu.memref_slice %arg9[%add3A_50, %dma_wait3A_59] : memref<10240x128xf32, #tpu.memory_space<vmem_shared>> -> memref<128x128xf32, #tpu.memory_space<vmem_shared>>
      tpu.wait_dma2 semaphore(%run_scoped3A : memref<!tpu.dma_semaphore, #tpu.memory_space<semaphore_mem>>) src(%dma_wait3A_60 : memref<128x128xf32, #tpu.memory_space<vmem_shared>>) dst(%arg8 : memref<128x128xf32, #tpu.memory_space<vmem>>)
      tpu.yield
    }) : () -> ()
    "tpu.region"() ({
      %run_scoped3A = tpu.sem_alloc : memref<!tpu.dma_semaphore, #tpu.memory_space<semaphore_mem>>
      %dma_start3A = arith.constant 0 : i32
      %dma_start3A_55 = tpu.memref_slice %arg5[%arg0, %add3A_50, %dma_start3A] : memref<2x10240x128xf32, #tpu.memory_space<hbm>> -> memref<1x128x128xf32, #tpu.memory_space<hbm>>
      %dma_start3A_56 = tpu.memref_squeeze %dma_start3A_55 : memref<1x128x128xf32, #tpu.memory_space<hbm>> -> memref<128x128xf32, #tpu.memory_space<hbm>>
      %dma_start3A_57 = arith.constant 0 : i32
      %dma_start3A_58 = tpu.memref_slice %arg5[%arg0, %add3A_50, %dma_start3A_57] : memref<2x10240x128xf32, #tpu.memory_space<hbm>> -> memref<1x128x128xf32, #tpu.memory_space<hbm>>
      %dma_start3A_59 = tpu.memref_squeeze %dma_start3A_58 : memref<1x128x128xf32, #tpu.memory_space<hbm>> -> memref<128x128xf32, #tpu.memory_space<hbm>>
      tpu.enqueue_dma source(%arg8 : memref<128x128xf32, #tpu.memory_space<vmem>>) target(%dma_start3A_59 : memref<128x128xf32, #tpu.memory_space<hbm>>) target_semaphore(%run_scoped3A : memref<!tpu.dma_semaphore, #tpu.memory_space<semaphore_mem>>)
      %dma_wait3A = arith.constant 0 : i32
      %dma_wait3A_60 = tpu.memref_slice %arg5[%arg0, %add3A_50, %dma_wait3A] : memref<2x10240x128xf32, #tpu.memory_space<hbm>> -> memref<1x128x128xf32, #tpu.memory_space<hbm>>
      %dma_wait3A_61 = tpu.memref_squeeze %dma_wait3A_60 : memref<1x128x128xf32, #tpu.memory_space<hbm>> -> memref<128x128xf32, #tpu.memory_space<hbm>>
      %dma_wait3A_62 = arith.constant 0 : i32
      %dma_wait3A_63 = tpu.memref_slice %arg5[%arg0, %add3A_50, %dma_wait3A_62] : memref<2x10240x128xf32, #tpu.memory_space<hbm>> -> memref<1x128x128xf32, #tpu.memory_space<hbm>>
      %dma_wait3A_64 = tpu.memref_squeeze %dma_wait3A_63 : memref<1x128x128xf32, #tpu.memory_space<hbm>> -> memref<128x128xf32, #tpu.memory_space<hbm>>
      tpu.wait_dma2 semaphore(%run_scoped3A : memref<!tpu.dma_semaphore, #tpu.memory_space<semaphore_mem>>) src(%arg8 : memref<128x128xf32, #tpu.memory_space<vmem>>) dst(%dma_wait3A_64 : memref<128x128xf32, #tpu.memory_space<hbm>>)
      tpu.yield
    }) : () -> ()
    %mul3A_51 = arith.constant 640 : i32
    %mul3A_52 = arith.muli %arg1, %mul3A_51 : i32
    %add3A_53 = arith.constant 512 : i32
    %add3A_54 = arith.addi %mul3A_52, %add3A_53 : i32
    "tpu.region"() ({
      %run_scoped3A = tpu.sem_alloc : memref<!tpu.dma_semaphore, #tpu.memory_space<semaphore_mem>>
      %dma_start3A = arith.constant 0 : i32
      %dma_start3A_55 = tpu.memref_slice %arg9[%add3A_54, %dma_start3A] : memref<10240x128xf32, #tpu.memory_space<vmem_shared>> -> memref<128x128xf32, #tpu.memory_space<vmem_shared>>
      %dma_start3A_56 = arith.constant 0 : i32
      %dma_start3A_57 = tpu.memref_slice %arg9[%add3A_54, %dma_start3A_56] : memref<10240x128xf32, #tpu.memory_space<vmem_shared>> -> memref<128x128xf32, #tpu.memory_space<vmem_shared>>
      tpu.enqueue_dma source(%dma_start3A_57 : memref<128x128xf32, #tpu.memory_space<vmem_shared>>) target(%arg8 : memref<128x128xf32, #tpu.memory_space<vmem>>) target_semaphore(%run_scoped3A : memref<!tpu.dma_semaphore, #tpu.memory_space<semaphore_mem>>)
      %dma_wait3A = arith.constant 0 : i32
      %dma_wait3A_58 = tpu.memref_slice %arg9[%add3A_54, %dma_wait3A] : memref<10240x128xf32, #tpu.memory_space<vmem_shared>> -> memref<128x128xf32, #tpu.memory_space<vmem_shared>>
      %dma_wait3A_59 = arith.constant 0 : i32
      %dma_wait3A_60 = tpu.memref_slice %arg9[%add3A_54, %dma_wait3A_59] : memref<10240x128xf32, #tpu.memory_space<vmem_shared>> -> memref<128x128xf32, #tpu.memory_space<vmem_shared>>
      tpu.wait_dma2 semaphore(%run_scoped3A : memref<!tpu.dma_semaphore, #tpu.memory_space<semaphore_mem>>) src(%dma_wait3A_60 : memref<128x128xf32, #tpu.memory_space<vmem_shared>>) dst(%arg8 : memref<128x128xf32, #tpu.memory_space<vmem>>)
      tpu.yield
    }) : () -> ()
    "tpu.region"() ({
      %run_scoped3A = tpu.sem_alloc : memref<!tpu.dma_semaphore, #tpu.memory_space<semaphore_mem>>
      %dma_start3A = arith.constant 0 : i32
      %dma_start3A_55 = tpu.memref_slice %arg5[%arg0, %add3A_54, %dma_start3A] : memref<2x10240x128xf32, #tpu.memory_space<hbm>> -> memref<1x128x128xf32, #tpu.memory_space<hbm>>
      %dma_start3A_56 = tpu.memref_squeeze %dma_start3A_55 : memref<1x128x128xf32, #tpu.memory_space<hbm>> -> memref<128x128xf32, #tpu.memory_space<hbm>>
      %dma_start3A_57 = arith.constant 0 : i32
      %dma_start3A_58 = tpu.memref_slice %arg5[%arg0, %add3A_54, %dma_start3A_57] : memref<2x10240x128xf32, #tpu.memory_space<hbm>> -> memref<1x128x128xf32, #tpu.memory_space<hbm>>
      %dma_start3A_59 = tpu.memref_squeeze %dma_start3A_58 : memref<1x128x128xf32, #tpu.memory_space<hbm>> -> memref<128x128xf32, #tpu.memory_space<hbm>>
      tpu.enqueue_dma source(%arg8 : memref<128x128xf32, #tpu.memory_space<vmem>>) target(%dma_start3A_59 : memref<128x128xf32, #tpu.memory_space<hbm>>) target_semaphore(%run_scoped3A : memref<!tpu.dma_semaphore, #tpu.memory_space<semaphore_mem>>)
      %dma_wait3A = arith.constant 0 : i32
      %dma_wait3A_60 = tpu.memref_slice %arg5[%arg0, %add3A_54, %dma_wait3A] : memref<2x10240x128xf32, #tpu.memory_space<hbm>> -> memref<1x128x128xf32, #tpu.memory_space<hbm>>
      %dma_wait3A_61 = tpu.memref_squeeze %dma_wait3A_60 : memref<1x128x128xf32, #tpu.memory_space<hbm>> -> memref<128x128xf32, #tpu.memory_space<hbm>>
      %dma_wait3A_62 = arith.constant 0 : i32
      %dma_wait3A_63 = tpu.memref_slice %arg5[%arg0, %add3A_54, %dma_wait3A_62] : memref<2x10240x128xf32, #tpu.memory_space<hbm>> -> memref<1x128x128xf32, #tpu.memory_space<hbm>>
      %dma_wait3A_64 = tpu.memref_squeeze %dma_wait3A_63 : memref<1x128x128xf32, #tpu.memory_space<hbm>> -> memref<128x128xf32, #tpu.memory_space<hbm>>
      tpu.wait_dma2 semaphore(%run_scoped3A : memref<!tpu.dma_semaphore, #tpu.memory_space<semaphore_mem>>) src(%arg8 : memref<128x128xf32, #tpu.memory_space<vmem>>) dst(%dma_wait3A_64 : memref<128x128xf32, #tpu.memory_space<hbm>>)
      tpu.yield
    }) : () -> ()
    return
  }
}

#map = affine_map<(d0, d1) -> (0, 0)>
#map1 = affine_map<(d0, d1) -> (0, 0, 0)>
module attributes {stable_mosaic.version = 14 : i64} {
  func.func @k(%arg0: i32, %arg1: i32, %arg2: memref<10000x128xf32, #tpu.memory_space<hbm>>, %arg3: memref<32x79x128xi32, #tpu.memory_space<hbm>>, %arg4: memref<32x79x128xi32, #tpu.memory_space<hbm>>, %arg5: memref<2x10240x128xf32, #tpu.memory_space<hbm>>, %arg6: memref<79x128xi32, #tpu.memory_space<vmem>>, %arg7: memref<79x128xi32, #tpu.memory_space<vmem>>, %arg8: memref<128x128xf32, #tpu.memory_space<vmem>>, %arg9: memref<10240x128xf32, #tpu.memory_space<vmem_shared>>, %arg10: memref<!tpu.dma_semaphore, #tpu.memory_space<semaphore_mem>>) attributes {dimension_semantics = [#tpu.dimension_semantics<core_parallel>, #tpu.dimension_semantics<subcore_parallel>], iteration_bounds = array<i64: 2, 16>, scalar_prefetch = 0 : i64, scratch_operands = 5 : i64, tpu.core_type = #tpu.core_type<sc_vector_subcore>, window_params = [{transform_indices = #map}, {transform_indices = #map1}, {transform_indices = #map1}, {transform_indices = #map1}]} {
    %mul3A = arith.constant 2 : i32
    %mul3A_0 = arith.muli %arg1, %mul3A : i32
    %add3A = arith.addi %mul3A_0, %arg0 : i32
    %scan3A = arith.constant 0 : i32
    %scan3A_1 = arith.constant 0 : i32
    %scan3A_2 = arith.constant 128 : i32
    %scan3A_3 = arith.addi %scan3A_1, %scan3A_2 : i32
    %scan3A_4 = arith.constant 1 : i32
    %scan3A_5 = scf.for %scan3A_55 = %scan3A_1 to %scan3A_3 step %scan3A_4 iter_args(%scan3A_56 = %scan3A) -> (i32)  : i32 {
      %broadcast_in_dim3A = arith.constant 0.000000e+00 : f32
      %broadcast_in_dim3A_57 = vector.broadcast %broadcast_in_dim3A : f32 to vector<16xf32>
      %swap3A = arith.index_cast %scan3A_55 : i32 to index
      %swap3A_58 = arith.constant 0 : index
      %swap3A_59 = tpu.vector_load %arg8[%swap3A, %swap3A_58] {strides = array<i32>} : memref<128x128xf32, #tpu.memory_space<vmem>>, vector<1x16xf32>,
      %swap3A_60 = vector.shape_cast %swap3A_59 : vector<1x16xf32> to vector<16xf32>
      %swap3A_61 = vector.shape_cast %broadcast_in_dim3A_57 : vector<16xf32> to vector<1x16xf32>
      tpu.vector_store %arg8[%swap3A, %swap3A_58], %swap3A_61 {strides = array<i32>} : memref<128x128xf32, #tpu.memory_space<vmem>>, vector<1x16xf32>,
      %broadcast_in_dim3A_62 = arith.constant 0.000000e+00 : f32
      %broadcast_in_dim3A_63 = vector.broadcast %broadcast_in_dim3A_62 : f32 to vector<16xf32>
      %swap3A_64 = arith.index_cast %scan3A_55 : i32 to index
      %swap3A_65 = arith.constant 16 : index
      %swap3A_66 = tpu.vector_load %arg8[%swap3A_64, %swap3A_65] {strides = array<i32>} : memref<128x128xf32, #tpu.memory_space<vmem>>, vector<1x16xf32>,
      %swap3A_67 = vector.shape_cast %swap3A_66 : vector<1x16xf32> to vector<16xf32>
      %swap3A_68 = vector.shape_cast %broadcast_in_dim3A_63 : vector<16xf32> to vector<1x16xf32>
      tpu.vector_store %arg8[%swap3A_64, %swap3A_65], %swap3A_68 {strides = array<i32>} : memref<128x128xf32, #tpu.memory_space<vmem>>, vector<1x16xf32>,
      %broadcast_in_dim3A_69 = arith.constant 0.000000e+00 : f32
      %broadcast_in_dim3A_70 = vector.broadcast %broadcast_in_dim3A_69 : f32 to vector<16xf32>
      %swap3A_71 = arith.index_cast %scan3A_55 : i32 to index
      %swap3A_72 = arith.constant 32 : index
      %swap3A_73 = tpu.vector_load %arg8[%swap3A_71, %swap3A_72] {strides = array<i32>} : memref<128x128xf32, #tpu.memory_space<vmem>>, vector<1x16xf32>,
      %swap3A_74 = vector.shape_cast %swap3A_73 : vector<1x16xf32> to vector<16xf32>
      %swap3A_75 = vector.shape_cast %broadcast_in_dim3A_70 : vector<16xf32> to vector<1x16xf32>
      tpu.vector_store %arg8[%swap3A_71, %swap3A_72], %swap3A_75 {strides = array<i32>} : memref<128x128xf32, #tpu.memory_space<vmem>>, vector<1x16xf32>,
      %broadcast_in_dim3A_76 = arith.constant 0.000000e+00 : f32
      %broadcast_in_dim3A_77 = vector.broadcast %broadcast_in_dim3A_76 : f32 to vector<16xf32>
      %swap3A_78 = arith.index_cast %scan3A_55 : i32 to index
      %swap3A_79 = arith.constant 48 : index
      %swap3A_80 = tpu.vector_load %arg8[%swap3A_78, %swap3A_79] {strides = array<i32>} : memref<128x128xf32, #tpu.memory_space<vmem>>, vector<1x16xf32>,
      %swap3A_81 = vector.shape_cast %swap3A_80 : vector<1x16xf32> to vector<16xf32>
      %swap3A_82 = vector.shape_cast %broadcast_in_dim3A_77 : vector<16xf32> to vector<1x16xf32>
      tpu.vector_store %arg8[%swap3A_78, %swap3A_79], %swap3A_82 {strides = array<i32>} : memref<128x128xf32, #tpu.memory_space<vmem>>, vector<1x16xf32>,
      %broadcast_in_dim3A_83 = arith.constant 0.000000e+00 : f32
      %broadcast_in_dim3A_84 = vector.broadcast %broadcast_in_dim3A_83 : f32 to vector<16xf32>
      %swap3A_85 = arith.index_cast %scan3A_55 : i32 to index
      %swap3A_86 = arith.constant 64 : index
      %swap3A_87 = tpu.vector_load %arg8[%swap3A_85, %swap3A_86] {strides = array<i32>} : memref<128x128xf32, #tpu.memory_space<vmem>>, vector<1x16xf32>,
      %swap3A_88 = vector.shape_cast %swap3A_87 : vector<1x16xf32> to vector<16xf32>
      %swap3A_89 = vector.shape_cast %broadcast_in_dim3A_84 : vector<16xf32> to vector<1x16xf32>
      tpu.vector_store %arg8[%swap3A_85, %swap3A_86], %swap3A_89 {strides = array<i32>} : memref<128x128xf32, #tpu.memory_space<vmem>>, vector<1x16xf32>,
      %broadcast_in_dim3A_90 = arith.constant 0.000000e+00 : f32
      %broadcast_in_dim3A_91 = vector.broadcast %broadcast_in_dim3A_90 : f32 to vector<16xf32>
      %swap3A_92 = arith.index_cast %scan3A_55 : i32 to index
      %swap3A_93 = arith.constant 80 : index
      %swap3A_94 = tpu.vector_load %arg8[%swap3A_92, %swap3A_93] {strides = array<i32>} : memref<128x128xf32, #tpu.memory_space<vmem>>, vector<1x16xf32>,
      %swap3A_95 = vector.shape_cast %swap3A_94 : vector<1x16xf32> to vector<16xf32>
      %swap3A_96 = vector.shape_cast %broadcast_in_dim3A_91 : vector<16xf32> to vector<1x16xf32>
      tpu.vector_store %arg8[%swap3A_92, %swap3A_93], %swap3A_96 {strides = array<i32>} : memref<128x128xf32, #tpu.memory_space<vmem>>, vector<1x16xf32>,
      %broadcast_in_dim3A_97 = arith.constant 0.000000e+00 : f32
      %broadcast_in_dim3A_98 = vector.broadcast %broadcast_in_dim3A_97 : f32 to vector<16xf32>
      %swap3A_99 = arith.index_cast %scan3A_55 : i32 to index
      %swap3A_100 = arith.constant 96 : index
      %swap3A_101 = tpu.vector_load %arg8[%swap3A_99, %swap3A_100] {strides = array<i32>} : memref<128x128xf32, #tpu.memory_space<vmem>>, vector<1x16xf32>,
      %swap3A_102 = vector.shape_cast %swap3A_101 : vector<1x16xf32> to vector<16xf32>
      %swap3A_103 = vector.shape_cast %broadcast_in_dim3A_98 : vector<16xf32> to vector<1x16xf32>
      tpu.vector_store %arg8[%swap3A_99, %swap3A_100], %swap3A_103 {strides = array<i32>} : memref<128x128xf32, #tpu.memory_space<vmem>>, vector<1x16xf32>,
      %broadcast_in_dim3A_104 = arith.constant 0.000000e+00 : f32
      %broadcast_in_dim3A_105 = vector.broadcast %broadcast_in_dim3A_104 : f32 to vector<16xf32>
      %swap3A_106 = arith.index_cast %scan3A_55 : i32 to index
      %swap3A_107 = arith.constant 112 : index
      %swap3A_108 = tpu.vector_load %arg8[%swap3A_106, %swap3A_107] {strides = array<i32>} : memref<128x128xf32, #tpu.memory_space<vmem>>, vector<1x16xf32>,
      %swap3A_109 = vector.shape_cast %swap3A_108 : vector<1x16xf32> to vector<16xf32>
      %swap3A_110 = vector.shape_cast %broadcast_in_dim3A_105 : vector<16xf32> to vector<1x16xf32>
      tpu.vector_store %arg8[%swap3A_106, %swap3A_107], %swap3A_110 {strides = array<i32>} : memref<128x128xf32, #tpu.memory_space<vmem>>, vector<1x16xf32>,
      %scan3A_111 = arith.constant 0 : i32
      scf.yield %scan3A_111 : i32
    }
    %scan3A_6 = arith.constant 128 : i32
    %mul3A_7 = arith.constant 640 : i32
    %mul3A_8 = arith.muli %arg1, %mul3A_7 : i32
    %add3A_9 = arith.constant 0 : i32
    %add3A_10 = arith.addi %mul3A_8, %add3A_9 : i32
    "tpu.region"() ({
      %run_scoped3A = tpu.sem_alloc : memref<!tpu.dma_semaphore, #tpu.memory_space<semaphore_mem>>
      %dma_start3A = arith.constant 0 : i32
      %dma_start3A_55 = tpu.memref_slice %arg9[%add3A_10, %dma_start3A] : memref<10240x128xf32, #tpu.memory_space<vmem_shared>> -> memref<128x128xf32, #tpu.memory_space<vmem_shared>>
      %dma_start3A_56 = arith.constant 0 : i32
      %dma_start3A_57 = tpu.memref_slice %arg9[%add3A_10, %dma_start3A_56] : memref<10240x128xf32, #tpu.memory_space<vmem_shared>> -> memref<128x128xf32, #tpu.memory_space<vmem_shared>>
      tpu.enqueue_dma source(%arg8 : memref<128x128xf32, #tpu.memory_space<vmem>>) target(%dma_start3A_57 : memref<128x128xf32, #tpu.memory_space<vmem_shared>>) target_semaphore(%run_scoped3A : memref<!tpu.dma_semaphore, #tpu.memory_space<semaphore_mem>>)
      %dma_wait3A = arith.constant 0 : i32
      %dma_wait3A_58 = tpu.memref_slice %arg9[%add3A_10, %dma_wait3A] : memref<10240x128xf32, #tpu.memory_space<vmem_shared>> -> memref<128x128xf32, #tpu.memory_space<vmem_shared>>
      %dma_wait3A_59 = arith.constant 0 : i32
      %dma_wait3A_60 = tpu.memref_slice %arg9[%add3A_10, %dma_wait3A_59] : memref<10240x128xf32, #tpu.memory_space<vmem_shared>> -> memref<128x128xf32, #tpu.memory_space<vmem_shared>>
      tpu.wait_dma2 semaphore(%run_scoped3A : memref<!tpu.dma_semaphore, #tpu.memory_space<semaphore_mem>>) src(%arg8 : memref<128x128xf32, #tpu.memory_space<vmem>>) dst(%dma_wait3A_60 : memref<128x128xf32, #tpu.memory_space<vmem_shared>>)
      tpu.yield
    }) : () -> ()
    %mul3A_11 = arith.constant 640 : i32
    %mul3A_12 = arith.muli %arg1, %mul3A_11 : i32
    %add3A_13 = arith.constant 128 : i32
    %add3A_14 = arith.addi %mul3A_12, %add3A_13 : i32
    "tpu.region"() ({
      %run_scoped3A = tpu.sem_alloc : memref<!tpu.dma_semaphore, #tpu.memory_space<semaphore_mem>>
      %dma_start3A = arith.constant 0 : i32
      %dma_start3A_55 = tpu.memref_slice %arg9[%add3A_14, %dma_start3A] : memref<10240x128xf32, #tpu.memory_space<vmem_shared>> -> memref<128x128xf32, #tpu.memory_space<vmem_shared>>
      %dma_start3A_56 = arith.constant 0 : i32
      %dma_start3A_57 = tpu.memref_slice %arg9[%add3A_14, %dma_start3A_56] : memref<10240x128xf32, #tpu.memory_space<vmem_shared>> -> memref<128x128xf32, #tpu.memory_space<vmem_shared>>
      tpu.enqueue_dma source(%arg8 : memref<128x128xf32, #tpu.memory_space<vmem>>) target(%dma_start3A_57 : memref<128x128xf32, #tpu.memory_space<vmem_shared>>) target_semaphore(%run_scoped3A : memref<!tpu.dma_semaphore, #tpu.memory_space<semaphore_mem>>)
      %dma_wait3A = arith.constant 0 : i32
      %dma_wait3A_58 = tpu.memref_slice %arg9[%add3A_14, %dma_wait3A] : memref<10240x128xf32, #tpu.memory_space<vmem_shared>> -> memref<128x128xf32, #tpu.memory_space<vmem_shared>>
      %dma_wait3A_59 = arith.constant 0 : i32
      %dma_wait3A_60 = tpu.memref_slice %arg9[%add3A_14, %dma_wait3A_59] : memref<10240x128xf32, #tpu.memory_space<vmem_shared>> -> memref<128x128xf32, #tpu.memory_space<vmem_shared>>
      tpu.wait_dma2 semaphore(%run_scoped3A : memref<!tpu.dma_semaphore, #tpu.memory_space<semaphore_mem>>) src(%arg8 : memref<128x128xf32, #tpu.memory_space<vmem>>) dst(%dma_wait3A_60 : memref<128x128xf32, #tpu.memory_space<vmem_shared>>)
      tpu.yield
    }) : () -> ()
    %mul3A_15 = arith.constant 640 : i32
    %mul3A_16 = arith.muli %arg1, %mul3A_15 : i32
    %add3A_17 = arith.constant 256 : i32
    %add3A_18 = arith.addi %mul3A_16, %add3A_17 : i32
    "tpu.region"() ({
      %run_scoped3A = tpu.sem_alloc : memref<!tpu.dma_semaphore, #tpu.memory_space<semaphore_mem>>
      %dma_start3A = arith.constant 0 : i32
      %dma_start3A_55 = tpu.memref_slice %arg9[%add3A_18, %dma_start3A] : memref<10240x128xf32, #tpu.memory_space<vmem_shared>> -> memref<128x128xf32, #tpu.memory_space<vmem_shared>>
      %dma_start3A_56 = arith.constant 0 : i32
      %dma_start3A_57 = tpu.memref_slice %arg9[%add3A_18, %dma_start3A_56] : memref<10240x128xf32, #tpu.memory_space<vmem_shared>> -> memref<128x128xf32, #tpu.memory_space<vmem_shared>>
      tpu.enqueue_dma source(%arg8 : memref<128x128xf32, #tpu.memory_space<vmem>>) target(%dma_start3A_57 : memref<128x128xf32, #tpu.memory_space<vmem_shared>>) target_semaphore(%run_scoped3A : memref<!tpu.dma_semaphore, #tpu.memory_space<semaphore_mem>>)
      %dma_wait3A = arith.constant 0 : i32
      %dma_wait3A_58 = tpu.memref_slice %arg9[%add3A_18, %dma_wait3A] : memref<10240x128xf32, #tpu.memory_space<vmem_shared>> -> memref<128x128xf32, #tpu.memory_space<vmem_shared>>
      %dma_wait3A_59 = arith.constant 0 : i32
      %dma_wait3A_60 = tpu.memref_slice %arg9[%add3A_18, %dma_wait3A_59] : memref<10240x128xf32, #tpu.memory_space<vmem_shared>> -> memref<128x128xf32, #tpu.memory_space<vmem_shared>>
      tpu.wait_dma2 semaphore(%run_scoped3A : memref<!tpu.dma_semaphore, #tpu.memory_space<semaphore_mem>>) src(%arg8 : memref<128x128xf32, #tpu.memory_space<vmem>>) dst(%dma_wait3A_60 : memref<128x128xf32, #tpu.memory_space<vmem_shared>>)
      tpu.yield
    }) : () -> ()
    %mul3A_19 = arith.constant 640 : i32
    %mul3A_20 = arith.muli %arg1, %mul3A_19 : i32
    %add3A_21 = arith.constant 384 : i32
    %add3A_22 = arith.addi %mul3A_20, %add3A_21 : i32
    "tpu.region"() ({
      %run_scoped3A = tpu.sem_alloc : memref<!tpu.dma_semaphore, #tpu.memory_space<semaphore_mem>>
      %dma_start3A = arith.constant 0 : i32
      %dma_start3A_55 = tpu.memref_slice %arg9[%add3A_22, %dma_start3A] : memref<10240x128xf32, #tpu.memory_space<vmem_shared>> -> memref<128x128xf32, #tpu.memory_space<vmem_shared>>
      %dma_start3A_56 = arith.constant 0 : i32
      %dma_start3A_57 = tpu.memref_slice %arg9[%add3A_22, %dma_start3A_56] : memref<10240x128xf32, #tpu.memory_space<vmem_shared>> -> memref<128x128xf32, #tpu.memory_space<vmem_shared>>
      tpu.enqueue_dma source(%arg8 : memref<128x128xf32, #tpu.memory_space<vmem>>) target(%dma_start3A_57 : memref<128x128xf32, #tpu.memory_space<vmem_shared>>) target_semaphore(%run_scoped3A : memref<!tpu.dma_semaphore, #tpu.memory_space<semaphore_mem>>)
      %dma_wait3A = arith.constant 0 : i32
      %dma_wait3A_58 = tpu.memref_slice %arg9[%add3A_22, %dma_wait3A] : memref<10240x128xf32, #tpu.memory_space<vmem_shared>> -> memref<128x128xf32, #tpu.memory_space<vmem_shared>>
      %dma_wait3A_59 = arith.constant 0 : i32
      %dma_wait3A_60 = tpu.memref_slice %arg9[%add3A_22, %dma_wait3A_59] : memref<10240x128xf32, #tpu.memory_space<vmem_shared>> -> memref<128x128xf32, #tpu.memory_space<vmem_shared>>
      tpu.wait_dma2 semaphore(%run_scoped3A : memref<!tpu.dma_semaphore, #tpu.memory_space<semaphore_mem>>) src(%arg8 : memref<128x128xf32, #tpu.memory_space<vmem>>) dst(%dma_wait3A_60 : memref<128x128xf32, #tpu.memory_space<vmem_shared>>)
      tpu.yield
    }) : () -> ()
    %mul3A_23 = arith.constant 640 : i32
    %mul3A_24 = arith.muli %arg1, %mul3A_23 : i32
    %add3A_25 = arith.constant 512 : i32
    %add3A_26 = arith.addi %mul3A_24, %add3A_25 : i32
    "tpu.region"() ({
      %run_scoped3A = tpu.sem_alloc : memref<!tpu.dma_semaphore, #tpu.memory_space<semaphore_mem>>
      %dma_start3A = arith.constant 0 : i32
      %dma_start3A_55 = tpu.memref_slice %arg9[%add3A_26, %dma_start3A] : memref<10240x128xf32, #tpu.memory_space<vmem_shared>> -> memref<128x128xf32, #tpu.memory_space<vmem_shared>>
      %dma_start3A_56 = arith.constant 0 : i32
      %dma_start3A_57 = tpu.memref_slice %arg9[%add3A_26, %dma_start3A_56] : memref<10240x128xf32, #tpu.memory_space<vmem_shared>> -> memref<128x128xf32, #tpu.memory_space<vmem_shared>>
      tpu.enqueue_dma source(%arg8 : memref<128x128xf32, #tpu.memory_space<vmem>>) target(%dma_start3A_57 : memref<128x128xf32, #tpu.memory_space<vmem_shared>>) target_semaphore(%run_scoped3A : memref<!tpu.dma_semaphore, #tpu.memory_space<semaphore_mem>>)
      %dma_wait3A = arith.constant 0 : i32
      %dma_wait3A_58 = tpu.memref_slice %arg9[%add3A_26, %dma_wait3A] : memref<10240x128xf32, #tpu.memory_space<vmem_shared>> -> memref<128x128xf32, #tpu.memory_space<vmem_shared>>
      %dma_wait3A_59 = arith.constant 0 : i32
      %dma_wait3A_60 = tpu.memref_slice %arg9[%add3A_26, %dma_wait3A_59] : memref<10240x128xf32, #tpu.memory_space<vmem_shared>> -> memref<128x128xf32, #tpu.memory_space<vmem_shared>>
      tpu.wait_dma2 semaphore(%run_scoped3A : memref<!tpu.dma_semaphore, #tpu.memory_space<semaphore_mem>>) src(%arg8 : memref<128x128xf32, #tpu.memory_space<vmem>>) dst(%dma_wait3A_60 : memref<128x128xf32, #tpu.memory_space<vmem_shared>>)
      tpu.yield
    }) : () -> ()
    "tpu.region"() ({
      %run_scoped3A = tpu.sem_alloc : memref<!tpu.dma_semaphore, #tpu.memory_space<semaphore_mem>>
      %dma_start3A = arith.constant 0 : i32
      %dma_start3A_55 = arith.constant 0 : i32
      %dma_start3A_56 = tpu.memref_slice %arg3[%add3A, %dma_start3A, %dma_start3A_55] : memref<32x79x128xi32, #tpu.memory_space<hbm>> -> memref<1x79x128xi32, #tpu.memory_space<hbm>>
      %dma_start3A_57 = tpu.memref_squeeze %dma_start3A_56 : memref<1x79x128xi32, #tpu.memory_space<hbm>> -> memref<79x128xi32, #tpu.memory_space<hbm>>
      %dma_start3A_58 = arith.constant 0 : i32
      %dma_start3A_59 = arith.constant 0 : i32
      %dma_start3A_60 = tpu.memref_slice %arg3[%add3A, %dma_start3A_58, %dma_start3A_59] : memref<32x79x128xi32, #tpu.memory_space<hbm>> -> memref<1x79x128xi32, #tpu.memory_space<hbm>>
      %dma_start3A_61 = tpu.memref_squeeze %dma_start3A_60 : memref<1x79x128xi32, #tpu.memory_space<hbm>> -> memref<79x128xi32, #tpu.memory_space<hbm>>
      tpu.enqueue_dma source(%dma_start3A_61 : memref<79x128xi32, #tpu.memory_space<hbm>>) target(%arg6 : memref<79x128xi32, #tpu.memory_space<vmem>>) target_semaphore(%run_scoped3A : memref<!tpu.dma_semaphore, #tpu.memory_space<semaphore_mem>>)
      %dma_wait3A = arith.constant 0 : i32
      %dma_wait3A_62 = arith.constant 0 : i32
      %dma_wait3A_63 = tpu.memref_slice %arg3[%add3A, %dma_wait3A, %dma_wait3A_62] : memref<32x79x128xi32, #tpu.memory_space<hbm>> -> memref<1x79x128xi32, #tpu.memory_space<hbm>>
      %dma_wait3A_64 = tpu.memref_squeeze %dma_wait3A_63 : memref<1x79x128xi32, #tpu.memory_space<hbm>> -> memref<79x128xi32, #tpu.memory_space<hbm>>
      %dma_wait3A_65 = arith.constant 0 : i32
      %dma_wait3A_66 = arith.constant 0 : i32
      %dma_wait3A_67 = tpu.memref_slice %arg3[%add3A, %dma_wait3A_65, %dma_wait3A_66] : memref<32x79x128xi32, #tpu.memory_space<hbm>> -> memref<1x79x128xi32, #tpu.memory_space<hbm>>
      %dma_wait3A_68 = tpu.memref_squeeze %dma_wait3A_67 : memref<1x79x128xi32, #tpu.memory_space<hbm>> -> memref<79x128xi32, #tpu.memory_space<hbm>>
      tpu.wait_dma2 semaphore(%run_scoped3A : memref<!tpu.dma_semaphore, #tpu.memory_space<semaphore_mem>>) src(%dma_wait3A_68 : memref<79x128xi32, #tpu.memory_space<hbm>>) dst(%arg6 : memref<79x128xi32, #tpu.memory_space<vmem>>)
      tpu.yield
    }) : () -> ()
    "tpu.region"() ({
      %run_scoped3A = tpu.sem_alloc : memref<!tpu.dma_semaphore, #tpu.memory_space<semaphore_mem>>
      %dma_start3A = arith.constant 0 : i32
      %dma_start3A_55 = arith.constant 0 : i32
      %dma_start3A_56 = tpu.memref_slice %arg4[%add3A, %dma_start3A, %dma_start3A_55] : memref<32x79x128xi32, #tpu.memory_space<hbm>> -> memref<1x79x128xi32, #tpu.memory_space<hbm>>
      %dma_start3A_57 = tpu.memref_squeeze %dma_start3A_56 : memref<1x79x128xi32, #tpu.memory_space<hbm>> -> memref<79x128xi32, #tpu.memory_space<hbm>>
      %dma_start3A_58 = arith.constant 0 : i32
      %dma_start3A_59 = arith.constant 0 : i32
      %dma_start3A_60 = tpu.memref_slice %arg4[%add3A, %dma_start3A_58, %dma_start3A_59] : memref<32x79x128xi32, #tpu.memory_space<hbm>> -> memref<1x79x128xi32, #tpu.memory_space<hbm>>
      %dma_start3A_61 = tpu.memref_squeeze %dma_start3A_60 : memref<1x79x128xi32, #tpu.memory_space<hbm>> -> memref<79x128xi32, #tpu.memory_space<hbm>>
      tpu.enqueue_dma source(%dma_start3A_61 : memref<79x128xi32, #tpu.memory_space<hbm>>) target(%arg7 : memref<79x128xi32, #tpu.memory_space<vmem>>) target_semaphore(%run_scoped3A : memref<!tpu.dma_semaphore, #tpu.memory_space<semaphore_mem>>)
      %dma_wait3A = arith.constant 0 : i32
      %dma_wait3A_62 = arith.constant 0 : i32
      %dma_wait3A_63 = tpu.memref_slice %arg4[%add3A, %dma_wait3A, %dma_wait3A_62] : memref<32x79x128xi32, #tpu.memory_space<hbm>> -> memref<1x79x128xi32, #tpu.memory_space<hbm>>
      %dma_wait3A_64 = tpu.memref_squeeze %dma_wait3A_63 : memref<1x79x128xi32, #tpu.memory_space<hbm>> -> memref<79x128xi32, #tpu.memory_space<hbm>>
      %dma_wait3A_65 = arith.constant 0 : i32
      %dma_wait3A_66 = arith.constant 0 : i32
      %dma_wait3A_67 = tpu.memref_slice %arg4[%add3A, %dma_wait3A_65, %dma_wait3A_66] : memref<32x79x128xi32, #tpu.memory_space<hbm>> -> memref<1x79x128xi32, #tpu.memory_space<hbm>>
      %dma_wait3A_68 = tpu.memref_squeeze %dma_wait3A_67 : memref<1x79x128xi32, #tpu.memory_space<hbm>> -> memref<79x128xi32, #tpu.memory_space<hbm>>
      tpu.wait_dma2 semaphore(%run_scoped3A : memref<!tpu.dma_semaphore, #tpu.memory_space<semaphore_mem>>) src(%dma_wait3A_68 : memref<79x128xi32, #tpu.memory_space<hbm>>) dst(%arg7 : memref<79x128xi32, #tpu.memory_space<vmem>>)
      tpu.yield
    }) : () -> ()
    %barrier3A = arith.constant 0 : index
    tpu.barrier barrier_id(%barrier3A)
    %scan3A_27 = arith.constant 0 : i32
    %scan3A_28 = arith.constant 0 : i32
    %scan3A_29 = arith.constant 79 : i32
    %scan3A_30 = arith.addi %scan3A_28, %scan3A_29 : i32
    %scan3A_31 = arith.constant 1 : i32
    %scan3A_32 = scf.for %scan3A_55 = %scan3A_28 to %scan3A_30 step %scan3A_31 iter_args(%scan3A_56 = %scan3A_27) -> (i32)  : i32 {
      %dma_start3A = arith.constant 0 : i32
      %dma_start3A_57 = tpu.memref_slice %arg6[%scan3A_55, %dma_start3A] : memref<79x128xi32, #tpu.memory_space<vmem>> -> memref<1x128xi32, #tpu.memory_space<vmem>>
      %dma_start3A_58 = tpu.memref_squeeze %dma_start3A_57 : memref<1x128xi32, #tpu.memory_space<vmem>> -> memref<128xi32, #tpu.memory_space<vmem>>
      %dma_start3A_59 = arith.constant 0 : i32
      %dma_start3A_60 = arith.constant 0 : i32
      %dma_start3A_61 = tpu.memref_slice %arg2[%dma_start3A_59, %dma_start3A_60] : memref<10000x128xf32, #tpu.memory_space<hbm>> -> memref<10000x128xf32, #tpu.memory_space<hbm>>
      tpu.enqueue_indirect_dma source(%dma_start3A_61 : memref<10000x128xf32, #tpu.memory_space<hbm>>) target(%arg8 : memref<128x128xf32, #tpu.memory_space<vmem>>) offsets(%dma_start3A_58 : memref<128xi32, #tpu.memory_space<vmem>>) semaphore(%arg10 : memref<!tpu.dma_semaphore, #tpu.memory_space<semaphore_mem>>)
      %dma_wait3A = arith.constant 0 : i32
      %dma_wait3A_62 = tpu.memref_slice %arg6[%scan3A_55, %dma_wait3A] : memref<79x128xi32, #tpu.memory_space<vmem>> -> memref<1x128xi32, #tpu.memory_space<vmem>>
      %dma_wait3A_63 = tpu.memref_squeeze %dma_wait3A_62 : memref<1x128xi32, #tpu.memory_space<vmem>> -> memref<128xi32, #tpu.memory_space<vmem>>
      %dma_wait3A_64 = arith.constant 0 : i32
      %dma_wait3A_65 = arith.constant 0 : i32
      %dma_wait3A_66 = tpu.memref_slice %arg2[%dma_wait3A_64, %dma_wait3A_65] : memref<10000x128xf32, #tpu.memory_space<hbm>> -> memref<10000x128xf32, #tpu.memory_space<hbm>>
      tpu.wait_indirect_dma semaphore(%arg10 : memref<!tpu.dma_semaphore, #tpu.memory_space<semaphore_mem>>) src(%dma_wait3A_66 : memref<10000x128xf32, #tpu.memory_space<hbm>>) dst(%arg8 : memref<128x128xf32, #tpu.memory_space<vmem>>)
      "tpu.region"() ({
        %run_scoped3A = tpu.sem_alloc : memref<!tpu.dma_semaphore, #tpu.memory_space<semaphore_mem>>
        %dma_start3A_68 = arith.constant 0 : i32
        %dma_start3A_69 = tpu.memref_slice %arg7[%scan3A_55, %dma_start3A_68] : memref<79x128xi32, #tpu.memory_space<vmem>> -> memref<1x128xi32, #tpu.memory_space<vmem>>
        %dma_start3A_70 = tpu.memref_squeeze %dma_start3A_69 : memref<1x128xi32, #tpu.memory_space<vmem>> -> memref<128xi32, #tpu.memory_space<vmem>>
        %dma_start3A_71 = arith.constant 0 : i32
        %dma_start3A_72 = arith.constant 0 : i32
        %dma_start3A_73 = tpu.memref_slice %arg9[%dma_start3A_71, %dma_start3A_72] : memref<10240x128xf32, #tpu.memory_space<vmem_shared>> -> memref<10240x128xf32, #tpu.memory_space<vmem_shared>>
        tpu.enqueue_indirect_dma source(%arg8 : memref<128x128xf32, #tpu.memory_space<vmem>>) target(%dma_start3A_73 : memref<10240x128xf32, #tpu.memory_space<vmem_shared>>) offsets(%dma_start3A_70 : memref<128xi32, #tpu.memory_space<vmem>>) semaphore(%run_scoped3A : memref<!tpu.dma_semaphore, #tpu.memory_space<semaphore_mem>>) {add = true}
        %dma_wait3A_74 = arith.constant 0 : i32
        %dma_wait3A_75 = tpu.memref_slice %arg7[%scan3A_55, %dma_wait3A_74] : memref<79x128xi32, #tpu.memory_space<vmem>> -> memref<1x128xi32, #tpu.memory_space<vmem>>
        %dma_wait3A_76 = tpu.memref_squeeze %dma_wait3A_75 : memref<1x128xi32, #tpu.memory_space<vmem>> -> memref<128xi32, #tpu.memory_space<vmem>>
        %dma_wait3A_77 = arith.constant 0 : i32
        %dma_wait3A_78 = arith.constant 0 : i32
        %dma_wait3A_79 = tpu.memref_slice %arg9[%dma_wait3A_77, %dma_wait3A_78] : memref<10240x128xf32, #tpu.memory_space<vmem_shared>> -> memref<10240x128xf32, #tpu.memory_space<vmem_shared>>
        tpu.wait_indirect_dma semaphore(%run_scoped3A : memref<!tpu.dma_semaphore, #tpu.memory_space<semaphore_mem>>) src(%arg8 : memref<128x128xf32, #tpu.memory_space<vmem>>) dst(%dma_wait3A_79 : memref<10240x128xf32, #tpu.memory_space<vmem_shared>>)
        tpu.yield
      }) : () -> ()
      %scan3A_67 = arith.constant 0 : i32
      scf.yield %scan3A_67 : i32
    }
    %scan3A_33 = arith.constant 79 : i32
    %barrier3A_34 = arith.constant 0 : index
    tpu.barrier barrier_id(%barrier3A_34)
    %mul3A_35 = arith.constant 640 : i32
    %mul3A_36 = arith.muli %arg1, %mul3A_35 : i32
    %add3A_37 = arith.constant 0 : i32
    %add3A_38 = arith.addi %mul3A_36, %add3A_37 : i32
    "tpu.region"() ({
      %run_scoped3A = tpu.sem_alloc : memref<!tpu.dma_semaphore, #tpu.memory_space<semaphore_mem>>
      %dma_start3A = arith.constant 0 : i32
      %dma_start3A_55 = tpu.memref_slice %arg9[%add3A_38, %dma_start3A] : memref<10240x128xf32, #tpu.memory_space<vmem_shared>> -> memref<128x128xf32, #tpu.memory_space<vmem_shared>>
      %dma_start3A_56 = arith.constant 0 : i32
      %dma_start3A_57 = tpu.memref_slice %arg9[%add3A_38, %dma_start3A_56] : memref<10240x128xf32, #tpu.memory_space<vmem_shared>> -> memref<128x128xf32, #tpu.memory_space<vmem_shared>>
      tpu.enqueue_dma source(%dma_start3A_57 : memref<128x128xf32, #tpu.memory_space<vmem_shared>>) target(%arg8 : memref<128x128xf32, #tpu.memory_space<vmem>>) target_semaphore(%run_scoped3A : memref<!tpu.dma_semaphore, #tpu.memory_space<semaphore_mem>>)
      %dma_wait3A = arith.constant 0 : i32
      %dma_wait3A_58 = tpu.memref_slice %arg9[%add3A_38, %dma_wait3A] : memref<10240x128xf32, #tpu.memory_space<vmem_shared>> -> memref<128x128xf32, #tpu.memory_space<vmem_shared>>
      %dma_wait3A_59 = arith.constant 0 : i32
      %dma_wait3A_60 = tpu.memref_slice %arg9[%add3A_38, %dma_wait3A_59] : memref<10240x128xf32, #tpu.memory_space<vmem_shared>> -> memref<128x128xf32, #tpu.memory_space<vmem_shared>>
      tpu.wait_dma2 semaphore(%run_scoped3A : memref<!tpu.dma_semaphore, #tpu.memory_space<semaphore_mem>>) src(%dma_wait3A_60 : memref<128x128xf32, #tpu.memory_space<vmem_shared>>) dst(%arg8 : memref<128x128xf32, #tpu.memory_space<vmem>>)
      tpu.yield
    }) : () -> ()
    "tpu.region"() ({
      %run_scoped3A = tpu.sem_alloc : memref<!tpu.dma_semaphore, #tpu.memory_space<semaphore_mem>>
      %dma_start3A = arith.constant 0 : i32
      %dma_start3A_55 = tpu.memref_slice %arg5[%arg0, %add3A_38, %dma_start3A] : memref<2x10240x128xf32, #tpu.memory_space<hbm>> -> memref<1x128x128xf32, #tpu.memory_space<hbm>>
      %dma_start3A_56 = tpu.memref_squeeze %dma_start3A_55 : memref<1x128x128xf32, #tpu.memory_space<hbm>> -> memref<128x128xf32, #tpu.memory_space<hbm>>
      %dma_start3A_57 = arith.constant 0 : i32
      %dma_start3A_58 = tpu.memref_slice %arg5[%arg0, %add3A_38, %dma_start3A_57] : memref<2x10240x128xf32, #tpu.memory_space<hbm>> -> memref<1x128x128xf32, #tpu.memory_space<hbm>>
      %dma_start3A_59 = tpu.memref_squeeze %dma_start3A_58 : memref<1x128x128xf32, #tpu.memory_space<hbm>> -> memref<128x128xf32, #tpu.memory_space<hbm>>
      tpu.enqueue_dma source(%arg8 : memref<128x128xf32, #tpu.memory_space<vmem>>) target(%dma_start3A_59 : memref<128x128xf32, #tpu.memory_space<hbm>>) target_semaphore(%run_scoped3A : memref<!tpu.dma_semaphore, #tpu.memory_space<semaphore_mem>>)
      %dma_wait3A = arith.constant 0 : i32
      %dma_wait3A_60 = tpu.memref_slice %arg5[%arg0, %add3A_38, %dma_wait3A] : memref<2x10240x128xf32, #tpu.memory_space<hbm>> -> memref<1x128x128xf32, #tpu.memory_space<hbm>>
      %dma_wait3A_61 = tpu.memref_squeeze %dma_wait3A_60 : memref<1x128x128xf32, #tpu.memory_space<hbm>> -> memref<128x128xf32, #tpu.memory_space<hbm>>
      %dma_wait3A_62 = arith.constant 0 : i32
      %dma_wait3A_63 = tpu.memref_slice %arg5[%arg0, %add3A_38, %dma_wait3A_62] : memref<2x10240x128xf32, #tpu.memory_space<hbm>> -> memref<1x128x128xf32, #tpu.memory_space<hbm>>
      %dma_wait3A_64 = tpu.memref_squeeze %dma_wait3A_63 : memref<1x128x128xf32, #tpu.memory_space<hbm>> -> memref<128x128xf32, #tpu.memory_space<hbm>>
      tpu.wait_dma2 semaphore(%run_scoped3A : memref<!tpu.dma_semaphore, #tpu.memory_space<semaphore_mem>>) src(%arg8 : memref<128x128xf32, #tpu.memory_space<vmem>>) dst(%dma_wait3A_64 : memref<128x128xf32, #tpu.memory_space<hbm>>)
      tpu.yield
    }) : () -> ()
    %mul3A_39 = arith.constant 640 : i32
    %mul3A_40 = arith.muli %arg1, %mul3A_39 : i32
    %add3A_41 = arith.constant 128 : i32
    %add3A_42 = arith.addi %mul3A_40, %add3A_41 : i32
    "tpu.region"() ({
      %run_scoped3A = tpu.sem_alloc : memref<!tpu.dma_semaphore, #tpu.memory_space<semaphore_mem>>
      %dma_start3A = arith.constant 0 : i32
      %dma_start3A_55 = tpu.memref_slice %arg9[%add3A_42, %dma_start3A] : memref<10240x128xf32, #tpu.memory_space<vmem_shared>> -> memref<128x128xf32, #tpu.memory_space<vmem_shared>>
      %dma_start3A_56 = arith.constant 0 : i32
      %dma_start3A_57 = tpu.memref_slice %arg9[%add3A_42, %dma_start3A_56] : memref<10240x128xf32, #tpu.memory_space<vmem_shared>> -> memref<128x128xf32, #tpu.memory_space<vmem_shared>>
      tpu.enqueue_dma source(%dma_start3A_57 : memref<128x128xf32, #tpu.memory_space<vmem_shared>>) target(%arg8 : memref<128x128xf32, #tpu.memory_space<vmem>>) target_semaphore(%run_scoped3A : memref<!tpu.dma_semaphore, #tpu.memory_space<semaphore_mem>>)
      %dma_wait3A = arith.constant 0 : i32
      %dma_wait3A_58 = tpu.memref_slice %arg9[%add3A_42, %dma_wait3A] : memref<10240x128xf32, #tpu.memory_space<vmem_shared>> -> memref<128x128xf32, #tpu.memory_space<vmem_shared>>
      %dma_wait3A_59 = arith.constant 0 : i32
      %dma_wait3A_60 = tpu.memref_slice %arg9[%add3A_42, %dma_wait3A_59] : memref<10240x128xf32, #tpu.memory_space<vmem_shared>> -> memref<128x128xf32, #tpu.memory_space<vmem_shared>>
      tpu.wait_dma2 semaphore(%run_scoped3A : memref<!tpu.dma_semaphore, #tpu.memory_space<semaphore_mem>>) src(%dma_wait3A_60 : memref<128x128xf32, #tpu.memory_space<vmem_shared>>) dst(%arg8 : memref<128x128xf32, #tpu.memory_space<vmem>>)
      tpu.yield
    }) : () -> ()
    "tpu.region"() ({
      %run_scoped3A = tpu.sem_alloc : memref<!tpu.dma_semaphore, #tpu.memory_space<semaphore_mem>>
      %dma_start3A = arith.constant 0 : i32
      %dma_start3A_55 = tpu.memref_slice %arg5[%arg0, %add3A_42, %dma_start3A] : memref<2x10240x128xf32, #tpu.memory_space<hbm>> -> memref<1x128x128xf32, #tpu.memory_space<hbm>>
      %dma_start3A_56 = tpu.memref_squeeze %dma_start3A_55 : memref<1x128x128xf32, #tpu.memory_space<hbm>> -> memref<128x128xf32, #tpu.memory_space<hbm>>
      %dma_start3A_57 = arith.constant 0 : i32
      %dma_start3A_58 = tpu.memref_slice %arg5[%arg0, %add3A_42, %dma_start3A_57] : memref<2x10240x128xf32, #tpu.memory_space<hbm>> -> memref<1x128x128xf32, #tpu.memory_space<hbm>>
      %dma_start3A_59 = tpu.memref_squeeze %dma_start3A_58 : memref<1x128x128xf32, #tpu.memory_space<hbm>> -> memref<128x128xf32, #tpu.memory_space<hbm>>
      tpu.enqueue_dma source(%arg8 : memref<128x128xf32, #tpu.memory_space<vmem>>) target(%dma_start3A_59 : memref<128x128xf32, #tpu.memory_space<hbm>>) target_semaphore(%run_scoped3A : memref<!tpu.dma_semaphore, #tpu.memory_space<semaphore_mem>>)
      %dma_wait3A = arith.constant 0 : i32
      %dma_wait3A_60 = tpu.memref_slice %arg5[%arg0, %add3A_42, %dma_wait3A] : memref<2x10240x128xf32, #tpu.memory_space<hbm>> -> memref<1x128x128xf32, #tpu.memory_space<hbm>>
      %dma_wait3A_61 = tpu.memref_squeeze %dma_wait3A_60 : memref<1x128x128xf32, #tpu.memory_space<hbm>> -> memref<128x128xf32, #tpu.memory_space<hbm>>
      %dma_wait3A_62 = arith.constant 0 : i32
      %dma_wait3A_63 = tpu.memref_slice %arg5[%arg0, %add3A_42, %dma_wait3A_62] : memref<2x10240x128xf32, #tpu.memory_space<hbm>> -> memref<1x128x128xf32, #tpu.memory_space<hbm>>
      %dma_wait3A_64 = tpu.memref_squeeze %dma_wait3A_63 : memref<1x128x128xf32, #tpu.memory_space<hbm>> -> memref<128x128xf32, #tpu.memory_space<hbm>>
      tpu.wait_dma2 semaphore(%run_scoped3A : memref<!tpu.dma_semaphore, #tpu.memory_space<semaphore_mem>>) src(%arg8 : memref<128x128xf32, #tpu.memory_space<vmem>>) dst(%dma_wait3A_64 : memref<128x128xf32, #tpu.memory_space<hbm>>)
      tpu.yield
    }) : () -> ()
    %mul3A_43 = arith.constant 640 : i32
    %mul3A_44 = arith.muli %arg1, %mul3A_43 : i32
    %add3A_45 = arith.constant 256 : i32
    %add3A_46 = arith.addi %mul3A_44, %add3A_45 : i32
    "tpu.region"() ({
      %run_scoped3A = tpu.sem_alloc : memref<!tpu.dma_semaphore, #tpu.memory_space<semaphore_mem>>
      %dma_start3A = arith.constant 0 : i32
      %dma_start3A_55 = tpu.memref_slice %arg9[%add3A_46, %dma_start3A] : memref<10240x128xf32, #tpu.memory_space<vmem_shared>> -> memref<128x128xf32, #tpu.memory_space<vmem_shared>>
      %dma_start3A_56 = arith.constant 0 : i32
      %dma_start3A_57 = tpu.memref_slice %arg9[%add3A_46, %dma_start3A_56] : memref<10240x128xf32, #tpu.memory_space<vmem_shared>> -> memref<128x128xf32, #tpu.memory_space<vmem_shared>>
      tpu.enqueue_dma source(%dma_start3A_57 : memref<128x128xf32, #tpu.memory_space<vmem_shared>>) target(%arg8 : memref<128x128xf32, #tpu.memory_space<vmem>>) target_semaphore(%run_scoped3A : memref<!tpu.dma_semaphore, #tpu.memory_space<semaphore_mem>>)
      %dma_wait3A = arith.constant 0 : i32
      %dma_wait3A_58 = tpu.memref_slice %arg9[%add3A_46, %dma_wait3A] : memref<10240x128xf32, #tpu.memory_space<vmem_shared>> -> memref<128x128xf32, #tpu.memory_space<vmem_shared>>
      %dma_wait3A_59 = arith.constant 0 : i32
      %dma_wait3A_60 = tpu.memref_slice %arg9[%add3A_46, %dma_wait3A_59] : memref<10240x128xf32, #tpu.memory_space<vmem_shared>> -> memref<128x128xf32, #tpu.memory_space<vmem_shared>>
      tpu.wait_dma2 semaphore(%run_scoped3A : memref<!tpu.dma_semaphore, #tpu.memory_space<semaphore_mem>>) src(%dma_wait3A_60 : memref<128x128xf32, #tpu.memory_space<vmem_shared>>) dst(%arg8 : memref<128x128xf32, #tpu.memory_space<vmem>>)
      tpu.yield
    }) : () -> ()
    "tpu.region"() ({
      %run_scoped3A = tpu.sem_alloc : memref<!tpu.dma_semaphore, #tpu.memory_space<semaphore_mem>>
      %dma_start3A = arith.constant 0 : i32
      %dma_start3A_55 = tpu.memref_slice %arg5[%arg0, %add3A_46, %dma_start3A] : memref<2x10240x128xf32, #tpu.memory_space<hbm>> -> memref<1x128x128xf32, #tpu.memory_space<hbm>>
      %dma_start3A_56 = tpu.memref_squeeze %dma_start3A_55 : memref<1x128x128xf32, #tpu.memory_space<hbm>> -> memref<128x128xf32, #tpu.memory_space<hbm>>
      %dma_start3A_57 = arith.constant 0 : i32
      %dma_start3A_58 = tpu.memref_slice %arg5[%arg0, %add3A_46, %dma_start3A_57] : memref<2x10240x128xf32, #tpu.memory_space<hbm>> -> memref<1x128x128xf32, #tpu.memory_space<hbm>>
      %dma_start3A_59 = tpu.memref_squeeze %dma_start3A_58 : memref<1x128x128xf32, #tpu.memory_space<hbm>> -> memref<128x128xf32, #tpu.memory_space<hbm>>
      tpu.enqueue_dma source(%arg8 : memref<128x128xf32, #tpu.memory_space<vmem>>) target(%dma_start3A_59 : memref<128x128xf32, #tpu.memory_space<hbm>>) target_semaphore(%run_scoped3A : memref<!tpu.dma_semaphore, #tpu.memory_space<semaphore_mem>>)
      %dma_wait3A = arith.constant 0 : i32
      %dma_wait3A_60 = tpu.memref_slice %arg5[%arg0, %add3A_46, %dma_wait3A] : memref<2x10240x128xf32, #tpu.memory_space<hbm>> -> memref<1x128x128xf32, #tpu.memory_space<hbm>>
      %dma_wait3A_61 = tpu.memref_squeeze %dma_wait3A_60 : memref<1x128x128xf32, #tpu.memory_space<hbm>> -> memref<128x128xf32, #tpu.memory_space<hbm>>
      %dma_wait3A_62 = arith.constant 0 : i32
      %dma_wait3A_63 = tpu.memref_slice %arg5[%arg0, %add3A_46, %dma_wait3A_62] : memref<2x10240x128xf32, #tpu.memory_space<hbm>> -> memref<1x128x128xf32, #tpu.memory_space<hbm>>
      %dma_wait3A_64 = tpu.memref_squeeze %dma_wait3A_63 : memref<1x128x128xf32, #tpu.memory_space<hbm>> -> memref<128x128xf32, #tpu.memory_space<hbm>>
      tpu.wait_dma2 semaphore(%run_scoped3A : memref<!tpu.dma_semaphore, #tpu.memory_space<semaphore_mem>>) src(%arg8 : memref<128x128xf32, #tpu.memory_space<vmem>>) dst(%dma_wait3A_64 : memref<128x128xf32, #tpu.memory_space<hbm>>)
      tpu.yield
    }) : () -> ()
    %mul3A_47 = arith.constant 640 : i32
    %mul3A_48 = arith.muli %arg1, %mul3A_47 : i32
    %add3A_49 = arith.constant 384 : i32
    %add3A_50 = arith.addi %mul3A_48, %add3A_49 : i32
    "tpu.region"() ({
      %run_scoped3A = tpu.sem_alloc : memref<!tpu.dma_semaphore, #tpu.memory_space<semaphore_mem>>
      %dma_start3A = arith.constant 0 : i32
      %dma_start3A_55 = tpu.memref_slice %arg9[%add3A_50, %dma_start3A] : memref<10240x128xf32, #tpu.memory_space<vmem_shared>> -> memref<128x128xf32, #tpu.memory_space<vmem_shared>>
      %dma_start3A_56 = arith.constant 0 : i32
      %dma_start3A_57 = tpu.memref_slice %arg9[%add3A_50, %dma_start3A_56] : memref<10240x128xf32, #tpu.memory_space<vmem_shared>> -> memref<128x128xf32, #tpu.memory_space<vmem_shared>>
      tpu.enqueue_dma source(%dma_start3A_57 : memref<128x128xf32, #tpu.memory_space<vmem_shared>>) target(%arg8 : memref<128x128xf32, #tpu.memory_space<vmem>>) target_semaphore(%run_scoped3A : memref<!tpu.dma_semaphore, #tpu.memory_space<semaphore_mem>>)
      %dma_wait3A = arith.constant 0 : i32
      %dma_wait3A_58 = tpu.memref_slice %arg9[%add3A_50, %dma_wait3A] : memref<10240x128xf32, #tpu.memory_space<vmem_shared>> -> memref<128x128xf32, #tpu.memory_space<vmem_shared>>
      %dma_wait3A_59 = arith.constant 0 : i32
      %dma_wait3A_60 = tpu.memref_slice %arg9[%add3A_50, %dma_wait3A_59] : memref<10240x128xf32, #tpu.memory_space<vmem_shared>> -> memref<128x128xf32, #tpu.memory_space<vmem_shared>>
      tpu.wait_dma2 semaphore(%run_scoped3A : memref<!tpu.dma_semaphore, #tpu.memory_space<semaphore_mem>>) src(%dma_wait3A_60 : memref<128x128xf32, #tpu.memory_space<vmem_shared>>) dst(%arg8 : memref<128x128xf32, #tpu.memory_space<vmem>>)
      tpu.yield
    }) : () -> ()
    "tpu.region"() ({
      %run_scoped3A = tpu.sem_alloc : memref<!tpu.dma_semaphore, #tpu.memory_space<semaphore_mem>>
      %dma_start3A = arith.constant 0 : i32
      %dma_start3A_55 = tpu.memref_slice %arg5[%arg0, %add3A_50, %dma_start3A] : memref<2x10240x128xf32, #tpu.memory_space<hbm>> -> memref<1x128x128xf32, #tpu.memory_space<hbm>>
      %dma_start3A_56 = tpu.memref_squeeze %dma_start3A_55 : memref<1x128x128xf32, #tpu.memory_space<hbm>> -> memref<128x128xf32, #tpu.memory_space<hbm>>
      %dma_start3A_57 = arith.constant 0 : i32
      %dma_start3A_58 = tpu.memref_slice %arg5[%arg0, %add3A_50, %dma_start3A_57] : memref<2x10240x128xf32, #tpu.memory_space<hbm>> -> memref<1x128x128xf32, #tpu.memory_space<hbm>>
      %dma_start3A_59 = tpu.memref_squeeze %dma_start3A_58 : memref<1x128x128xf32, #tpu.memory_space<hbm>> -> memref<128x128xf32, #tpu.memory_space<hbm>>
      tpu.enqueue_dma source(%arg8 : memref<128x128xf32, #tpu.memory_space<vmem>>) target(%dma_start3A_59 : memref<128x128xf32, #tpu.memory_space<hbm>>) target_semaphore(%run_scoped3A : memref<!tpu.dma_semaphore, #tpu.memory_space<semaphore_mem>>)
      %dma_wait3A = arith.constant 0 : i32
      %dma_wait3A_60 = tpu.memref_slice %arg5[%arg0, %add3A_50, %dma_wait3A] : memref<2x10240x128xf32, #tpu.memory_space<hbm>> -> memref<1x128x128xf32, #tpu.memory_space<hbm>>
      %dma_wait3A_61 = tpu.memref_squeeze %dma_wait3A_60 : memref<1x128x128xf32, #tpu.memory_space<hbm>> -> memref<128x128xf32, #tpu.memory_space<hbm>>
      %dma_wait3A_62 = arith.constant 0 : i32
      %dma_wait3A_63 = tpu.memref_slice %arg5[%arg0, %add3A_50, %dma_wait3A_62] : memref<2x10240x128xf32, #tpu.memory_space<hbm>> -> memref<1x128x128xf32, #tpu.memory_space<hbm>>
      %dma_wait3A_64 = tpu.memref_squeeze %dma_wait3A_63 : memref<1x128x128xf32, #tpu.memory_space<hbm>> -> memref<128x128xf32, #tpu.memory_space<hbm>>
      tpu.wait_dma2 semaphore(%run_scoped3A : memref<!tpu.dma_semaphore, #tpu.memory_space<semaphore_mem>>) src(%arg8 : memref<128x128xf32, #tpu.memory_space<vmem>>) dst(%dma_wait3A_64 : memref<128x128xf32, #tpu.memory_space<hbm>>)
      tpu.yield
    }) : () -> ()
    %mul3A_51 = arith.constant 640 : i32
    %mul3A_52 = arith.muli %arg1, %mul3A_51 : i32
    %add3A_53 = arith.constant 512 : i32
    %add3A_54 = arith.addi %mul3A_52, %add3A_53 : i32
    "tpu.region"() ({
      %run_scoped3A = tpu.sem_alloc : memref<!tpu.dma_semaphore, #tpu.memory_space<semaphore_mem>>
      %dma_start3A = arith.constant 0 : i32
      %dma_start3A_55 = tpu.memref_slice %arg9[%add3A_54, %dma_start3A] : memref<10240x128xf32, #tpu.memory_space<vmem_shared>> -> memref<128x128xf32, #tpu.memory_space<vmem_shared>>
      %dma_start3A_56 = arith.constant 0 : i32
      %dma_start3A_57 = tpu.memref_slice %arg9[%add3A_54, %dma_start3A_56] : memref<10240x128xf32, #tpu.memory_space<vmem_shared>> -> memref<128x128xf32, #tpu.memory_space<vmem_shared>>
      tpu.enqueue_dma source(%dma_start3A_57 : memref<128x128xf32, #tpu.memory_space<vmem_shared>>) target(%arg8 : memref<128x128xf32, #tpu.memory_space<vmem>>) target_semaphore(%run_scoped3A : memref<!tpu.dma_semaphore, #tpu.memory_space<semaphore_mem>>)
      %dma_wait3A = arith.constant 0 : i32
      %dma_wait3A_58 = tpu.memref_slice %arg9[%add3A_54, %dma_wait3A] : memref<10240x128xf32, #tpu.memory_space<vmem_shared>> -> memref<128x128xf32, #tpu.memory_space<vmem_shared>>
      %dma_wait3A_59 = arith.constant 0 : i32
      %dma_wait3A_60 = tpu.memref_slice %arg9[%add3A_54, %dma_wait3A_59] : memref<10240x128xf32, #tpu.memory_space<vmem_shared>> -> memref<128x128xf32, #tpu.memory_space<vmem_shared>>
      tpu.wait_dma2 semaphore(%run_scoped3A : memref<!tpu.dma_semaphore, #tpu.memory_space<semaphore_mem>>) src(%dma_wait3A_60 : memref<128x128xf32, #tpu.memory_space<vmem_shared>>) dst(%arg8 : memref<128x128xf32, #tpu.memory_space<vmem>>)
      tpu.yield
    }) : () -> ()
    "tpu.region"() ({
      %run_scoped3A = tpu.sem_alloc : memref<!tpu.dma_semaphore, #tpu.memory_space<semaphore_mem>>
      %dma_start3A = arith.constant 0 : i32
      %dma_start3A_55 = tpu.memref_slice %arg5[%arg0, %add3A_54, %dma_start3A] : memref<2x10240x128xf32, #tpu.memory_space<hbm>> -> memref<1x128x128xf32, #tpu.memory_space<hbm>>
      %dma_start3A_56 = tpu.memref_squeeze %dma_start3A_55 : memref<1x128x128xf32, #tpu.memory_space<hbm>> -> memref<128x128xf32, #tpu.memory_space<hbm>>
      %dma_start3A_57 = arith.constant 0 : i32
      %dma_start3A_58 = tpu.memref_slice %arg5[%arg0, %add3A_54, %dma_start3A_57] : memref<2x10240x128xf32, #tpu.memory_space<hbm>> -> memref<1x128x128xf32, #tpu.memory_space<hbm>>
      %dma_start3A_59 = tpu.memref_squeeze %dma_start3A_58 : memref<1x128x128xf32, #tpu.memory_space<hbm>> -> memref<128x128xf32, #tpu.memory_space<hbm>>
      tpu.enqueue_dma source(%arg8 : memref<128x128xf32, #tpu.memory_space<vmem>>) target(%dma_start3A_59 : memref<128x128xf32, #tpu.memory_space<hbm>>) target_semaphore(%run_scoped3A : memref<!tpu.dma_semaphore, #tpu.memory_space<semaphore_mem>>)
      %dma_wait3A = arith.constant 0 : i32
      %dma_wait3A_60 = tpu.memref_slice %arg5[%arg0, %add3A_54, %dma_wait3A] : memref<2x10240x128xf32, #tpu.memory_space<hbm>> -> memref<1x128x128xf32, #tpu.memory_space<hbm>>
      %dma_wait3A_61 = tpu.memref_squeeze %dma_wait3A_60 : memref<1x128x128xf32, #tpu.memory_space<hbm>> -> memref<128x128xf32, #tpu.memory_space<hbm>>
      %dma_wait3A_62 = arith.constant 0 : i32
      %dma_wait3A_63 = tpu.memref_slice %arg5[%arg0, %add3A_54, %dma_wait3A_62] : memref<2x10240x128xf32, #tpu.memory_space<hbm>> -> memref<1x128x128xf32, #tpu.memory_space<hbm>>
      %dma_wait3A_64 = tpu.memref_squeeze %dma_wait3A_63 : memref<1x128x128xf32, #tpu.memory_space<hbm>> -> memref<128x128xf32, #tpu.memory_space<hbm>>
      tpu.wait_dma2 semaphore(%run_scoped3A : memref<!tpu.dma_semaphore, #tpu.memory_space<semaphore_mem>>) src(%arg8 : memref<128x128xf32, #tpu.memory_space<vmem>>) dst(%dma_wait3A_64 : memref<128x128xf32, #tpu.memory_space<hbm>>)
      tpu.yield
    }) : () -> ()
    return
  }
}

#map = affine_map<(d0, d1) -> (0, 0, 0)>
#map1 = affine_map<(d0, d1) -> (0, 0)>
module attributes {stable_mosaic.version = 14 : i64} {
  func.func @k(%arg0: i32, %arg1: i32, %arg2: memref<32x79x128xi32, #tpu.memory_space<hbm>>, %arg3: memref<2x10240xf32, #tpu.memory_space<hbm>>, %arg4: memref<79x128xi32, #tpu.memory_space<vmem>>, %arg5: memref<128xf32, #tpu.memory_space<vmem>>, %arg6: memref<640xf32, #tpu.memory_space<vmem>>, %arg7: memref<10240xf32, #tpu.memory_space<vmem_shared>>) attributes {dimension_semantics = [#tpu.dimension_semantics<core_parallel>, #tpu.dimension_semantics<subcore_parallel>], iteration_bounds = array<i64: 2, 16>, scalar_prefetch = 0 : i64, scratch_operands = 4 : i64, tpu.core_type = #tpu.core_type<sc_vector_subcore>, window_params = [{transform_indices = #map}, {transform_indices = #map1}]} {
    %mul3A = arith.constant 2 : i32
    %mul3A_0 = arith.muli %arg1, %mul3A : i32
    %add3A = arith.addi %mul3A_0, %arg0 : i32
    %scan3A = arith.constant 0 : i32
    %scan3A_1 = arith.constant 0 : i32
    %scan3A_2 = arith.constant 40 : i32
    %scan3A_3 = arith.addi %scan3A_1, %scan3A_2 : i32
    %scan3A_4 = arith.constant 1 : i32
    %scan3A_5 = scf.for %scan3A_67 = %scan3A_1 to %scan3A_3 step %scan3A_4 iter_args(%scan3A_68 = %scan3A) -> (i32)  : i32 {
      %broadcast_in_dim3A_69 = arith.constant 0.000000e+00 : f32
      %broadcast_in_dim3A_70 = vector.broadcast %broadcast_in_dim3A_69 : f32 to vector<16xf32>
      %mul3A_71 = arith.constant 16 : i32
      %mul3A_72 = arith.muli %scan3A_67, %mul3A_71 : i32
      %swap3A_73 = arith.index_cast %mul3A_72 : i32 to index
      %swap3A_74 = tpu.vector_load %arg6[%swap3A_73] {strides = array<i32>} : memref<640xf32, #tpu.memory_space<vmem>>, vector<16xf32>,
      %swap3A_75 = vector.shape_cast %swap3A_74 : vector<16xf32> to vector<16xf32>
      %swap3A_76 = vector.shape_cast %broadcast_in_dim3A_70 : vector<16xf32> to vector<16xf32>
      tpu.vector_store %arg6[%swap3A_73], %swap3A_76 {strides = array<i32>} : memref<640xf32, #tpu.memory_space<vmem>>, vector<16xf32>,
      %scan3A_77 = arith.constant 0 : i32
      scf.yield %scan3A_77 : i32
    }
    %scan3A_6 = arith.constant 40 : i32
    %mul3A_7 = arith.constant 640 : i32
    %mul3A_8 = arith.muli %arg1, %mul3A_7 : i32
    "tpu.region"() ({
      %run_scoped3A = tpu.sem_alloc : memref<!tpu.dma_semaphore, #tpu.memory_space<semaphore_mem>>
      %dma_start3A = tpu.memref_slice %arg7[%mul3A_8] : memref<10240xf32, #tpu.memory_space<vmem_shared>> -> memref<640xf32, #tpu.memory_space<vmem_shared>>
      %dma_start3A_67 = tpu.memref_slice %arg7[%mul3A_8] : memref<10240xf32, #tpu.memory_space<vmem_shared>> -> memref<640xf32, #tpu.memory_space<vmem_shared>>
      tpu.enqueue_dma source(%arg6 : memref<640xf32, #tpu.memory_space<vmem>>) target(%dma_start3A_67 : memref<640xf32, #tpu.memory_space<vmem_shared>>) target_semaphore(%run_scoped3A : memref<!tpu.dma_semaphore, #tpu.memory_space<semaphore_mem>>)
      %dma_wait3A = tpu.memref_slice %arg7[%mul3A_8] : memref<10240xf32, #tpu.memory_space<vmem_shared>> -> memref<640xf32, #tpu.memory_space<vmem_shared>>
      %dma_wait3A_68 = tpu.memref_slice %arg7[%mul3A_8] : memref<10240xf32, #tpu.memory_space<vmem_shared>> -> memref<640xf32, #tpu.memory_space<vmem_shared>>
      tpu.wait_dma2 semaphore(%run_scoped3A : memref<!tpu.dma_semaphore, #tpu.memory_space<semaphore_mem>>) src(%arg6 : memref<640xf32, #tpu.memory_space<vmem>>) dst(%dma_wait3A_68 : memref<640xf32, #tpu.memory_space<vmem_shared>>)
      tpu.yield
    }) : () -> ()
    %broadcast_in_dim3A = arith.constant 1.000000e+00 : f32
    %broadcast_in_dim3A_9 = vector.broadcast %broadcast_in_dim3A : f32 to vector<16xf32>
    %swap3A = arith.constant 0 : index
    %swap3A_10 = tpu.vector_load %arg5[%swap3A] {strides = array<i32>} : memref<128xf32, #tpu.memory_space<vmem>>, vector<16xf32>,
    %swap3A_11 = vector.shape_cast %swap3A_10 : vector<16xf32> to vector<16xf32>
    %swap3A_12 = vector.shape_cast %broadcast_in_dim3A_9 : vector<16xf32> to vector<16xf32>
    tpu.vector_store %arg5[%swap3A], %swap3A_12 {strides = array<i32>} : memref<128xf32, #tpu.memory_space<vmem>>, vector<16xf32>,
    %broadcast_in_dim3A_13 = arith.constant 1.000000e+00 : f32
    %broadcast_in_dim3A_14 = vector.broadcast %broadcast_in_dim3A_13 : f32 to vector<16xf32>
    %swap3A_15 = arith.constant 16 : index
    %swap3A_16 = tpu.vector_load %arg5[%swap3A_15] {strides = array<i32>} : memref<128xf32, #tpu.memory_space<vmem>>, vector<16xf32>,
    %swap3A_17 = vector.shape_cast %swap3A_16 : vector<16xf32> to vector<16xf32>
    %swap3A_18 = vector.shape_cast %broadcast_in_dim3A_14 : vector<16xf32> to vector<16xf32>
    tpu.vector_store %arg5[%swap3A_15], %swap3A_18 {strides = array<i32>} : memref<128xf32, #tpu.memory_space<vmem>>, vector<16xf32>,
    %broadcast_in_dim3A_19 = arith.constant 1.000000e+00 : f32
    %broadcast_in_dim3A_20 = vector.broadcast %broadcast_in_dim3A_19 : f32 to vector<16xf32>
    %swap3A_21 = arith.constant 32 : index
    %swap3A_22 = tpu.vector_load %arg5[%swap3A_21] {strides = array<i32>} : memref<128xf32, #tpu.memory_space<vmem>>, vector<16xf32>,
    %swap3A_23 = vector.shape_cast %swap3A_22 : vector<16xf32> to vector<16xf32>
    %swap3A_24 = vector.shape_cast %broadcast_in_dim3A_20 : vector<16xf32> to vector<16xf32>
    tpu.vector_store %arg5[%swap3A_21], %swap3A_24 {strides = array<i32>} : memref<128xf32, #tpu.memory_space<vmem>>, vector<16xf32>,
    %broadcast_in_dim3A_25 = arith.constant 1.000000e+00 : f32
    %broadcast_in_dim3A_26 = vector.broadcast %broadcast_in_dim3A_25 : f32 to vector<16xf32>
    %swap3A_27 = arith.constant 48 : index
    %swap3A_28 = tpu.vector_load %arg5[%swap3A_27] {strides = array<i32>} : memref<128xf32, #tpu.memory_space<vmem>>, vector<16xf32>,
    %swap3A_29 = vector.shape_cast %swap3A_28 : vector<16xf32> to vector<16xf32>
    %swap3A_30 = vector.shape_cast %broadcast_in_dim3A_26 : vector<16xf32> to vector<16xf32>
    tpu.vector_store %arg5[%swap3A_27], %swap3A_30 {strides = array<i32>} : memref<128xf32, #tpu.memory_space<vmem>>, vector<16xf32>,
    %broadcast_in_dim3A_31 = arith.constant 1.000000e+00 : f32
    %broadcast_in_dim3A_32 = vector.broadcast %broadcast_in_dim3A_31 : f32 to vector<16xf32>
    %swap3A_33 = arith.constant 64 : index
    %swap3A_34 = tpu.vector_load %arg5[%swap3A_33] {strides = array<i32>} : memref<128xf32, #tpu.memory_space<vmem>>, vector<16xf32>,
    %swap3A_35 = vector.shape_cast %swap3A_34 : vector<16xf32> to vector<16xf32>
    %swap3A_36 = vector.shape_cast %broadcast_in_dim3A_32 : vector<16xf32> to vector<16xf32>
    tpu.vector_store %arg5[%swap3A_33], %swap3A_36 {strides = array<i32>} : memref<128xf32, #tpu.memory_space<vmem>>, vector<16xf32>,
    %broadcast_in_dim3A_37 = arith.constant 1.000000e+00 : f32
    %broadcast_in_dim3A_38 = vector.broadcast %broadcast_in_dim3A_37 : f32 to vector<16xf32>
    %swap3A_39 = arith.constant 80 : index
    %swap3A_40 = tpu.vector_load %arg5[%swap3A_39] {strides = array<i32>} : memref<128xf32, #tpu.memory_space<vmem>>, vector<16xf32>,
    %swap3A_41 = vector.shape_cast %swap3A_40 : vector<16xf32> to vector<16xf32>
    %swap3A_42 = vector.shape_cast %broadcast_in_dim3A_38 : vector<16xf32> to vector<16xf32>
    tpu.vector_store %arg5[%swap3A_39], %swap3A_42 {strides = array<i32>} : memref<128xf32, #tpu.memory_space<vmem>>, vector<16xf32>,
    %broadcast_in_dim3A_43 = arith.constant 1.000000e+00 : f32
    %broadcast_in_dim3A_44 = vector.broadcast %broadcast_in_dim3A_43 : f32 to vector<16xf32>
    %swap3A_45 = arith.constant 96 : index
    %swap3A_46 = tpu.vector_load %arg5[%swap3A_45] {strides = array<i32>} : memref<128xf32, #tpu.memory_space<vmem>>, vector<16xf32>,
    %swap3A_47 = vector.shape_cast %swap3A_46 : vector<16xf32> to vector<16xf32>
    %swap3A_48 = vector.shape_cast %broadcast_in_dim3A_44 : vector<16xf32> to vector<16xf32>
    tpu.vector_store %arg5[%swap3A_45], %swap3A_48 {strides = array<i32>} : memref<128xf32, #tpu.memory_space<vmem>>, vector<16xf32>,
    %broadcast_in_dim3A_49 = arith.constant 1.000000e+00 : f32
    %broadcast_in_dim3A_50 = vector.broadcast %broadcast_in_dim3A_49 : f32 to vector<16xf32>
    %swap3A_51 = arith.constant 112 : index
    %swap3A_52 = tpu.vector_load %arg5[%swap3A_51] {strides = array<i32>} : memref<128xf32, #tpu.memory_space<vmem>>, vector<16xf32>,
    %swap3A_53 = vector.shape_cast %swap3A_52 : vector<16xf32> to vector<16xf32>
    %swap3A_54 = vector.shape_cast %broadcast_in_dim3A_50 : vector<16xf32> to vector<16xf32>
    tpu.vector_store %arg5[%swap3A_51], %swap3A_54 {strides = array<i32>} : memref<128xf32, #tpu.memory_space<vmem>>, vector<16xf32>,
    "tpu.region"() ({
      %run_scoped3A = tpu.sem_alloc : memref<!tpu.dma_semaphore, #tpu.memory_space<semaphore_mem>>
      %dma_start3A = arith.constant 0 : i32
      %dma_start3A_67 = arith.constant 0 : i32
      %dma_start3A_68 = tpu.memref_slice %arg2[%add3A, %dma_start3A, %dma_start3A_67] : memref<32x79x128xi32, #tpu.memory_space<hbm>> -> memref<1x79x128xi32, #tpu.memory_space<hbm>>
      %dma_start3A_69 = tpu.memref_squeeze %dma_start3A_68 : memref<1x79x128xi32, #tpu.memory_space<hbm>> -> memref<79x128xi32, #tpu.memory_space<hbm>>
      %dma_start3A_70 = arith.constant 0 : i32
      %dma_start3A_71 = arith.constant 0 : i32
      %dma_start3A_72 = tpu.memref_slice %arg2[%add3A, %dma_start3A_70, %dma_start3A_71] : memref<32x79x128xi32, #tpu.memory_space<hbm>> -> memref<1x79x128xi32, #tpu.memory_space<hbm>>
      %dma_start3A_73 = tpu.memref_squeeze %dma_start3A_72 : memref<1x79x128xi32, #tpu.memory_space<hbm>> -> memref<79x128xi32, #tpu.memory_space<hbm>>
      tpu.enqueue_dma source(%dma_start3A_73 : memref<79x128xi32, #tpu.memory_space<hbm>>) target(%arg4 : memref<79x128xi32, #tpu.memory_space<vmem>>) target_semaphore(%run_scoped3A : memref<!tpu.dma_semaphore, #tpu.memory_space<semaphore_mem>>)
      %dma_wait3A = arith.constant 0 : i32
      %dma_wait3A_74 = arith.constant 0 : i32
      %dma_wait3A_75 = tpu.memref_slice %arg2[%add3A, %dma_wait3A, %dma_wait3A_74] : memref<32x79x128xi32, #tpu.memory_space<hbm>> -> memref<1x79x128xi32, #tpu.memory_space<hbm>>
      %dma_wait3A_76 = tpu.memref_squeeze %dma_wait3A_75 : memref<1x79x128xi32, #tpu.memory_space<hbm>> -> memref<79x128xi32, #tpu.memory_space<hbm>>
      %dma_wait3A_77 = arith.constant 0 : i32
      %dma_wait3A_78 = arith.constant 0 : i32
      %dma_wait3A_79 = tpu.memref_slice %arg2[%add3A, %dma_wait3A_77, %dma_wait3A_78] : memref<32x79x128xi32, #tpu.memory_space<hbm>> -> memref<1x79x128xi32, #tpu.memory_space<hbm>>
      %dma_wait3A_80 = tpu.memref_squeeze %dma_wait3A_79 : memref<1x79x128xi32, #tpu.memory_space<hbm>> -> memref<79x128xi32, #tpu.memory_space<hbm>>
      tpu.wait_dma2 semaphore(%run_scoped3A : memref<!tpu.dma_semaphore, #tpu.memory_space<semaphore_mem>>) src(%dma_wait3A_80 : memref<79x128xi32, #tpu.memory_space<hbm>>) dst(%arg4 : memref<79x128xi32, #tpu.memory_space<vmem>>)
      tpu.yield
    }) : () -> ()
    %barrier3A = arith.constant 0 : index
    tpu.barrier barrier_id(%barrier3A)
    %scan3A_55 = arith.constant 0 : i32
    %scan3A_56 = arith.constant 0 : i32
    %scan3A_57 = arith.constant 79 : i32
    %scan3A_58 = arith.addi %scan3A_56, %scan3A_57 : i32
    %scan3A_59 = arith.constant 1 : i32
    %scan3A_60 = scf.for %scan3A_67 = %scan3A_56 to %scan3A_58 step %scan3A_59 iter_args(%scan3A_68 = %scan3A_55) -> (i32)  : i32 {
      "tpu.region"() ({
        %run_scoped3A = tpu.sem_alloc : memref<!tpu.dma_semaphore, #tpu.memory_space<semaphore_mem>>
        %dma_start3A = arith.constant 0 : i32
        %dma_start3A_70 = tpu.memref_slice %arg4[%scan3A_67, %dma_start3A] : memref<79x128xi32, #tpu.memory_space<vmem>> -> memref<1x128xi32, #tpu.memory_space<vmem>>
        %dma_start3A_71 = tpu.memref_squeeze %dma_start3A_70 : memref<1x128xi32, #tpu.memory_space<vmem>> -> memref<128xi32, #tpu.memory_space<vmem>>
        %dma_start3A_72 = arith.constant 0 : i32
        %dma_start3A_73 = tpu.memref_slice %arg7[%dma_start3A_72] : memref<10240xf32, #tpu.memory_space<vmem_shared>> -> memref<10240xf32, #tpu.memory_space<vmem_shared>>
        tpu.enqueue_indirect_dma source(%arg5 : memref<128xf32, #tpu.memory_space<vmem>>) target(%dma_start3A_73 : memref<10240xf32, #tpu.memory_space<vmem_shared>>) offsets(%dma_start3A_71 : memref<128xi32, #tpu.memory_space<vmem>>) semaphore(%run_scoped3A : memref<!tpu.dma_semaphore, #tpu.memory_space<semaphore_mem>>) {add = true}
        %dma_wait3A = arith.constant 0 : i32
        %dma_wait3A_74 = tpu.memref_slice %arg4[%scan3A_67, %dma_wait3A] : memref<79x128xi32, #tpu.memory_space<vmem>> -> memref<1x128xi32, #tpu.memory_space<vmem>>
        %dma_wait3A_75 = tpu.memref_squeeze %dma_wait3A_74 : memref<1x128xi32, #tpu.memory_space<vmem>> -> memref<128xi32, #tpu.memory_space<vmem>>
        %dma_wait3A_76 = arith.constant 0 : i32
        %dma_wait3A_77 = tpu.memref_slice %arg7[%dma_wait3A_76] : memref<10240xf32, #tpu.memory_space<vmem_shared>> -> memref<10240xf32, #tpu.memory_space<vmem_shared>>
        tpu.wait_indirect_dma semaphore(%run_scoped3A : memref<!tpu.dma_semaphore, #tpu.memory_space<semaphore_mem>>) src(%arg5 : memref<128xf32, #tpu.memory_space<vmem>>) dst(%dma_wait3A_77 : memref<10240xf32, #tpu.memory_space<vmem_shared>>)
        tpu.yield
      }) : () -> ()
      %scan3A_69 = arith.constant 0 : i32
      scf.yield %scan3A_69 : i32
    }
    %scan3A_61 = arith.constant 79 : i32
    %barrier3A_62 = arith.constant 0 : index
    tpu.barrier barrier_id(%barrier3A_62)
    %mul3A_63 = arith.constant 640 : i32
    %mul3A_64 = arith.muli %arg1, %mul3A_63 : i32
    "tpu.region"() ({
      %run_scoped3A = tpu.sem_alloc : memref<!tpu.dma_semaphore, #tpu.memory_space<semaphore_mem>>
      %dma_start3A = tpu.memref_slice %arg7[%mul3A_64] : memref<10240xf32, #tpu.memory_space<vmem_shared>> -> memref<640xf32, #tpu.memory_space<vmem_shared>>
      %dma_start3A_67 = tpu.memref_slice %arg7[%mul3A_64] : memref<10240xf32, #tpu.memory_space<vmem_shared>> -> memref<640xf32, #tpu.memory_space<vmem_shared>>
      tpu.enqueue_dma source(%dma_start3A_67 : memref<640xf32, #tpu.memory_space<vmem_shared>>) target(%arg6 : memref<640xf32, #tpu.memory_space<vmem>>) target_semaphore(%run_scoped3A : memref<!tpu.dma_semaphore, #tpu.memory_space<semaphore_mem>>)
      %dma_wait3A = tpu.memref_slice %arg7[%mul3A_64] : memref<10240xf32, #tpu.memory_space<vmem_shared>> -> memref<640xf32, #tpu.memory_space<vmem_shared>>
      %dma_wait3A_68 = tpu.memref_slice %arg7[%mul3A_64] : memref<10240xf32, #tpu.memory_space<vmem_shared>> -> memref<640xf32, #tpu.memory_space<vmem_shared>>
      tpu.wait_dma2 semaphore(%run_scoped3A : memref<!tpu.dma_semaphore, #tpu.memory_space<semaphore_mem>>) src(%dma_wait3A_68 : memref<640xf32, #tpu.memory_space<vmem_shared>>) dst(%arg6 : memref<640xf32, #tpu.memory_space<vmem>>)
      tpu.yield
    }) : () -> ()
    %mul3A_65 = arith.constant 640 : i32
    %mul3A_66 = arith.muli %arg1, %mul3A_65 : i32
    "tpu.region"() ({
      %run_scoped3A = tpu.sem_alloc : memref<!tpu.dma_semaphore, #tpu.memory_space<semaphore_mem>>
      %dma_start3A = tpu.memref_slice %arg3[%arg0, %mul3A_66] : memref<2x10240xf32, #tpu.memory_space<hbm>> -> memref<1x640xf32, #tpu.memory_space<hbm>>
      %dma_start3A_67 = tpu.memref_squeeze %dma_start3A : memref<1x640xf32, #tpu.memory_space<hbm>> -> memref<640xf32, #tpu.memory_space<hbm>>
      %dma_start3A_68 = tpu.memref_slice %arg3[%arg0, %mul3A_66] : memref<2x10240xf32, #tpu.memory_space<hbm>> -> memref<1x640xf32, #tpu.memory_space<hbm>>
      %dma_start3A_69 = tpu.memref_squeeze %dma_start3A_68 : memref<1x640xf32, #tpu.memory_space<hbm>> -> memref<640xf32, #tpu.memory_space<hbm>>
      tpu.enqueue_dma source(%arg6 : memref<640xf32, #tpu.memory_space<vmem>>) target(%dma_start3A_69 : memref<640xf32, #tpu.memory_space<hbm>>) target_semaphore(%run_scoped3A : memref<!tpu.dma_semaphore, #tpu.memory_space<semaphore_mem>>)
      %dma_wait3A = tpu.memref_slice %arg3[%arg0, %mul3A_66] : memref<2x10240xf32, #tpu.memory_space<hbm>> -> memref<1x640xf32, #tpu.memory_space<hbm>>
      %dma_wait3A_70 = tpu.memref_squeeze %dma_wait3A : memref<1x640xf32, #tpu.memory_space<hbm>> -> memref<640xf32, #tpu.memory_space<hbm>>
      %dma_wait3A_71 = tpu.memref_slice %arg3[%arg0, %mul3A_66] : memref<2x10240xf32, #tpu.memory_space<hbm>> -> memref<1x640xf32, #tpu.memory_space<hbm>>
      %dma_wait3A_72 = tpu.memref_squeeze %dma_wait3A_71 : memref<1x640xf32, #tpu.memory_space<hbm>> -> memref<640xf32, #tpu.memory_space<hbm>>
      tpu.wait_dma2 semaphore(%run_scoped3A : memref<!tpu.dma_semaphore, #tpu.memory_space<semaphore_mem>>) src(%arg6 : memref<640xf32, #tpu.memory_space<vmem>>) dst(%dma_wait3A_72 : memref<640xf32, #tpu.memory_space<hbm>>)
      tpu.yield
    }) : () -> ()
    return
  }
}

#map = affine_map<(d0, d1) -> (0, 0)>
#map1 = affine_map<(d0, d1) -> (0, 0, 0)>
module attributes {stable_mosaic.version = 14 : i64} {
  func.func @k(%arg0: i32, %arg1: i32, %arg2: memref<10000x128xf32, #tpu.memory_space<hbm>>, %arg3: memref<32x79x128xi32, #tpu.memory_space<hbm>>, %arg4: memref<32x79x128xi32, #tpu.memory_space<hbm>>, %arg5: memref<2x10240x128xf32, #tpu.memory_space<hbm>>, %arg6: memref<79x128xi32, #tpu.memory_space<vmem>>, %arg7: memref<79x128xi32, #tpu.memory_space<vmem>>, %arg8: memref<128x128xf32, #tpu.memory_space<vmem>>, %arg9: memref<10240x128xf32, #tpu.memory_space<vmem_shared>>, %arg10: memref<!tpu.dma_semaphore, #tpu.memory_space<semaphore_mem>>) attributes {dimension_semantics = [#tpu.dimension_semantics<core_parallel>, #tpu.dimension_semantics<subcore_parallel>], iteration_bounds = array<i64: 2, 16>, scalar_prefetch = 0 : i64, scratch_operands = 5 : i64, tpu.core_type = #tpu.core_type<sc_vector_subcore>, window_params = [{transform_indices = #map}, {transform_indices = #map1}, {transform_indices = #map1}, {transform_indices = #map1}]} {
    %mul3A = arith.constant 2 : i32
    %mul3A_0 = arith.muli %arg1, %mul3A : i32
    %add3A = arith.addi %mul3A_0, %arg0 : i32
    %scan3A = arith.constant 0 : i32
    %scan3A_1 = arith.constant 0 : i32
    %scan3A_2 = arith.constant 128 : i32
    %scan3A_3 = arith.addi %scan3A_1, %scan3A_2 : i32
    %scan3A_4 = arith.constant 1 : i32
    %scan3A_5 = scf.for %scan3A_55 = %scan3A_1 to %scan3A_3 step %scan3A_4 iter_args(%scan3A_56 = %scan3A) -> (i32)  : i32 {
      %broadcast_in_dim3A = arith.constant 0.000000e+00 : f32
      %broadcast_in_dim3A_57 = vector.broadcast %broadcast_in_dim3A : f32 to vector<16xf32>
      %swap3A = arith.index_cast %scan3A_55 : i32 to index
      %swap3A_58 = arith.constant 0 : index
      %swap3A_59 = tpu.vector_load %arg8[%swap3A, %swap3A_58] {strides = array<i32>} : memref<128x128xf32, #tpu.memory_space<vmem>>, vector<1x16xf32>,
      %swap3A_60 = vector.shape_cast %swap3A_59 : vector<1x16xf32> to vector<16xf32>
      %swap3A_61 = vector.shape_cast %broadcast_in_dim3A_57 : vector<16xf32> to vector<1x16xf32>
      tpu.vector_store %arg8[%swap3A, %swap3A_58], %swap3A_61 {strides = array<i32>} : memref<128x128xf32, #tpu.memory_space<vmem>>, vector<1x16xf32>,
      %broadcast_in_dim3A_62 = arith.constant 0.000000e+00 : f32
      %broadcast_in_dim3A_63 = vector.broadcast %broadcast_in_dim3A_62 : f32 to vector<16xf32>
      %swap3A_64 = arith.index_cast %scan3A_55 : i32 to index
      %swap3A_65 = arith.constant 16 : index
      %swap3A_66 = tpu.vector_load %arg8[%swap3A_64, %swap3A_65] {strides = array<i32>} : memref<128x128xf32, #tpu.memory_space<vmem>>, vector<1x16xf32>,
      %swap3A_67 = vector.shape_cast %swap3A_66 : vector<1x16xf32> to vector<16xf32>
      %swap3A_68 = vector.shape_cast %broadcast_in_dim3A_63 : vector<16xf32> to vector<1x16xf32>
      tpu.vector_store %arg8[%swap3A_64, %swap3A_65], %swap3A_68 {strides = array<i32>} : memref<128x128xf32, #tpu.memory_space<vmem>>, vector<1x16xf32>,
      %broadcast_in_dim3A_69 = arith.constant 0.000000e+00 : f32
      %broadcast_in_dim3A_70 = vector.broadcast %broadcast_in_dim3A_69 : f32 to vector<16xf32>
      %swap3A_71 = arith.index_cast %scan3A_55 : i32 to index
      %swap3A_72 = arith.constant 32 : index
      %swap3A_73 = tpu.vector_load %arg8[%swap3A_71, %swap3A_72] {strides = array<i32>} : memref<128x128xf32, #tpu.memory_space<vmem>>, vector<1x16xf32>,
      %swap3A_74 = vector.shape_cast %swap3A_73 : vector<1x16xf32> to vector<16xf32>
      %swap3A_75 = vector.shape_cast %broadcast_in_dim3A_70 : vector<16xf32> to vector<1x16xf32>
      tpu.vector_store %arg8[%swap3A_71, %swap3A_72], %swap3A_75 {strides = array<i32>} : memref<128x128xf32, #tpu.memory_space<vmem>>, vector<1x16xf32>,
      %broadcast_in_dim3A_76 = arith.constant 0.000000e+00 : f32
      %broadcast_in_dim3A_77 = vector.broadcast %broadcast_in_dim3A_76 : f32 to vector<16xf32>
      %swap3A_78 = arith.index_cast %scan3A_55 : i32 to index
      %swap3A_79 = arith.constant 48 : index
      %swap3A_80 = tpu.vector_load %arg8[%swap3A_78, %swap3A_79] {strides = array<i32>} : memref<128x128xf32, #tpu.memory_space<vmem>>, vector<1x16xf32>,
      %swap3A_81 = vector.shape_cast %swap3A_80 : vector<1x16xf32> to vector<16xf32>
      %swap3A_82 = vector.shape_cast %broadcast_in_dim3A_77 : vector<16xf32> to vector<1x16xf32>
      tpu.vector_store %arg8[%swap3A_78, %swap3A_79], %swap3A_82 {strides = array<i32>} : memref<128x128xf32, #tpu.memory_space<vmem>>, vector<1x16xf32>,
      %broadcast_in_dim3A_83 = arith.constant 0.000000e+00 : f32
      %broadcast_in_dim3A_84 = vector.broadcast %broadcast_in_dim3A_83 : f32 to vector<16xf32>
      %swap3A_85 = arith.index_cast %scan3A_55 : i32 to index
      %swap3A_86 = arith.constant 64 : index
      %swap3A_87 = tpu.vector_load %arg8[%swap3A_85, %swap3A_86] {strides = array<i32>} : memref<128x128xf32, #tpu.memory_space<vmem>>, vector<1x16xf32>,
      %swap3A_88 = vector.shape_cast %swap3A_87 : vector<1x16xf32> to vector<16xf32>
      %swap3A_89 = vector.shape_cast %broadcast_in_dim3A_84 : vector<16xf32> to vector<1x16xf32>
      tpu.vector_store %arg8[%swap3A_85, %swap3A_86], %swap3A_89 {strides = array<i32>} : memref<128x128xf32, #tpu.memory_space<vmem>>, vector<1x16xf32>,
      %broadcast_in_dim3A_90 = arith.constant 0.000000e+00 : f32
      %broadcast_in_dim3A_91 = vector.broadcast %broadcast_in_dim3A_90 : f32 to vector<16xf32>
      %swap3A_92 = arith.index_cast %scan3A_55 : i32 to index
      %swap3A_93 = arith.constant 80 : index
      %swap3A_94 = tpu.vector_load %arg8[%swap3A_92, %swap3A_93] {strides = array<i32>} : memref<128x128xf32, #tpu.memory_space<vmem>>, vector<1x16xf32>,
      %swap3A_95 = vector.shape_cast %swap3A_94 : vector<1x16xf32> to vector<16xf32>
      %swap3A_96 = vector.shape_cast %broadcast_in_dim3A_91 : vector<16xf32> to vector<1x16xf32>
      tpu.vector_store %arg8[%swap3A_92, %swap3A_93], %swap3A_96 {strides = array<i32>} : memref<128x128xf32, #tpu.memory_space<vmem>>, vector<1x16xf32>,
      %broadcast_in_dim3A_97 = arith.constant 0.000000e+00 : f32
      %broadcast_in_dim3A_98 = vector.broadcast %broadcast_in_dim3A_97 : f32 to vector<16xf32>
      %swap3A_99 = arith.index_cast %scan3A_55 : i32 to index
      %swap3A_100 = arith.constant 96 : index
      %swap3A_101 = tpu.vector_load %arg8[%swap3A_99, %swap3A_100] {strides = array<i32>} : memref<128x128xf32, #tpu.memory_space<vmem>>, vector<1x16xf32>,
      %swap3A_102 = vector.shape_cast %swap3A_101 : vector<1x16xf32> to vector<16xf32>
      %swap3A_103 = vector.shape_cast %broadcast_in_dim3A_98 : vector<16xf32> to vector<1x16xf32>
      tpu.vector_store %arg8[%swap3A_99, %swap3A_100], %swap3A_103 {strides = array<i32>} : memref<128x128xf32, #tpu.memory_space<vmem>>, vector<1x16xf32>,
      %broadcast_in_dim3A_104 = arith.constant 0.000000e+00 : f32
      %broadcast_in_dim3A_105 = vector.broadcast %broadcast_in_dim3A_104 : f32 to vector<16xf32>
      %swap3A_106 = arith.index_cast %scan3A_55 : i32 to index
      %swap3A_107 = arith.constant 112 : index
      %swap3A_108 = tpu.vector_load %arg8[%swap3A_106, %swap3A_107] {strides = array<i32>} : memref<128x128xf32, #tpu.memory_space<vmem>>, vector<1x16xf32>,
      %swap3A_109 = vector.shape_cast %swap3A_108 : vector<1x16xf32> to vector<16xf32>
      %swap3A_110 = vector.shape_cast %broadcast_in_dim3A_105 : vector<16xf32> to vector<1x16xf32>
      tpu.vector_store %arg8[%swap3A_106, %swap3A_107], %swap3A_110 {strides = array<i32>} : memref<128x128xf32, #tpu.memory_space<vmem>>, vector<1x16xf32>,
      %scan3A_111 = arith.constant 0 : i32
      scf.yield %scan3A_111 : i32
    }
    %scan3A_6 = arith.constant 128 : i32
    %mul3A_7 = arith.constant 640 : i32
    %mul3A_8 = arith.muli %arg1, %mul3A_7 : i32
    %add3A_9 = arith.constant 0 : i32
    %add3A_10 = arith.addi %mul3A_8, %add3A_9 : i32
    "tpu.region"() ({
      %run_scoped3A = tpu.sem_alloc : memref<!tpu.dma_semaphore, #tpu.memory_space<semaphore_mem>>
      %dma_start3A = arith.constant 0 : i32
      %dma_start3A_55 = tpu.memref_slice %arg9[%add3A_10, %dma_start3A] : memref<10240x128xf32, #tpu.memory_space<vmem_shared>> -> memref<128x128xf32, #tpu.memory_space<vmem_shared>>
      %dma_start3A_56 = arith.constant 0 : i32
      %dma_start3A_57 = tpu.memref_slice %arg9[%add3A_10, %dma_start3A_56] : memref<10240x128xf32, #tpu.memory_space<vmem_shared>> -> memref<128x128xf32, #tpu.memory_space<vmem_shared>>
      tpu.enqueue_dma source(%arg8 : memref<128x128xf32, #tpu.memory_space<vmem>>) target(%dma_start3A_57 : memref<128x128xf32, #tpu.memory_space<vmem_shared>>) target_semaphore(%run_scoped3A : memref<!tpu.dma_semaphore, #tpu.memory_space<semaphore_mem>>)
      %dma_wait3A = arith.constant 0 : i32
      %dma_wait3A_58 = tpu.memref_slice %arg9[%add3A_10, %dma_wait3A] : memref<10240x128xf32, #tpu.memory_space<vmem_shared>> -> memref<128x128xf32, #tpu.memory_space<vmem_shared>>
      %dma_wait3A_59 = arith.constant 0 : i32
      %dma_wait3A_60 = tpu.memref_slice %arg9[%add3A_10, %dma_wait3A_59] : memref<10240x128xf32, #tpu.memory_space<vmem_shared>> -> memref<128x128xf32, #tpu.memory_space<vmem_shared>>
      tpu.wait_dma2 semaphore(%run_scoped3A : memref<!tpu.dma_semaphore, #tpu.memory_space<semaphore_mem>>) src(%arg8 : memref<128x128xf32, #tpu.memory_space<vmem>>) dst(%dma_wait3A_60 : memref<128x128xf32, #tpu.memory_space<vmem_shared>>)
      tpu.yield
    }) : () -> ()
    %mul3A_11 = arith.constant 640 : i32
    %mul3A_12 = arith.muli %arg1, %mul3A_11 : i32
    %add3A_13 = arith.constant 128 : i32
    %add3A_14 = arith.addi %mul3A_12, %add3A_13 : i32
    "tpu.region"() ({
      %run_scoped3A = tpu.sem_alloc : memref<!tpu.dma_semaphore, #tpu.memory_space<semaphore_mem>>
      %dma_start3A = arith.constant 0 : i32
      %dma_start3A_55 = tpu.memref_slice %arg9[%add3A_14, %dma_start3A] : memref<10240x128xf32, #tpu.memory_space<vmem_shared>> -> memref<128x128xf32, #tpu.memory_space<vmem_shared>>
      %dma_start3A_56 = arith.constant 0 : i32
      %dma_start3A_57 = tpu.memref_slice %arg9[%add3A_14, %dma_start3A_56] : memref<10240x128xf32, #tpu.memory_space<vmem_shared>> -> memref<128x128xf32, #tpu.memory_space<vmem_shared>>
      tpu.enqueue_dma source(%arg8 : memref<128x128xf32, #tpu.memory_space<vmem>>) target(%dma_start3A_57 : memref<128x128xf32, #tpu.memory_space<vmem_shared>>) target_semaphore(%run_scoped3A : memref<!tpu.dma_semaphore, #tpu.memory_space<semaphore_mem>>)
      %dma_wait3A = arith.constant 0 : i32
      %dma_wait3A_58 = tpu.memref_slice %arg9[%add3A_14, %dma_wait3A] : memref<10240x128xf32, #tpu.memory_space<vmem_shared>> -> memref<128x128xf32, #tpu.memory_space<vmem_shared>>
      %dma_wait3A_59 = arith.constant 0 : i32
      %dma_wait3A_60 = tpu.memref_slice %arg9[%add3A_14, %dma_wait3A_59] : memref<10240x128xf32, #tpu.memory_space<vmem_shared>> -> memref<128x128xf32, #tpu.memory_space<vmem_shared>>
      tpu.wait_dma2 semaphore(%run_scoped3A : memref<!tpu.dma_semaphore, #tpu.memory_space<semaphore_mem>>) src(%arg8 : memref<128x128xf32, #tpu.memory_space<vmem>>) dst(%dma_wait3A_60 : memref<128x128xf32, #tpu.memory_space<vmem_shared>>)
      tpu.yield
    }) : () -> ()
    %mul3A_15 = arith.constant 640 : i32
    %mul3A_16 = arith.muli %arg1, %mul3A_15 : i32
    %add3A_17 = arith.constant 256 : i32
    %add3A_18 = arith.addi %mul3A_16, %add3A_17 : i32
    "tpu.region"() ({
      %run_scoped3A = tpu.sem_alloc : memref<!tpu.dma_semaphore, #tpu.memory_space<semaphore_mem>>
      %dma_start3A = arith.constant 0 : i32
      %dma_start3A_55 = tpu.memref_slice %arg9[%add3A_18, %dma_start3A] : memref<10240x128xf32, #tpu.memory_space<vmem_shared>> -> memref<128x128xf32, #tpu.memory_space<vmem_shared>>
      %dma_start3A_56 = arith.constant 0 : i32
      %dma_start3A_57 = tpu.memref_slice %arg9[%add3A_18, %dma_start3A_56] : memref<10240x128xf32, #tpu.memory_space<vmem_shared>> -> memref<128x128xf32, #tpu.memory_space<vmem_shared>>
      tpu.enqueue_dma source(%arg8 : memref<128x128xf32, #tpu.memory_space<vmem>>) target(%dma_start3A_57 : memref<128x128xf32, #tpu.memory_space<vmem_shared>>) target_semaphore(%run_scoped3A : memref<!tpu.dma_semaphore, #tpu.memory_space<semaphore_mem>>)
      %dma_wait3A = arith.constant 0 : i32
      %dma_wait3A_58 = tpu.memref_slice %arg9[%add3A_18, %dma_wait3A] : memref<10240x128xf32, #tpu.memory_space<vmem_shared>> -> memref<128x128xf32, #tpu.memory_space<vmem_shared>>
      %dma_wait3A_59 = arith.constant 0 : i32
      %dma_wait3A_60 = tpu.memref_slice %arg9[%add3A_18, %dma_wait3A_59] : memref<10240x128xf32, #tpu.memory_space<vmem_shared>> -> memref<128x128xf32, #tpu.memory_space<vmem_shared>>
      tpu.wait_dma2 semaphore(%run_scoped3A : memref<!tpu.dma_semaphore, #tpu.memory_space<semaphore_mem>>) src(%arg8 : memref<128x128xf32, #tpu.memory_space<vmem>>) dst(%dma_wait3A_60 : memref<128x128xf32, #tpu.memory_space<vmem_shared>>)
      tpu.yield
    }) : () -> ()
    %mul3A_19 = arith.constant 640 : i32
    %mul3A_20 = arith.muli %arg1, %mul3A_19 : i32
    %add3A_21 = arith.constant 384 : i32
    %add3A_22 = arith.addi %mul3A_20, %add3A_21 : i32
    "tpu.region"() ({
      %run_scoped3A = tpu.sem_alloc : memref<!tpu.dma_semaphore, #tpu.memory_space<semaphore_mem>>
      %dma_start3A = arith.constant 0 : i32
      %dma_start3A_55 = tpu.memref_slice %arg9[%add3A_22, %dma_start3A] : memref<10240x128xf32, #tpu.memory_space<vmem_shared>> -> memref<128x128xf32, #tpu.memory_space<vmem_shared>>
      %dma_start3A_56 = arith.constant 0 : i32
      %dma_start3A_57 = tpu.memref_slice %arg9[%add3A_22, %dma_start3A_56] : memref<10240x128xf32, #tpu.memory_space<vmem_shared>> -> memref<128x128xf32, #tpu.memory_space<vmem_shared>>
      tpu.enqueue_dma source(%arg8 : memref<128x128xf32, #tpu.memory_space<vmem>>) target(%dma_start3A_57 : memref<128x128xf32, #tpu.memory_space<vmem_shared>>) target_semaphore(%run_scoped3A : memref<!tpu.dma_semaphore, #tpu.memory_space<semaphore_mem>>)
      %dma_wait3A = arith.constant 0 : i32
      %dma_wait3A_58 = tpu.memref_slice %arg9[%add3A_22, %dma_wait3A] : memref<10240x128xf32, #tpu.memory_space<vmem_shared>> -> memref<128x128xf32, #tpu.memory_space<vmem_shared>>
      %dma_wait3A_59 = arith.constant 0 : i32
      %dma_wait3A_60 = tpu.memref_slice %arg9[%add3A_22, %dma_wait3A_59] : memref<10240x128xf32, #tpu.memory_space<vmem_shared>> -> memref<128x128xf32, #tpu.memory_space<vmem_shared>>
      tpu.wait_dma2 semaphore(%run_scoped3A : memref<!tpu.dma_semaphore, #tpu.memory_space<semaphore_mem>>) src(%arg8 : memref<128x128xf32, #tpu.memory_space<vmem>>) dst(%dma_wait3A_60 : memref<128x128xf32, #tpu.memory_space<vmem_shared>>)
      tpu.yield
    }) : () -> ()
    %mul3A_23 = arith.constant 640 : i32
    %mul3A_24 = arith.muli %arg1, %mul3A_23 : i32
    %add3A_25 = arith.constant 512 : i32
    %add3A_26 = arith.addi %mul3A_24, %add3A_25 : i32
    "tpu.region"() ({
      %run_scoped3A = tpu.sem_alloc : memref<!tpu.dma_semaphore, #tpu.memory_space<semaphore_mem>>
      %dma_start3A = arith.constant 0 : i32
      %dma_start3A_55 = tpu.memref_slice %arg9[%add3A_26, %dma_start3A] : memref<10240x128xf32, #tpu.memory_space<vmem_shared>> -> memref<128x128xf32, #tpu.memory_space<vmem_shared>>
      %dma_start3A_56 = arith.constant 0 : i32
      %dma_start3A_57 = tpu.memref_slice %arg9[%add3A_26, %dma_start3A_56] : memref<10240x128xf32, #tpu.memory_space<vmem_shared>> -> memref<128x128xf32, #tpu.memory_space<vmem_shared>>
      tpu.enqueue_dma source(%arg8 : memref<128x128xf32, #tpu.memory_space<vmem>>) target(%dma_start3A_57 : memref<128x128xf32, #tpu.memory_space<vmem_shared>>) target_semaphore(%run_scoped3A : memref<!tpu.dma_semaphore, #tpu.memory_space<semaphore_mem>>)
      %dma_wait3A = arith.constant 0 : i32
      %dma_wait3A_58 = tpu.memref_slice %arg9[%add3A_26, %dma_wait3A] : memref<10240x128xf32, #tpu.memory_space<vmem_shared>> -> memref<128x128xf32, #tpu.memory_space<vmem_shared>>
      %dma_wait3A_59 = arith.constant 0 : i32
      %dma_wait3A_60 = tpu.memref_slice %arg9[%add3A_26, %dma_wait3A_59] : memref<10240x128xf32, #tpu.memory_space<vmem_shared>> -> memref<128x128xf32, #tpu.memory_space<vmem_shared>>
      tpu.wait_dma2 semaphore(%run_scoped3A : memref<!tpu.dma_semaphore, #tpu.memory_space<semaphore_mem>>) src(%arg8 : memref<128x128xf32, #tpu.memory_space<vmem>>) dst(%dma_wait3A_60 : memref<128x128xf32, #tpu.memory_space<vmem_shared>>)
      tpu.yield
    }) : () -> ()
    "tpu.region"() ({
      %run_scoped3A = tpu.sem_alloc : memref<!tpu.dma_semaphore, #tpu.memory_space<semaphore_mem>>
      %dma_start3A = arith.constant 0 : i32
      %dma_start3A_55 = arith.constant 0 : i32
      %dma_start3A_56 = tpu.memref_slice %arg3[%add3A, %dma_start3A, %dma_start3A_55] : memref<32x79x128xi32, #tpu.memory_space<hbm>> -> memref<1x79x128xi32, #tpu.memory_space<hbm>>
      %dma_start3A_57 = tpu.memref_squeeze %dma_start3A_56 : memref<1x79x128xi32, #tpu.memory_space<hbm>> -> memref<79x128xi32, #tpu.memory_space<hbm>>
      %dma_start3A_58 = arith.constant 0 : i32
      %dma_start3A_59 = arith.constant 0 : i32
      %dma_start3A_60 = tpu.memref_slice %arg3[%add3A, %dma_start3A_58, %dma_start3A_59] : memref<32x79x128xi32, #tpu.memory_space<hbm>> -> memref<1x79x128xi32, #tpu.memory_space<hbm>>
      %dma_start3A_61 = tpu.memref_squeeze %dma_start3A_60 : memref<1x79x128xi32, #tpu.memory_space<hbm>> -> memref<79x128xi32, #tpu.memory_space<hbm>>
      tpu.enqueue_dma source(%dma_start3A_61 : memref<79x128xi32, #tpu.memory_space<hbm>>) target(%arg6 : memref<79x128xi32, #tpu.memory_space<vmem>>) target_semaphore(%run_scoped3A : memref<!tpu.dma_semaphore, #tpu.memory_space<semaphore_mem>>)
      %dma_wait3A = arith.constant 0 : i32
      %dma_wait3A_62 = arith.constant 0 : i32
      %dma_wait3A_63 = tpu.memref_slice %arg3[%add3A, %dma_wait3A, %dma_wait3A_62] : memref<32x79x128xi32, #tpu.memory_space<hbm>> -> memref<1x79x128xi32, #tpu.memory_space<hbm>>
      %dma_wait3A_64 = tpu.memref_squeeze %dma_wait3A_63 : memref<1x79x128xi32, #tpu.memory_space<hbm>> -> memref<79x128xi32, #tpu.memory_space<hbm>>
      %dma_wait3A_65 = arith.constant 0 : i32
      %dma_wait3A_66 = arith.constant 0 : i32
      %dma_wait3A_67 = tpu.memref_slice %arg3[%add3A, %dma_wait3A_65, %dma_wait3A_66] : memref<32x79x128xi32, #tpu.memory_space<hbm>> -> memref<1x79x128xi32, #tpu.memory_space<hbm>>
      %dma_wait3A_68 = tpu.memref_squeeze %dma_wait3A_67 : memref<1x79x128xi32, #tpu.memory_space<hbm>> -> memref<79x128xi32, #tpu.memory_space<hbm>>
      tpu.wait_dma2 semaphore(%run_scoped3A : memref<!tpu.dma_semaphore, #tpu.memory_space<semaphore_mem>>) src(%dma_wait3A_68 : memref<79x128xi32, #tpu.memory_space<hbm>>) dst(%arg6 : memref<79x128xi32, #tpu.memory_space<vmem>>)
      tpu.yield
    }) : () -> ()
    "tpu.region"() ({
      %run_scoped3A = tpu.sem_alloc : memref<!tpu.dma_semaphore, #tpu.memory_space<semaphore_mem>>
      %dma_start3A = arith.constant 0 : i32
      %dma_start3A_55 = arith.constant 0 : i32
      %dma_start3A_56 = tpu.memref_slice %arg4[%add3A, %dma_start3A, %dma_start3A_55] : memref<32x79x128xi32, #tpu.memory_space<hbm>> -> memref<1x79x128xi32, #tpu.memory_space<hbm>>
      %dma_start3A_57 = tpu.memref_squeeze %dma_start3A_56 : memref<1x79x128xi32, #tpu.memory_space<hbm>> -> memref<79x128xi32, #tpu.memory_space<hbm>>
      %dma_start3A_58 = arith.constant 0 : i32
      %dma_start3A_59 = arith.constant 0 : i32
      %dma_start3A_60 = tpu.memref_slice %arg4[%add3A, %dma_start3A_58, %dma_start3A_59] : memref<32x79x128xi32, #tpu.memory_space<hbm>> -> memref<1x79x128xi32, #tpu.memory_space<hbm>>
      %dma_start3A_61 = tpu.memref_squeeze %dma_start3A_60 : memref<1x79x128xi32, #tpu.memory_space<hbm>> -> memref<79x128xi32, #tpu.memory_space<hbm>>
      tpu.enqueue_dma source(%dma_start3A_61 : memref<79x128xi32, #tpu.memory_space<hbm>>) target(%arg7 : memref<79x128xi32, #tpu.memory_space<vmem>>) target_semaphore(%run_scoped3A : memref<!tpu.dma_semaphore, #tpu.memory_space<semaphore_mem>>)
      %dma_wait3A = arith.constant 0 : i32
      %dma_wait3A_62 = arith.constant 0 : i32
      %dma_wait3A_63 = tpu.memref_slice %arg4[%add3A, %dma_wait3A, %dma_wait3A_62] : memref<32x79x128xi32, #tpu.memory_space<hbm>> -> memref<1x79x128xi32, #tpu.memory_space<hbm>>
      %dma_wait3A_64 = tpu.memref_squeeze %dma_wait3A_63 : memref<1x79x128xi32, #tpu.memory_space<hbm>> -> memref<79x128xi32, #tpu.memory_space<hbm>>
      %dma_wait3A_65 = arith.constant 0 : i32
      %dma_wait3A_66 = arith.constant 0 : i32
      %dma_wait3A_67 = tpu.memref_slice %arg4[%add3A, %dma_wait3A_65, %dma_wait3A_66] : memref<32x79x128xi32, #tpu.memory_space<hbm>> -> memref<1x79x128xi32, #tpu.memory_space<hbm>>
      %dma_wait3A_68 = tpu.memref_squeeze %dma_wait3A_67 : memref<1x79x128xi32, #tpu.memory_space<hbm>> -> memref<79x128xi32, #tpu.memory_space<hbm>>
      tpu.wait_dma2 semaphore(%run_scoped3A : memref<!tpu.dma_semaphore, #tpu.memory_space<semaphore_mem>>) src(%dma_wait3A_68 : memref<79x128xi32, #tpu.memory_space<hbm>>) dst(%arg7 : memref<79x128xi32, #tpu.memory_space<vmem>>)
      tpu.yield
    }) : () -> ()
    %barrier3A = arith.constant 0 : index
    tpu.barrier barrier_id(%barrier3A)
    %scan3A_27 = arith.constant 0 : i32
    %scan3A_28 = arith.constant 0 : i32
    %scan3A_29 = arith.constant 79 : i32
    %scan3A_30 = arith.addi %scan3A_28, %scan3A_29 : i32
    %scan3A_31 = arith.constant 1 : i32
    %scan3A_32 = scf.for %scan3A_55 = %scan3A_28 to %scan3A_30 step %scan3A_31 iter_args(%scan3A_56 = %scan3A_27) -> (i32)  : i32 {
      %dma_start3A = arith.constant 0 : i32
      %dma_start3A_57 = tpu.memref_slice %arg6[%scan3A_55, %dma_start3A] : memref<79x128xi32, #tpu.memory_space<vmem>> -> memref<1x128xi32, #tpu.memory_space<vmem>>
      %dma_start3A_58 = tpu.memref_squeeze %dma_start3A_57 : memref<1x128xi32, #tpu.memory_space<vmem>> -> memref<128xi32, #tpu.memory_space<vmem>>
      %dma_start3A_59 = arith.constant 0 : i32
      %dma_start3A_60 = arith.constant 0 : i32
      %dma_start3A_61 = tpu.memref_slice %arg2[%dma_start3A_59, %dma_start3A_60] : memref<10000x128xf32, #tpu.memory_space<hbm>> -> memref<10000x128xf32, #tpu.memory_space<hbm>>
      tpu.enqueue_indirect_dma source(%dma_start3A_61 : memref<10000x128xf32, #tpu.memory_space<hbm>>) target(%arg8 : memref<128x128xf32, #tpu.memory_space<vmem>>) offsets(%dma_start3A_58 : memref<128xi32, #tpu.memory_space<vmem>>) semaphore(%arg10 : memref<!tpu.dma_semaphore, #tpu.memory_space<semaphore_mem>>)
      %dma_wait3A = arith.constant 0 : i32
      %dma_wait3A_62 = tpu.memref_slice %arg6[%scan3A_55, %dma_wait3A] : memref<79x128xi32, #tpu.memory_space<vmem>> -> memref<1x128xi32, #tpu.memory_space<vmem>>
      %dma_wait3A_63 = tpu.memref_squeeze %dma_wait3A_62 : memref<1x128xi32, #tpu.memory_space<vmem>> -> memref<128xi32, #tpu.memory_space<vmem>>
      %dma_wait3A_64 = arith.constant 0 : i32
      %dma_wait3A_65 = arith.constant 0 : i32
      %dma_wait3A_66 = tpu.memref_slice %arg2[%dma_wait3A_64, %dma_wait3A_65] : memref<10000x128xf32, #tpu.memory_space<hbm>> -> memref<10000x128xf32, #tpu.memory_space<hbm>>
      tpu.wait_indirect_dma semaphore(%arg10 : memref<!tpu.dma_semaphore, #tpu.memory_space<semaphore_mem>>) src(%dma_wait3A_66 : memref<10000x128xf32, #tpu.memory_space<hbm>>) dst(%arg8 : memref<128x128xf32, #tpu.memory_space<vmem>>)
      "tpu.region"() ({
        %run_scoped3A = tpu.sem_alloc : memref<!tpu.dma_semaphore, #tpu.memory_space<semaphore_mem>>
        %dma_start3A_68 = arith.constant 0 : i32
        %dma_start3A_69 = tpu.memref_slice %arg7[%scan3A_55, %dma_start3A_68] : memref<79x128xi32, #tpu.memory_space<vmem>> -> memref<1x128xi32, #tpu.memory_space<vmem>>
        %dma_start3A_70 = tpu.memref_squeeze %dma_start3A_69 : memref<1x128xi32, #tpu.memory_space<vmem>> -> memref<128xi32, #tpu.memory_space<vmem>>
        %dma_start3A_71 = arith.constant 0 : i32
        %dma_start3A_72 = arith.constant 0 : i32
        %dma_start3A_73 = tpu.memref_slice %arg9[%dma_start3A_71, %dma_start3A_72] : memref<10240x128xf32, #tpu.memory_space<vmem_shared>> -> memref<10240x128xf32, #tpu.memory_space<vmem_shared>>
        tpu.enqueue_indirect_dma source(%arg8 : memref<128x128xf32, #tpu.memory_space<vmem>>) target(%dma_start3A_73 : memref<10240x128xf32, #tpu.memory_space<vmem_shared>>) offsets(%dma_start3A_70 : memref<128xi32, #tpu.memory_space<vmem>>) semaphore(%run_scoped3A : memref<!tpu.dma_semaphore, #tpu.memory_space<semaphore_mem>>) {add = true}
        %dma_wait3A_74 = arith.constant 0 : i32
        %dma_wait3A_75 = tpu.memref_slice %arg7[%scan3A_55, %dma_wait3A_74] : memref<79x128xi32, #tpu.memory_space<vmem>> -> memref<1x128xi32, #tpu.memory_space<vmem>>
        %dma_wait3A_76 = tpu.memref_squeeze %dma_wait3A_75 : memref<1x128xi32, #tpu.memory_space<vmem>> -> memref<128xi32, #tpu.memory_space<vmem>>
        %dma_wait3A_77 = arith.constant 0 : i32
        %dma_wait3A_78 = arith.constant 0 : i32
        %dma_wait3A_79 = tpu.memref_slice %arg9[%dma_wait3A_77, %dma_wait3A_78] : memref<10240x128xf32, #tpu.memory_space<vmem_shared>> -> memref<10240x128xf32, #tpu.memory_space<vmem_shared>>
        tpu.wait_indirect_dma semaphore(%run_scoped3A : memref<!tpu.dma_semaphore, #tpu.memory_space<semaphore_mem>>) src(%arg8 : memref<128x128xf32, #tpu.memory_space<vmem>>) dst(%dma_wait3A_79 : memref<10240x128xf32, #tpu.memory_space<vmem_shared>>)
        tpu.yield
      }) : () -> ()
      %scan3A_67 = arith.constant 0 : i32
      scf.yield %scan3A_67 : i32
    }
    %scan3A_33 = arith.constant 79 : i32
    %barrier3A_34 = arith.constant 0 : index
    tpu.barrier barrier_id(%barrier3A_34)
    %mul3A_35 = arith.constant 640 : i32
    %mul3A_36 = arith.muli %arg1, %mul3A_35 : i32
    %add3A_37 = arith.constant 0 : i32
    %add3A_38 = arith.addi %mul3A_36, %add3A_37 : i32
    "tpu.region"() ({
      %run_scoped3A = tpu.sem_alloc : memref<!tpu.dma_semaphore, #tpu.memory_space<semaphore_mem>>
      %dma_start3A = arith.constant 0 : i32
      %dma_start3A_55 = tpu.memref_slice %arg9[%add3A_38, %dma_start3A] : memref<10240x128xf32, #tpu.memory_space<vmem_shared>> -> memref<128x128xf32, #tpu.memory_space<vmem_shared>>
      %dma_start3A_56 = arith.constant 0 : i32
      %dma_start3A_57 = tpu.memref_slice %arg9[%add3A_38, %dma_start3A_56] : memref<10240x128xf32, #tpu.memory_space<vmem_shared>> -> memref<128x128xf32, #tpu.memory_space<vmem_shared>>
      tpu.enqueue_dma source(%dma_start3A_57 : memref<128x128xf32, #tpu.memory_space<vmem_shared>>) target(%arg8 : memref<128x128xf32, #tpu.memory_space<vmem>>) target_semaphore(%run_scoped3A : memref<!tpu.dma_semaphore, #tpu.memory_space<semaphore_mem>>)
      %dma_wait3A = arith.constant 0 : i32
      %dma_wait3A_58 = tpu.memref_slice %arg9[%add3A_38, %dma_wait3A] : memref<10240x128xf32, #tpu.memory_space<vmem_shared>> -> memref<128x128xf32, #tpu.memory_space<vmem_shared>>
      %dma_wait3A_59 = arith.constant 0 : i32
      %dma_wait3A_60 = tpu.memref_slice %arg9[%add3A_38, %dma_wait3A_59] : memref<10240x128xf32, #tpu.memory_space<vmem_shared>> -> memref<128x128xf32, #tpu.memory_space<vmem_shared>>
      tpu.wait_dma2 semaphore(%run_scoped3A : memref<!tpu.dma_semaphore, #tpu.memory_space<semaphore_mem>>) src(%dma_wait3A_60 : memref<128x128xf32, #tpu.memory_space<vmem_shared>>) dst(%arg8 : memref<128x128xf32, #tpu.memory_space<vmem>>)
      tpu.yield
    }) : () -> ()
    "tpu.region"() ({
      %run_scoped3A = tpu.sem_alloc : memref<!tpu.dma_semaphore, #tpu.memory_space<semaphore_mem>>
      %dma_start3A = arith.constant 0 : i32
      %dma_start3A_55 = tpu.memref_slice %arg5[%arg0, %add3A_38, %dma_start3A] : memref<2x10240x128xf32, #tpu.memory_space<hbm>> -> memref<1x128x128xf32, #tpu.memory_space<hbm>>
      %dma_start3A_56 = tpu.memref_squeeze %dma_start3A_55 : memref<1x128x128xf32, #tpu.memory_space<hbm>> -> memref<128x128xf32, #tpu.memory_space<hbm>>
      %dma_start3A_57 = arith.constant 0 : i32
      %dma_start3A_58 = tpu.memref_slice %arg5[%arg0, %add3A_38, %dma_start3A_57] : memref<2x10240x128xf32, #tpu.memory_space<hbm>> -> memref<1x128x128xf32, #tpu.memory_space<hbm>>
      %dma_start3A_59 = tpu.memref_squeeze %dma_start3A_58 : memref<1x128x128xf32, #tpu.memory_space<hbm>> -> memref<128x128xf32, #tpu.memory_space<hbm>>
      tpu.enqueue_dma source(%arg8 : memref<128x128xf32, #tpu.memory_space<vmem>>) target(%dma_start3A_59 : memref<128x128xf32, #tpu.memory_space<hbm>>) target_semaphore(%run_scoped3A : memref<!tpu.dma_semaphore, #tpu.memory_space<semaphore_mem>>)
      %dma_wait3A = arith.constant 0 : i32
      %dma_wait3A_60 = tpu.memref_slice %arg5[%arg0, %add3A_38, %dma_wait3A] : memref<2x10240x128xf32, #tpu.memory_space<hbm>> -> memref<1x128x128xf32, #tpu.memory_space<hbm>>
      %dma_wait3A_61 = tpu.memref_squeeze %dma_wait3A_60 : memref<1x128x128xf32, #tpu.memory_space<hbm>> -> memref<128x128xf32, #tpu.memory_space<hbm>>
      %dma_wait3A_62 = arith.constant 0 : i32
      %dma_wait3A_63 = tpu.memref_slice %arg5[%arg0, %add3A_38, %dma_wait3A_62] : memref<2x10240x128xf32, #tpu.memory_space<hbm>> -> memref<1x128x128xf32, #tpu.memory_space<hbm>>
      %dma_wait3A_64 = tpu.memref_squeeze %dma_wait3A_63 : memref<1x128x128xf32, #tpu.memory_space<hbm>> -> memref<128x128xf32, #tpu.memory_space<hbm>>
      tpu.wait_dma2 semaphore(%run_scoped3A : memref<!tpu.dma_semaphore, #tpu.memory_space<semaphore_mem>>) src(%arg8 : memref<128x128xf32, #tpu.memory_space<vmem>>) dst(%dma_wait3A_64 : memref<128x128xf32, #tpu.memory_space<hbm>>)
      tpu.yield
    }) : () -> ()
    %mul3A_39 = arith.constant 640 : i32
    %mul3A_40 = arith.muli %arg1, %mul3A_39 : i32
    %add3A_41 = arith.constant 128 : i32
    %add3A_42 = arith.addi %mul3A_40, %add3A_41 : i32
    "tpu.region"() ({
      %run_scoped3A = tpu.sem_alloc : memref<!tpu.dma_semaphore, #tpu.memory_space<semaphore_mem>>
      %dma_start3A = arith.constant 0 : i32
      %dma_start3A_55 = tpu.memref_slice %arg9[%add3A_42, %dma_start3A] : memref<10240x128xf32, #tpu.memory_space<vmem_shared>> -> memref<128x128xf32, #tpu.memory_space<vmem_shared>>
      %dma_start3A_56 = arith.constant 0 : i32
      %dma_start3A_57 = tpu.memref_slice %arg9[%add3A_42, %dma_start3A_56] : memref<10240x128xf32, #tpu.memory_space<vmem_shared>> -> memref<128x128xf32, #tpu.memory_space<vmem_shared>>
      tpu.enqueue_dma source(%dma_start3A_57 : memref<128x128xf32, #tpu.memory_space<vmem_shared>>) target(%arg8 : memref<128x128xf32, #tpu.memory_space<vmem>>) target_semaphore(%run_scoped3A : memref<!tpu.dma_semaphore, #tpu.memory_space<semaphore_mem>>)
      %dma_wait3A = arith.constant 0 : i32
      %dma_wait3A_58 = tpu.memref_slice %arg9[%add3A_42, %dma_wait3A] : memref<10240x128xf32, #tpu.memory_space<vmem_shared>> -> memref<128x128xf32, #tpu.memory_space<vmem_shared>>
      %dma_wait3A_59 = arith.constant 0 : i32
      %dma_wait3A_60 = tpu.memref_slice %arg9[%add3A_42, %dma_wait3A_59] : memref<10240x128xf32, #tpu.memory_space<vmem_shared>> -> memref<128x128xf32, #tpu.memory_space<vmem_shared>>
      tpu.wait_dma2 semaphore(%run_scoped3A : memref<!tpu.dma_semaphore, #tpu.memory_space<semaphore_mem>>) src(%dma_wait3A_60 : memref<128x128xf32, #tpu.memory_space<vmem_shared>>) dst(%arg8 : memref<128x128xf32, #tpu.memory_space<vmem>>)
      tpu.yield
    }) : () -> ()
    "tpu.region"() ({
      %run_scoped3A = tpu.sem_alloc : memref<!tpu.dma_semaphore, #tpu.memory_space<semaphore_mem>>
      %dma_start3A = arith.constant 0 : i32
      %dma_start3A_55 = tpu.memref_slice %arg5[%arg0, %add3A_42, %dma_start3A] : memref<2x10240x128xf32, #tpu.memory_space<hbm>> -> memref<1x128x128xf32, #tpu.memory_space<hbm>>
      %dma_start3A_56 = tpu.memref_squeeze %dma_start3A_55 : memref<1x128x128xf32, #tpu.memory_space<hbm>> -> memref<128x128xf32, #tpu.memory_space<hbm>>
      %dma_start3A_57 = arith.constant 0 : i32
      %dma_start3A_58 = tpu.memref_slice %arg5[%arg0, %add3A_42, %dma_start3A_57] : memref<2x10240x128xf32, #tpu.memory_space<hbm>> -> memref<1x128x128xf32, #tpu.memory_space<hbm>>
      %dma_start3A_59 = tpu.memref_squeeze %dma_start3A_58 : memref<1x128x128xf32, #tpu.memory_space<hbm>> -> memref<128x128xf32, #tpu.memory_space<hbm>>
      tpu.enqueue_dma source(%arg8 : memref<128x128xf32, #tpu.memory_space<vmem>>) target(%dma_start3A_59 : memref<128x128xf32, #tpu.memory_space<hbm>>) target_semaphore(%run_scoped3A : memref<!tpu.dma_semaphore, #tpu.memory_space<semaphore_mem>>)
      %dma_wait3A = arith.constant 0 : i32
      %dma_wait3A_60 = tpu.memref_slice %arg5[%arg0, %add3A_42, %dma_wait3A] : memref<2x10240x128xf32, #tpu.memory_space<hbm>> -> memref<1x128x128xf32, #tpu.memory_space<hbm>>
      %dma_wait3A_61 = tpu.memref_squeeze %dma_wait3A_60 : memref<1x128x128xf32, #tpu.memory_space<hbm>> -> memref<128x128xf32, #tpu.memory_space<hbm>>
      %dma_wait3A_62 = arith.constant 0 : i32
      %dma_wait3A_63 = tpu.memref_slice %arg5[%arg0, %add3A_42, %dma_wait3A_62] : memref<2x10240x128xf32, #tpu.memory_space<hbm>> -> memref<1x128x128xf32, #tpu.memory_space<hbm>>
      %dma_wait3A_64 = tpu.memref_squeeze %dma_wait3A_63 : memref<1x128x128xf32, #tpu.memory_space<hbm>> -> memref<128x128xf32, #tpu.memory_space<hbm>>
      tpu.wait_dma2 semaphore(%run_scoped3A : memref<!tpu.dma_semaphore, #tpu.memory_space<semaphore_mem>>) src(%arg8 : memref<128x128xf32, #tpu.memory_space<vmem>>) dst(%dma_wait3A_64 : memref<128x128xf32, #tpu.memory_space<hbm>>)
      tpu.yield
    }) : () -> ()
    %mul3A_43 = arith.constant 640 : i32
    %mul3A_44 = arith.muli %arg1, %mul3A_43 : i32
    %add3A_45 = arith.constant 256 : i32
    %add3A_46 = arith.addi %mul3A_44, %add3A_45 : i32
    "tpu.region"() ({
      %run_scoped3A = tpu.sem_alloc : memref<!tpu.dma_semaphore, #tpu.memory_space<semaphore_mem>>
      %dma_start3A = arith.constant 0 : i32
      %dma_start3A_55 = tpu.memref_slice %arg9[%add3A_46, %dma_start3A] : memref<10240x128xf32, #tpu.memory_space<vmem_shared>> -> memref<128x128xf32, #tpu.memory_space<vmem_shared>>
      %dma_start3A_56 = arith.constant 0 : i32
      %dma_start3A_57 = tpu.memref_slice %arg9[%add3A_46, %dma_start3A_56] : memref<10240x128xf32, #tpu.memory_space<vmem_shared>> -> memref<128x128xf32, #tpu.memory_space<vmem_shared>>
      tpu.enqueue_dma source(%dma_start3A_57 : memref<128x128xf32, #tpu.memory_space<vmem_shared>>) target(%arg8 : memref<128x128xf32, #tpu.memory_space<vmem>>) target_semaphore(%run_scoped3A : memref<!tpu.dma_semaphore, #tpu.memory_space<semaphore_mem>>)
      %dma_wait3A = arith.constant 0 : i32
      %dma_wait3A_58 = tpu.memref_slice %arg9[%add3A_46, %dma_wait3A] : memref<10240x128xf32, #tpu.memory_space<vmem_shared>> -> memref<128x128xf32, #tpu.memory_space<vmem_shared>>
      %dma_wait3A_59 = arith.constant 0 : i32
      %dma_wait3A_60 = tpu.memref_slice %arg9[%add3A_46, %dma_wait3A_59] : memref<10240x128xf32, #tpu.memory_space<vmem_shared>> -> memref<128x128xf32, #tpu.memory_space<vmem_shared>>
      tpu.wait_dma2 semaphore(%run_scoped3A : memref<!tpu.dma_semaphore, #tpu.memory_space<semaphore_mem>>) src(%dma_wait3A_60 : memref<128x128xf32, #tpu.memory_space<vmem_shared>>) dst(%arg8 : memref<128x128xf32, #tpu.memory_space<vmem>>)
      tpu.yield
    }) : () -> ()
    "tpu.region"() ({
      %run_scoped3A = tpu.sem_alloc : memref<!tpu.dma_semaphore, #tpu.memory_space<semaphore_mem>>
      %dma_start3A = arith.constant 0 : i32
      %dma_start3A_55 = tpu.memref_slice %arg5[%arg0, %add3A_46, %dma_start3A] : memref<2x10240x128xf32, #tpu.memory_space<hbm>> -> memref<1x128x128xf32, #tpu.memory_space<hbm>>
      %dma_start3A_56 = tpu.memref_squeeze %dma_start3A_55 : memref<1x128x128xf32, #tpu.memory_space<hbm>> -> memref<128x128xf32, #tpu.memory_space<hbm>>
      %dma_start3A_57 = arith.constant 0 : i32
      %dma_start3A_58 = tpu.memref_slice %arg5[%arg0, %add3A_46, %dma_start3A_57] : memref<2x10240x128xf32, #tpu.memory_space<hbm>> -> memref<1x128x128xf32, #tpu.memory_space<hbm>>
      %dma_start3A_59 = tpu.memref_squeeze %dma_start3A_58 : memref<1x128x128xf32, #tpu.memory_space<hbm>> -> memref<128x128xf32, #tpu.memory_space<hbm>>
      tpu.enqueue_dma source(%arg8 : memref<128x128xf32, #tpu.memory_space<vmem>>) target(%dma_start3A_59 : memref<128x128xf32, #tpu.memory_space<hbm>>) target_semaphore(%run_scoped3A : memref<!tpu.dma_semaphore, #tpu.memory_space<semaphore_mem>>)
      %dma_wait3A = arith.constant 0 : i32
      %dma_wait3A_60 = tpu.memref_slice %arg5[%arg0, %add3A_46, %dma_wait3A] : memref<2x10240x128xf32, #tpu.memory_space<hbm>> -> memref<1x128x128xf32, #tpu.memory_space<hbm>>
      %dma_wait3A_61 = tpu.memref_squeeze %dma_wait3A_60 : memref<1x128x128xf32, #tpu.memory_space<hbm>> -> memref<128x128xf32, #tpu.memory_space<hbm>>
      %dma_wait3A_62 = arith.constant 0 : i32
      %dma_wait3A_63 = tpu.memref_slice %arg5[%arg0, %add3A_46, %dma_wait3A_62] : memref<2x10240x128xf32, #tpu.memory_space<hbm>> -> memref<1x128x128xf32, #tpu.memory_space<hbm>>
      %dma_wait3A_64 = tpu.memref_squeeze %dma_wait3A_63 : memref<1x128x128xf32, #tpu.memory_space<hbm>> -> memref<128x128xf32, #tpu.memory_space<hbm>>
      tpu.wait_dma2 semaphore(%run_scoped3A : memref<!tpu.dma_semaphore, #tpu.memory_space<semaphore_mem>>) src(%arg8 : memref<128x128xf32, #tpu.memory_space<vmem>>) dst(%dma_wait3A_64 : memref<128x128xf32, #tpu.memory_space<hbm>>)
      tpu.yield
    }) : () -> ()
    %mul3A_47 = arith.constant 640 : i32
    %mul3A_48 = arith.muli %arg1, %mul3A_47 : i32
    %add3A_49 = arith.constant 384 : i32
    %add3A_50 = arith.addi %mul3A_48, %add3A_49 : i32
    "tpu.region"() ({
      %run_scoped3A = tpu.sem_alloc : memref<!tpu.dma_semaphore, #tpu.memory_space<semaphore_mem>>
      %dma_start3A = arith.constant 0 : i32
      %dma_start3A_55 = tpu.memref_slice %arg9[%add3A_50, %dma_start3A] : memref<10240x128xf32, #tpu.memory_space<vmem_shared>> -> memref<128x128xf32, #tpu.memory_space<vmem_shared>>
      %dma_start3A_56 = arith.constant 0 : i32
      %dma_start3A_57 = tpu.memref_slice %arg9[%add3A_50, %dma_start3A_56] : memref<10240x128xf32, #tpu.memory_space<vmem_shared>> -> memref<128x128xf32, #tpu.memory_space<vmem_shared>>
      tpu.enqueue_dma source(%dma_start3A_57 : memref<128x128xf32, #tpu.memory_space<vmem_shared>>) target(%arg8 : memref<128x128xf32, #tpu.memory_space<vmem>>) target_semaphore(%run_scoped3A : memref<!tpu.dma_semaphore, #tpu.memory_space<semaphore_mem>>)
      %dma_wait3A = arith.constant 0 : i32
      %dma_wait3A_58 = tpu.memref_slice %arg9[%add3A_50, %dma_wait3A] : memref<10240x128xf32, #tpu.memory_space<vmem_shared>> -> memref<128x128xf32, #tpu.memory_space<vmem_shared>>
      %dma_wait3A_59 = arith.constant 0 : i32
      %dma_wait3A_60 = tpu.memref_slice %arg9[%add3A_50, %dma_wait3A_59] : memref<10240x128xf32, #tpu.memory_space<vmem_shared>> -> memref<128x128xf32, #tpu.memory_space<vmem_shared>>
      tpu.wait_dma2 semaphore(%run_scoped3A : memref<!tpu.dma_semaphore, #tpu.memory_space<semaphore_mem>>) src(%dma_wait3A_60 : memref<128x128xf32, #tpu.memory_space<vmem_shared>>) dst(%arg8 : memref<128x128xf32, #tpu.memory_space<vmem>>)
      tpu.yield
    }) : () -> ()
    "tpu.region"() ({
      %run_scoped3A = tpu.sem_alloc : memref<!tpu.dma_semaphore, #tpu.memory_space<semaphore_mem>>
      %dma_start3A = arith.constant 0 : i32
      %dma_start3A_55 = tpu.memref_slice %arg5[%arg0, %add3A_50, %dma_start3A] : memref<2x10240x128xf32, #tpu.memory_space<hbm>> -> memref<1x128x128xf32, #tpu.memory_space<hbm>>
      %dma_start3A_56 = tpu.memref_squeeze %dma_start3A_55 : memref<1x128x128xf32, #tpu.memory_space<hbm>> -> memref<128x128xf32, #tpu.memory_space<hbm>>
      %dma_start3A_57 = arith.constant 0 : i32
      %dma_start3A_58 = tpu.memref_slice %arg5[%arg0, %add3A_50, %dma_start3A_57] : memref<2x10240x128xf32, #tpu.memory_space<hbm>> -> memref<1x128x128xf32, #tpu.memory_space<hbm>>
      %dma_start3A_59 = tpu.memref_squeeze %dma_start3A_58 : memref<1x128x128xf32, #tpu.memory_space<hbm>> -> memref<128x128xf32, #tpu.memory_space<hbm>>
      tpu.enqueue_dma source(%arg8 : memref<128x128xf32, #tpu.memory_space<vmem>>) target(%dma_start3A_59 : memref<128x128xf32, #tpu.memory_space<hbm>>) target_semaphore(%run_scoped3A : memref<!tpu.dma_semaphore, #tpu.memory_space<semaphore_mem>>)
      %dma_wait3A = arith.constant 0 : i32
      %dma_wait3A_60 = tpu.memref_slice %arg5[%arg0, %add3A_50, %dma_wait3A] : memref<2x10240x128xf32, #tpu.memory_space<hbm>> -> memref<1x128x128xf32, #tpu.memory_space<hbm>>
      %dma_wait3A_61 = tpu.memref_squeeze %dma_wait3A_60 : memref<1x128x128xf32, #tpu.memory_space<hbm>> -> memref<128x128xf32, #tpu.memory_space<hbm>>
      %dma_wait3A_62 = arith.constant 0 : i32
      %dma_wait3A_63 = tpu.memref_slice %arg5[%arg0, %add3A_50, %dma_wait3A_62] : memref<2x10240x128xf32, #tpu.memory_space<hbm>> -> memref<1x128x128xf32, #tpu.memory_space<hbm>>
      %dma_wait3A_64 = tpu.memref_squeeze %dma_wait3A_63 : memref<1x128x128xf32, #tpu.memory_space<hbm>> -> memref<128x128xf32, #tpu.memory_space<hbm>>
      tpu.wait_dma2 semaphore(%run_scoped3A : memref<!tpu.dma_semaphore, #tpu.memory_space<semaphore_mem>>) src(%arg8 : memref<128x128xf32, #tpu.memory_space<vmem>>) dst(%dma_wait3A_64 : memref<128x128xf32, #tpu.memory_space<hbm>>)
      tpu.yield
    }) : () -> ()
    %mul3A_51 = arith.constant 640 : i32
    %mul3A_52 = arith.muli %arg1, %mul3A_51 : i32
    %add3A_53 = arith.constant 512 : i32
    %add3A_54 = arith.addi %mul3A_52, %add3A_53 : i32
    "tpu.region"() ({
      %run_scoped3A = tpu.sem_alloc : memref<!tpu.dma_semaphore, #tpu.memory_space<semaphore_mem>>
      %dma_start3A = arith.constant 0 : i32
      %dma_start3A_55 = tpu.memref_slice %arg9[%add3A_54, %dma_start3A] : memref<10240x128xf32, #tpu.memory_space<vmem_shared>> -> memref<128x128xf32, #tpu.memory_space<vmem_shared>>
      %dma_start3A_56 = arith.constant 0 : i32
      %dma_start3A_57 = tpu.memref_slice %arg9[%add3A_54, %dma_start3A_56] : memref<10240x128xf32, #tpu.memory_space<vmem_shared>> -> memref<128x128xf32, #tpu.memory_space<vmem_shared>>
      tpu.enqueue_dma source(%dma_start3A_57 : memref<128x128xf32, #tpu.memory_space<vmem_shared>>) target(%arg8 : memref<128x128xf32, #tpu.memory_space<vmem>>) target_semaphore(%run_scoped3A : memref<!tpu.dma_semaphore, #tpu.memory_space<semaphore_mem>>)
      %dma_wait3A = arith.constant 0 : i32
      %dma_wait3A_58 = tpu.memref_slice %arg9[%add3A_54, %dma_wait3A] : memref<10240x128xf32, #tpu.memory_space<vmem_shared>> -> memref<128x128xf32, #tpu.memory_space<vmem_shared>>
      %dma_wait3A_59 = arith.constant 0 : i32
      %dma_wait3A_60 = tpu.memref_slice %arg9[%add3A_54, %dma_wait3A_59] : memref<10240x128xf32, #tpu.memory_space<vmem_shared>> -> memref<128x128xf32, #tpu.memory_space<vmem_shared>>
      tpu.wait_dma2 semaphore(%run_scoped3A : memref<!tpu.dma_semaphore, #tpu.memory_space<semaphore_mem>>) src(%dma_wait3A_60 : memref<128x128xf32, #tpu.memory_space<vmem_shared>>) dst(%arg8 : memref<128x128xf32, #tpu.memory_space<vmem>>)
      tpu.yield
    }) : () -> ()
    "tpu.region"() ({
      %run_scoped3A = tpu.sem_alloc : memref<!tpu.dma_semaphore, #tpu.memory_space<semaphore_mem>>
      %dma_start3A = arith.constant 0 : i32
      %dma_start3A_55 = tpu.memref_slice %arg5[%arg0, %add3A_54, %dma_start3A] : memref<2x10240x128xf32, #tpu.memory_space<hbm>> -> memref<1x128x128xf32, #tpu.memory_space<hbm>>
      %dma_start3A_56 = tpu.memref_squeeze %dma_start3A_55 : memref<1x128x128xf32, #tpu.memory_space<hbm>> -> memref<128x128xf32, #tpu.memory_space<hbm>>
      %dma_start3A_57 = arith.constant 0 : i32
      %dma_start3A_58 = tpu.memref_slice %arg5[%arg0, %add3A_54, %dma_start3A_57] : memref<2x10240x128xf32, #tpu.memory_space<hbm>> -> memref<1x128x128xf32, #tpu.memory_space<hbm>>
      %dma_start3A_59 = tpu.memref_squeeze %dma_start3A_58 : memref<1x128x128xf32, #tpu.memory_space<hbm>> -> memref<128x128xf32, #tpu.memory_space<hbm>>
      tpu.enqueue_dma source(%arg8 : memref<128x128xf32, #tpu.memory_space<vmem>>) target(%dma_start3A_59 : memref<128x128xf32, #tpu.memory_space<hbm>>) target_semaphore(%run_scoped3A : memref<!tpu.dma_semaphore, #tpu.memory_space<semaphore_mem>>)
      %dma_wait3A = arith.constant 0 : i32
      %dma_wait3A_60 = tpu.memref_slice %arg5[%arg0, %add3A_54, %dma_wait3A] : memref<2x10240x128xf32, #tpu.memory_space<hbm>> -> memref<1x128x128xf32, #tpu.memory_space<hbm>>
      %dma_wait3A_61 = tpu.memref_squeeze %dma_wait3A_60 : memref<1x128x128xf32, #tpu.memory_space<hbm>> -> memref<128x128xf32, #tpu.memory_space<hbm>>
      %dma_wait3A_62 = arith.constant 0 : i32
      %dma_wait3A_63 = tpu.memref_slice %arg5[%arg0, %add3A_54, %dma_wait3A_62] : memref<2x10240x128xf32, #tpu.memory_space<hbm>> -> memref<1x128x128xf32, #tpu.memory_space<hbm>>
      %dma_wait3A_64 = tpu.memref_squeeze %dma_wait3A_63 : memref<1x128x128xf32, #tpu.memory_space<hbm>> -> memref<128x128xf32, #tpu.memory_space<hbm>>
      tpu.wait_dma2 semaphore(%run_scoped3A : memref<!tpu.dma_semaphore, #tpu.memory_space<semaphore_mem>>) src(%arg8 : memref<128x128xf32, #tpu.memory_space<vmem>>) dst(%dma_wait3A_64 : memref<128x128xf32, #tpu.memory_space<hbm>>)
      tpu.yield
    }) : () -> ()
    return
  }
}

#map = affine_map<(d0, d1) -> (0, 0)>
#map1 = affine_map<(d0, d1) -> (0, 0, 0)>
module attributes {stable_mosaic.version = 14 : i64} {
  func.func @k(%arg0: i32, %arg1: i32, %arg2: memref<10000x128xf32, #tpu.memory_space<hbm>>, %arg3: memref<32x79x128xi32, #tpu.memory_space<hbm>>, %arg4: memref<32x79x128xi32, #tpu.memory_space<hbm>>, %arg5: memref<2x10240x128xf32, #tpu.memory_space<hbm>>, %arg6: memref<79x128xi32, #tpu.memory_space<vmem>>, %arg7: memref<79x128xi32, #tpu.memory_space<vmem>>, %arg8: memref<128x128xf32, #tpu.memory_space<vmem>>, %arg9: memref<10240x128xf32, #tpu.memory_space<vmem_shared>>, %arg10: memref<!tpu.dma_semaphore, #tpu.memory_space<semaphore_mem>>) attributes {dimension_semantics = [#tpu.dimension_semantics<core_parallel>, #tpu.dimension_semantics<subcore_parallel>], iteration_bounds = array<i64: 2, 16>, scalar_prefetch = 0 : i64, scratch_operands = 5 : i64, tpu.core_type = #tpu.core_type<sc_vector_subcore>, window_params = [{transform_indices = #map}, {transform_indices = #map1}, {transform_indices = #map1}, {transform_indices = #map1}]} {
    %mul3A = arith.constant 2 : i32
    %mul3A_0 = arith.muli %arg1, %mul3A : i32
    %add3A = arith.addi %mul3A_0, %arg0 : i32
    %scan3A = arith.constant 0 : i32
    %scan3A_1 = arith.constant 0 : i32
    %scan3A_2 = arith.constant 128 : i32
    %scan3A_3 = arith.addi %scan3A_1, %scan3A_2 : i32
    %scan3A_4 = arith.constant 1 : i32
    %scan3A_5 = scf.for %scan3A_55 = %scan3A_1 to %scan3A_3 step %scan3A_4 iter_args(%scan3A_56 = %scan3A) -> (i32)  : i32 {
      %broadcast_in_dim3A = arith.constant 0.000000e+00 : f32
      %broadcast_in_dim3A_57 = vector.broadcast %broadcast_in_dim3A : f32 to vector<16xf32>
      %swap3A = arith.index_cast %scan3A_55 : i32 to index
      %swap3A_58 = arith.constant 0 : index
      %swap3A_59 = tpu.vector_load %arg8[%swap3A, %swap3A_58] {strides = array<i32>} : memref<128x128xf32, #tpu.memory_space<vmem>>, vector<1x16xf32>,
      %swap3A_60 = vector.shape_cast %swap3A_59 : vector<1x16xf32> to vector<16xf32>
      %swap3A_61 = vector.shape_cast %broadcast_in_dim3A_57 : vector<16xf32> to vector<1x16xf32>
      tpu.vector_store %arg8[%swap3A, %swap3A_58], %swap3A_61 {strides = array<i32>} : memref<128x128xf32, #tpu.memory_space<vmem>>, vector<1x16xf32>,
      %broadcast_in_dim3A_62 = arith.constant 0.000000e+00 : f32
      %broadcast_in_dim3A_63 = vector.broadcast %broadcast_in_dim3A_62 : f32 to vector<16xf32>
      %swap3A_64 = arith.index_cast %scan3A_55 : i32 to index
      %swap3A_65 = arith.constant 16 : index
      %swap3A_66 = tpu.vector_load %arg8[%swap3A_64, %swap3A_65] {strides = array<i32>} : memref<128x128xf32, #tpu.memory_space<vmem>>, vector<1x16xf32>,
      %swap3A_67 = vector.shape_cast %swap3A_66 : vector<1x16xf32> to vector<16xf32>
      %swap3A_68 = vector.shape_cast %broadcast_in_dim3A_63 : vector<16xf32> to vector<1x16xf32>
      tpu.vector_store %arg8[%swap3A_64, %swap3A_65], %swap3A_68 {strides = array<i32>} : memref<128x128xf32, #tpu.memory_space<vmem>>, vector<1x16xf32>,
      %broadcast_in_dim3A_69 = arith.constant 0.000000e+00 : f32
      %broadcast_in_dim3A_70 = vector.broadcast %broadcast_in_dim3A_69 : f32 to vector<16xf32>
      %swap3A_71 = arith.index_cast %scan3A_55 : i32 to index
      %swap3A_72 = arith.constant 32 : index
      %swap3A_73 = tpu.vector_load %arg8[%swap3A_71, %swap3A_72] {strides = array<i32>} : memref<128x128xf32, #tpu.memory_space<vmem>>, vector<1x16xf32>,
      %swap3A_74 = vector.shape_cast %swap3A_73 : vector<1x16xf32> to vector<16xf32>
      %swap3A_75 = vector.shape_cast %broadcast_in_dim3A_70 : vector<16xf32> to vector<1x16xf32>
      tpu.vector_store %arg8[%swap3A_71, %swap3A_72], %swap3A_75 {strides = array<i32>} : memref<128x128xf32, #tpu.memory_space<vmem>>, vector<1x16xf32>,
      %broadcast_in_dim3A_76 = arith.constant 0.000000e+00 : f32
      %broadcast_in_dim3A_77 = vector.broadcast %broadcast_in_dim3A_76 : f32 to vector<16xf32>
      %swap3A_78 = arith.index_cast %scan3A_55 : i32 to index
      %swap3A_79 = arith.constant 48 : index
      %swap3A_80 = tpu.vector_load %arg8[%swap3A_78, %swap3A_79] {strides = array<i32>} : memref<128x128xf32, #tpu.memory_space<vmem>>, vector<1x16xf32>,
      %swap3A_81 = vector.shape_cast %swap3A_80 : vector<1x16xf32> to vector<16xf32>
      %swap3A_82 = vector.shape_cast %broadcast_in_dim3A_77 : vector<16xf32> to vector<1x16xf32>
      tpu.vector_store %arg8[%swap3A_78, %swap3A_79], %swap3A_82 {strides = array<i32>} : memref<128x128xf32, #tpu.memory_space<vmem>>, vector<1x16xf32>,
      %broadcast_in_dim3A_83 = arith.constant 0.000000e+00 : f32
      %broadcast_in_dim3A_84 = vector.broadcast %broadcast_in_dim3A_83 : f32 to vector<16xf32>
      %swap3A_85 = arith.index_cast %scan3A_55 : i32 to index
      %swap3A_86 = arith.constant 64 : index
      %swap3A_87 = tpu.vector_load %arg8[%swap3A_85, %swap3A_86] {strides = array<i32>} : memref<128x128xf32, #tpu.memory_space<vmem>>, vector<1x16xf32>,
      %swap3A_88 = vector.shape_cast %swap3A_87 : vector<1x16xf32> to vector<16xf32>
      %swap3A_89 = vector.shape_cast %broadcast_in_dim3A_84 : vector<16xf32> to vector<1x16xf32>
      tpu.vector_store %arg8[%swap3A_85, %swap3A_86], %swap3A_89 {strides = array<i32>} : memref<128x128xf32, #tpu.memory_space<vmem>>, vector<1x16xf32>,
      %broadcast_in_dim3A_90 = arith.constant 0.000000e+00 : f32
      %broadcast_in_dim3A_91 = vector.broadcast %broadcast_in_dim3A_90 : f32 to vector<16xf32>
      %swap3A_92 = arith.index_cast %scan3A_55 : i32 to index
      %swap3A_93 = arith.constant 80 : index
      %swap3A_94 = tpu.vector_load %arg8[%swap3A_92, %swap3A_93] {strides = array<i32>} : memref<128x128xf32, #tpu.memory_space<vmem>>, vector<1x16xf32>,
      %swap3A_95 = vector.shape_cast %swap3A_94 : vector<1x16xf32> to vector<16xf32>
      %swap3A_96 = vector.shape_cast %broadcast_in_dim3A_91 : vector<16xf32> to vector<1x16xf32>
      tpu.vector_store %arg8[%swap3A_92, %swap3A_93], %swap3A_96 {strides = array<i32>} : memref<128x128xf32, #tpu.memory_space<vmem>>, vector<1x16xf32>,
      %broadcast_in_dim3A_97 = arith.constant 0.000000e+00 : f32
      %broadcast_in_dim3A_98 = vector.broadcast %broadcast_in_dim3A_97 : f32 to vector<16xf32>
      %swap3A_99 = arith.index_cast %scan3A_55 : i32 to index
      %swap3A_100 = arith.constant 96 : index
      %swap3A_101 = tpu.vector_load %arg8[%swap3A_99, %swap3A_100] {strides = array<i32>} : memref<128x128xf32, #tpu.memory_space<vmem>>, vector<1x16xf32>,
      %swap3A_102 = vector.shape_cast %swap3A_101 : vector<1x16xf32> to vector<16xf32>
      %swap3A_103 = vector.shape_cast %broadcast_in_dim3A_98 : vector<16xf32> to vector<1x16xf32>
      tpu.vector_store %arg8[%swap3A_99, %swap3A_100], %swap3A_103 {strides = array<i32>} : memref<128x128xf32, #tpu.memory_space<vmem>>, vector<1x16xf32>,
      %broadcast_in_dim3A_104 = arith.constant 0.000000e+00 : f32
      %broadcast_in_dim3A_105 = vector.broadcast %broadcast_in_dim3A_104 : f32 to vector<16xf32>
      %swap3A_106 = arith.index_cast %scan3A_55 : i32 to index
      %swap3A_107 = arith.constant 112 : index
      %swap3A_108 = tpu.vector_load %arg8[%swap3A_106, %swap3A_107] {strides = array<i32>} : memref<128x128xf32, #tpu.memory_space<vmem>>, vector<1x16xf32>,
      %swap3A_109 = vector.shape_cast %swap3A_108 : vector<1x16xf32> to vector<16xf32>
      %swap3A_110 = vector.shape_cast %broadcast_in_dim3A_105 : vector<16xf32> to vector<1x16xf32>
      tpu.vector_store %arg8[%swap3A_106, %swap3A_107], %swap3A_110 {strides = array<i32>} : memref<128x128xf32, #tpu.memory_space<vmem>>, vector<1x16xf32>,
      %scan3A_111 = arith.constant 0 : i32
      scf.yield %scan3A_111 : i32
    }
    %scan3A_6 = arith.constant 128 : i32
    %mul3A_7 = arith.constant 640 : i32
    %mul3A_8 = arith.muli %arg1, %mul3A_7 : i32
    %add3A_9 = arith.constant 0 : i32
    %add3A_10 = arith.addi %mul3A_8, %add3A_9 : i32
    "tpu.region"() ({
      %run_scoped3A = tpu.sem_alloc : memref<!tpu.dma_semaphore, #tpu.memory_space<semaphore_mem>>
      %dma_start3A = arith.constant 0 : i32
      %dma_start3A_55 = tpu.memref_slice %arg9[%add3A_10, %dma_start3A] : memref<10240x128xf32, #tpu.memory_space<vmem_shared>> -> memref<128x128xf32, #tpu.memory_space<vmem_shared>>
      %dma_start3A_56 = arith.constant 0 : i32
      %dma_start3A_57 = tpu.memref_slice %arg9[%add3A_10, %dma_start3A_56] : memref<10240x128xf32, #tpu.memory_space<vmem_shared>> -> memref<128x128xf32, #tpu.memory_space<vmem_shared>>
      tpu.enqueue_dma source(%arg8 : memref<128x128xf32, #tpu.memory_space<vmem>>) target(%dma_start3A_57 : memref<128x128xf32, #tpu.memory_space<vmem_shared>>) target_semaphore(%run_scoped3A : memref<!tpu.dma_semaphore, #tpu.memory_space<semaphore_mem>>)
      %dma_wait3A = arith.constant 0 : i32
      %dma_wait3A_58 = tpu.memref_slice %arg9[%add3A_10, %dma_wait3A] : memref<10240x128xf32, #tpu.memory_space<vmem_shared>> -> memref<128x128xf32, #tpu.memory_space<vmem_shared>>
      %dma_wait3A_59 = arith.constant 0 : i32
      %dma_wait3A_60 = tpu.memref_slice %arg9[%add3A_10, %dma_wait3A_59] : memref<10240x128xf32, #tpu.memory_space<vmem_shared>> -> memref<128x128xf32, #tpu.memory_space<vmem_shared>>
      tpu.wait_dma2 semaphore(%run_scoped3A : memref<!tpu.dma_semaphore, #tpu.memory_space<semaphore_mem>>) src(%arg8 : memref<128x128xf32, #tpu.memory_space<vmem>>) dst(%dma_wait3A_60 : memref<128x128xf32, #tpu.memory_space<vmem_shared>>)
      tpu.yield
    }) : () -> ()
    %mul3A_11 = arith.constant 640 : i32
    %mul3A_12 = arith.muli %arg1, %mul3A_11 : i32
    %add3A_13 = arith.constant 128 : i32
    %add3A_14 = arith.addi %mul3A_12, %add3A_13 : i32
    "tpu.region"() ({
      %run_scoped3A = tpu.sem_alloc : memref<!tpu.dma_semaphore, #tpu.memory_space<semaphore_mem>>
      %dma_start3A = arith.constant 0 : i32
      %dma_start3A_55 = tpu.memref_slice %arg9[%add3A_14, %dma_start3A] : memref<10240x128xf32, #tpu.memory_space<vmem_shared>> -> memref<128x128xf32, #tpu.memory_space<vmem_shared>>
      %dma_start3A_56 = arith.constant 0 : i32
      %dma_start3A_57 = tpu.memref_slice %arg9[%add3A_14, %dma_start3A_56] : memref<10240x128xf32, #tpu.memory_space<vmem_shared>> -> memref<128x128xf32, #tpu.memory_space<vmem_shared>>
      tpu.enqueue_dma source(%arg8 : memref<128x128xf32, #tpu.memory_space<vmem>>) target(%dma_start3A_57 : memref<128x128xf32, #tpu.memory_space<vmem_shared>>) target_semaphore(%run_scoped3A : memref<!tpu.dma_semaphore, #tpu.memory_space<semaphore_mem>>)
      %dma_wait3A = arith.constant 0 : i32
      %dma_wait3A_58 = tpu.memref_slice %arg9[%add3A_14, %dma_wait3A] : memref<10240x128xf32, #tpu.memory_space<vmem_shared>> -> memref<128x128xf32, #tpu.memory_space<vmem_shared>>
      %dma_wait3A_59 = arith.constant 0 : i32
      %dma_wait3A_60 = tpu.memref_slice %arg9[%add3A_14, %dma_wait3A_59] : memref<10240x128xf32, #tpu.memory_space<vmem_shared>> -> memref<128x128xf32, #tpu.memory_space<vmem_shared>>
      tpu.wait_dma2 semaphore(%run_scoped3A : memref<!tpu.dma_semaphore, #tpu.memory_space<semaphore_mem>>) src(%arg8 : memref<128x128xf32, #tpu.memory_space<vmem>>) dst(%dma_wait3A_60 : memref<128x128xf32, #tpu.memory_space<vmem_shared>>)
      tpu.yield
    }) : () -> ()
    %mul3A_15 = arith.constant 640 : i32
    %mul3A_16 = arith.muli %arg1, %mul3A_15 : i32
    %add3A_17 = arith.constant 256 : i32
    %add3A_18 = arith.addi %mul3A_16, %add3A_17 : i32
    "tpu.region"() ({
      %run_scoped3A = tpu.sem_alloc : memref<!tpu.dma_semaphore, #tpu.memory_space<semaphore_mem>>
      %dma_start3A = arith.constant 0 : i32
      %dma_start3A_55 = tpu.memref_slice %arg9[%add3A_18, %dma_start3A] : memref<10240x128xf32, #tpu.memory_space<vmem_shared>> -> memref<128x128xf32, #tpu.memory_space<vmem_shared>>
      %dma_start3A_56 = arith.constant 0 : i32
      %dma_start3A_57 = tpu.memref_slice %arg9[%add3A_18, %dma_start3A_56] : memref<10240x128xf32, #tpu.memory_space<vmem_shared>> -> memref<128x128xf32, #tpu.memory_space<vmem_shared>>
      tpu.enqueue_dma source(%arg8 : memref<128x128xf32, #tpu.memory_space<vmem>>) target(%dma_start3A_57 : memref<128x128xf32, #tpu.memory_space<vmem_shared>>) target_semaphore(%run_scoped3A : memref<!tpu.dma_semaphore, #tpu.memory_space<semaphore_mem>>)
      %dma_wait3A = arith.constant 0 : i32
      %dma_wait3A_58 = tpu.memref_slice %arg9[%add3A_18, %dma_wait3A] : memref<10240x128xf32, #tpu.memory_space<vmem_shared>> -> memref<128x128xf32, #tpu.memory_space<vmem_shared>>
      %dma_wait3A_59 = arith.constant 0 : i32
      %dma_wait3A_60 = tpu.memref_slice %arg9[%add3A_18, %dma_wait3A_59] : memref<10240x128xf32, #tpu.memory_space<vmem_shared>> -> memref<128x128xf32, #tpu.memory_space<vmem_shared>>
      tpu.wait_dma2 semaphore(%run_scoped3A : memref<!tpu.dma_semaphore, #tpu.memory_space<semaphore_mem>>) src(%arg8 : memref<128x128xf32, #tpu.memory_space<vmem>>) dst(%dma_wait3A_60 : memref<128x128xf32, #tpu.memory_space<vmem_shared>>)
      tpu.yield
    }) : () -> ()
    %mul3A_19 = arith.constant 640 : i32
    %mul3A_20 = arith.muli %arg1, %mul3A_19 : i32
    %add3A_21 = arith.constant 384 : i32
    %add3A_22 = arith.addi %mul3A_20, %add3A_21 : i32
    "tpu.region"() ({
      %run_scoped3A = tpu.sem_alloc : memref<!tpu.dma_semaphore, #tpu.memory_space<semaphore_mem>>
      %dma_start3A = arith.constant 0 : i32
      %dma_start3A_55 = tpu.memref_slice %arg9[%add3A_22, %dma_start3A] : memref<10240x128xf32, #tpu.memory_space<vmem_shared>> -> memref<128x128xf32, #tpu.memory_space<vmem_shared>>
      %dma_start3A_56 = arith.constant 0 : i32
      %dma_start3A_57 = tpu.memref_slice %arg9[%add3A_22, %dma_start3A_56] : memref<10240x128xf32, #tpu.memory_space<vmem_shared>> -> memref<128x128xf32, #tpu.memory_space<vmem_shared>>
      tpu.enqueue_dma source(%arg8 : memref<128x128xf32, #tpu.memory_space<vmem>>) target(%dma_start3A_57 : memref<128x128xf32, #tpu.memory_space<vmem_shared>>) target_semaphore(%run_scoped3A : memref<!tpu.dma_semaphore, #tpu.memory_space<semaphore_mem>>)
      %dma_wait3A = arith.constant 0 : i32
      %dma_wait3A_58 = tpu.memref_slice %arg9[%add3A_22, %dma_wait3A] : memref<10240x128xf32, #tpu.memory_space<vmem_shared>> -> memref<128x128xf32, #tpu.memory_space<vmem_shared>>
      %dma_wait3A_59 = arith.constant 0 : i32
      %dma_wait3A_60 = tpu.memref_slice %arg9[%add3A_22, %dma_wait3A_59] : memref<10240x128xf32, #tpu.memory_space<vmem_shared>> -> memref<128x128xf32, #tpu.memory_space<vmem_shared>>
      tpu.wait_dma2 semaphore(%run_scoped3A : memref<!tpu.dma_semaphore, #tpu.memory_space<semaphore_mem>>) src(%arg8 : memref<128x128xf32, #tpu.memory_space<vmem>>) dst(%dma_wait3A_60 : memref<128x128xf32, #tpu.memory_space<vmem_shared>>)
      tpu.yield
    }) : () -> ()
    %mul3A_23 = arith.constant 640 : i32
    %mul3A_24 = arith.muli %arg1, %mul3A_23 : i32
    %add3A_25 = arith.constant 512 : i32
    %add3A_26 = arith.addi %mul3A_24, %add3A_25 : i32
    "tpu.region"() ({
      %run_scoped3A = tpu.sem_alloc : memref<!tpu.dma_semaphore, #tpu.memory_space<semaphore_mem>>
      %dma_start3A = arith.constant 0 : i32
      %dma_start3A_55 = tpu.memref_slice %arg9[%add3A_26, %dma_start3A] : memref<10240x128xf32, #tpu.memory_space<vmem_shared>> -> memref<128x128xf32, #tpu.memory_space<vmem_shared>>
      %dma_start3A_56 = arith.constant 0 : i32
      %dma_start3A_57 = tpu.memref_slice %arg9[%add3A_26, %dma_start3A_56] : memref<10240x128xf32, #tpu.memory_space<vmem_shared>> -> memref<128x128xf32, #tpu.memory_space<vmem_shared>>
      tpu.enqueue_dma source(%arg8 : memref<128x128xf32, #tpu.memory_space<vmem>>) target(%dma_start3A_57 : memref<128x128xf32, #tpu.memory_space<vmem_shared>>) target_semaphore(%run_scoped3A : memref<!tpu.dma_semaphore, #tpu.memory_space<semaphore_mem>>)
      %dma_wait3A = arith.constant 0 : i32
      %dma_wait3A_58 = tpu.memref_slice %arg9[%add3A_26, %dma_wait3A] : memref<10240x128xf32, #tpu.memory_space<vmem_shared>> -> memref<128x128xf32, #tpu.memory_space<vmem_shared>>
      %dma_wait3A_59 = arith.constant 0 : i32
      %dma_wait3A_60 = tpu.memref_slice %arg9[%add3A_26, %dma_wait3A_59] : memref<10240x128xf32, #tpu.memory_space<vmem_shared>> -> memref<128x128xf32, #tpu.memory_space<vmem_shared>>
      tpu.wait_dma2 semaphore(%run_scoped3A : memref<!tpu.dma_semaphore, #tpu.memory_space<semaphore_mem>>) src(%arg8 : memref<128x128xf32, #tpu.memory_space<vmem>>) dst(%dma_wait3A_60 : memref<128x128xf32, #tpu.memory_space<vmem_shared>>)
      tpu.yield
    }) : () -> ()
    "tpu.region"() ({
      %run_scoped3A = tpu.sem_alloc : memref<!tpu.dma_semaphore, #tpu.memory_space<semaphore_mem>>
      %dma_start3A = arith.constant 0 : i32
      %dma_start3A_55 = arith.constant 0 : i32
      %dma_start3A_56 = tpu.memref_slice %arg3[%add3A, %dma_start3A, %dma_start3A_55] : memref<32x79x128xi32, #tpu.memory_space<hbm>> -> memref<1x79x128xi32, #tpu.memory_space<hbm>>
      %dma_start3A_57 = tpu.memref_squeeze %dma_start3A_56 : memref<1x79x128xi32, #tpu.memory_space<hbm>> -> memref<79x128xi32, #tpu.memory_space<hbm>>
      %dma_start3A_58 = arith.constant 0 : i32
      %dma_start3A_59 = arith.constant 0 : i32
      %dma_start3A_60 = tpu.memref_slice %arg3[%add3A, %dma_start3A_58, %dma_start3A_59] : memref<32x79x128xi32, #tpu.memory_space<hbm>> -> memref<1x79x128xi32, #tpu.memory_space<hbm>>
      %dma_start3A_61 = tpu.memref_squeeze %dma_start3A_60 : memref<1x79x128xi32, #tpu.memory_space<hbm>> -> memref<79x128xi32, #tpu.memory_space<hbm>>
      tpu.enqueue_dma source(%dma_start3A_61 : memref<79x128xi32, #tpu.memory_space<hbm>>) target(%arg6 : memref<79x128xi32, #tpu.memory_space<vmem>>) target_semaphore(%run_scoped3A : memref<!tpu.dma_semaphore, #tpu.memory_space<semaphore_mem>>)
      %dma_wait3A = arith.constant 0 : i32
      %dma_wait3A_62 = arith.constant 0 : i32
      %dma_wait3A_63 = tpu.memref_slice %arg3[%add3A, %dma_wait3A, %dma_wait3A_62] : memref<32x79x128xi32, #tpu.memory_space<hbm>> -> memref<1x79x128xi32, #tpu.memory_space<hbm>>
      %dma_wait3A_64 = tpu.memref_squeeze %dma_wait3A_63 : memref<1x79x128xi32, #tpu.memory_space<hbm>> -> memref<79x128xi32, #tpu.memory_space<hbm>>
      %dma_wait3A_65 = arith.constant 0 : i32
      %dma_wait3A_66 = arith.constant 0 : i32
      %dma_wait3A_67 = tpu.memref_slice %arg3[%add3A, %dma_wait3A_65, %dma_wait3A_66] : memref<32x79x128xi32, #tpu.memory_space<hbm>> -> memref<1x79x128xi32, #tpu.memory_space<hbm>>
      %dma_wait3A_68 = tpu.memref_squeeze %dma_wait3A_67 : memref<1x79x128xi32, #tpu.memory_space<hbm>> -> memref<79x128xi32, #tpu.memory_space<hbm>>
      tpu.wait_dma2 semaphore(%run_scoped3A : memref<!tpu.dma_semaphore, #tpu.memory_space<semaphore_mem>>) src(%dma_wait3A_68 : memref<79x128xi32, #tpu.memory_space<hbm>>) dst(%arg6 : memref<79x128xi32, #tpu.memory_space<vmem>>)
      tpu.yield
    }) : () -> ()
    "tpu.region"() ({
      %run_scoped3A = tpu.sem_alloc : memref<!tpu.dma_semaphore, #tpu.memory_space<semaphore_mem>>
      %dma_start3A = arith.constant 0 : i32
      %dma_start3A_55 = arith.constant 0 : i32
      %dma_start3A_56 = tpu.memref_slice %arg4[%add3A, %dma_start3A, %dma_start3A_55] : memref<32x79x128xi32, #tpu.memory_space<hbm>> -> memref<1x79x128xi32, #tpu.memory_space<hbm>>
      %dma_start3A_57 = tpu.memref_squeeze %dma_start3A_56 : memref<1x79x128xi32, #tpu.memory_space<hbm>> -> memref<79x128xi32, #tpu.memory_space<hbm>>
      %dma_start3A_58 = arith.constant 0 : i32
      %dma_start3A_59 = arith.constant 0 : i32
      %dma_start3A_60 = tpu.memref_slice %arg4[%add3A, %dma_start3A_58, %dma_start3A_59] : memref<32x79x128xi32, #tpu.memory_space<hbm>> -> memref<1x79x128xi32, #tpu.memory_space<hbm>>
      %dma_start3A_61 = tpu.memref_squeeze %dma_start3A_60 : memref<1x79x128xi32, #tpu.memory_space<hbm>> -> memref<79x128xi32, #tpu.memory_space<hbm>>
      tpu.enqueue_dma source(%dma_start3A_61 : memref<79x128xi32, #tpu.memory_space<hbm>>) target(%arg7 : memref<79x128xi32, #tpu.memory_space<vmem>>) target_semaphore(%run_scoped3A : memref<!tpu.dma_semaphore, #tpu.memory_space<semaphore_mem>>)
      %dma_wait3A = arith.constant 0 : i32
      %dma_wait3A_62 = arith.constant 0 : i32
      %dma_wait3A_63 = tpu.memref_slice %arg4[%add3A, %dma_wait3A, %dma_wait3A_62] : memref<32x79x128xi32, #tpu.memory_space<hbm>> -> memref<1x79x128xi32, #tpu.memory_space<hbm>>
      %dma_wait3A_64 = tpu.memref_squeeze %dma_wait3A_63 : memref<1x79x128xi32, #tpu.memory_space<hbm>> -> memref<79x128xi32, #tpu.memory_space<hbm>>
      %dma_wait3A_65 = arith.constant 0 : i32
      %dma_wait3A_66 = arith.constant 0 : i32
      %dma_wait3A_67 = tpu.memref_slice %arg4[%add3A, %dma_wait3A_65, %dma_wait3A_66] : memref<32x79x128xi32, #tpu.memory_space<hbm>> -> memref<1x79x128xi32, #tpu.memory_space<hbm>>
      %dma_wait3A_68 = tpu.memref_squeeze %dma_wait3A_67 : memref<1x79x128xi32, #tpu.memory_space<hbm>> -> memref<79x128xi32, #tpu.memory_space<hbm>>
      tpu.wait_dma2 semaphore(%run_scoped3A : memref<!tpu.dma_semaphore, #tpu.memory_space<semaphore_mem>>) src(%dma_wait3A_68 : memref<79x128xi32, #tpu.memory_space<hbm>>) dst(%arg7 : memref<79x128xi32, #tpu.memory_space<vmem>>)
      tpu.yield
    }) : () -> ()
    %barrier3A = arith.constant 0 : index
    tpu.barrier barrier_id(%barrier3A)
    %scan3A_27 = arith.constant 0 : i32
    %scan3A_28 = arith.constant 0 : i32
    %scan3A_29 = arith.constant 79 : i32
    %scan3A_30 = arith.addi %scan3A_28, %scan3A_29 : i32
    %scan3A_31 = arith.constant 1 : i32
    %scan3A_32 = scf.for %scan3A_55 = %scan3A_28 to %scan3A_30 step %scan3A_31 iter_args(%scan3A_56 = %scan3A_27) -> (i32)  : i32 {
      %dma_start3A = arith.constant 0 : i32
      %dma_start3A_57 = tpu.memref_slice %arg6[%scan3A_55, %dma_start3A] : memref<79x128xi32, #tpu.memory_space<vmem>> -> memref<1x128xi32, #tpu.memory_space<vmem>>
      %dma_start3A_58 = tpu.memref_squeeze %dma_start3A_57 : memref<1x128xi32, #tpu.memory_space<vmem>> -> memref<128xi32, #tpu.memory_space<vmem>>
      %dma_start3A_59 = arith.constant 0 : i32
      %dma_start3A_60 = arith.constant 0 : i32
      %dma_start3A_61 = tpu.memref_slice %arg2[%dma_start3A_59, %dma_start3A_60] : memref<10000x128xf32, #tpu.memory_space<hbm>> -> memref<10000x128xf32, #tpu.memory_space<hbm>>
      tpu.enqueue_indirect_dma source(%dma_start3A_61 : memref<10000x128xf32, #tpu.memory_space<hbm>>) target(%arg8 : memref<128x128xf32, #tpu.memory_space<vmem>>) offsets(%dma_start3A_58 : memref<128xi32, #tpu.memory_space<vmem>>) semaphore(%arg10 : memref<!tpu.dma_semaphore, #tpu.memory_space<semaphore_mem>>)
      %dma_wait3A = arith.constant 0 : i32
      %dma_wait3A_62 = tpu.memref_slice %arg6[%scan3A_55, %dma_wait3A] : memref<79x128xi32, #tpu.memory_space<vmem>> -> memref<1x128xi32, #tpu.memory_space<vmem>>
      %dma_wait3A_63 = tpu.memref_squeeze %dma_wait3A_62 : memref<1x128xi32, #tpu.memory_space<vmem>> -> memref<128xi32, #tpu.memory_space<vmem>>
      %dma_wait3A_64 = arith.constant 0 : i32
      %dma_wait3A_65 = arith.constant 0 : i32
      %dma_wait3A_66 = tpu.memref_slice %arg2[%dma_wait3A_64, %dma_wait3A_65] : memref<10000x128xf32, #tpu.memory_space<hbm>> -> memref<10000x128xf32, #tpu.memory_space<hbm>>
      tpu.wait_indirect_dma semaphore(%arg10 : memref<!tpu.dma_semaphore, #tpu.memory_space<semaphore_mem>>) src(%dma_wait3A_66 : memref<10000x128xf32, #tpu.memory_space<hbm>>) dst(%arg8 : memref<128x128xf32, #tpu.memory_space<vmem>>)
      "tpu.region"() ({
        %run_scoped3A = tpu.sem_alloc : memref<!tpu.dma_semaphore, #tpu.memory_space<semaphore_mem>>
        %dma_start3A_68 = arith.constant 0 : i32
        %dma_start3A_69 = tpu.memref_slice %arg7[%scan3A_55, %dma_start3A_68] : memref<79x128xi32, #tpu.memory_space<vmem>> -> memref<1x128xi32, #tpu.memory_space<vmem>>
        %dma_start3A_70 = tpu.memref_squeeze %dma_start3A_69 : memref<1x128xi32, #tpu.memory_space<vmem>> -> memref<128xi32, #tpu.memory_space<vmem>>
        %dma_start3A_71 = arith.constant 0 : i32
        %dma_start3A_72 = arith.constant 0 : i32
        %dma_start3A_73 = tpu.memref_slice %arg9[%dma_start3A_71, %dma_start3A_72] : memref<10240x128xf32, #tpu.memory_space<vmem_shared>> -> memref<10240x128xf32, #tpu.memory_space<vmem_shared>>
        tpu.enqueue_indirect_dma source(%arg8 : memref<128x128xf32, #tpu.memory_space<vmem>>) target(%dma_start3A_73 : memref<10240x128xf32, #tpu.memory_space<vmem_shared>>) offsets(%dma_start3A_70 : memref<128xi32, #tpu.memory_space<vmem>>) semaphore(%run_scoped3A : memref<!tpu.dma_semaphore, #tpu.memory_space<semaphore_mem>>) {add = true}
        %dma_wait3A_74 = arith.constant 0 : i32
        %dma_wait3A_75 = tpu.memref_slice %arg7[%scan3A_55, %dma_wait3A_74] : memref<79x128xi32, #tpu.memory_space<vmem>> -> memref<1x128xi32, #tpu.memory_space<vmem>>
        %dma_wait3A_76 = tpu.memref_squeeze %dma_wait3A_75 : memref<1x128xi32, #tpu.memory_space<vmem>> -> memref<128xi32, #tpu.memory_space<vmem>>
        %dma_wait3A_77 = arith.constant 0 : i32
        %dma_wait3A_78 = arith.constant 0 : i32
        %dma_wait3A_79 = tpu.memref_slice %arg9[%dma_wait3A_77, %dma_wait3A_78] : memref<10240x128xf32, #tpu.memory_space<vmem_shared>> -> memref<10240x128xf32, #tpu.memory_space<vmem_shared>>
        tpu.wait_indirect_dma semaphore(%run_scoped3A : memref<!tpu.dma_semaphore, #tpu.memory_space<semaphore_mem>>) src(%arg8 : memref<128x128xf32, #tpu.memory_space<vmem>>) dst(%dma_wait3A_79 : memref<10240x128xf32, #tpu.memory_space<vmem_shared>>)
        tpu.yield
      }) : () -> ()
      %scan3A_67 = arith.constant 0 : i32
      scf.yield %scan3A_67 : i32
    }
    %scan3A_33 = arith.constant 79 : i32
    %barrier3A_34 = arith.constant 0 : index
    tpu.barrier barrier_id(%barrier3A_34)
    %mul3A_35 = arith.constant 640 : i32
    %mul3A_36 = arith.muli %arg1, %mul3A_35 : i32
    %add3A_37 = arith.constant 0 : i32
    %add3A_38 = arith.addi %mul3A_36, %add3A_37 : i32
    "tpu.region"() ({
      %run_scoped3A = tpu.sem_alloc : memref<!tpu.dma_semaphore, #tpu.memory_space<semaphore_mem>>
      %dma_start3A = arith.constant 0 : i32
      %dma_start3A_55 = tpu.memref_slice %arg9[%add3A_38, %dma_start3A] : memref<10240x128xf32, #tpu.memory_space<vmem_shared>> -> memref<128x128xf32, #tpu.memory_space<vmem_shared>>
      %dma_start3A_56 = arith.constant 0 : i32
      %dma_start3A_57 = tpu.memref_slice %arg9[%add3A_38, %dma_start3A_56] : memref<10240x128xf32, #tpu.memory_space<vmem_shared>> -> memref<128x128xf32, #tpu.memory_space<vmem_shared>>
      tpu.enqueue_dma source(%dma_start3A_57 : memref<128x128xf32, #tpu.memory_space<vmem_shared>>) target(%arg8 : memref<128x128xf32, #tpu.memory_space<vmem>>) target_semaphore(%run_scoped3A : memref<!tpu.dma_semaphore, #tpu.memory_space<semaphore_mem>>)
      %dma_wait3A = arith.constant 0 : i32
      %dma_wait3A_58 = tpu.memref_slice %arg9[%add3A_38, %dma_wait3A] : memref<10240x128xf32, #tpu.memory_space<vmem_shared>> -> memref<128x128xf32, #tpu.memory_space<vmem_shared>>
      %dma_wait3A_59 = arith.constant 0 : i32
      %dma_wait3A_60 = tpu.memref_slice %arg9[%add3A_38, %dma_wait3A_59] : memref<10240x128xf32, #tpu.memory_space<vmem_shared>> -> memref<128x128xf32, #tpu.memory_space<vmem_shared>>
      tpu.wait_dma2 semaphore(%run_scoped3A : memref<!tpu.dma_semaphore, #tpu.memory_space<semaphore_mem>>) src(%dma_wait3A_60 : memref<128x128xf32, #tpu.memory_space<vmem_shared>>) dst(%arg8 : memref<128x128xf32, #tpu.memory_space<vmem>>)
      tpu.yield
    }) : () -> ()
    "tpu.region"() ({
      %run_scoped3A = tpu.sem_alloc : memref<!tpu.dma_semaphore, #tpu.memory_space<semaphore_mem>>
      %dma_start3A = arith.constant 0 : i32
      %dma_start3A_55 = tpu.memref_slice %arg5[%arg0, %add3A_38, %dma_start3A] : memref<2x10240x128xf32, #tpu.memory_space<hbm>> -> memref<1x128x128xf32, #tpu.memory_space<hbm>>
      %dma_start3A_56 = tpu.memref_squeeze %dma_start3A_55 : memref<1x128x128xf32, #tpu.memory_space<hbm>> -> memref<128x128xf32, #tpu.memory_space<hbm>>
      %dma_start3A_57 = arith.constant 0 : i32
      %dma_start3A_58 = tpu.memref_slice %arg5[%arg0, %add3A_38, %dma_start3A_57] : memref<2x10240x128xf32, #tpu.memory_space<hbm>> -> memref<1x128x128xf32, #tpu.memory_space<hbm>>
      %dma_start3A_59 = tpu.memref_squeeze %dma_start3A_58 : memref<1x128x128xf32, #tpu.memory_space<hbm>> -> memref<128x128xf32, #tpu.memory_space<hbm>>
      tpu.enqueue_dma source(%arg8 : memref<128x128xf32, #tpu.memory_space<vmem>>) target(%dma_start3A_59 : memref<128x128xf32, #tpu.memory_space<hbm>>) target_semaphore(%run_scoped3A : memref<!tpu.dma_semaphore, #tpu.memory_space<semaphore_mem>>)
      %dma_wait3A = arith.constant 0 : i32
      %dma_wait3A_60 = tpu.memref_slice %arg5[%arg0, %add3A_38, %dma_wait3A] : memref<2x10240x128xf32, #tpu.memory_space<hbm>> -> memref<1x128x128xf32, #tpu.memory_space<hbm>>
      %dma_wait3A_61 = tpu.memref_squeeze %dma_wait3A_60 : memref<1x128x128xf32, #tpu.memory_space<hbm>> -> memref<128x128xf32, #tpu.memory_space<hbm>>
      %dma_wait3A_62 = arith.constant 0 : i32
      %dma_wait3A_63 = tpu.memref_slice %arg5[%arg0, %add3A_38, %dma_wait3A_62] : memref<2x10240x128xf32, #tpu.memory_space<hbm>> -> memref<1x128x128xf32, #tpu.memory_space<hbm>>
      %dma_wait3A_64 = tpu.memref_squeeze %dma_wait3A_63 : memref<1x128x128xf32, #tpu.memory_space<hbm>> -> memref<128x128xf32, #tpu.memory_space<hbm>>
      tpu.wait_dma2 semaphore(%run_scoped3A : memref<!tpu.dma_semaphore, #tpu.memory_space<semaphore_mem>>) src(%arg8 : memref<128x128xf32, #tpu.memory_space<vmem>>) dst(%dma_wait3A_64 : memref<128x128xf32, #tpu.memory_space<hbm>>)
      tpu.yield
    }) : () -> ()
    %mul3A_39 = arith.constant 640 : i32
    %mul3A_40 = arith.muli %arg1, %mul3A_39 : i32
    %add3A_41 = arith.constant 128 : i32
    %add3A_42 = arith.addi %mul3A_40, %add3A_41 : i32
    "tpu.region"() ({
      %run_scoped3A = tpu.sem_alloc : memref<!tpu.dma_semaphore, #tpu.memory_space<semaphore_mem>>
      %dma_start3A = arith.constant 0 : i32
      %dma_start3A_55 = tpu.memref_slice %arg9[%add3A_42, %dma_start3A] : memref<10240x128xf32, #tpu.memory_space<vmem_shared>> -> memref<128x128xf32, #tpu.memory_space<vmem_shared>>
      %dma_start3A_56 = arith.constant 0 : i32
      %dma_start3A_57 = tpu.memref_slice %arg9[%add3A_42, %dma_start3A_56] : memref<10240x128xf32, #tpu.memory_space<vmem_shared>> -> memref<128x128xf32, #tpu.memory_space<vmem_shared>>
      tpu.enqueue_dma source(%dma_start3A_57 : memref<128x128xf32, #tpu.memory_space<vmem_shared>>) target(%arg8 : memref<128x128xf32, #tpu.memory_space<vmem>>) target_semaphore(%run_scoped3A : memref<!tpu.dma_semaphore, #tpu.memory_space<semaphore_mem>>)
      %dma_wait3A = arith.constant 0 : i32
      %dma_wait3A_58 = tpu.memref_slice %arg9[%add3A_42, %dma_wait3A] : memref<10240x128xf32, #tpu.memory_space<vmem_shared>> -> memref<128x128xf32, #tpu.memory_space<vmem_shared>>
      %dma_wait3A_59 = arith.constant 0 : i32
      %dma_wait3A_60 = tpu.memref_slice %arg9[%add3A_42, %dma_wait3A_59] : memref<10240x128xf32, #tpu.memory_space<vmem_shared>> -> memref<128x128xf32, #tpu.memory_space<vmem_shared>>
      tpu.wait_dma2 semaphore(%run_scoped3A : memref<!tpu.dma_semaphore, #tpu.memory_space<semaphore_mem>>) src(%dma_wait3A_60 : memref<128x128xf32, #tpu.memory_space<vmem_shared>>) dst(%arg8 : memref<128x128xf32, #tpu.memory_space<vmem>>)
      tpu.yield
    }) : () -> ()
    "tpu.region"() ({
      %run_scoped3A = tpu.sem_alloc : memref<!tpu.dma_semaphore, #tpu.memory_space<semaphore_mem>>
      %dma_start3A = arith.constant 0 : i32
      %dma_start3A_55 = tpu.memref_slice %arg5[%arg0, %add3A_42, %dma_start3A] : memref<2x10240x128xf32, #tpu.memory_space<hbm>> -> memref<1x128x128xf32, #tpu.memory_space<hbm>>
      %dma_start3A_56 = tpu.memref_squeeze %dma_start3A_55 : memref<1x128x128xf32, #tpu.memory_space<hbm>> -> memref<128x128xf32, #tpu.memory_space<hbm>>
      %dma_start3A_57 = arith.constant 0 : i32
      %dma_start3A_58 = tpu.memref_slice %arg5[%arg0, %add3A_42, %dma_start3A_57] : memref<2x10240x128xf32, #tpu.memory_space<hbm>> -> memref<1x128x128xf32, #tpu.memory_space<hbm>>
      %dma_start3A_59 = tpu.memref_squeeze %dma_start3A_58 : memref<1x128x128xf32, #tpu.memory_space<hbm>> -> memref<128x128xf32, #tpu.memory_space<hbm>>
      tpu.enqueue_dma source(%arg8 : memref<128x128xf32, #tpu.memory_space<vmem>>) target(%dma_start3A_59 : memref<128x128xf32, #tpu.memory_space<hbm>>) target_semaphore(%run_scoped3A : memref<!tpu.dma_semaphore, #tpu.memory_space<semaphore_mem>>)
      %dma_wait3A = arith.constant 0 : i32
      %dma_wait3A_60 = tpu.memref_slice %arg5[%arg0, %add3A_42, %dma_wait3A] : memref<2x10240x128xf32, #tpu.memory_space<hbm>> -> memref<1x128x128xf32, #tpu.memory_space<hbm>>
      %dma_wait3A_61 = tpu.memref_squeeze %dma_wait3A_60 : memref<1x128x128xf32, #tpu.memory_space<hbm>> -> memref<128x128xf32, #tpu.memory_space<hbm>>
      %dma_wait3A_62 = arith.constant 0 : i32
      %dma_wait3A_63 = tpu.memref_slice %arg5[%arg0, %add3A_42, %dma_wait3A_62] : memref<2x10240x128xf32, #tpu.memory_space<hbm>> -> memref<1x128x128xf32, #tpu.memory_space<hbm>>
      %dma_wait3A_64 = tpu.memref_squeeze %dma_wait3A_63 : memref<1x128x128xf32, #tpu.memory_space<hbm>> -> memref<128x128xf32, #tpu.memory_space<hbm>>
      tpu.wait_dma2 semaphore(%run_scoped3A : memref<!tpu.dma_semaphore, #tpu.memory_space<semaphore_mem>>) src(%arg8 : memref<128x128xf32, #tpu.memory_space<vmem>>) dst(%dma_wait3A_64 : memref<128x128xf32, #tpu.memory_space<hbm>>)
      tpu.yield
    }) : () -> ()
    %mul3A_43 = arith.constant 640 : i32
    %mul3A_44 = arith.muli %arg1, %mul3A_43 : i32
    %add3A_45 = arith.constant 256 : i32
    %add3A_46 = arith.addi %mul3A_44, %add3A_45 : i32
    "tpu.region"() ({
      %run_scoped3A = tpu.sem_alloc : memref<!tpu.dma_semaphore, #tpu.memory_space<semaphore_mem>>
      %dma_start3A = arith.constant 0 : i32
      %dma_start3A_55 = tpu.memref_slice %arg9[%add3A_46, %dma_start3A] : memref<10240x128xf32, #tpu.memory_space<vmem_shared>> -> memref<128x128xf32, #tpu.memory_space<vmem_shared>>
      %dma_start3A_56 = arith.constant 0 : i32
      %dma_start3A_57 = tpu.memref_slice %arg9[%add3A_46, %dma_start3A_56] : memref<10240x128xf32, #tpu.memory_space<vmem_shared>> -> memref<128x128xf32, #tpu.memory_space<vmem_shared>>
      tpu.enqueue_dma source(%dma_start3A_57 : memref<128x128xf32, #tpu.memory_space<vmem_shared>>) target(%arg8 : memref<128x128xf32, #tpu.memory_space<vmem>>) target_semaphore(%run_scoped3A : memref<!tpu.dma_semaphore, #tpu.memory_space<semaphore_mem>>)
      %dma_wait3A = arith.constant 0 : i32
      %dma_wait3A_58 = tpu.memref_slice %arg9[%add3A_46, %dma_wait3A] : memref<10240x128xf32, #tpu.memory_space<vmem_shared>> -> memref<128x128xf32, #tpu.memory_space<vmem_shared>>
      %dma_wait3A_59 = arith.constant 0 : i32
      %dma_wait3A_60 = tpu.memref_slice %arg9[%add3A_46, %dma_wait3A_59] : memref<10240x128xf32, #tpu.memory_space<vmem_shared>> -> memref<128x128xf32, #tpu.memory_space<vmem_shared>>
      tpu.wait_dma2 semaphore(%run_scoped3A : memref<!tpu.dma_semaphore, #tpu.memory_space<semaphore_mem>>) src(%dma_wait3A_60 : memref<128x128xf32, #tpu.memory_space<vmem_shared>>) dst(%arg8 : memref<128x128xf32, #tpu.memory_space<vmem>>)
      tpu.yield
    }) : () -> ()
    "tpu.region"() ({
      %run_scoped3A = tpu.sem_alloc : memref<!tpu.dma_semaphore, #tpu.memory_space<semaphore_mem>>
      %dma_start3A = arith.constant 0 : i32
      %dma_start3A_55 = tpu.memref_slice %arg5[%arg0, %add3A_46, %dma_start3A] : memref<2x10240x128xf32, #tpu.memory_space<hbm>> -> memref<1x128x128xf32, #tpu.memory_space<hbm>>
      %dma_start3A_56 = tpu.memref_squeeze %dma_start3A_55 : memref<1x128x128xf32, #tpu.memory_space<hbm>> -> memref<128x128xf32, #tpu.memory_space<hbm>>
      %dma_start3A_57 = arith.constant 0 : i32
      %dma_start3A_58 = tpu.memref_slice %arg5[%arg0, %add3A_46, %dma_start3A_57] : memref<2x10240x128xf32, #tpu.memory_space<hbm>> -> memref<1x128x128xf32, #tpu.memory_space<hbm>>
      %dma_start3A_59 = tpu.memref_squeeze %dma_start3A_58 : memref<1x128x128xf32, #tpu.memory_space<hbm>> -> memref<128x128xf32, #tpu.memory_space<hbm>>
      tpu.enqueue_dma source(%arg8 : memref<128x128xf32, #tpu.memory_space<vmem>>) target(%dma_start3A_59 : memref<128x128xf32, #tpu.memory_space<hbm>>) target_semaphore(%run_scoped3A : memref<!tpu.dma_semaphore, #tpu.memory_space<semaphore_mem>>)
      %dma_wait3A = arith.constant 0 : i32
      %dma_wait3A_60 = tpu.memref_slice %arg5[%arg0, %add3A_46, %dma_wait3A] : memref<2x10240x128xf32, #tpu.memory_space<hbm>> -> memref<1x128x128xf32, #tpu.memory_space<hbm>>
      %dma_wait3A_61 = tpu.memref_squeeze %dma_wait3A_60 : memref<1x128x128xf32, #tpu.memory_space<hbm>> -> memref<128x128xf32, #tpu.memory_space<hbm>>
      %dma_wait3A_62 = arith.constant 0 : i32
      %dma_wait3A_63 = tpu.memref_slice %arg5[%arg0, %add3A_46, %dma_wait3A_62] : memref<2x10240x128xf32, #tpu.memory_space<hbm>> -> memref<1x128x128xf32, #tpu.memory_space<hbm>>
      %dma_wait3A_64 = tpu.memref_squeeze %dma_wait3A_63 : memref<1x128x128xf32, #tpu.memory_space<hbm>> -> memref<128x128xf32, #tpu.memory_space<hbm>>
      tpu.wait_dma2 semaphore(%run_scoped3A : memref<!tpu.dma_semaphore, #tpu.memory_space<semaphore_mem>>) src(%arg8 : memref<128x128xf32, #tpu.memory_space<vmem>>) dst(%dma_wait3A_64 : memref<128x128xf32, #tpu.memory_space<hbm>>)
      tpu.yield
    }) : () -> ()
    %mul3A_47 = arith.constant 640 : i32
    %mul3A_48 = arith.muli %arg1, %mul3A_47 : i32
    %add3A_49 = arith.constant 384 : i32
    %add3A_50 = arith.addi %mul3A_48, %add3A_49 : i32
    "tpu.region"() ({
      %run_scoped3A = tpu.sem_alloc : memref<!tpu.dma_semaphore, #tpu.memory_space<semaphore_mem>>
      %dma_start3A = arith.constant 0 : i32
      %dma_start3A_55 = tpu.memref_slice %arg9[%add3A_50, %dma_start3A] : memref<10240x128xf32, #tpu.memory_space<vmem_shared>> -> memref<128x128xf32, #tpu.memory_space<vmem_shared>>
      %dma_start3A_56 = arith.constant 0 : i32
      %dma_start3A_57 = tpu.memref_slice %arg9[%add3A_50, %dma_start3A_56] : memref<10240x128xf32, #tpu.memory_space<vmem_shared>> -> memref<128x128xf32, #tpu.memory_space<vmem_shared>>
      tpu.enqueue_dma source(%dma_start3A_57 : memref<128x128xf32, #tpu.memory_space<vmem_shared>>) target(%arg8 : memref<128x128xf32, #tpu.memory_space<vmem>>) target_semaphore(%run_scoped3A : memref<!tpu.dma_semaphore, #tpu.memory_space<semaphore_mem>>)
      %dma_wait3A = arith.constant 0 : i32
      %dma_wait3A_58 = tpu.memref_slice %arg9[%add3A_50, %dma_wait3A] : memref<10240x128xf32, #tpu.memory_space<vmem_shared>> -> memref<128x128xf32, #tpu.memory_space<vmem_shared>>
      %dma_wait3A_59 = arith.constant 0 : i32
      %dma_wait3A_60 = tpu.memref_slice %arg9[%add3A_50, %dma_wait3A_59] : memref<10240x128xf32, #tpu.memory_space<vmem_shared>> -> memref<128x128xf32, #tpu.memory_space<vmem_shared>>
      tpu.wait_dma2 semaphore(%run_scoped3A : memref<!tpu.dma_semaphore, #tpu.memory_space<semaphore_mem>>) src(%dma_wait3A_60 : memref<128x128xf32, #tpu.memory_space<vmem_shared>>) dst(%arg8 : memref<128x128xf32, #tpu.memory_space<vmem>>)
      tpu.yield
    }) : () -> ()
    "tpu.region"() ({
      %run_scoped3A = tpu.sem_alloc : memref<!tpu.dma_semaphore, #tpu.memory_space<semaphore_mem>>
      %dma_start3A = arith.constant 0 : i32
      %dma_start3A_55 = tpu.memref_slice %arg5[%arg0, %add3A_50, %dma_start3A] : memref<2x10240x128xf32, #tpu.memory_space<hbm>> -> memref<1x128x128xf32, #tpu.memory_space<hbm>>
      %dma_start3A_56 = tpu.memref_squeeze %dma_start3A_55 : memref<1x128x128xf32, #tpu.memory_space<hbm>> -> memref<128x128xf32, #tpu.memory_space<hbm>>
      %dma_start3A_57 = arith.constant 0 : i32
      %dma_start3A_58 = tpu.memref_slice %arg5[%arg0, %add3A_50, %dma_start3A_57] : memref<2x10240x128xf32, #tpu.memory_space<hbm>> -> memref<1x128x128xf32, #tpu.memory_space<hbm>>
      %dma_start3A_59 = tpu.memref_squeeze %dma_start3A_58 : memref<1x128x128xf32, #tpu.memory_space<hbm>> -> memref<128x128xf32, #tpu.memory_space<hbm>>
      tpu.enqueue_dma source(%arg8 : memref<128x128xf32, #tpu.memory_space<vmem>>) target(%dma_start3A_59 : memref<128x128xf32, #tpu.memory_space<hbm>>) target_semaphore(%run_scoped3A : memref<!tpu.dma_semaphore, #tpu.memory_space<semaphore_mem>>)
      %dma_wait3A = arith.constant 0 : i32
      %dma_wait3A_60 = tpu.memref_slice %arg5[%arg0, %add3A_50, %dma_wait3A] : memref<2x10240x128xf32, #tpu.memory_space<hbm>> -> memref<1x128x128xf32, #tpu.memory_space<hbm>>
      %dma_wait3A_61 = tpu.memref_squeeze %dma_wait3A_60 : memref<1x128x128xf32, #tpu.memory_space<hbm>> -> memref<128x128xf32, #tpu.memory_space<hbm>>
      %dma_wait3A_62 = arith.constant 0 : i32
      %dma_wait3A_63 = tpu.memref_slice %arg5[%arg0, %add3A_50, %dma_wait3A_62] : memref<2x10240x128xf32, #tpu.memory_space<hbm>> -> memref<1x128x128xf32, #tpu.memory_space<hbm>>
      %dma_wait3A_64 = tpu.memref_squeeze %dma_wait3A_63 : memref<1x128x128xf32, #tpu.memory_space<hbm>> -> memref<128x128xf32, #tpu.memory_space<hbm>>
      tpu.wait_dma2 semaphore(%run_scoped3A : memref<!tpu.dma_semaphore, #tpu.memory_space<semaphore_mem>>) src(%arg8 : memref<128x128xf32, #tpu.memory_space<vmem>>) dst(%dma_wait3A_64 : memref<128x128xf32, #tpu.memory_space<hbm>>)
      tpu.yield
    }) : () -> ()
    %mul3A_51 = arith.constant 640 : i32
    %mul3A_52 = arith.muli %arg1, %mul3A_51 : i32
    %add3A_53 = arith.constant 512 : i32
    %add3A_54 = arith.addi %mul3A_52, %add3A_53 : i32
    "tpu.region"() ({
      %run_scoped3A = tpu.sem_alloc : memref<!tpu.dma_semaphore, #tpu.memory_space<semaphore_mem>>
      %dma_start3A = arith.constant 0 : i32
      %dma_start3A_55 = tpu.memref_slice %arg9[%add3A_54, %dma_start3A] : memref<10240x128xf32, #tpu.memory_space<vmem_shared>> -> memref<128x128xf32, #tpu.memory_space<vmem_shared>>
      %dma_start3A_56 = arith.constant 0 : i32
      %dma_start3A_57 = tpu.memref_slice %arg9[%add3A_54, %dma_start3A_56] : memref<10240x128xf32, #tpu.memory_space<vmem_shared>> -> memref<128x128xf32, #tpu.memory_space<vmem_shared>>
      tpu.enqueue_dma source(%dma_start3A_57 : memref<128x128xf32, #tpu.memory_space<vmem_shared>>) target(%arg8 : memref<128x128xf32, #tpu.memory_space<vmem>>) target_semaphore(%run_scoped3A : memref<!tpu.dma_semaphore, #tpu.memory_space<semaphore_mem>>)
      %dma_wait3A = arith.constant 0 : i32
      %dma_wait3A_58 = tpu.memref_slice %arg9[%add3A_54, %dma_wait3A] : memref<10240x128xf32, #tpu.memory_space<vmem_shared>> -> memref<128x128xf32, #tpu.memory_space<vmem_shared>>
      %dma_wait3A_59 = arith.constant 0 : i32
      %dma_wait3A_60 = tpu.memref_slice %arg9[%add3A_54, %dma_wait3A_59] : memref<10240x128xf32, #tpu.memory_space<vmem_shared>> -> memref<128x128xf32, #tpu.memory_space<vmem_shared>>
      tpu.wait_dma2 semaphore(%run_scoped3A : memref<!tpu.dma_semaphore, #tpu.memory_space<semaphore_mem>>) src(%dma_wait3A_60 : memref<128x128xf32, #tpu.memory_space<vmem_shared>>) dst(%arg8 : memref<128x128xf32, #tpu.memory_space<vmem>>)
      tpu.yield
    }) : () -> ()
    "tpu.region"() ({
      %run_scoped3A = tpu.sem_alloc : memref<!tpu.dma_semaphore, #tpu.memory_space<semaphore_mem>>
      %dma_start3A = arith.constant 0 : i32
      %dma_start3A_55 = tpu.memref_slice %arg5[%arg0, %add3A_54, %dma_start3A] : memref<2x10240x128xf32, #tpu.memory_space<hbm>> -> memref<1x128x128xf32, #tpu.memory_space<hbm>>
      %dma_start3A_56 = tpu.memref_squeeze %dma_start3A_55 : memref<1x128x128xf32, #tpu.memory_space<hbm>> -> memref<128x128xf32, #tpu.memory_space<hbm>>
      %dma_start3A_57 = arith.constant 0 : i32
      %dma_start3A_58 = tpu.memref_slice %arg5[%arg0, %add3A_54, %dma_start3A_57] : memref<2x10240x128xf32, #tpu.memory_space<hbm>> -> memref<1x128x128xf32, #tpu.memory_space<hbm>>
      %dma_start3A_59 = tpu.memref_squeeze %dma_start3A_58 : memref<1x128x128xf32, #tpu.memory_space<hbm>> -> memref<128x128xf32, #tpu.memory_space<hbm>>
      tpu.enqueue_dma source(%arg8 : memref<128x128xf32, #tpu.memory_space<vmem>>) target(%dma_start3A_59 : memref<128x128xf32, #tpu.memory_space<hbm>>) target_semaphore(%run_scoped3A : memref<!tpu.dma_semaphore, #tpu.memory_space<semaphore_mem>>)
      %dma_wait3A = arith.constant 0 : i32
      %dma_wait3A_60 = tpu.memref_slice %arg5[%arg0, %add3A_54, %dma_wait3A] : memref<2x10240x128xf32, #tpu.memory_space<hbm>> -> memref<1x128x128xf32, #tpu.memory_space<hbm>>
      %dma_wait3A_61 = tpu.memref_squeeze %dma_wait3A_60 : memref<1x128x128xf32, #tpu.memory_space<hbm>> -> memref<128x128xf32, #tpu.memory_space<hbm>>
      %dma_wait3A_62 = arith.constant 0 : i32
      %dma_wait3A_63 = tpu.memref_slice %arg5[%arg0, %add3A_54, %dma_wait3A_62] : memref<2x10240x128xf32, #tpu.memory_space<hbm>> -> memref<1x128x128xf32, #tpu.memory_space<hbm>>
      %dma_wait3A_64 = tpu.memref_squeeze %dma_wait3A_63 : memref<1x128x128xf32, #tpu.memory_space<hbm>> -> memref<128x128xf32, #tpu.memory_space<hbm>>
      tpu.wait_dma2 semaphore(%run_scoped3A : memref<!tpu.dma_semaphore, #tpu.memory_space<semaphore_mem>>) src(%arg8 : memref<128x128xf32, #tpu.memory_space<vmem>>) dst(%dma_wait3A_64 : memref<128x128xf32, #tpu.memory_space<hbm>>)
      tpu.yield
    }) : () -> ()
    return
  }
}

#map = affine_map<(d0, d1) -> (0, 0)>
#map1 = affine_map<(d0, d1) -> (0, 0, 0)>
module attributes {stable_mosaic.version = 14 : i64} {
  func.func @k(%arg0: i32, %arg1: i32, %arg2: memref<10000x128xf32, #tpu.memory_space<hbm>>, %arg3: memref<32x79x128xi32, #tpu.memory_space<hbm>>, %arg4: memref<32x79x128xi32, #tpu.memory_space<hbm>>, %arg5: memref<2x10240x128xf32, #tpu.memory_space<hbm>>, %arg6: memref<79x128xi32, #tpu.memory_space<vmem>>, %arg7: memref<79x128xi32, #tpu.memory_space<vmem>>, %arg8: memref<128x128xf32, #tpu.memory_space<vmem>>, %arg9: memref<10240x128xf32, #tpu.memory_space<vmem_shared>>, %arg10: memref<!tpu.dma_semaphore, #tpu.memory_space<semaphore_mem>>) attributes {dimension_semantics = [#tpu.dimension_semantics<core_parallel>, #tpu.dimension_semantics<subcore_parallel>], iteration_bounds = array<i64: 2, 16>, scalar_prefetch = 0 : i64, scratch_operands = 5 : i64, tpu.core_type = #tpu.core_type<sc_vector_subcore>, window_params = [{transform_indices = #map}, {transform_indices = #map1}, {transform_indices = #map1}, {transform_indices = #map1}]} {
    %mul3A = arith.constant 2 : i32
    %mul3A_0 = arith.muli %arg1, %mul3A : i32
    %add3A = arith.addi %mul3A_0, %arg0 : i32
    %scan3A = arith.constant 0 : i32
    %scan3A_1 = arith.constant 0 : i32
    %scan3A_2 = arith.constant 128 : i32
    %scan3A_3 = arith.addi %scan3A_1, %scan3A_2 : i32
    %scan3A_4 = arith.constant 1 : i32
    %scan3A_5 = scf.for %scan3A_55 = %scan3A_1 to %scan3A_3 step %scan3A_4 iter_args(%scan3A_56 = %scan3A) -> (i32)  : i32 {
      %broadcast_in_dim3A = arith.constant 0.000000e+00 : f32
      %broadcast_in_dim3A_57 = vector.broadcast %broadcast_in_dim3A : f32 to vector<16xf32>
      %swap3A = arith.index_cast %scan3A_55 : i32 to index
      %swap3A_58 = arith.constant 0 : index
      %swap3A_59 = tpu.vector_load %arg8[%swap3A, %swap3A_58] {strides = array<i32>} : memref<128x128xf32, #tpu.memory_space<vmem>>, vector<1x16xf32>,
      %swap3A_60 = vector.shape_cast %swap3A_59 : vector<1x16xf32> to vector<16xf32>
      %swap3A_61 = vector.shape_cast %broadcast_in_dim3A_57 : vector<16xf32> to vector<1x16xf32>
      tpu.vector_store %arg8[%swap3A, %swap3A_58], %swap3A_61 {strides = array<i32>} : memref<128x128xf32, #tpu.memory_space<vmem>>, vector<1x16xf32>,
      %broadcast_in_dim3A_62 = arith.constant 0.000000e+00 : f32
      %broadcast_in_dim3A_63 = vector.broadcast %broadcast_in_dim3A_62 : f32 to vector<16xf32>
      %swap3A_64 = arith.index_cast %scan3A_55 : i32 to index
      %swap3A_65 = arith.constant 16 : index
      %swap3A_66 = tpu.vector_load %arg8[%swap3A_64, %swap3A_65] {strides = array<i32>} : memref<128x128xf32, #tpu.memory_space<vmem>>, vector<1x16xf32>,
      %swap3A_67 = vector.shape_cast %swap3A_66 : vector<1x16xf32> to vector<16xf32>
      %swap3A_68 = vector.shape_cast %broadcast_in_dim3A_63 : vector<16xf32> to vector<1x16xf32>
      tpu.vector_store %arg8[%swap3A_64, %swap3A_65], %swap3A_68 {strides = array<i32>} : memref<128x128xf32, #tpu.memory_space<vmem>>, vector<1x16xf32>,
      %broadcast_in_dim3A_69 = arith.constant 0.000000e+00 : f32
      %broadcast_in_dim3A_70 = vector.broadcast %broadcast_in_dim3A_69 : f32 to vector<16xf32>
      %swap3A_71 = arith.index_cast %scan3A_55 : i32 to index
      %swap3A_72 = arith.constant 32 : index
      %swap3A_73 = tpu.vector_load %arg8[%swap3A_71, %swap3A_72] {strides = array<i32>} : memref<128x128xf32, #tpu.memory_space<vmem>>, vector<1x16xf32>,
      %swap3A_74 = vector.shape_cast %swap3A_73 : vector<1x16xf32> to vector<16xf32>
      %swap3A_75 = vector.shape_cast %broadcast_in_dim3A_70 : vector<16xf32> to vector<1x16xf32>
      tpu.vector_store %arg8[%swap3A_71, %swap3A_72], %swap3A_75 {strides = array<i32>} : memref<128x128xf32, #tpu.memory_space<vmem>>, vector<1x16xf32>,
      %broadcast_in_dim3A_76 = arith.constant 0.000000e+00 : f32
      %broadcast_in_dim3A_77 = vector.broadcast %broadcast_in_dim3A_76 : f32 to vector<16xf32>
      %swap3A_78 = arith.index_cast %scan3A_55 : i32 to index
      %swap3A_79 = arith.constant 48 : index
      %swap3A_80 = tpu.vector_load %arg8[%swap3A_78, %swap3A_79] {strides = array<i32>} : memref<128x128xf32, #tpu.memory_space<vmem>>, vector<1x16xf32>,
      %swap3A_81 = vector.shape_cast %swap3A_80 : vector<1x16xf32> to vector<16xf32>
      %swap3A_82 = vector.shape_cast %broadcast_in_dim3A_77 : vector<16xf32> to vector<1x16xf32>
      tpu.vector_store %arg8[%swap3A_78, %swap3A_79], %swap3A_82 {strides = array<i32>} : memref<128x128xf32, #tpu.memory_space<vmem>>, vector<1x16xf32>,
      %broadcast_in_dim3A_83 = arith.constant 0.000000e+00 : f32
      %broadcast_in_dim3A_84 = vector.broadcast %broadcast_in_dim3A_83 : f32 to vector<16xf32>
      %swap3A_85 = arith.index_cast %scan3A_55 : i32 to index
      %swap3A_86 = arith.constant 64 : index
      %swap3A_87 = tpu.vector_load %arg8[%swap3A_85, %swap3A_86] {strides = array<i32>} : memref<128x128xf32, #tpu.memory_space<vmem>>, vector<1x16xf32>,
      %swap3A_88 = vector.shape_cast %swap3A_87 : vector<1x16xf32> to vector<16xf32>
      %swap3A_89 = vector.shape_cast %broadcast_in_dim3A_84 : vector<16xf32> to vector<1x16xf32>
      tpu.vector_store %arg8[%swap3A_85, %swap3A_86], %swap3A_89 {strides = array<i32>} : memref<128x128xf32, #tpu.memory_space<vmem>>, vector<1x16xf32>,
      %broadcast_in_dim3A_90 = arith.constant 0.000000e+00 : f32
      %broadcast_in_dim3A_91 = vector.broadcast %broadcast_in_dim3A_90 : f32 to vector<16xf32>
      %swap3A_92 = arith.index_cast %scan3A_55 : i32 to index
      %swap3A_93 = arith.constant 80 : index
      %swap3A_94 = tpu.vector_load %arg8[%swap3A_92, %swap3A_93] {strides = array<i32>} : memref<128x128xf32, #tpu.memory_space<vmem>>, vector<1x16xf32>,
      %swap3A_95 = vector.shape_cast %swap3A_94 : vector<1x16xf32> to vector<16xf32>
      %swap3A_96 = vector.shape_cast %broadcast_in_dim3A_91 : vector<16xf32> to vector<1x16xf32>
      tpu.vector_store %arg8[%swap3A_92, %swap3A_93], %swap3A_96 {strides = array<i32>} : memref<128x128xf32, #tpu.memory_space<vmem>>, vector<1x16xf32>,
      %broadcast_in_dim3A_97 = arith.constant 0.000000e+00 : f32
      %broadcast_in_dim3A_98 = vector.broadcast %broadcast_in_dim3A_97 : f32 to vector<16xf32>
      %swap3A_99 = arith.index_cast %scan3A_55 : i32 to index
      %swap3A_100 = arith.constant 96 : index
      %swap3A_101 = tpu.vector_load %arg8[%swap3A_99, %swap3A_100] {strides = array<i32>} : memref<128x128xf32, #tpu.memory_space<vmem>>, vector<1x16xf32>,
      %swap3A_102 = vector.shape_cast %swap3A_101 : vector<1x16xf32> to vector<16xf32>
      %swap3A_103 = vector.shape_cast %broadcast_in_dim3A_98 : vector<16xf32> to vector<1x16xf32>
      tpu.vector_store %arg8[%swap3A_99, %swap3A_100], %swap3A_103 {strides = array<i32>} : memref<128x128xf32, #tpu.memory_space<vmem>>, vector<1x16xf32>,
      %broadcast_in_dim3A_104 = arith.constant 0.000000e+00 : f32
      %broadcast_in_dim3A_105 = vector.broadcast %broadcast_in_dim3A_104 : f32 to vector<16xf32>
      %swap3A_106 = arith.index_cast %scan3A_55 : i32 to index
      %swap3A_107 = arith.constant 112 : index
      %swap3A_108 = tpu.vector_load %arg8[%swap3A_106, %swap3A_107] {strides = array<i32>} : memref<128x128xf32, #tpu.memory_space<vmem>>, vector<1x16xf32>,
      %swap3A_109 = vector.shape_cast %swap3A_108 : vector<1x16xf32> to vector<16xf32>
      %swap3A_110 = vector.shape_cast %broadcast_in_dim3A_105 : vector<16xf32> to vector<1x16xf32>
      tpu.vector_store %arg8[%swap3A_106, %swap3A_107], %swap3A_110 {strides = array<i32>} : memref<128x128xf32, #tpu.memory_space<vmem>>, vector<1x16xf32>,
      %scan3A_111 = arith.constant 0 : i32
      scf.yield %scan3A_111 : i32
    }
    %scan3A_6 = arith.constant 128 : i32
    %mul3A_7 = arith.constant 640 : i32
    %mul3A_8 = arith.muli %arg1, %mul3A_7 : i32
    %add3A_9 = arith.constant 0 : i32
    %add3A_10 = arith.addi %mul3A_8, %add3A_9 : i32
    "tpu.region"() ({
      %run_scoped3A = tpu.sem_alloc : memref<!tpu.dma_semaphore, #tpu.memory_space<semaphore_mem>>
      %dma_start3A = arith.constant 0 : i32
      %dma_start3A_55 = tpu.memref_slice %arg9[%add3A_10, %dma_start3A] : memref<10240x128xf32, #tpu.memory_space<vmem_shared>> -> memref<128x128xf32, #tpu.memory_space<vmem_shared>>
      %dma_start3A_56 = arith.constant 0 : i32
      %dma_start3A_57 = tpu.memref_slice %arg9[%add3A_10, %dma_start3A_56] : memref<10240x128xf32, #tpu.memory_space<vmem_shared>> -> memref<128x128xf32, #tpu.memory_space<vmem_shared>>
      tpu.enqueue_dma source(%arg8 : memref<128x128xf32, #tpu.memory_space<vmem>>) target(%dma_start3A_57 : memref<128x128xf32, #tpu.memory_space<vmem_shared>>) target_semaphore(%run_scoped3A : memref<!tpu.dma_semaphore, #tpu.memory_space<semaphore_mem>>)
      %dma_wait3A = arith.constant 0 : i32
      %dma_wait3A_58 = tpu.memref_slice %arg9[%add3A_10, %dma_wait3A] : memref<10240x128xf32, #tpu.memory_space<vmem_shared>> -> memref<128x128xf32, #tpu.memory_space<vmem_shared>>
      %dma_wait3A_59 = arith.constant 0 : i32
      %dma_wait3A_60 = tpu.memref_slice %arg9[%add3A_10, %dma_wait3A_59] : memref<10240x128xf32, #tpu.memory_space<vmem_shared>> -> memref<128x128xf32, #tpu.memory_space<vmem_shared>>
      tpu.wait_dma2 semaphore(%run_scoped3A : memref<!tpu.dma_semaphore, #tpu.memory_space<semaphore_mem>>) src(%arg8 : memref<128x128xf32, #tpu.memory_space<vmem>>) dst(%dma_wait3A_60 : memref<128x128xf32, #tpu.memory_space<vmem_shared>>)
      tpu.yield
    }) : () -> ()
    %mul3A_11 = arith.constant 640 : i32
    %mul3A_12 = arith.muli %arg1, %mul3A_11 : i32
    %add3A_13 = arith.constant 128 : i32
    %add3A_14 = arith.addi %mul3A_12, %add3A_13 : i32
    "tpu.region"() ({
      %run_scoped3A = tpu.sem_alloc : memref<!tpu.dma_semaphore, #tpu.memory_space<semaphore_mem>>
      %dma_start3A = arith.constant 0 : i32
      %dma_start3A_55 = tpu.memref_slice %arg9[%add3A_14, %dma_start3A] : memref<10240x128xf32, #tpu.memory_space<vmem_shared>> -> memref<128x128xf32, #tpu.memory_space<vmem_shared>>
      %dma_start3A_56 = arith.constant 0 : i32
      %dma_start3A_57 = tpu.memref_slice %arg9[%add3A_14, %dma_start3A_56] : memref<10240x128xf32, #tpu.memory_space<vmem_shared>> -> memref<128x128xf32, #tpu.memory_space<vmem_shared>>
      tpu.enqueue_dma source(%arg8 : memref<128x128xf32, #tpu.memory_space<vmem>>) target(%dma_start3A_57 : memref<128x128xf32, #tpu.memory_space<vmem_shared>>) target_semaphore(%run_scoped3A : memref<!tpu.dma_semaphore, #tpu.memory_space<semaphore_mem>>)
      %dma_wait3A = arith.constant 0 : i32
      %dma_wait3A_58 = tpu.memref_slice %arg9[%add3A_14, %dma_wait3A] : memref<10240x128xf32, #tpu.memory_space<vmem_shared>> -> memref<128x128xf32, #tpu.memory_space<vmem_shared>>
      %dma_wait3A_59 = arith.constant 0 : i32
      %dma_wait3A_60 = tpu.memref_slice %arg9[%add3A_14, %dma_wait3A_59] : memref<10240x128xf32, #tpu.memory_space<vmem_shared>> -> memref<128x128xf32, #tpu.memory_space<vmem_shared>>
      tpu.wait_dma2 semaphore(%run_scoped3A : memref<!tpu.dma_semaphore, #tpu.memory_space<semaphore_mem>>) src(%arg8 : memref<128x128xf32, #tpu.memory_space<vmem>>) dst(%dma_wait3A_60 : memref<128x128xf32, #tpu.memory_space<vmem_shared>>)
      tpu.yield
    }) : () -> ()
    %mul3A_15 = arith.constant 640 : i32
    %mul3A_16 = arith.muli %arg1, %mul3A_15 : i32
    %add3A_17 = arith.constant 256 : i32
    %add3A_18 = arith.addi %mul3A_16, %add3A_17 : i32
    "tpu.region"() ({
      %run_scoped3A = tpu.sem_alloc : memref<!tpu.dma_semaphore, #tpu.memory_space<semaphore_mem>>
      %dma_start3A = arith.constant 0 : i32
      %dma_start3A_55 = tpu.memref_slice %arg9[%add3A_18, %dma_start3A] : memref<10240x128xf32, #tpu.memory_space<vmem_shared>> -> memref<128x128xf32, #tpu.memory_space<vmem_shared>>
      %dma_start3A_56 = arith.constant 0 : i32
      %dma_start3A_57 = tpu.memref_slice %arg9[%add3A_18, %dma_start3A_56] : memref<10240x128xf32, #tpu.memory_space<vmem_shared>> -> memref<128x128xf32, #tpu.memory_space<vmem_shared>>
      tpu.enqueue_dma source(%arg8 : memref<128x128xf32, #tpu.memory_space<vmem>>) target(%dma_start3A_57 : memref<128x128xf32, #tpu.memory_space<vmem_shared>>) target_semaphore(%run_scoped3A : memref<!tpu.dma_semaphore, #tpu.memory_space<semaphore_mem>>)
      %dma_wait3A = arith.constant 0 : i32
      %dma_wait3A_58 = tpu.memref_slice %arg9[%add3A_18, %dma_wait3A] : memref<10240x128xf32, #tpu.memory_space<vmem_shared>> -> memref<128x128xf32, #tpu.memory_space<vmem_shared>>
      %dma_wait3A_59 = arith.constant 0 : i32
      %dma_wait3A_60 = tpu.memref_slice %arg9[%add3A_18, %dma_wait3A_59] : memref<10240x128xf32, #tpu.memory_space<vmem_shared>> -> memref<128x128xf32, #tpu.memory_space<vmem_shared>>
      tpu.wait_dma2 semaphore(%run_scoped3A : memref<!tpu.dma_semaphore, #tpu.memory_space<semaphore_mem>>) src(%arg8 : memref<128x128xf32, #tpu.memory_space<vmem>>) dst(%dma_wait3A_60 : memref<128x128xf32, #tpu.memory_space<vmem_shared>>)
      tpu.yield
    }) : () -> ()
    %mul3A_19 = arith.constant 640 : i32
    %mul3A_20 = arith.muli %arg1, %mul3A_19 : i32
    %add3A_21 = arith.constant 384 : i32
    %add3A_22 = arith.addi %mul3A_20, %add3A_21 : i32
    "tpu.region"() ({
      %run_scoped3A = tpu.sem_alloc : memref<!tpu.dma_semaphore, #tpu.memory_space<semaphore_mem>>
      %dma_start3A = arith.constant 0 : i32
      %dma_start3A_55 = tpu.memref_slice %arg9[%add3A_22, %dma_start3A] : memref<10240x128xf32, #tpu.memory_space<vmem_shared>> -> memref<128x128xf32, #tpu.memory_space<vmem_shared>>
      %dma_start3A_56 = arith.constant 0 : i32
      %dma_start3A_57 = tpu.memref_slice %arg9[%add3A_22, %dma_start3A_56] : memref<10240x128xf32, #tpu.memory_space<vmem_shared>> -> memref<128x128xf32, #tpu.memory_space<vmem_shared>>
      tpu.enqueue_dma source(%arg8 : memref<128x128xf32, #tpu.memory_space<vmem>>) target(%dma_start3A_57 : memref<128x128xf32, #tpu.memory_space<vmem_shared>>) target_semaphore(%run_scoped3A : memref<!tpu.dma_semaphore, #tpu.memory_space<semaphore_mem>>)
      %dma_wait3A = arith.constant 0 : i32
      %dma_wait3A_58 = tpu.memref_slice %arg9[%add3A_22, %dma_wait3A] : memref<10240x128xf32, #tpu.memory_space<vmem_shared>> -> memref<128x128xf32, #tpu.memory_space<vmem_shared>>
      %dma_wait3A_59 = arith.constant 0 : i32
      %dma_wait3A_60 = tpu.memref_slice %arg9[%add3A_22, %dma_wait3A_59] : memref<10240x128xf32, #tpu.memory_space<vmem_shared>> -> memref<128x128xf32, #tpu.memory_space<vmem_shared>>
      tpu.wait_dma2 semaphore(%run_scoped3A : memref<!tpu.dma_semaphore, #tpu.memory_space<semaphore_mem>>) src(%arg8 : memref<128x128xf32, #tpu.memory_space<vmem>>) dst(%dma_wait3A_60 : memref<128x128xf32, #tpu.memory_space<vmem_shared>>)
      tpu.yield
    }) : () -> ()
    %mul3A_23 = arith.constant 640 : i32
    %mul3A_24 = arith.muli %arg1, %mul3A_23 : i32
    %add3A_25 = arith.constant 512 : i32
    %add3A_26 = arith.addi %mul3A_24, %add3A_25 : i32
    "tpu.region"() ({
      %run_scoped3A = tpu.sem_alloc : memref<!tpu.dma_semaphore, #tpu.memory_space<semaphore_mem>>
      %dma_start3A = arith.constant 0 : i32
      %dma_start3A_55 = tpu.memref_slice %arg9[%add3A_26, %dma_start3A] : memref<10240x128xf32, #tpu.memory_space<vmem_shared>> -> memref<128x128xf32, #tpu.memory_space<vmem_shared>>
      %dma_start3A_56 = arith.constant 0 : i32
      %dma_start3A_57 = tpu.memref_slice %arg9[%add3A_26, %dma_start3A_56] : memref<10240x128xf32, #tpu.memory_space<vmem_shared>> -> memref<128x128xf32, #tpu.memory_space<vmem_shared>>
      tpu.enqueue_dma source(%arg8 : memref<128x128xf32, #tpu.memory_space<vmem>>) target(%dma_start3A_57 : memref<128x128xf32, #tpu.memory_space<vmem_shared>>) target_semaphore(%run_scoped3A : memref<!tpu.dma_semaphore, #tpu.memory_space<semaphore_mem>>)
      %dma_wait3A = arith.constant 0 : i32
      %dma_wait3A_58 = tpu.memref_slice %arg9[%add3A_26, %dma_wait3A] : memref<10240x128xf32, #tpu.memory_space<vmem_shared>> -> memref<128x128xf32, #tpu.memory_space<vmem_shared>>
      %dma_wait3A_59 = arith.constant 0 : i32
      %dma_wait3A_60 = tpu.memref_slice %arg9[%add3A_26, %dma_wait3A_59] : memref<10240x128xf32, #tpu.memory_space<vmem_shared>> -> memref<128x128xf32, #tpu.memory_space<vmem_shared>>
      tpu.wait_dma2 semaphore(%run_scoped3A : memref<!tpu.dma_semaphore, #tpu.memory_space<semaphore_mem>>) src(%arg8 : memref<128x128xf32, #tpu.memory_space<vmem>>) dst(%dma_wait3A_60 : memref<128x128xf32, #tpu.memory_space<vmem_shared>>)
      tpu.yield
    }) : () -> ()
    "tpu.region"() ({
      %run_scoped3A = tpu.sem_alloc : memref<!tpu.dma_semaphore, #tpu.memory_space<semaphore_mem>>
      %dma_start3A = arith.constant 0 : i32
      %dma_start3A_55 = arith.constant 0 : i32
      %dma_start3A_56 = tpu.memref_slice %arg3[%add3A, %dma_start3A, %dma_start3A_55] : memref<32x79x128xi32, #tpu.memory_space<hbm>> -> memref<1x79x128xi32, #tpu.memory_space<hbm>>
      %dma_start3A_57 = tpu.memref_squeeze %dma_start3A_56 : memref<1x79x128xi32, #tpu.memory_space<hbm>> -> memref<79x128xi32, #tpu.memory_space<hbm>>
      %dma_start3A_58 = arith.constant 0 : i32
      %dma_start3A_59 = arith.constant 0 : i32
      %dma_start3A_60 = tpu.memref_slice %arg3[%add3A, %dma_start3A_58, %dma_start3A_59] : memref<32x79x128xi32, #tpu.memory_space<hbm>> -> memref<1x79x128xi32, #tpu.memory_space<hbm>>
      %dma_start3A_61 = tpu.memref_squeeze %dma_start3A_60 : memref<1x79x128xi32, #tpu.memory_space<hbm>> -> memref<79x128xi32, #tpu.memory_space<hbm>>
      tpu.enqueue_dma source(%dma_start3A_61 : memref<79x128xi32, #tpu.memory_space<hbm>>) target(%arg6 : memref<79x128xi32, #tpu.memory_space<vmem>>) target_semaphore(%run_scoped3A : memref<!tpu.dma_semaphore, #tpu.memory_space<semaphore_mem>>)
      %dma_wait3A = arith.constant 0 : i32
      %dma_wait3A_62 = arith.constant 0 : i32
      %dma_wait3A_63 = tpu.memref_slice %arg3[%add3A, %dma_wait3A, %dma_wait3A_62] : memref<32x79x128xi32, #tpu.memory_space<hbm>> -> memref<1x79x128xi32, #tpu.memory_space<hbm>>
      %dma_wait3A_64 = tpu.memref_squeeze %dma_wait3A_63 : memref<1x79x128xi32, #tpu.memory_space<hbm>> -> memref<79x128xi32, #tpu.memory_space<hbm>>
      %dma_wait3A_65 = arith.constant 0 : i32
      %dma_wait3A_66 = arith.constant 0 : i32
      %dma_wait3A_67 = tpu.memref_slice %arg3[%add3A, %dma_wait3A_65, %dma_wait3A_66] : memref<32x79x128xi32, #tpu.memory_space<hbm>> -> memref<1x79x128xi32, #tpu.memory_space<hbm>>
      %dma_wait3A_68 = tpu.memref_squeeze %dma_wait3A_67 : memref<1x79x128xi32, #tpu.memory_space<hbm>> -> memref<79x128xi32, #tpu.memory_space<hbm>>
      tpu.wait_dma2 semaphore(%run_scoped3A : memref<!tpu.dma_semaphore, #tpu.memory_space<semaphore_mem>>) src(%dma_wait3A_68 : memref<79x128xi32, #tpu.memory_space<hbm>>) dst(%arg6 : memref<79x128xi32, #tpu.memory_space<vmem>>)
      tpu.yield
    }) : () -> ()
    "tpu.region"() ({
      %run_scoped3A = tpu.sem_alloc : memref<!tpu.dma_semaphore, #tpu.memory_space<semaphore_mem>>
      %dma_start3A = arith.constant 0 : i32
      %dma_start3A_55 = arith.constant 0 : i32
      %dma_start3A_56 = tpu.memref_slice %arg4[%add3A, %dma_start3A, %dma_start3A_55] : memref<32x79x128xi32, #tpu.memory_space<hbm>> -> memref<1x79x128xi32, #tpu.memory_space<hbm>>
      %dma_start3A_57 = tpu.memref_squeeze %dma_start3A_56 : memref<1x79x128xi32, #tpu.memory_space<hbm>> -> memref<79x128xi32, #tpu.memory_space<hbm>>
      %dma_start3A_58 = arith.constant 0 : i32
      %dma_start3A_59 = arith.constant 0 : i32
      %dma_start3A_60 = tpu.memref_slice %arg4[%add3A, %dma_start3A_58, %dma_start3A_59] : memref<32x79x128xi32, #tpu.memory_space<hbm>> -> memref<1x79x128xi32, #tpu.memory_space<hbm>>
      %dma_start3A_61 = tpu.memref_squeeze %dma_start3A_60 : memref<1x79x128xi32, #tpu.memory_space<hbm>> -> memref<79x128xi32, #tpu.memory_space<hbm>>
      tpu.enqueue_dma source(%dma_start3A_61 : memref<79x128xi32, #tpu.memory_space<hbm>>) target(%arg7 : memref<79x128xi32, #tpu.memory_space<vmem>>) target_semaphore(%run_scoped3A : memref<!tpu.dma_semaphore, #tpu.memory_space<semaphore_mem>>)
      %dma_wait3A = arith.constant 0 : i32
      %dma_wait3A_62 = arith.constant 0 : i32
      %dma_wait3A_63 = tpu.memref_slice %arg4[%add3A, %dma_wait3A, %dma_wait3A_62] : memref<32x79x128xi32, #tpu.memory_space<hbm>> -> memref<1x79x128xi32, #tpu.memory_space<hbm>>
      %dma_wait3A_64 = tpu.memref_squeeze %dma_wait3A_63 : memref<1x79x128xi32, #tpu.memory_space<hbm>> -> memref<79x128xi32, #tpu.memory_space<hbm>>
      %dma_wait3A_65 = arith.constant 0 : i32
      %dma_wait3A_66 = arith.constant 0 : i32
      %dma_wait3A_67 = tpu.memref_slice %arg4[%add3A, %dma_wait3A_65, %dma_wait3A_66] : memref<32x79x128xi32, #tpu.memory_space<hbm>> -> memref<1x79x128xi32, #tpu.memory_space<hbm>>
      %dma_wait3A_68 = tpu.memref_squeeze %dma_wait3A_67 : memref<1x79x128xi32, #tpu.memory_space<hbm>> -> memref<79x128xi32, #tpu.memory_space<hbm>>
      tpu.wait_dma2 semaphore(%run_scoped3A : memref<!tpu.dma_semaphore, #tpu.memory_space<semaphore_mem>>) src(%dma_wait3A_68 : memref<79x128xi32, #tpu.memory_space<hbm>>) dst(%arg7 : memref<79x128xi32, #tpu.memory_space<vmem>>)
      tpu.yield
    }) : () -> ()
    %barrier3A = arith.constant 0 : index
    tpu.barrier barrier_id(%barrier3A)
    %scan3A_27 = arith.constant 0 : i32
    %scan3A_28 = arith.constant 0 : i32
    %scan3A_29 = arith.constant 79 : i32
    %scan3A_30 = arith.addi %scan3A_28, %scan3A_29 : i32
    %scan3A_31 = arith.constant 1 : i32
    %scan3A_32 = scf.for %scan3A_55 = %scan3A_28 to %scan3A_30 step %scan3A_31 iter_args(%scan3A_56 = %scan3A_27) -> (i32)  : i32 {
      %dma_start3A = arith.constant 0 : i32
      %dma_start3A_57 = tpu.memref_slice %arg6[%scan3A_55, %dma_start3A] : memref<79x128xi32, #tpu.memory_space<vmem>> -> memref<1x128xi32, #tpu.memory_space<vmem>>
      %dma_start3A_58 = tpu.memref_squeeze %dma_start3A_57 : memref<1x128xi32, #tpu.memory_space<vmem>> -> memref<128xi32, #tpu.memory_space<vmem>>
      %dma_start3A_59 = arith.constant 0 : i32
      %dma_start3A_60 = arith.constant 0 : i32
      %dma_start3A_61 = tpu.memref_slice %arg2[%dma_start3A_59, %dma_start3A_60] : memref<10000x128xf32, #tpu.memory_space<hbm>> -> memref<10000x128xf32, #tpu.memory_space<hbm>>
      tpu.enqueue_indirect_dma source(%dma_start3A_61 : memref<10000x128xf32, #tpu.memory_space<hbm>>) target(%arg8 : memref<128x128xf32, #tpu.memory_space<vmem>>) offsets(%dma_start3A_58 : memref<128xi32, #tpu.memory_space<vmem>>) semaphore(%arg10 : memref<!tpu.dma_semaphore, #tpu.memory_space<semaphore_mem>>)
      %dma_wait3A = arith.constant 0 : i32
      %dma_wait3A_62 = tpu.memref_slice %arg6[%scan3A_55, %dma_wait3A] : memref<79x128xi32, #tpu.memory_space<vmem>> -> memref<1x128xi32, #tpu.memory_space<vmem>>
      %dma_wait3A_63 = tpu.memref_squeeze %dma_wait3A_62 : memref<1x128xi32, #tpu.memory_space<vmem>> -> memref<128xi32, #tpu.memory_space<vmem>>
      %dma_wait3A_64 = arith.constant 0 : i32
      %dma_wait3A_65 = arith.constant 0 : i32
      %dma_wait3A_66 = tpu.memref_slice %arg2[%dma_wait3A_64, %dma_wait3A_65] : memref<10000x128xf32, #tpu.memory_space<hbm>> -> memref<10000x128xf32, #tpu.memory_space<hbm>>
      tpu.wait_indirect_dma semaphore(%arg10 : memref<!tpu.dma_semaphore, #tpu.memory_space<semaphore_mem>>) src(%dma_wait3A_66 : memref<10000x128xf32, #tpu.memory_space<hbm>>) dst(%arg8 : memref<128x128xf32, #tpu.memory_space<vmem>>)
      "tpu.region"() ({
        %run_scoped3A = tpu.sem_alloc : memref<!tpu.dma_semaphore, #tpu.memory_space<semaphore_mem>>
        %dma_start3A_68 = arith.constant 0 : i32
        %dma_start3A_69 = tpu.memref_slice %arg7[%scan3A_55, %dma_start3A_68] : memref<79x128xi32, #tpu.memory_space<vmem>> -> memref<1x128xi32, #tpu.memory_space<vmem>>
        %dma_start3A_70 = tpu.memref_squeeze %dma_start3A_69 : memref<1x128xi32, #tpu.memory_space<vmem>> -> memref<128xi32, #tpu.memory_space<vmem>>
        %dma_start3A_71 = arith.constant 0 : i32
        %dma_start3A_72 = arith.constant 0 : i32
        %dma_start3A_73 = tpu.memref_slice %arg9[%dma_start3A_71, %dma_start3A_72] : memref<10240x128xf32, #tpu.memory_space<vmem_shared>> -> memref<10240x128xf32, #tpu.memory_space<vmem_shared>>
        tpu.enqueue_indirect_dma source(%arg8 : memref<128x128xf32, #tpu.memory_space<vmem>>) target(%dma_start3A_73 : memref<10240x128xf32, #tpu.memory_space<vmem_shared>>) offsets(%dma_start3A_70 : memref<128xi32, #tpu.memory_space<vmem>>) semaphore(%run_scoped3A : memref<!tpu.dma_semaphore, #tpu.memory_space<semaphore_mem>>) {add = true}
        %dma_wait3A_74 = arith.constant 0 : i32
        %dma_wait3A_75 = tpu.memref_slice %arg7[%scan3A_55, %dma_wait3A_74] : memref<79x128xi32, #tpu.memory_space<vmem>> -> memref<1x128xi32, #tpu.memory_space<vmem>>
        %dma_wait3A_76 = tpu.memref_squeeze %dma_wait3A_75 : memref<1x128xi32, #tpu.memory_space<vmem>> -> memref<128xi32, #tpu.memory_space<vmem>>
        %dma_wait3A_77 = arith.constant 0 : i32
        %dma_wait3A_78 = arith.constant 0 : i32
        %dma_wait3A_79 = tpu.memref_slice %arg9[%dma_wait3A_77, %dma_wait3A_78] : memref<10240x128xf32, #tpu.memory_space<vmem_shared>> -> memref<10240x128xf32, #tpu.memory_space<vmem_shared>>
        tpu.wait_indirect_dma semaphore(%run_scoped3A : memref<!tpu.dma_semaphore, #tpu.memory_space<semaphore_mem>>) src(%arg8 : memref<128x128xf32, #tpu.memory_space<vmem>>) dst(%dma_wait3A_79 : memref<10240x128xf32, #tpu.memory_space<vmem_shared>>)
        tpu.yield
      }) : () -> ()
      %scan3A_67 = arith.constant 0 : i32
      scf.yield %scan3A_67 : i32
    }
    %scan3A_33 = arith.constant 79 : i32
    %barrier3A_34 = arith.constant 0 : index
    tpu.barrier barrier_id(%barrier3A_34)
    %mul3A_35 = arith.constant 640 : i32
    %mul3A_36 = arith.muli %arg1, %mul3A_35 : i32
    %add3A_37 = arith.constant 0 : i32
    %add3A_38 = arith.addi %mul3A_36, %add3A_37 : i32
    "tpu.region"() ({
      %run_scoped3A = tpu.sem_alloc : memref<!tpu.dma_semaphore, #tpu.memory_space<semaphore_mem>>
      %dma_start3A = arith.constant 0 : i32
      %dma_start3A_55 = tpu.memref_slice %arg9[%add3A_38, %dma_start3A] : memref<10240x128xf32, #tpu.memory_space<vmem_shared>> -> memref<128x128xf32, #tpu.memory_space<vmem_shared>>
      %dma_start3A_56 = arith.constant 0 : i32
      %dma_start3A_57 = tpu.memref_slice %arg9[%add3A_38, %dma_start3A_56] : memref<10240x128xf32, #tpu.memory_space<vmem_shared>> -> memref<128x128xf32, #tpu.memory_space<vmem_shared>>
      tpu.enqueue_dma source(%dma_start3A_57 : memref<128x128xf32, #tpu.memory_space<vmem_shared>>) target(%arg8 : memref<128x128xf32, #tpu.memory_space<vmem>>) target_semaphore(%run_scoped3A : memref<!tpu.dma_semaphore, #tpu.memory_space<semaphore_mem>>)
      %dma_wait3A = arith.constant 0 : i32
      %dma_wait3A_58 = tpu.memref_slice %arg9[%add3A_38, %dma_wait3A] : memref<10240x128xf32, #tpu.memory_space<vmem_shared>> -> memref<128x128xf32, #tpu.memory_space<vmem_shared>>
      %dma_wait3A_59 = arith.constant 0 : i32
      %dma_wait3A_60 = tpu.memref_slice %arg9[%add3A_38, %dma_wait3A_59] : memref<10240x128xf32, #tpu.memory_space<vmem_shared>> -> memref<128x128xf32, #tpu.memory_space<vmem_shared>>
      tpu.wait_dma2 semaphore(%run_scoped3A : memref<!tpu.dma_semaphore, #tpu.memory_space<semaphore_mem>>) src(%dma_wait3A_60 : memref<128x128xf32, #tpu.memory_space<vmem_shared>>) dst(%arg8 : memref<128x128xf32, #tpu.memory_space<vmem>>)
      tpu.yield
    }) : () -> ()
    "tpu.region"() ({
      %run_scoped3A = tpu.sem_alloc : memref<!tpu.dma_semaphore, #tpu.memory_space<semaphore_mem>>
      %dma_start3A = arith.constant 0 : i32
      %dma_start3A_55 = tpu.memref_slice %arg5[%arg0, %add3A_38, %dma_start3A] : memref<2x10240x128xf32, #tpu.memory_space<hbm>> -> memref<1x128x128xf32, #tpu.memory_space<hbm>>
      %dma_start3A_56 = tpu.memref_squeeze %dma_start3A_55 : memref<1x128x128xf32, #tpu.memory_space<hbm>> -> memref<128x128xf32, #tpu.memory_space<hbm>>
      %dma_start3A_57 = arith.constant 0 : i32
      %dma_start3A_58 = tpu.memref_slice %arg5[%arg0, %add3A_38, %dma_start3A_57] : memref<2x10240x128xf32, #tpu.memory_space<hbm>> -> memref<1x128x128xf32, #tpu.memory_space<hbm>>
      %dma_start3A_59 = tpu.memref_squeeze %dma_start3A_58 : memref<1x128x128xf32, #tpu.memory_space<hbm>> -> memref<128x128xf32, #tpu.memory_space<hbm>>
      tpu.enqueue_dma source(%arg8 : memref<128x128xf32, #tpu.memory_space<vmem>>) target(%dma_start3A_59 : memref<128x128xf32, #tpu.memory_space<hbm>>) target_semaphore(%run_scoped3A : memref<!tpu.dma_semaphore, #tpu.memory_space<semaphore_mem>>)
      %dma_wait3A = arith.constant 0 : i32
      %dma_wait3A_60 = tpu.memref_slice %arg5[%arg0, %add3A_38, %dma_wait3A] : memref<2x10240x128xf32, #tpu.memory_space<hbm>> -> memref<1x128x128xf32, #tpu.memory_space<hbm>>
      %dma_wait3A_61 = tpu.memref_squeeze %dma_wait3A_60 : memref<1x128x128xf32, #tpu.memory_space<hbm>> -> memref<128x128xf32, #tpu.memory_space<hbm>>
      %dma_wait3A_62 = arith.constant 0 : i32
      %dma_wait3A_63 = tpu.memref_slice %arg5[%arg0, %add3A_38, %dma_wait3A_62] : memref<2x10240x128xf32, #tpu.memory_space<hbm>> -> memref<1x128x128xf32, #tpu.memory_space<hbm>>
      %dma_wait3A_64 = tpu.memref_squeeze %dma_wait3A_63 : memref<1x128x128xf32, #tpu.memory_space<hbm>> -> memref<128x128xf32, #tpu.memory_space<hbm>>
      tpu.wait_dma2 semaphore(%run_scoped3A : memref<!tpu.dma_semaphore, #tpu.memory_space<semaphore_mem>>) src(%arg8 : memref<128x128xf32, #tpu.memory_space<vmem>>) dst(%dma_wait3A_64 : memref<128x128xf32, #tpu.memory_space<hbm>>)
      tpu.yield
    }) : () -> ()
    %mul3A_39 = arith.constant 640 : i32
    %mul3A_40 = arith.muli %arg1, %mul3A_39 : i32
    %add3A_41 = arith.constant 128 : i32
    %add3A_42 = arith.addi %mul3A_40, %add3A_41 : i32
    "tpu.region"() ({
      %run_scoped3A = tpu.sem_alloc : memref<!tpu.dma_semaphore, #tpu.memory_space<semaphore_mem>>
      %dma_start3A = arith.constant 0 : i32
      %dma_start3A_55 = tpu.memref_slice %arg9[%add3A_42, %dma_start3A] : memref<10240x128xf32, #tpu.memory_space<vmem_shared>> -> memref<128x128xf32, #tpu.memory_space<vmem_shared>>
      %dma_start3A_56 = arith.constant 0 : i32
      %dma_start3A_57 = tpu.memref_slice %arg9[%add3A_42, %dma_start3A_56] : memref<10240x128xf32, #tpu.memory_space<vmem_shared>> -> memref<128x128xf32, #tpu.memory_space<vmem_shared>>
      tpu.enqueue_dma source(%dma_start3A_57 : memref<128x128xf32, #tpu.memory_space<vmem_shared>>) target(%arg8 : memref<128x128xf32, #tpu.memory_space<vmem>>) target_semaphore(%run_scoped3A : memref<!tpu.dma_semaphore, #tpu.memory_space<semaphore_mem>>)
      %dma_wait3A = arith.constant 0 : i32
      %dma_wait3A_58 = tpu.memref_slice %arg9[%add3A_42, %dma_wait3A] : memref<10240x128xf32, #tpu.memory_space<vmem_shared>> -> memref<128x128xf32, #tpu.memory_space<vmem_shared>>
      %dma_wait3A_59 = arith.constant 0 : i32
      %dma_wait3A_60 = tpu.memref_slice %arg9[%add3A_42, %dma_wait3A_59] : memref<10240x128xf32, #tpu.memory_space<vmem_shared>> -> memref<128x128xf32, #tpu.memory_space<vmem_shared>>
      tpu.wait_dma2 semaphore(%run_scoped3A : memref<!tpu.dma_semaphore, #tpu.memory_space<semaphore_mem>>) src(%dma_wait3A_60 : memref<128x128xf32, #tpu.memory_space<vmem_shared>>) dst(%arg8 : memref<128x128xf32, #tpu.memory_space<vmem>>)
      tpu.yield
    }) : () -> ()
    "tpu.region"() ({
      %run_scoped3A = tpu.sem_alloc : memref<!tpu.dma_semaphore, #tpu.memory_space<semaphore_mem>>
      %dma_start3A = arith.constant 0 : i32
      %dma_start3A_55 = tpu.memref_slice %arg5[%arg0, %add3A_42, %dma_start3A] : memref<2x10240x128xf32, #tpu.memory_space<hbm>> -> memref<1x128x128xf32, #tpu.memory_space<hbm>>
      %dma_start3A_56 = tpu.memref_squeeze %dma_start3A_55 : memref<1x128x128xf32, #tpu.memory_space<hbm>> -> memref<128x128xf32, #tpu.memory_space<hbm>>
      %dma_start3A_57 = arith.constant 0 : i32
      %dma_start3A_58 = tpu.memref_slice %arg5[%arg0, %add3A_42, %dma_start3A_57] : memref<2x10240x128xf32, #tpu.memory_space<hbm>> -> memref<1x128x128xf32, #tpu.memory_space<hbm>>
      %dma_start3A_59 = tpu.memref_squeeze %dma_start3A_58 : memref<1x128x128xf32, #tpu.memory_space<hbm>> -> memref<128x128xf32, #tpu.memory_space<hbm>>
      tpu.enqueue_dma source(%arg8 : memref<128x128xf32, #tpu.memory_space<vmem>>) target(%dma_start3A_59 : memref<128x128xf32, #tpu.memory_space<hbm>>) target_semaphore(%run_scoped3A : memref<!tpu.dma_semaphore, #tpu.memory_space<semaphore_mem>>)
      %dma_wait3A = arith.constant 0 : i32
      %dma_wait3A_60 = tpu.memref_slice %arg5[%arg0, %add3A_42, %dma_wait3A] : memref<2x10240x128xf32, #tpu.memory_space<hbm>> -> memref<1x128x128xf32, #tpu.memory_space<hbm>>
      %dma_wait3A_61 = tpu.memref_squeeze %dma_wait3A_60 : memref<1x128x128xf32, #tpu.memory_space<hbm>> -> memref<128x128xf32, #tpu.memory_space<hbm>>
      %dma_wait3A_62 = arith.constant 0 : i32
      %dma_wait3A_63 = tpu.memref_slice %arg5[%arg0, %add3A_42, %dma_wait3A_62] : memref<2x10240x128xf32, #tpu.memory_space<hbm>> -> memref<1x128x128xf32, #tpu.memory_space<hbm>>
      %dma_wait3A_64 = tpu.memref_squeeze %dma_wait3A_63 : memref<1x128x128xf32, #tpu.memory_space<hbm>> -> memref<128x128xf32, #tpu.memory_space<hbm>>
      tpu.wait_dma2 semaphore(%run_scoped3A : memref<!tpu.dma_semaphore, #tpu.memory_space<semaphore_mem>>) src(%arg8 : memref<128x128xf32, #tpu.memory_space<vmem>>) dst(%dma_wait3A_64 : memref<128x128xf32, #tpu.memory_space<hbm>>)
      tpu.yield
    }) : () -> ()
    %mul3A_43 = arith.constant 640 : i32
    %mul3A_44 = arith.muli %arg1, %mul3A_43 : i32
    %add3A_45 = arith.constant 256 : i32
    %add3A_46 = arith.addi %mul3A_44, %add3A_45 : i32
    "tpu.region"() ({
      %run_scoped3A = tpu.sem_alloc : memref<!tpu.dma_semaphore, #tpu.memory_space<semaphore_mem>>
      %dma_start3A = arith.constant 0 : i32
      %dma_start3A_55 = tpu.memref_slice %arg9[%add3A_46, %dma_start3A] : memref<10240x128xf32, #tpu.memory_space<vmem_shared>> -> memref<128x128xf32, #tpu.memory_space<vmem_shared>>
      %dma_start3A_56 = arith.constant 0 : i32
      %dma_start3A_57 = tpu.memref_slice %arg9[%add3A_46, %dma_start3A_56] : memref<10240x128xf32, #tpu.memory_space<vmem_shared>> -> memref<128x128xf32, #tpu.memory_space<vmem_shared>>
      tpu.enqueue_dma source(%dma_start3A_57 : memref<128x128xf32, #tpu.memory_space<vmem_shared>>) target(%arg8 : memref<128x128xf32, #tpu.memory_space<vmem>>) target_semaphore(%run_scoped3A : memref<!tpu.dma_semaphore, #tpu.memory_space<semaphore_mem>>)
      %dma_wait3A = arith.constant 0 : i32
      %dma_wait3A_58 = tpu.memref_slice %arg9[%add3A_46, %dma_wait3A] : memref<10240x128xf32, #tpu.memory_space<vmem_shared>> -> memref<128x128xf32, #tpu.memory_space<vmem_shared>>
      %dma_wait3A_59 = arith.constant 0 : i32
      %dma_wait3A_60 = tpu.memref_slice %arg9[%add3A_46, %dma_wait3A_59] : memref<10240x128xf32, #tpu.memory_space<vmem_shared>> -> memref<128x128xf32, #tpu.memory_space<vmem_shared>>
      tpu.wait_dma2 semaphore(%run_scoped3A : memref<!tpu.dma_semaphore, #tpu.memory_space<semaphore_mem>>) src(%dma_wait3A_60 : memref<128x128xf32, #tpu.memory_space<vmem_shared>>) dst(%arg8 : memref<128x128xf32, #tpu.memory_space<vmem>>)
      tpu.yield
    }) : () -> ()
    "tpu.region"() ({
      %run_scoped3A = tpu.sem_alloc : memref<!tpu.dma_semaphore, #tpu.memory_space<semaphore_mem>>
      %dma_start3A = arith.constant 0 : i32
      %dma_start3A_55 = tpu.memref_slice %arg5[%arg0, %add3A_46, %dma_start3A] : memref<2x10240x128xf32, #tpu.memory_space<hbm>> -> memref<1x128x128xf32, #tpu.memory_space<hbm>>
      %dma_start3A_56 = tpu.memref_squeeze %dma_start3A_55 : memref<1x128x128xf32, #tpu.memory_space<hbm>> -> memref<128x128xf32, #tpu.memory_space<hbm>>
      %dma_start3A_57 = arith.constant 0 : i32
      %dma_start3A_58 = tpu.memref_slice %arg5[%arg0, %add3A_46, %dma_start3A_57] : memref<2x10240x128xf32, #tpu.memory_space<hbm>> -> memref<1x128x128xf32, #tpu.memory_space<hbm>>
      %dma_start3A_59 = tpu.memref_squeeze %dma_start3A_58 : memref<1x128x128xf32, #tpu.memory_space<hbm>> -> memref<128x128xf32, #tpu.memory_space<hbm>>
      tpu.enqueue_dma source(%arg8 : memref<128x128xf32, #tpu.memory_space<vmem>>) target(%dma_start3A_59 : memref<128x128xf32, #tpu.memory_space<hbm>>) target_semaphore(%run_scoped3A : memref<!tpu.dma_semaphore, #tpu.memory_space<semaphore_mem>>)
      %dma_wait3A = arith.constant 0 : i32
      %dma_wait3A_60 = tpu.memref_slice %arg5[%arg0, %add3A_46, %dma_wait3A] : memref<2x10240x128xf32, #tpu.memory_space<hbm>> -> memref<1x128x128xf32, #tpu.memory_space<hbm>>
      %dma_wait3A_61 = tpu.memref_squeeze %dma_wait3A_60 : memref<1x128x128xf32, #tpu.memory_space<hbm>> -> memref<128x128xf32, #tpu.memory_space<hbm>>
      %dma_wait3A_62 = arith.constant 0 : i32
      %dma_wait3A_63 = tpu.memref_slice %arg5[%arg0, %add3A_46, %dma_wait3A_62] : memref<2x10240x128xf32, #tpu.memory_space<hbm>> -> memref<1x128x128xf32, #tpu.memory_space<hbm>>
      %dma_wait3A_64 = tpu.memref_squeeze %dma_wait3A_63 : memref<1x128x128xf32, #tpu.memory_space<hbm>> -> memref<128x128xf32, #tpu.memory_space<hbm>>
      tpu.wait_dma2 semaphore(%run_scoped3A : memref<!tpu.dma_semaphore, #tpu.memory_space<semaphore_mem>>) src(%arg8 : memref<128x128xf32, #tpu.memory_space<vmem>>) dst(%dma_wait3A_64 : memref<128x128xf32, #tpu.memory_space<hbm>>)
      tpu.yield
    }) : () -> ()
    %mul3A_47 = arith.constant 640 : i32
    %mul3A_48 = arith.muli %arg1, %mul3A_47 : i32
    %add3A_49 = arith.constant 384 : i32
    %add3A_50 = arith.addi %mul3A_48, %add3A_49 : i32
    "tpu.region"() ({
      %run_scoped3A = tpu.sem_alloc : memref<!tpu.dma_semaphore, #tpu.memory_space<semaphore_mem>>
      %dma_start3A = arith.constant 0 : i32
      %dma_start3A_55 = tpu.memref_slice %arg9[%add3A_50, %dma_start3A] : memref<10240x128xf32, #tpu.memory_space<vmem_shared>> -> memref<128x128xf32, #tpu.memory_space<vmem_shared>>
      %dma_start3A_56 = arith.constant 0 : i32
      %dma_start3A_57 = tpu.memref_slice %arg9[%add3A_50, %dma_start3A_56] : memref<10240x128xf32, #tpu.memory_space<vmem_shared>> -> memref<128x128xf32, #tpu.memory_space<vmem_shared>>
      tpu.enqueue_dma source(%dma_start3A_57 : memref<128x128xf32, #tpu.memory_space<vmem_shared>>) target(%arg8 : memref<128x128xf32, #tpu.memory_space<vmem>>) target_semaphore(%run_scoped3A : memref<!tpu.dma_semaphore, #tpu.memory_space<semaphore_mem>>)
      %dma_wait3A = arith.constant 0 : i32
      %dma_wait3A_58 = tpu.memref_slice %arg9[%add3A_50, %dma_wait3A] : memref<10240x128xf32, #tpu.memory_space<vmem_shared>> -> memref<128x128xf32, #tpu.memory_space<vmem_shared>>
      %dma_wait3A_59 = arith.constant 0 : i32
      %dma_wait3A_60 = tpu.memref_slice %arg9[%add3A_50, %dma_wait3A_59] : memref<10240x128xf32, #tpu.memory_space<vmem_shared>> -> memref<128x128xf32, #tpu.memory_space<vmem_shared>>
      tpu.wait_dma2 semaphore(%run_scoped3A : memref<!tpu.dma_semaphore, #tpu.memory_space<semaphore_mem>>) src(%dma_wait3A_60 : memref<128x128xf32, #tpu.memory_space<vmem_shared>>) dst(%arg8 : memref<128x128xf32, #tpu.memory_space<vmem>>)
      tpu.yield
    }) : () -> ()
    "tpu.region"() ({
      %run_scoped3A = tpu.sem_alloc : memref<!tpu.dma_semaphore, #tpu.memory_space<semaphore_mem>>
      %dma_start3A = arith.constant 0 : i32
      %dma_start3A_55 = tpu.memref_slice %arg5[%arg0, %add3A_50, %dma_start3A] : memref<2x10240x128xf32, #tpu.memory_space<hbm>> -> memref<1x128x128xf32, #tpu.memory_space<hbm>>
      %dma_start3A_56 = tpu.memref_squeeze %dma_start3A_55 : memref<1x128x128xf32, #tpu.memory_space<hbm>> -> memref<128x128xf32, #tpu.memory_space<hbm>>
      %dma_start3A_57 = arith.constant 0 : i32
      %dma_start3A_58 = tpu.memref_slice %arg5[%arg0, %add3A_50, %dma_start3A_57] : memref<2x10240x128xf32, #tpu.memory_space<hbm>> -> memref<1x128x128xf32, #tpu.memory_space<hbm>>
      %dma_start3A_59 = tpu.memref_squeeze %dma_start3A_58 : memref<1x128x128xf32, #tpu.memory_space<hbm>> -> memref<128x128xf32, #tpu.memory_space<hbm>>
      tpu.enqueue_dma source(%arg8 : memref<128x128xf32, #tpu.memory_space<vmem>>) target(%dma_start3A_59 : memref<128x128xf32, #tpu.memory_space<hbm>>) target_semaphore(%run_scoped3A : memref<!tpu.dma_semaphore, #tpu.memory_space<semaphore_mem>>)
      %dma_wait3A = arith.constant 0 : i32
      %dma_wait3A_60 = tpu.memref_slice %arg5[%arg0, %add3A_50, %dma_wait3A] : memref<2x10240x128xf32, #tpu.memory_space<hbm>> -> memref<1x128x128xf32, #tpu.memory_space<hbm>>
      %dma_wait3A_61 = tpu.memref_squeeze %dma_wait3A_60 : memref<1x128x128xf32, #tpu.memory_space<hbm>> -> memref<128x128xf32, #tpu.memory_space<hbm>>
      %dma_wait3A_62 = arith.constant 0 : i32
      %dma_wait3A_63 = tpu.memref_slice %arg5[%arg0, %add3A_50, %dma_wait3A_62] : memref<2x10240x128xf32, #tpu.memory_space<hbm>> -> memref<1x128x128xf32, #tpu.memory_space<hbm>>
      %dma_wait3A_64 = tpu.memref_squeeze %dma_wait3A_63 : memref<1x128x128xf32, #tpu.memory_space<hbm>> -> memref<128x128xf32, #tpu.memory_space<hbm>>
      tpu.wait_dma2 semaphore(%run_scoped3A : memref<!tpu.dma_semaphore, #tpu.memory_space<semaphore_mem>>) src(%arg8 : memref<128x128xf32, #tpu.memory_space<vmem>>) dst(%dma_wait3A_64 : memref<128x128xf32, #tpu.memory_space<hbm>>)
      tpu.yield
    }) : () -> ()
    %mul3A_51 = arith.constant 640 : i32
    %mul3A_52 = arith.muli %arg1, %mul3A_51 : i32
    %add3A_53 = arith.constant 512 : i32
    %add3A_54 = arith.addi %mul3A_52, %add3A_53 : i32
    "tpu.region"() ({
      %run_scoped3A = tpu.sem_alloc : memref<!tpu.dma_semaphore, #tpu.memory_space<semaphore_mem>>
      %dma_start3A = arith.constant 0 : i32
      %dma_start3A_55 = tpu.memref_slice %arg9[%add3A_54, %dma_start3A] : memref<10240x128xf32, #tpu.memory_space<vmem_shared>> -> memref<128x128xf32, #tpu.memory_space<vmem_shared>>
      %dma_start3A_56 = arith.constant 0 : i32
      %dma_start3A_57 = tpu.memref_slice %arg9[%add3A_54, %dma_start3A_56] : memref<10240x128xf32, #tpu.memory_space<vmem_shared>> -> memref<128x128xf32, #tpu.memory_space<vmem_shared>>
      tpu.enqueue_dma source(%dma_start3A_57 : memref<128x128xf32, #tpu.memory_space<vmem_shared>>) target(%arg8 : memref<128x128xf32, #tpu.memory_space<vmem>>) target_semaphore(%run_scoped3A : memref<!tpu.dma_semaphore, #tpu.memory_space<semaphore_mem>>)
      %dma_wait3A = arith.constant 0 : i32
      %dma_wait3A_58 = tpu.memref_slice %arg9[%add3A_54, %dma_wait3A] : memref<10240x128xf32, #tpu.memory_space<vmem_shared>> -> memref<128x128xf32, #tpu.memory_space<vmem_shared>>
      %dma_wait3A_59 = arith.constant 0 : i32
      %dma_wait3A_60 = tpu.memref_slice %arg9[%add3A_54, %dma_wait3A_59] : memref<10240x128xf32, #tpu.memory_space<vmem_shared>> -> memref<128x128xf32, #tpu.memory_space<vmem_shared>>
      tpu.wait_dma2 semaphore(%run_scoped3A : memref<!tpu.dma_semaphore, #tpu.memory_space<semaphore_mem>>) src(%dma_wait3A_60 : memref<128x128xf32, #tpu.memory_space<vmem_shared>>) dst(%arg8 : memref<128x128xf32, #tpu.memory_space<vmem>>)
      tpu.yield
    }) : () -> ()
    "tpu.region"() ({
      %run_scoped3A = tpu.sem_alloc : memref<!tpu.dma_semaphore, #tpu.memory_space<semaphore_mem>>
      %dma_start3A = arith.constant 0 : i32
      %dma_start3A_55 = tpu.memref_slice %arg5[%arg0, %add3A_54, %dma_start3A] : memref<2x10240x128xf32, #tpu.memory_space<hbm>> -> memref<1x128x128xf32, #tpu.memory_space<hbm>>
      %dma_start3A_56 = tpu.memref_squeeze %dma_start3A_55 : memref<1x128x128xf32, #tpu.memory_space<hbm>> -> memref<128x128xf32, #tpu.memory_space<hbm>>
      %dma_start3A_57 = arith.constant 0 : i32
      %dma_start3A_58 = tpu.memref_slice %arg5[%arg0, %add3A_54, %dma_start3A_57] : memref<2x10240x128xf32, #tpu.memory_space<hbm>> -> memref<1x128x128xf32, #tpu.memory_space<hbm>>
      %dma_start3A_59 = tpu.memref_squeeze %dma_start3A_58 : memref<1x128x128xf32, #tpu.memory_space<hbm>> -> memref<128x128xf32, #tpu.memory_space<hbm>>
      tpu.enqueue_dma source(%arg8 : memref<128x128xf32, #tpu.memory_space<vmem>>) target(%dma_start3A_59 : memref<128x128xf32, #tpu.memory_space<hbm>>) target_semaphore(%run_scoped3A : memref<!tpu.dma_semaphore, #tpu.memory_space<semaphore_mem>>)
      %dma_wait3A = arith.constant 0 : i32
      %dma_wait3A_60 = tpu.memref_slice %arg5[%arg0, %add3A_54, %dma_wait3A] : memref<2x10240x128xf32, #tpu.memory_space<hbm>> -> memref<1x128x128xf32, #tpu.memory_space<hbm>>
      %dma_wait3A_61 = tpu.memref_squeeze %dma_wait3A_60 : memref<1x128x128xf32, #tpu.memory_space<hbm>> -> memref<128x128xf32, #tpu.memory_space<hbm>>
      %dma_wait3A_62 = arith.constant 0 : i32
      %dma_wait3A_63 = tpu.memref_slice %arg5[%arg0, %add3A_54, %dma_wait3A_62] : memref<2x10240x128xf32, #tpu.memory_space<hbm>> -> memref<1x128x128xf32, #tpu.memory_space<hbm>>
      %dma_wait3A_64 = tpu.memref_squeeze %dma_wait3A_63 : memref<1x128x128xf32, #tpu.memory_space<hbm>> -> memref<128x128xf32, #tpu.memory_space<hbm>>
      tpu.wait_dma2 semaphore(%run_scoped3A : memref<!tpu.dma_semaphore, #tpu.memory_space<semaphore_mem>>) src(%arg8 : memref<128x128xf32, #tpu.memory_space<vmem>>) dst(%dma_wait3A_64 : memref<128x128xf32, #tpu.memory_space<hbm>>)
      tpu.yield
    }) : () -> ()
    return
  }
}

module attributes {stable_mosaic.version = 14 : i64} {
  func.func @body(%arg0: i32, %arg1: memref<2000x128xf32, #tpu.memory_space<vmem>>, %arg2: memref<2000x2xf32, #tpu.memory_space<vmem>>, %arg3: memref<128x128xf32, #tpu.memory_space<vmem>>, %arg4: memref<2000x128xf32, #tpu.memory_space<vmem>>, %arg5: memref<2000x1xf32, #tpu.memory_space<vmem>>) attributes {dimension_semantics = [#tpu.dimension_semantics<arbitrary>], iteration_bounds = array<i64: 5>, scalar_prefetch = 0 : i64, scratch_operands = 0 : i64, tpu.core_type = #tpu.core_type<tc>, window_params = [{transform_indices = @transform_0, window_bounds = array<i64: 2000, 128>}, {transform_indices = @transform_1, window_bounds = array<i64: 2000, 2>}, {pipeline_mode = #tpu.pipeline_mode<synchronous>, transform_indices = @transform_2, window_bounds = array<i64: 128, 128>}, {transform_indices = @transform_3, window_bounds = array<i64: 2000, 128>}, {transform_indices = @transform_4, window_bounds = array<i64: 2000, 1>}]} {
    %get3A = arith.constant 0 : index
    %get3A_0 = arith.constant 0 : index
    %get3A_1 = vector.load %arg2[%get3A, %get3A_0] : memref<2000x2xf32, #tpu.memory_space<vmem>>, vector<2000x1xf32>
    %get3A_2 = arith.constant 0 : index
    %get3A_3 = arith.constant 1 : index
    %get3A_4 = vector.load %arg2[%get3A_2, %get3A_3] : memref<2000x2xf32, #tpu.memory_space<vmem>>, vector<2000x1xf32>
    %add3A = arith.addf %get3A_1, %get3A_4 : vector<2000x1xf32>
    %add3A_5 = arith.constant 1.000000e+00 : f32
    %add3A_6 = vector.broadcast %add3A_5 : f32 to vector<2000x1xf32>
    %add3A_7 = arith.addf %add3A, %add3A_6 : vector<2000x1xf32>
    %rsqrt3A = math.rsqrt %add3A_7 : vector<2000x1xf32>
    %get3A_8 = arith.constant 0 : index
    %get3A_9 = arith.constant 0 : index
    %get3A_10 = vector.load %arg1[%get3A_8, %get3A_9] : memref<2000x128xf32, #tpu.memory_space<vmem>>, vector<2000x128xf32>
    %get3A_11 = arith.constant 0 : index
    %get3A_12 = arith.constant 0 : index
    %get3A_13 = vector.load %arg3[%get3A_11, %get3A_12] : memref<128x128xf32, #tpu.memory_space<vmem>>, vector<128x128xf32>
    %dot_general3A = arith.constant dense<0.000000e+00> : vector<2000x128xf32>
    %dot_general3A_14 = tpu.matmul %get3A_10, %get3A_13, %dot_general3A {dimension_numbers = #tpu.dot_dimension_numbers<[1], [0], [0], [1], [0, 0, 1, 1], [], []>, transpose_lhs_hint = false} : vector<2000x128xf32>, vector<128x128xf32>, vector<2000x128xf32> -> vector<2000x128xf32>
    %mul3A = vector.broadcast %rsqrt3A : vector<2000x1xf32> to vector<2000x128xf32>
    %mul3A_15 = arith.mulf %dot_general3A_14, %mul3A : vector<2000x128xf32>
    %swap3A = arith.constant 0 : index
    %swap3A_16 = arith.constant 0 : index
    %swap3A_17 = vector.load %arg4[%swap3A, %swap3A_16] : memref<2000x128xf32, #tpu.memory_space<vmem>>, vector<2000x128xf32>
    tpu.vector_store %arg4[%swap3A, %swap3A_16], %mul3A_15 {strides = array<i32>} : memref<2000x128xf32, #tpu.memory_space<vmem>>, vector<2000x128xf32>,
    %swap3A_18 = arith.constant 0 : index
    %swap3A_19 = arith.constant 0 : index
    %swap3A_20 = vector.load %arg5[%swap3A_18, %swap3A_19] : memref<2000x1xf32, #tpu.memory_space<vmem>>, vector<2000x1xf32>
    tpu.vector_store %arg5[%swap3A_18, %swap3A_19], %rsqrt3A {strides = array<i32>} : memref<2000x1xf32, #tpu.memory_space<vmem>>, vector<2000x1xf32>,
    return
  }
  func.func @transform_0(%arg0: i32) -> (i32, i32) {
    %c0_i32 = arith.constant 0 : i32
    %c0_i32_0 = arith.constant 0 : i32
    return %arg0, %c0_i32 : i32, i32
  }
  func.func @transform_1(%arg0: i32) -> (i32, i32) {
    %c0_i32 = arith.constant 0 : i32
    %c0_i32_0 = arith.constant 0 : i32
    return %arg0, %c0_i32 : i32, i32
  }
  func.func @transform_2(%arg0: i32) -> (i32, i32) {
    %c0_i32 = arith.constant 0 : i32
    %c0_i32_0 = arith.constant 0 : i32
    %c0_i32_1 = arith.constant 0 : i32
    return %c0_i32, %c0_i32_0 : i32, i32
  }
  func.func @transform_3(%arg0: i32) -> (i32, i32) {
    %c0_i32 = arith.constant 0 : i32
    %c0_i32_0 = arith.constant 0 : i32
    return %arg0, %c0_i32 : i32, i32
  }
  func.func @transform_4(%arg0: i32) -> (i32, i32) {
    %c0_i32 = arith.constant 0 : i32
    %c0_i32_0 = arith.constant 0 : i32
    return %arg0, %c0_i32 : i32, i32
  }
}

module attributes {stable_mosaic.version = 14 : i64} {
  func.func @body(%arg0: i32, %arg1: memref<2000x128xf32, #tpu.memory_space<vmem>>, %arg2: memref<2000x128xf32, #tpu.memory_space<vmem>>, %arg3: memref<2000x128xf32, #tpu.memory_space<vmem>>, %arg4: memref<2000x1xf32, #tpu.memory_space<vmem>>, %arg5: memref<1x128xf32, #tpu.memory_space<vmem>>, %arg6: memref<128x128xf32, #tpu.memory_space<vmem>>, %arg7: memref<2000x128xf32, #tpu.memory_space<vmem>>) attributes {dimension_semantics = [#tpu.dimension_semantics<arbitrary>], iteration_bounds = array<i64: 5>, scalar_prefetch = 0 : i64, scratch_operands = 0 : i64, tpu.core_type = #tpu.core_type<tc>, window_params = [{transform_indices = @transform_0, window_bounds = array<i64: 2000, 128>}, {transform_indices = @transform_1, window_bounds = array<i64: 2000, 128>}, {transform_indices = @transform_2, window_bounds = array<i64: 2000, 128>}, {transform_indices = @transform_3, window_bounds = array<i64: 2000, 1>}, {pipeline_mode = #tpu.pipeline_mode<synchronous>, transform_indices = @transform_4, window_bounds = array<i64: 1, 128>}, {pipeline_mode = #tpu.pipeline_mode<synchronous>, transform_indices = @transform_5, window_bounds = array<i64: 128, 128>}, {transform_indices = @transform_6, window_bounds = array<i64: 2000, 128>}]} {
    %get3A = arith.constant 0 : index
    %get3A_0 = arith.constant 0 : index
    %get3A_1 = vector.load %arg4[%get3A, %get3A_0] : memref<2000x1xf32, #tpu.memory_space<vmem>>, vector<2000x1xf32>
    %get3A_2 = arith.constant 0 : index
    %get3A_3 = arith.constant 0 : index
    %get3A_4 = vector.load %arg1[%get3A_2, %get3A_3] : memref<2000x128xf32, #tpu.memory_space<vmem>>, vector<2000x128xf32>
    %get3A_5 = arith.constant 0 : index
    %get3A_6 = arith.constant 0 : index
    %get3A_7 = vector.load %arg2[%get3A_5, %get3A_6] : memref<2000x128xf32, #tpu.memory_space<vmem>>, vector<2000x128xf32>
    %add3A = arith.addf %get3A_4, %get3A_7 : vector<2000x128xf32>
    %get3A_8 = arith.constant 0 : index
    %get3A_9 = arith.constant 0 : index
    %get3A_10 = vector.load %arg3[%get3A_8, %get3A_9] : memref<2000x128xf32, #tpu.memory_space<vmem>>, vector<2000x128xf32>
    %add3A_11 = arith.addf %add3A, %get3A_10 : vector<2000x128xf32>
    %mul3A = vector.broadcast %get3A_1 : vector<2000x1xf32> to vector<2000x128xf32>
    %mul3A_12 = arith.mulf %add3A_11, %mul3A : vector<2000x128xf32>
    %get3A_13 = arith.constant 0 : index
    %get3A_14 = arith.constant 0 : index
    %get3A_15 = vector.load %arg5[%get3A_13, %get3A_14] : memref<1x128xf32, #tpu.memory_space<vmem>>, vector<1x128xf32>
    %add3A_16 = vector.broadcast %get3A_15 : vector<1x128xf32> to vector<2000x128xf32>
    %add3A_17 = arith.addf %mul3A_12, %add3A_16 : vector<2000x128xf32>
    %max3A = arith.constant 0.000000e+00 : f32
    %max3A_18 = vector.broadcast %max3A : f32 to vector<2000x128xf32>
    %max3A_19 = arith.maximumf %add3A_17, %max3A_18 : vector<2000x128xf32>
    %get3A_20 = arith.constant 0 : index
    %get3A_21 = arith.constant 0 : index
    %get3A_22 = vector.load %arg6[%get3A_20, %get3A_21] : memref<128x128xf32, #tpu.memory_space<vmem>>, vector<128x128xf32>
    %dot_general3A = arith.constant dense<0.000000e+00> : vector<2000x128xf32>
    %dot_general3A_23 = tpu.matmul %max3A_19, %get3A_22, %dot_general3A {dimension_numbers = #tpu.dot_dimension_numbers<[1], [0], [0], [1], [0, 0, 1, 1], [], []>, transpose_lhs_hint = false} : vector<2000x128xf32>, vector<128x128xf32>, vector<2000x128xf32> -> vector<2000x128xf32>
    %mul3A_24 = vector.broadcast %get3A_1 : vector<2000x1xf32> to vector<2000x128xf32>
    %mul3A_25 = arith.mulf %dot_general3A_23, %mul3A_24 : vector<2000x128xf32>
    %swap3A = arith.constant 0 : index
    %swap3A_26 = arith.constant 0 : index
    %swap3A_27 = vector.load %arg7[%swap3A, %swap3A_26] : memref<2000x128xf32, #tpu.memory_space<vmem>>, vector<2000x128xf32>
    tpu.vector_store %arg7[%swap3A, %swap3A_26], %mul3A_25 {strides = array<i32>} : memref<2000x128xf32, #tpu.memory_space<vmem>>, vector<2000x128xf32>,
    return
  }
  func.func @transform_0(%arg0: i32) -> (i32, i32) {
    %c0_i32 = arith.constant 0 : i32
    %c0_i32_0 = arith.constant 0 : i32
    return %arg0, %c0_i32 : i32, i32
  }
  func.func @transform_1(%arg0: i32) -> (i32, i32) {
    %c0_i32 = arith.constant 0 : i32
    %c0_i32_0 = arith.constant 0 : i32
    return %arg0, %c0_i32 : i32, i32
  }
  func.func @transform_2(%arg0: i32) -> (i32, i32) {
    %c0_i32 = arith.constant 0 : i32
    %c0_i32_0 = arith.constant 0 : i32
    return %arg0, %c0_i32 : i32, i32
  }
  func.func @transform_3(%arg0: i32) -> (i32, i32) {
    %c0_i32 = arith.constant 0 : i32
    %c0_i32_0 = arith.constant 0 : i32
    return %arg0, %c0_i32 : i32, i32
  }
  func.func @transform_4(%arg0: i32) -> (i32, i32) {
    %c0_i32 = arith.constant 0 : i32
    %c0_i32_0 = arith.constant 0 : i32
    %c0_i32_1 = arith.constant 0 : i32
    return %c0_i32, %c0_i32_0 : i32, i32
  }
  func.func @transform_5(%arg0: i32) -> (i32, i32) {
    %c0_i32 = arith.constant 0 : i32
    %c0_i32_0 = arith.constant 0 : i32
    %c0_i32_1 = arith.constant 0 : i32
    return %c0_i32, %c0_i32_0 : i32, i32
  }
  func.func @transform_6(%arg0: i32) -> (i32, i32) {
    %c0_i32 = arith.constant 0 : i32
    %c0_i32_0 = arith.constant 0 : i32
    return %arg0, %c0_i32 : i32, i32
  }
}

module attributes {stable_mosaic.version = 14 : i64} {
  func.func @body(%arg0: i32, %arg1: memref<2000x128xf32, #tpu.memory_space<vmem>>, %arg2: memref<2000x128xf32, #tpu.memory_space<vmem>>, %arg3: memref<2000x128xf32, #tpu.memory_space<vmem>>, %arg4: memref<2000x1xf32, #tpu.memory_space<vmem>>, %arg5: memref<1x128xf32, #tpu.memory_space<vmem>>, %arg6: memref<2000x128xf32, #tpu.memory_space<vmem>>) attributes {dimension_semantics = [#tpu.dimension_semantics<arbitrary>], iteration_bounds = array<i64: 5>, scalar_prefetch = 0 : i64, scratch_operands = 0 : i64, tpu.core_type = #tpu.core_type<tc>, window_params = [{transform_indices = @transform_0, window_bounds = array<i64: 2000, 128>}, {transform_indices = @transform_1, window_bounds = array<i64: 2000, 128>}, {transform_indices = @transform_2, window_bounds = array<i64: 2000, 128>}, {transform_indices = @transform_3, window_bounds = array<i64: 2000, 1>}, {pipeline_mode = #tpu.pipeline_mode<synchronous>, transform_indices = @transform_4, window_bounds = array<i64: 1, 128>}, {transform_indices = @transform_5, window_bounds = array<i64: 2000, 128>}]} {
    %get3A = arith.constant 0 : index
    %get3A_0 = arith.constant 0 : index
    %get3A_1 = vector.load %arg1[%get3A, %get3A_0] : memref<2000x128xf32, #tpu.memory_space<vmem>>, vector<2000x128xf32>
    %get3A_2 = arith.constant 0 : index
    %get3A_3 = arith.constant 0 : index
    %get3A_4 = vector.load %arg2[%get3A_2, %get3A_3] : memref<2000x128xf32, #tpu.memory_space<vmem>>, vector<2000x128xf32>
    %add3A = arith.addf %get3A_1, %get3A_4 : vector<2000x128xf32>
    %get3A_5 = arith.constant 0 : index
    %get3A_6 = arith.constant 0 : index
    %get3A_7 = vector.load %arg3[%get3A_5, %get3A_6] : memref<2000x128xf32, #tpu.memory_space<vmem>>, vector<2000x128xf32>
    %add3A_8 = arith.addf %add3A, %get3A_7 : vector<2000x128xf32>
    %get3A_9 = arith.constant 0 : index
    %get3A_10 = arith.constant 0 : index
    %get3A_11 = vector.load %arg4[%get3A_9, %get3A_10] : memref<2000x1xf32, #tpu.memory_space<vmem>>, vector<2000x1xf32>
    %mul3A = vector.broadcast %get3A_11 : vector<2000x1xf32> to vector<2000x128xf32>
    %mul3A_12 = arith.mulf %add3A_8, %mul3A : vector<2000x128xf32>
    %get3A_13 = arith.constant 0 : index
    %get3A_14 = arith.constant 0 : index
    %get3A_15 = vector.load %arg5[%get3A_13, %get3A_14] : memref<1x128xf32, #tpu.memory_space<vmem>>, vector<1x128xf32>
    %add3A_16 = vector.broadcast %get3A_15 : vector<1x128xf32> to vector<2000x128xf32>
    %add3A_17 = arith.addf %mul3A_12, %add3A_16 : vector<2000x128xf32>
    %swap3A = arith.constant 0 : index
    %swap3A_18 = arith.constant 0 : index
    %swap3A_19 = vector.load %arg6[%swap3A, %swap3A_18] : memref<2000x128xf32, #tpu.memory_space<vmem>>, vector<2000x128xf32>
    tpu.vector_store %arg6[%swap3A, %swap3A_18], %add3A_17 {strides = array<i32>} : memref<2000x128xf32, #tpu.memory_space<vmem>>, vector<2000x128xf32>,
    return
  }
  func.func @transform_0(%arg0: i32) -> (i32, i32) {
    %c0_i32 = arith.constant 0 : i32
    %c0_i32_0 = arith.constant 0 : i32
    return %arg0, %c0_i32 : i32, i32
  }
  func.func @transform_1(%arg0: i32) -> (i32, i32) {
    %c0_i32 = arith.constant 0 : i32
    %c0_i32_0 = arith.constant 0 : i32
    return %arg0, %c0_i32 : i32, i32
  }
  func.func @transform_2(%arg0: i32) -> (i32, i32) {
    %c0_i32 = arith.constant 0 : i32
    %c0_i32_0 = arith.constant 0 : i32
    return %arg0, %c0_i32 : i32, i32
  }
  func.func @transform_3(%arg0: i32) -> (i32, i32) {
    %c0_i32 = arith.constant 0 : i32
    %c0_i32_0 = arith.constant 0 : i32
    return %arg0, %c0_i32 : i32, i32
  }
  func.func @transform_4(%arg0: i32) -> (i32, i32) {
    %c0_i32 = arith.constant 0 : i32
    %c0_i32_0 = arith.constant 0 : i32
    %c0_i32_1 = arith.constant 0 : i32
    return %c0_i32, %c0_i32_0 : i32, i32
  }
  func.func @transform_5(%arg0: i32) -> (i32, i32) {
    %c0_i32 = arith.constant 0 : i32
    %c0_i32_0 = arith.constant 0 : i32
    return %arg0, %c0_i32 : i32, i32
  }
}

</mosaic_0001>

<sc_bundles>
// kernel: kernel.14.cloned.1.call-start
scs
__scs_entry_jumppad:
0x0: {  	(pc) =	sbr.rel $0x88, $3  }
0x1: {  	(tag) =	ssettag $0x0;
	lr =	simm.s32 $0x1  }
0x2: {  	[smem:$0x3F95] =	sst lr;
	_ =	strace $0xD0000000  }
0x3: {  	_ = 	snop  }
0x4: {  	_ = 	snop  }
0x5: {  	_ = 	snop  }
0x6: {  	_ = 	snop  }
0x7: {  	_ = 	snop  }
__scs_overlays_trampoline_lowered:
0x8: {  	[smem:$0x3FA4] =	sst s0  }
0x9: {  	[smem:$0x3FA5] =	sst s1  }
0xa: {  	[smem:$0x3FA6] =	sst s2  }
0xb: {  	[smem:$0x3FA7] =	sst s3  }
0xc: {  	[smem:$0x3FA8] =	sst s4  }
0xd: {  	[smem:$0x3FA9] =	sst s5  }
0xe: {  	[smem:$0x3FAA] =	sst s6  }
0xf: {  	[smem:$0x3FAB] =	sst s7  }
0x10: {  	[smem:$0x3FAC] =	sst s8  }
0x11: {  	[smem:$0x3FAD] =	sst s9;
	s0 =	simm.s32 @!p0 $0x0  }
0x12: {  	s1 =	sld [smem:$0x3F93];
	s0 =	simm.s32 @p0 $0x1  }
0x13: {  	[smem:$0x3FAE] =	sst s0;
	s0 =	simm.s32 @!p1 $0x0  }
0x14: {  	s2 =	sld [smem:$0x3F92];
	s0 =	simm.s32 @p1 $0x1  }
0x15: {  	[smem:$0x3FAF] =	sst s0;
	s0 =	simm.s32 @!p2 $0x0  }
0x16: {  	s3 =	sld [smem:$0x3FDB];
	s0 =	simm.s32 @p2 $0x1  }
0x17: {  	s4 =	simm.s32 $0x1BF5;
	[smem:$0x3FB1] =	sst s0  }
0x18: {  	s0 =	sld [smem:$0x3F94];
	_ =	swait.ge [sflag:s4], $0x0  }
0x19: {  	s7 =	sld [smem:$0x3F95]  }
0x1a: {  	s8 =	sadd.s32 $0xFFFFE003, lr  }
0x1b: {  	s9 =	sadd.s32 $0xFFFFFEF7, lr;
	s5 =	simm.s32 $0xFFFFFFFF;
	p2 =	slt.u32 s8, $0xFFFFF086  }
0x1c: {  	p1 =	slt.u32 s9, $0xF7A;
	s5 =	simm.s32 @!p2 $0x0  }
0x1d: {  	s5 =	simm.s32 @p1 $0x1;
	p0 =	seq.s32 s7, s2  }
0x1e: {  	s7 =	smul.u32 @!p0 $0xF7A, s2;
	p2 =	seq.s32 @!p0 s5, $0x0  }
0x1f: {  	s9 =	smul.u32 $0xF7A, s1;
	s8 =	simm.s32 @!p0 $0x1BF5;
	p2 =	por !p2, p0  }
0x20: {  	[sflag:s8] =	ssyncset.s32 @!p0 $0xFFFFF086;
	s6 =	sadd.s32 @!p0 s3, s7;
	s7 =	simm.s32 @!p0 $0x108  }
0x21: {  	s3 =	sadd.s32 s3, s9;
	s6 =	sadd.s32 @!p0 $0x88, s6;
	s7 =	simm.s32 @p2 $0x1082  }
0x22: {  	[simem:s7], [sflag:s8] =	dma.local @!p0 [hbm:s6], $0xF7A  }
0x23: {  	s9 =	sor.u32 $0xD0000000, s2;
	s6 =	simm.s32 $0x108;
	_ =	swait.ge @!p0 [sflag:s8], $0x0  }
0x24: {  	s3 =	sadd.s32 $0x88, s3;
	s6 =	simm.s32 @!p1 $0x1082;
	[sflag:s4] =	ssyncset.s32 $0xFFFFF086  }
0x25: {  	[simem:s6], [sflag:s4] =	dma.local [hbm:s3], $0xF7A  }
0x26: {  	[smem:$0x3F95] =	sst s1;
	(tag) =	ssettag s2;
	_ =	strace s9  }
0x27: {  	s1 =	sld [smem:$0x3FA5]  }
0x28: {  	s2 =	sld [smem:$0x3FA6]  }
0x29: {  	s4 =	sld [smem:$0x3FA8]  }
0x2a: {  	p0 =	seq.s32 s5, $0x0;
	s5 =	sld [smem:$0x3FA9]  }
0x2b: {  	s6 =	sld [smem:$0x3FAA]  }
0x2c: {  	s7 =	sld [smem:$0x3FAB]  }
0x2d: {  	s3 =	simm.s32 $0x108;
	s8 =	sld [smem:$0x3FAC]  }
0x2e: {  	s3 =	simm.s32 @!p0 $0x1082;
	s9 =	sld [smem:$0x3FAD]  }
0x2f: {  	lr =	sadd.s32 s0, s3;
	s0 =	sld [smem:$0x3FA4]  }
0x30: {  	s3 =	sld [smem:$0x3FA7]  }
0x31: {  	[smem:$0x3FB0] =	sst s10  }
0x32: {  	s10 =	sld [smem:$0x3FAE];
	_ =	sdelay $0x3  }
0x33: {  	p0 =	seq.s32 s10, $0x1;
	s10 =	sld [smem:$0x3FB0];
	_ =	sdelay $0x3  }
0x34: {  	[smem:$0x3FB0] =	sst s10  }
0x35: {  	s10 =	sld [smem:$0x3FAF];
	_ =	sdelay $0x3  }
0x36: {  	p1 =	seq.s32 s10, $0x1;
	s10 =	sld [smem:$0x3FB0];
	_ =	sdelay $0x3  }
0x37: {  	[smem:$0x3FB0] =	sst s10  }
0x38: {  	s10 =	sld [smem:$0x3FB1]  }
0x39: {  	_ = 	snop;
	(pc) =	sbr.ind lr, $3  }
0x3a: {  	_ = 	snop  }
0x3b: {  	_ = 	snop  }
0x3c: {  	p2 =	seq.s32 s10, $0x1;
	s10 =	sld [smem:$0x3FB0]  }
0x3d: {  	_ =	shalt  }
0x3e: {  	_ =	shalt  }
0x3f: {  	_ =	shalt  }
0x40: {  	_ =	shalt  }
0x41: {  	_ =	shalt  }
0x42: {  	_ =	shalt  }
0x43: {  	_ =	shalt  }
0x44: {  	_ =	shalt  }
0x45: {  	_ =	shalt  }
0x46: {  	_ =	shalt  }
0x47: {  	_ =	shalt  }
0x48: {  	_ =	shalt  }
0x49: {  	_ =	shalt  }
0x4a: {  	_ =	shalt  }
0x4b: {  	_ =	shalt  }
0x4c: {  	_ =	shalt  }
0x4d: {  	_ =	shalt  }
0x4e: {  	_ =	shalt  }
0x4f: {  	_ =	shalt  }
0x50: {  	_ =	shalt  }
0x51: {  	_ =	shalt  }
0x52: {  	_ =	shalt  }
0x53: {  	_ =	shalt  }
0x54: {  	_ =	shalt  }
0x55: {  	_ =	shalt  }
0x56: {  	_ =	shalt  }
0x57: {  	_ =	shalt  }
0x58: {  	_ =	shalt  }
0x59: {  	_ =	shalt  }
0x5a: {  	_ =	shalt  }
0x5b: {  	_ =	shalt  }
0x5c: {  	_ =	shalt  }
0x5d: {  	_ =	shalt  }
0x5e: {  	_ =	shalt  }
0x5f: {  	_ =	shalt  }
0x60: {  	_ =	shalt  }
0x61: {  	_ =	shalt  }
0x62: {  	_ =	shalt  }
0x63: {  	_ =	shalt  }
0x64: {  	_ =	shalt  }
0x65: {  	_ =	shalt  }
0x66: {  	_ =	shalt  }
0x67: {  	_ =	shalt  }
0x68: {  	_ =	shalt  }
0x69: {  	_ =	shalt  }
0x6a: {  	_ =	shalt  }
0x6b: {  	_ =	shalt  }
0x6c: {  	_ =	shalt  }
0x6d: {  	_ =	shalt  }
0x6e: {  	_ =	shalt  }
0x6f: {  	_ =	shalt  }
0x70: {  	_ =	shalt  }
0x71: {  	_ =	shalt  }
0x72: {  	_ =	shalt  }
0x73: {  	_ =	shalt  }
0x74: {  	_ =	shalt  }
0x75: {  	_ =	shalt  }
0x76: {  	_ =	shalt  }
0x77: {  	_ =	shalt  }
0x78: {  	_ =	shalt  }
0x79: {  	_ =	shalt  }
0x7a: {  	_ =	shalt  }
0x7b: {  	_ =	shalt  }
0x7c: {  	_ =	shalt  }
0x7d: {  	_ =	shalt  }
0x7e: {  	_ =	shalt  }
0x7f: {  	_ =	shalt  }
0x80: {  	_ =	shalt  }
0x81: {  	_ =	shalt  }
0x82: {  	_ =	shalt  }
0x83: {  	_ =	shalt  }
0x84: {  	_ =	shalt  }
0x85: {  	_ =	shalt  }
0x86: {  	_ =	shalt  }
0x87: {  	_ =	shalt  }
.Lfunc_end0:
.L_simem_size_0:
called_computation_lowered:
.L_overlay_start_0:
0x88: {  	s2 =	sld [smem:$0x3FD9]  }
0x89: {  	s3 =	sld [smem:$0x3FFE];
	_ =	sdelay $0x1  }
0x8a: {  	s1 =	srdreg.scid  }
0x8b: {  	s0 =	sand.u32 $0x1, s1  }
0x8c: {  	s17 =	sshll.u32 s0, $0xA;
	s2 =	sadd.s32 s3, s2  }
0x8d: {  	s2 =	sadd.s32 s2, s17  }
0x8e: {  	[smem:$0x3FBC] =	sst s2  }
0x8f: {  	_ = 	snop  }
0x90: {  	s2 =	sld [smem:$0x3FD0];
	(tm) =	ssettm $0x1  }
0x91: {  	s18 =	sld [smem:$0x3FFB];
	_ =	sdelay $0x3  }
0x92: {  	_ =	strace s18  }
0x93: {  	s3 =	sld [smem:$0x3FFC];
	_ =	sdelay $0x3  }
0x94: {  	_ =	strace s3  }
0x95: {  	s3 =	sld [smem:$0x3FFD];
	_ =	sdelay $0x3  }
0x96: {  	_ =	strace s3  }
0x97: {  	_ =	strace $0x8FFFFFFF  }
0x98: {  	s19 =	sld [smem:$0x3FDB];
	_ =	sdelay $0x1  }
0x99: {  	s4 =	simm.s32 $_scs_section_size  }
0x9a: {  	s5 =	simm.s32 $_size__tile_overlayer_lowered;
	s6 =	simm.s32 $_tile_overlayer_lowered  }
0x9b: {  	s22 =	simm.s32 $0x1BFF;
	s21 =	sshll.u32 s6, $0x1;
	s3 =	sadd.s32 s4, s19  }
0x9c: {  	s7 =	simm.s32 $0x0;
	s20 =	sshll.u32 s5, $0x1;
	s5 =	sadd.s32 s21, s3  }
0x9d: {  	[timem:s7], [sflag:s22] =	dma.local [hbm:s5], s20  }
0x9e: {  	_ =	swait.ge [sflag:s22], s20  }
0x9f: {  	s4 =	ssub.s32 $0x0, s20;
	[sflag:s22] =	ssyncset.done $0x0  }
0xa0: {  	[sflag:s22] =	ssyncadd.s32 s4;
	_ =	sdelay $0x1  }
0xa1: {  	s23 =	simm.s32 $0x1B8B  }
0xa2: {  	_ =	swait.ge [sflag:s23], $0x1  }
0xa3: {  	[sflag:s23] =	ssyncset.done $0x0  }
0xa4: {  	s25 =	simm.s32 $0x1B8E;
	s24 =	sld [smem:$0x3FFE];
	[sflag:s23] =	ssyncadd.s32 $0xFFFFFFFF  }
0xa5: {  	s26 =	simm.s32 $execute0_lowered;
	[smem:$0x3FD2] =	sst s25  }
0xa6: {  	s5 =	sshll.u32 s26, $0x1;
	_ =	strace $0x80000046;
	[dreg:$0x1] =	wrdreg $0xFFFFFFFF  }
0xa7: {  	s28 =	simm.s32 $_size_execute0_lowered;
	s3 =	sadd.s32 s3, s5;
	[dreg:$0x0] =	wrdreg $0x0  }
0xa8: {  	s5 =	sshll.u32 s28, $0x1;
	[dreg:$0x2] =	wrdreg s3  }
0xa9: {  	[dreg:$0x3] =	wrdreg s5  }
0xaa: {  	[dreg:$0x4] =	wrdreg $0xC0  }
0xab: {  	_ =	task [dreg:s7], $0x5FFFF  }
0xac: {  	[dreg:$0x1] =	wrdreg $0xFFFFFFFF  }
0xad: {  	[dreg:$0x0] =	wrdreg $0x60  }
0xae: {  	[dreg:$0x2] =	wrdreg s24  }
0xaf: {  	[dreg:$0x3] =	wrdreg s2  }
0xb0: {  	[dreg:$0x4] =	wrdreg $0x2B000  }
0xb1: {  	[dreg:$0x5] =	wrdreg $0x9  }
0xb2: {  	_ =	task.clear_ibuf [dreg:s7], $0x6FFFF;
	_ =	strace $0x90000046  }
0xb3: {  	s29 =	simm.s32 $0x9;
	_ =	strace $0x80000048  }
0xb4: {  	_ =	swait.ge [sflag:s29], $0x1  }
0xb5: {  	[sflag:s29] =	ssyncadd.s32 $0xFFFFFFFF  }
0xb6: {  	_ =	strace $0x90000048  }
0xb7: {  	_ =	sfence  }
0xb8: {  	s30 =	sld [smem:$0x0];
	_ =	sdelay $0x2  }
0xb9: {  	s31 =	sshll.u32 s1, $0xD;
	s1 =	sshrl.u32 s1, $0x2  }
0xba: {  	s3 =	sand.u32 $0x4000, s31;
	s1 =	sadd.s32 s1, s30  }
0xbb: {  	s0 =	sor.u32 s3, s0;
	s1 =	sshll.u32 s1, $0x11  }
0xbc: {  	s0 =	sor.u32 s1, s0  }
0xbd: {  	s0 =	sadd.s32 $0x8F2B, s0  }
0xbe: {  	[sflag:s0] =	ssyncadd.remote.s32 $0x1  }
0xbf: {  	_ =	sfence.sel $0xFFFF  }
0xc0: {  	[dreg:$0x0] =	wrdreg $0xFFFFFFFF;
	(pc) =	sbr.abs _section_cstart, $3  }
0xc1: {  	[dreg:$0x1] =	wrdreg $0xFFFFFFFF  }
0xc2: {  	_ =	task.clear_ibuf [dreg:s7], $0x2FFFF;
	_ =	strace $0x9FFFFFFF  }
0xc3: {  	(tm) =	ssettm $0x7FFFFFFF  }
tec
execute0_lowered:
.L_overlay_start_1:
0x0: {  	(tag) =	ssettag $0x1  }
0x1: {  	s4 =	rddreg [dreg:$0x0]  }
0x2: {  	s1 =	srdreg.scid;
	s6 =	rddreg [dreg:$0x1]  }
0x3: {  	s0 =	stileid.u32;
	s2 =	rddreg [dreg:$0x2];
	s3 =	simm.s32 $0x0  }
0x4: {  	s11 =	simm.s32 $0x2800;
	s12 =	simm.s32 $0x100;
	s13 =	simm.s32 $0x0  }
0x5: {  	s5 =	sand.u32 $0x1, s1;
	s1 =	rddreg [dreg:$0x3];
	s8 =	smul.u32 $0xA00, s0  }
0x6: {  	s28 =	sshll.u32 s0, $0x1;
	[smem:$0x7FF] =	sst s3;
	s9 =	smul.u32 $0x500, s0  }
0x7: {  	s7 =	sor.u32 s5, s28;
	_ =	strace $0x80000047;
	s29 =	ssub.s32 $0x2, s5  }
0x8: {  	s5 =	sshll.u32 s5, $0x7;
	s7 =	smul.u32 $0x500, s7;
	s10 =	sshrl.u32 s29, $0x1  }
0x9: {  	s8 =	sshrl.u32 s8, $0x2;
	s5 =	sor.u32 s5, s9;
	s9 =	simm.s32 $0x1  }
0xa: {  	s30 =	ssub.s32 s29, s10;
	s31 =	sshrl.u32 s5, $0x3;
	s10 =	simm.s32 $0x80  }
0xb: {  	s7 =	sadd.s32 s7, s4;
	s4 =	sadd.s32 s8, s2;
	s6 =	sadd.s32 s6, s31  }
0xc: {  	v0 =	vimm.f32 $0.0e+00;
	v1 =	vimm.f32 $1.000000000e+00;
	s8 =	simm.s32 $0x2880;
	s5 =	sadd.s32 $0x7000, s7;
	s7 =	smax.u32 s30, $0x1  }
.LBB2_1:
0xd: {  	[tilespmem:$0x2880] =	vst v0  }
0xe: {  	[tilespmem:$0x2890] =	vst v0  }
0xf: {  	[tilespmem:$0x28A0] =	vst v0  }
0x10: {  	[tilespmem:$0x28B0] =	vst v0  }
0x11: {  	[tilespmem:$0x28C0] =	vst v0  }
0x12: {  	[tilespmem:$0x28D0] =	vst v0  }
0x13: {  	[tilespmem:$0x28E0] =	vst v0  }
0x14: {  	[tilespmem:$0x28F0] =	vst v0  }
0x15: {  	[tilespmem:$0x2900] =	vst v0  }
0x16: {  	[tilespmem:$0x2910] =	vst v0  }
0x17: {  	[tilespmem:$0x2920] =	vst v0  }
0x18: {  	[tilespmem:$0x2930] =	vst v0  }
0x19: {  	[tilespmem:$0x2940] =	vst v0  }
0x1a: {  	[tilespmem:$0x2950] =	vst v0  }
0x1b: {  	[tilespmem:$0x2960] =	vst v0  }
0x1c: {  	[tilespmem:$0x2970] =	vst v0  }
0x1d: {  	[tilespmem:$0x2980] =	vst v0  }
0x1e: {  	[tilespmem:$0x2990] =	vst v0  }
0x1f: {  	[tilespmem:$0x29A0] =	vst v0  }
0x20: {  	[tilespmem:$0x29B0] =	vst v0  }
0x21: {  	[tilespmem:$0x29C0] =	vst v0  }
0x22: {  	[tilespmem:$0x29D0] =	vst v0  }
0x23: {  	[tilespmem:$0x29E0] =	vst v0  }
0x24: {  	[tilespmem:$0x29F0] =	vst v0  }
0x25: {  	[tilespmem:$0x2A00] =	vst v0  }
0x26: {  	[tilespmem:$0x2A10] =	vst v0  }
0x27: {  	[tilespmem:$0x2A20] =	vst v0  }
0x28: {  	[tilespmem:$0x2A30] =	vst v0  }
0x29: {  	[tilespmem:$0x2A40] =	vst v0  }
0x2a: {  	[tilespmem:$0x2A50] =	vst v0  }
0x2b: {  	[tilespmem:$0x2A60] =	vst v0  }
0x2c: {  	[tilespmem:$0x2A70] =	vst v0  }
0x2d: {  	[tilespmem:$0x2A80] =	vst v0  }
0x2e: {  	[tilespmem:$0x2A90] =	vst v0  }
0x2f: {  	[tilespmem:$0x2AA0] =	vst v0  }
0x30: {  	[tilespmem:$0x2AB0] =	vst v0  }
0x31: {  	[tilespmem:$0x2AC0] =	vst v0  }
0x32: {  	[tilespmem:$0x2AD0] =	vst v0  }
0x33: {  	[tilespmem:$0x2AE0] =	vst v0  }
0x34: {  	[tilespmem:$0x2AF0] =	vst v0  }
0x35: {  	[spmem:s4] =	stream.linear.scatter [tilespmem:s8], [sflag:$0x1], $0x280, $0x38;
	[tilespmem:$0x2D80] =	vst v63  }
0x36: {  	_ =	swait.ge [sflag:s9], $0x280  }
0x37: {  	[sflag:s9] =	ssyncset.done $0x0  }
0x38: {  	[sflag:s9] =	ssyncadd.s32 $0xFFFFFD80  }
0x39: {  	[tilespmem:$0x2800] =	vst v1  }
0x3a: {  	[tilespmem:$0x2810] =	vst v1  }
0x3b: {  	[tilespmem:$0x2820] =	vst v1  }
0x3c: {  	[tilespmem:$0x2830] =	vst v1  }
0x3d: {  	[tilespmem:$0x2840] =	vst v1  }
0x3e: {  	[tilespmem:$0x2850] =	vst v1  }
0x3f: {  	[tilespmem:$0x2860] =	vst v1  }
0x40: {  	[tilespmem:$0x2870] =	vst v1  }
0x41: {  	[tilespmem:s3], [sflag:$0x1] =	stream.linear.gather [hbm4b:s5+s3], $0x2780, $0x38;
	[tilespmem:$0x2D80] =	vst v63  }
0x42: {  	_ =	swait.ge [sflag:s9], $0x2780  }
0x43: {  	[sflag:s9] =	ssyncset.done $0x0  }
0x44: {  	[sflag:s9] =	ssyncadd.s32 $0xFFFFD880  }
0x45: {  	s14 =	simm.s32 $0x0;
	[bflag:$0x0] =	sbarrier.arrive $0xFFFF  }
0x46: {  	[spmem:s2] =	stream.indirect.scatter.add.f32 [tilespmem:s11], [sflag:$0x1], $0x1, s14, s10, $0xb8;
	[tilespmem:$0x2D80] =	vst v63  }
0x47: {  	_ =	swait.ge [sflag:s9], $0x80  }
0x48: {  	s14 =	simm.s32 $0x200;
	[sflag:s9] =	ssyncset.done $0x0  }
.LBB2_2:
0x49: {  	s15 =	sshra.s32 s14, $0x2;
	[sflag:s9] =	ssyncadd.s32 $0xFFFFFF80;
	p0 =	sne.s32 s14, $0x9C00  }
0x4a: {  	[spmem:s2] =	stream.indirect.scatter.add.f32 [tilespmem:s11], [sflag:$0x1], $0x1, s15, s10, $0xb8;
	[tilespmem:$0x2D80] =	vst v63  }
.Ltmp0:
0x4b: {  	_ = 	snop;
	(pc) =	sbr.rel @p0 .LBB2_2-.Ltmp0, $4  }
0x4c: {  	_ = 	snop  }
0x4d: {  	s14 =	sadd.s32 $0x200, s14  }
0x4e: {  	_ =	swait.ge [sflag:s9], $0x80  }
0x4f: {  	[sflag:s9] =	ssyncset.done $0x0  }
0x50: {  	[sflag:s9] =	ssyncadd.s32 $0xFFFFFF80  }
0x51: {  	[bflag:$0x0] =	sbarrier.arrive $0xFFFF  }
0x52: {  	[tilespmem:s8], [sflag:$0x1] =	stream.linear.gather [spmem:s4], $0x280, $0x38;
	[tilespmem:$0x2D80] =	vst v63  }
0x53: {  	s13 =	sadd.s32 $0x1, s13;
	_ =	swait.ge [sflag:s9], $0x280  }
0x54: {  	p0 =	sne.s32 s13, s7;
	[sflag:s9] =	ssyncset.done $0x0  }
.Ltmp1:
0x55: {  	[sflag:s9] =	ssyncadd.s32 $0xFFFFFD80;
	(pc) =	sbr.rel @p0 .LBB2_1-.Ltmp1, $4  }
0x56: {  	[hbm4b:s6+s10] =	stream.strided.scatter [tilespmem:s8], [sflag:$0x1], $0x280, s12, s10, $0x38;
	[tilespmem:$0x2D80] =	vst v63  }
0x57: {  	_ =	swait.ge [sflag:s9], $0x280  }
0x58: {  	[sflag:s9] =	ssyncset.done $0x0  }
0x59: {  	[sflag:s9] =	ssyncadd.s32 $0xFFFFFD80  }
0x5a: {  	_ =	sfence.sel $0x180000  }
0x5b: {  	[bflag:$0x0] =	sbarrier.arrive $0xFFFF  }
0x5c: {  	p0 =	sne.s32 s0, $0x0;
	_ =	strace $0x90000047  }
0x5d: {  	s0 =	sadd.s32 @!p0 $0x100000, s1;
	[bflag:$0x2] =	sbarrier.arrive $0xFFFF  }
0x5e: {  	[sflag:s0] =	ssyncadd.tile.s32 @!p0 $0x1;
	_ =	shalt  }
.Lfunc_end2:
_tile_overlayer_lowered:
.L_overlay_start_2:
0x5f: {  	(tag) =	ssettag $0x2  }
0x60: {  	s0 =	rddreg [dreg:$0x0];
	s2 =	stileid.u32  }
0x61: {  	s1 =	rddreg [dreg:$0x1];
	p0 =	sne.s32 s2, $0x0  }
0x62: {  	s3 =	rddreg [dreg:$0x2];
	[bflag:$0x3] =	sbarrier.arrive $0xFFFF;
	s2 =	simm.s32 @!p0 $0x1C01  }
0x63: {  	[timem:s3], [sflag:s2] =	dma.local @!p0 [hbm:s0], s1  }
0x64: {  	s0 =	simm.s32 @!p0 $0x1  }
0x65: {  	_ =	swait.ge @!p0 [sflag:s0], s1  }
0x66: {  	s1 =	ssub.s32 @!p0 $0x0, s1;
	[sflag:s0] =	ssyncset.done @!p0 $0x0  }
0x67: {  	[sflag:s0] =	ssyncadd.s32 @!p0 s1  }
0x68: {  	[bflag:$0x3] =	sbarrier.arrive $0xFFFF  }
0x69: {  	_ =	shalt  }

// kernel: kernel.17.cloned.1.call-start
scs
__scs_entry_jumppad:
0x0: {  	(pc) =	sbr.rel $0x88, $3  }
0x1: {  	(tag) =	ssettag $0x0;
	lr =	simm.s32 $0x1  }
0x2: {  	[smem:$0x3F95] =	sst lr;
	_ =	strace $0xD0000000  }
0x3: {  	_ = 	snop  }
0x4: {  	_ = 	snop  }
0x5: {  	_ = 	snop  }
0x6: {  	_ = 	snop  }
0x7: {  	_ = 	snop  }
__scs_overlays_trampoline_lowered:
0x8: {  	[smem:$0x3FA4] =	sst s0  }
0x9: {  	[smem:$0x3FA5] =	sst s1  }
0xa: {  	[smem:$0x3FA6] =	sst s2  }
0xb: {  	[smem:$0x3FA7] =	sst s3  }
0xc: {  	[smem:$0x3FA8] =	sst s4  }
0xd: {  	[smem:$0x3FA9] =	sst s5  }
0xe: {  	[smem:$0x3FAA] =	sst s6  }
0xf: {  	[smem:$0x3FAB] =	sst s7  }
0x10: {  	[smem:$0x3FAC] =	sst s8  }
0x11: {  	[smem:$0x3FAD] =	sst s9;
	s0 =	simm.s32 @!p0 $0x0  }
0x12: {  	s1 =	sld [smem:$0x3F93];
	s0 =	simm.s32 @p0 $0x1  }
0x13: {  	[smem:$0x3FAE] =	sst s0;
	s0 =	simm.s32 @!p1 $0x0  }
0x14: {  	s2 =	sld [smem:$0x3F92];
	s0 =	simm.s32 @p1 $0x1  }
0x15: {  	[smem:$0x3FAF] =	sst s0;
	s0 =	simm.s32 @!p2 $0x0  }
0x16: {  	s3 =	sld [smem:$0x3FDB];
	s0 =	simm.s32 @p2 $0x1  }
0x17: {  	s4 =	simm.s32 $0x1BF5;
	[smem:$0x3FB1] =	sst s0  }
0x18: {  	s0 =	sld [smem:$0x3F94];
	_ =	swait.ge [sflag:s4], $0x0  }
0x19: {  	s7 =	sld [smem:$0x3F95]  }
0x1a: {  	s8 =	sadd.s32 $0xFFFFE003, lr  }
0x1b: {  	s9 =	sadd.s32 $0xFFFFFEF7, lr;
	s5 =	simm.s32 $0xFFFFFFFF;
	p2 =	slt.u32 s8, $0xFFFFF086  }
0x1c: {  	p1 =	slt.u32 s9, $0xF7A;
	s5 =	simm.s32 @!p2 $0x0  }
0x1d: {  	s5 =	simm.s32 @p1 $0x1;
	p0 =	seq.s32 s7, s2  }
0x1e: {  	s7 =	smul.u32 @!p0 $0xF7A, s2;
	p2 =	seq.s32 @!p0 s5, $0x0  }
0x1f: {  	s9 =	smul.u32 $0xF7A, s1;
	s8 =	simm.s32 @!p0 $0x1BF5;
	p2 =	por !p2, p0  }
0x20: {  	[sflag:s8] =	ssyncset.s32 @!p0 $0xFFFFF086;
	s6 =	sadd.s32 @!p0 s3, s7;
	s7 =	simm.s32 @!p0 $0x108  }
0x21: {  	s3 =	sadd.s32 s3, s9;
	s6 =	sadd.s32 @!p0 $0x88, s6;
	s7 =	simm.s32 @p2 $0x1082  }
0x22: {  	[simem:s7], [sflag:s8] =	dma.local @!p0 [hbm:s6], $0xF7A  }
0x23: {  	s9 =	sor.u32 $0xD0000000, s2;
	s6 =	simm.s32 $0x108;
	_ =	swait.ge @!p0 [sflag:s8], $0x0  }
0x24: {  	s3 =	sadd.s32 $0x88, s3;
	s6 =	simm.s32 @!p1 $0x1082;
	[sflag:s4] =	ssyncset.s32 $0xFFFFF086  }
0x25: {  	[simem:s6], [sflag:s4] =	dma.local [hbm:s3], $0xF7A  }
0x26: {  	[smem:$0x3F95] =	sst s1;
	(tag) =	ssettag s2;
	_ =	strace s9  }
0x27: {  	s1 =	sld [smem:$0x3FA5]  }
0x28: {  	s2 =	sld [smem:$0x3FA6]  }
0x29: {  	s4 =	sld [smem:$0x3FA8]  }
0x2a: {  	p0 =	seq.s32 s5, $0x0;
	s5 =	sld [smem:$0x3FA9]  }
0x2b: {  	s6 =	sld [smem:$0x3FAA]  }
0x2c: {  	s7 =	sld [smem:$0x3FAB]  }
0x2d: {  	s3 =	simm.s32 $0x108;
	s8 =	sld [smem:$0x3FAC]  }
0x2e: {  	s3 =	simm.s32 @!p0 $0x1082;
	s9 =	sld [smem:$0x3FAD]  }
0x2f: {  	lr =	sadd.s32 s0, s3;
	s0 =	sld [smem:$0x3FA4]  }
0x30: {  	s3 =	sld [smem:$0x3FA7]  }
0x31: {  	[smem:$0x3FB0] =	sst s10  }
0x32: {  	s10 =	sld [smem:$0x3FAE];
	_ =	sdelay $0x3  }
0x33: {  	p0 =	seq.s32 s10, $0x1;
	s10 =	sld [smem:$0x3FB0];
	_ =	sdelay $0x3  }
0x34: {  	[smem:$0x3FB0] =	sst s10  }
0x35: {  	s10 =	sld [smem:$0x3FAF];
	_ =	sdelay $0x3  }
0x36: {  	p1 =	seq.s32 s10, $0x1;
	s10 =	sld [smem:$0x3FB0];
	_ =	sdelay $0x3  }
0x37: {  	[smem:$0x3FB0] =	sst s10  }
0x38: {  	s10 =	sld [smem:$0x3FB1]  }
0x39: {  	_ = 	snop;
	(pc) =	sbr.ind lr, $3  }
0x3a: {  	_ = 	snop  }
0x3b: {  	_ = 	snop  }
0x3c: {  	p2 =	seq.s32 s10, $0x1;
	s10 =	sld [smem:$0x3FB0]  }
0x3d: {  	_ =	shalt  }
0x3e: {  	_ =	shalt  }
0x3f: {  	_ =	shalt  }
0x40: {  	_ =	shalt  }
0x41: {  	_ =	shalt  }
0x42: {  	_ =	shalt  }
0x43: {  	_ =	shalt  }
0x44: {  	_ =	shalt  }
0x45: {  	_ =	shalt  }
0x46: {  	_ =	shalt  }
0x47: {  	_ =	shalt  }
0x48: {  	_ =	shalt  }
0x49: {  	_ =	shalt  }
0x4a: {  	_ =	shalt  }
0x4b: {  	_ =	shalt  }
0x4c: {  	_ =	shalt  }
0x4d: {  	_ =	shalt  }
0x4e: {  	_ =	shalt  }
0x4f: {  	_ =	shalt  }
0x50: {  	_ =	shalt  }
0x51: {  	_ =	shalt  }
0x52: {  	_ =	shalt  }
0x53: {  	_ =	shalt  }
0x54: {  	_ =	shalt  }
0x55: {  	_ =	shalt  }
0x56: {  	_ =	shalt  }
0x57: {  	_ =	shalt  }
0x58: {  	_ =	shalt  }
0x59: {  	_ =	shalt  }
0x5a: {  	_ =	shalt  }
0x5b: {  	_ =	shalt  }
0x5c: {  	_ =	shalt  }
0x5d: {  	_ =	shalt  }
0x5e: {  	_ =	shalt  }
0x5f: {  	_ =	shalt  }
0x60: {  	_ =	shalt  }
0x61: {  	_ =	shalt  }
0x62: {  	_ =	shalt  }
0x63: {  	_ =	shalt  }
0x64: {  	_ =	shalt  }
0x65: {  	_ =	shalt  }
0x66: {  	_ =	shalt  }
0x67: {  	_ =	shalt  }
0x68: {  	_ =	shalt  }
0x69: {  	_ =	shalt  }
0x6a: {  	_ =	shalt  }
0x6b: {  	_ =	shalt  }
0x6c: {  	_ =	shalt  }
0x6d: {  	_ =	shalt  }
0x6e: {  	_ =	shalt  }
0x6f: {  	_ =	shalt  }
0x70: {  	_ =	shalt  }
0x71: {  	_ =	shalt  }
0x72: {  	_ =	shalt  }
0x73: {  	_ =	shalt  }
0x74: {  	_ =	shalt  }
0x75: {  	_ =	shalt  }
0x76: {  	_ =	shalt  }
0x77: {  	_ =	shalt  }
0x78: {  	_ =	shalt  }
0x79: {  	_ =	shalt  }
0x7a: {  	_ =	shalt  }
0x7b: {  	_ =	shalt  }
0x7c: {  	_ =	shalt  }
0x7d: {  	_ =	shalt  }
0x7e: {  	_ =	shalt  }
0x7f: {  	_ =	shalt  }
0x80: {  	_ =	shalt  }
0x81: {  	_ =	shalt  }
0x82: {  	_ =	shalt  }
0x83: {  	_ =	shalt  }
0x84: {  	_ =	shalt  }
0x85: {  	_ =	shalt  }
0x86: {  	_ =	shalt  }
0x87: {  	_ =	shalt  }
.Lfunc_end0:
.L_simem_size_0:
called_computation.1_lowered:
.L_overlay_start_0:
0x88: {  	s2 =	sld [smem:$0x3FD9]  }
0x89: {  	s3 =	sld [smem:$0x3FFE];
	_ =	sdelay $0x1  }
0x8a: {  	s1 =	srdreg.scid  }
0x8b: {  	s0 =	sand.u32 $0x1, s1  }
0x8c: {  	s17 =	sshll.u32 s0, $0xA;
	s2 =	sadd.s32 s3, s2  }
0x8d: {  	s2 =	sadd.s32 s2, s17  }
0x8e: {  	[smem:$0x3FBC] =	sst s2  }
0x8f: {  	_ = 	snop  }
0x90: {  	s2 =	sld [smem:$0x3FD0];
	(tm) =	ssettm $0x1  }
0x91: {  	s18 =	sld [smem:$0x3FFB];
	_ =	sdelay $0x3  }
0x92: {  	_ =	strace s18  }
0x93: {  	s3 =	sld [smem:$0x3FFC];
	_ =	sdelay $0x3  }
0x94: {  	_ =	strace s3  }
0x95: {  	s3 =	sld [smem:$0x3FFD];
	_ =	sdelay $0x3  }
0x96: {  	_ =	strace s3  }
0x97: {  	_ =	strace $0x8FFFFFFF  }
0x98: {  	s19 =	sld [smem:$0x3FDB];
	_ =	sdelay $0x1  }
0x99: {  	s4 =	simm.s32 $_scs_section_size  }
0x9a: {  	s5 =	simm.s32 $_size__tile_overlayer_lowered;
	s6 =	simm.s32 $_tile_overlayer_lowered  }
0x9b: {  	s22 =	simm.s32 $0x1BFF;
	s21 =	sshll.u32 s6, $0x1;
	s3 =	sadd.s32 s4, s19  }
0x9c: {  	s7 =	simm.s32 $0x0;
	s20 =	sshll.u32 s5, $0x1;
	s5 =	sadd.s32 s21, s3  }
0x9d: {  	[timem:s7], [sflag:s22] =	dma.local [hbm:s5], s20  }
0x9e: {  	_ =	swait.ge [sflag:s22], s20  }
0x9f: {  	s4 =	ssub.s32 $0x0, s20;
	[sflag:s22] =	ssyncset.done $0x0  }
0xa0: {  	[sflag:s22] =	ssyncadd.s32 s4;
	_ =	sdelay $0x1  }
0xa1: {  	s23 =	simm.s32 $0x1B8B  }
0xa2: {  	_ =	swait.ge [sflag:s23], $0x1  }
0xa3: {  	[sflag:s23] =	ssyncset.done $0x0  }
0xa4: {  	s25 =	simm.s32 $0x1B8E;
	s24 =	sld [smem:$0x3FFE];
	[sflag:s23] =	ssyncadd.s32 $0xFFFFFFFF  }
0xa5: {  	s26 =	simm.s32 $execute0_lowered;
	[smem:$0x3FD2] =	sst s25  }
0xa6: {  	s5 =	sshll.u32 s26, $0x1;
	_ =	strace $0x80000049;
	[dreg:$0x1] =	wrdreg $0xFFFFFFFF  }
0xa7: {  	s28 =	simm.s32 $_size_execute0_lowered;
	s3 =	sadd.s32 s3, s5;
	[dreg:$0x0] =	wrdreg $0x0  }
0xa8: {  	s5 =	sshll.u32 s28, $0x1;
	[dreg:$0x2] =	wrdreg s3  }
0xa9: {  	[dreg:$0x3] =	wrdreg s5  }
0xaa: {  	[dreg:$0x4] =	wrdreg $0xC0  }
0xab: {  	_ =	task [dreg:s7], $0x5FFFF  }
0xac: {  	[dreg:$0x1] =	wrdreg $0xFFFFFFFF  }
0xad: {  	[dreg:$0x0] =	wrdreg $0x60  }
0xae: {  	[dreg:$0x2] =	wrdreg s2  }
0xaf: {  	[dreg:$0x3] =	wrdreg s24  }
0xb0: {  	[dreg:$0x4] =	wrdreg $0x90000  }
0xb1: {  	[dreg:$0x5] =	wrdreg $0x9  }
0xb2: {  	_ =	task.clear_ibuf [dreg:s7], $0x6FFFF;
	_ =	strace $0x90000049  }
0xb3: {  	s29 =	simm.s32 $0x9;
	_ =	strace $0x8000004B  }
0xb4: {  	_ =	swait.ge [sflag:s29], $0x1  }
0xb5: {  	[sflag:s29] =	ssyncadd.s32 $0xFFFFFFFF  }
0xb6: {  	_ =	strace $0x9000004B  }
0xb7: {  	_ =	sfence  }
0xb8: {  	s30 =	sld [smem:$0x0];
	_ =	sdelay $0x2  }
0xb9: {  	s31 =	sshll.u32 s1, $0xD;
	s1 =	sshrl.u32 s1, $0x2  }
0xba: {  	s3 =	sand.u32 $0x4000, s31;
	s1 =	sadd.s32 s1, s30  }
0xbb: {  	s0 =	sor.u32 s3, s0;
	s1 =	sshll.u32 s1, $0x11  }
0xbc: {  	s0 =	sor.u32 s1, s0  }
0xbd: {  	s0 =	sadd.s32 $0x8F2B, s0  }
0xbe: {  	[sflag:s0] =	ssyncadd.remote.s32 $0x1  }
0xbf: {  	_ =	sfence.sel $0xFFFF  }
0xc0: {  	[dreg:$0x0] =	wrdreg $0xFFFFFFFF;
	(pc) =	sbr.abs _section_cstart, $3  }
0xc1: {  	[dreg:$0x1] =	wrdreg $0xFFFFFFFF  }
0xc2: {  	_ =	task.clear_ibuf [dreg:s7], $0x2FFFF;
	_ =	strace $0x9FFFFFFF  }
0xc3: {  	(tm) =	ssettm $0x7FFFFFFF  }
tec
execute0_lowered:
.L_overlay_start_1:
0x0: {  	(tag) =	ssettag $0x1  }
0x1: {  	s1 =	rddreg [dreg:$0x0];
	s2 =	srdreg.scid  }
0x2: {  	s0 =	stileid.u32;
	s5 =	rddreg [dreg:$0x1]  }
0x3: {  	s3 =	rddreg [dreg:$0x2];
	s4 =	simm.s32 $0x0;
	s21 =	simm.s32 $0x80  }
0x4: {  	s22 =	simm.s32 $0x1;
	s23 =	simm.s32 $0x0;
	s7 =	sand.u32 $0x1, s2  }
0x5: {  	s28 =	sshll.u32 s0, $0x1;
	s2 =	rddreg [dreg:$0x3];
	s8 =	smul.u32 $0x50000, s0  }
0x6: {  	[smem:$0x7FF] =	sst s4;
	s11 =	smul.u32 $0x14000, s0;
	s16 =	sadd.s32 $0x42200, s5  }
0x7: {  	s6 =	sor.u32 s7, s28;
	s9 =	ssub.s32 $0x2, s7;
	s19 =	smul.u32 $0x140000, s7  }
0x8: {  	_ =	strace $0x8000004A;
	s6 =	smul.u32 $0x500, s6;
	s29 =	sshrl.u32 s9, $0x1  }
0x9: {  	s30 =	sshrl.u32 s8, $0x2;
	s13 =	sadd.s32 $0x4000, s11;
	s14 =	sadd.s32 $0x8000, s11  }
0xa: {  	s15 =	sadd.s32 $0xC000, s11;
	s18 =	sadd.s32 $0x10000, s11;
	s17 =	ssub.s32 s9, s29  }
0xb: {  	s7 =	sadd.s32 s14, s3;
	s8 =	sadd.s32 s15, s3;
	s9 =	sadd.s32 s18, s3  }
0xc: {  	s20 =	sadd.s32 s11, s19;
	s14 =	sadd.s32 s19, s14;
	s15 =	sadd.s32 s19, s15  }
0xd: {  	s18 =	sadd.s32 s19, s18;
	s12 =	sadd.s32 s6, s5;
	s5 =	sadd.s32 s30, s3  }
0xe: {  	s6 =	sadd.s32 s13, s3;
	s13 =	sadd.s32 s19, s13;
	s31 =	sshrl.u32 s20, $0x3  }
0xf: {  	s14 =	sshrl.u32 s14, $0x3;
	s15 =	sshrl.u32 s15, $0x3;
	s18 =	sshrl.u32 s18, $0x3  }
0x10: {  	s17 =	smax.u32 s17, $0x1;
	s19 =	simm.s32 $0x2;
	s20 =	simm.s32 $0x2800  }
0x11: {  	s10 =	sadd.s32 $0x11000, s12;
	s11 =	sadd.s32 $0x7000, s12;
	s13 =	sshrl.u32 s13, $0x3  }
0x12: {  	s12 =	sadd.s32 s16, s31;
	s14 =	sadd.s32 s16, s14;
	s15 =	sadd.s32 s16, s15  }
0x13: {  	v0 =	vimm.f32 $0.0e+00;
	s13 =	sadd.s32 s16, s13;
	s16 =	sadd.s32 s16, s18;
	s18 =	simm.s32 $0x5000  }
.LBB2_1:
0x14: {  	s24 =	simm.s32 $0x0;
	s25 =	simm.s32 $0x200  }
.LBB2_2:
0x15: {  	p0 =	sne.s32 s25, $0xFE00;
	[tilespmem:s24+$0x5070] =	vst v0  }
0x16: {  	[tilespmem:s24+$0x5000] =	vst v0  }
0x17: {  	[tilespmem:s24+$0x5010] =	vst v0  }
.Ltmp0:
0x18: {  	[tilespmem:s24+$0x5020] =	vst v0;
	(pc) =	sbr.rel @p0 .LBB2_2-.Ltmp0, $4  }
0x19: {  	[tilespmem:s24+$0x5030] =	vst v0  }
0x1a: {  	[tilespmem:s24+$0x5040] =	vst v0  }
0x1b: {  	[tilespmem:s24+$0x5050] =	vst v0  }
0x1c: {  	[tilespmem:s24+$0x5060] =	vst v0;
	s24 =	sshra.s32 s25, $0x2;
	s25 =	sadd.s32 $0x200, s25  }
0x1d: {  	[tilespmem:s24+$0x5070] =	vst v0  }
0x1e: {  	[tilespmem:s24+$0x5000] =	vst v0  }
0x1f: {  	[tilespmem:s24+$0x5010] =	vst v0  }
0x20: {  	[tilespmem:s24+$0x5020] =	vst v0  }
0x21: {  	[tilespmem:s24+$0x5030] =	vst v0  }
0x22: {  	[tilespmem:s24+$0x5040] =	vst v0  }
0x23: {  	[tilespmem:s24+$0x5050] =	vst v0  }
0x24: {  	[tilespmem:s24+$0x5060] =	vst v0  }
0x25: {  	[spmem:s5] =	stream.linear.scatter [tilespmem:s18], [sflag:$0x2], $0x4000, $0x38;
	[tilespmem:$0x1D000] =	vst v63  }
0x26: {  	_ =	swait.ge [sflag:s19], $0x4000  }
0x27: {  	[sflag:s19] =	ssyncset.done $0x0  }
0x28: {  	[sflag:s19] =	ssyncadd.s32 $0xFFFFC000  }
0x29: {  	[spmem:s6] =	stream.linear.scatter [tilespmem:s18], [sflag:$0x2], $0x4000, $0x38;
	[tilespmem:$0x1D000] =	vst v63  }
0x2a: {  	_ =	swait.ge [sflag:s19], $0x4000  }
0x2b: {  	[sflag:s19] =	ssyncset.done $0x0  }
0x2c: {  	[sflag:s19] =	ssyncadd.s32 $0xFFFFC000  }
0x2d: {  	[spmem:s7] =	stream.linear.scatter [tilespmem:s18], [sflag:$0x2], $0x4000, $0x38;
	[tilespmem:$0x1D000] =	vst v63  }
0x2e: {  	_ =	swait.ge [sflag:s19], $0x4000  }
0x2f: {  	[sflag:s19] =	ssyncset.done $0x0  }
0x30: {  	[sflag:s19] =	ssyncadd.s32 $0xFFFFC000  }
0x31: {  	[spmem:s8] =	stream.linear.scatter [tilespmem:s18], [sflag:$0x2], $0x4000, $0x38;
	[tilespmem:$0x1D000] =	vst v63  }
0x32: {  	_ =	swait.ge [sflag:s19], $0x4000  }
0x33: {  	[sflag:s19] =	ssyncset.done $0x0  }
0x34: {  	[sflag:s19] =	ssyncadd.s32 $0xFFFFC000  }
0x35: {  	[spmem:s9] =	stream.linear.scatter [tilespmem:s18], [sflag:$0x2], $0x4000, $0x38;
	[tilespmem:$0x1D000] =	vst v63  }
0x36: {  	_ =	swait.ge [sflag:s19], $0x4000  }
0x37: {  	[sflag:s19] =	ssyncset.done $0x0  }
0x38: {  	s29 =	simm.s32 $0x0;
	[sflag:s19] =	ssyncadd.s32 $0xFFFFC000  }
0x39: {  	[tilespmem:s29], [sflag:$0x2] =	stream.linear.gather [hbm4b:s10+s29], $0x2780, $0x38;
	[tilespmem:$0x1D000] =	vst v63  }
0x3a: {  	_ =	swait.ge [sflag:s19], $0x2780  }
0x3b: {  	[sflag:s19] =	ssyncset.done $0x0  }
0x3c: {  	[sflag:s19] =	ssyncadd.s32 $0xFFFFD880  }
0x3d: {  	[tilespmem:s20], [sflag:$0x2] =	stream.linear.gather [hbm4b:s11+s29], $0x2780, $0x38;
	[tilespmem:$0x1D000] =	vst v63  }
0x3e: {  	_ =	swait.ge [sflag:s19], $0x2780  }
0x3f: {  	[sflag:s19] =	ssyncset.done $0x0  }
0x40: {  	[sflag:s19] =	ssyncadd.s32 $0xFFFFD880  }
0x41: {  	s30 =	simm.s32 $0x0;
	[bflag:$0x0] =	sbarrier.arrive $0xFFFF  }
0x42: {  	[tilespmem:s18], [sflag:$0x1] =	stream.indirect.gather [hbm4b:s1+s21], $0x80, s30, s21, $0xb8;
	[tilespmem:$0x1D000] =	vst v63  }
0x43: {  	_ =	swait.ge [sflag:s22], $0x4000  }
0x44: {  	[sflag:s22] =	ssyncset.done $0x0  }
0x45: {  	s31 =	simm.s32 $0x2800;
	[sflag:s22] =	ssyncadd.s32 $0xFFFFC000  }
0x46: {  	[spmem:s3] =	stream.indirect.scatter.add.f32 [tilespmem:s18], [sflag:$0x2], $0x80, s31, s21, $0xb8;
	[tilespmem:$0x1D000] =	vst v63  }
0x47: {  	_ =	swait.ge [sflag:s19], $0x4000  }
0x48: {  	s24 =	simm.s32 $0x200;
	s25 =	simm.s32 $0x400;
	[sflag:s19] =	ssyncset.done $0x0  }
.LBB2_4:
0x49: {  	s26 =	sshra.s32 s24, $0x2  }
0x4a: {  	[sflag:s19] =	ssyncadd.s32 $0xFFFFC000;
	s24 =	smov.u32 s25;
	s28 =	sadd.s32 $0x200, s25  }
0x4b: {  	[tilespmem:s18], [sflag:$0x1] =	stream.indirect.gather [hbm4b:s1+s21], $0x80, s26, s21, $0xb8;
	[tilespmem:$0x1D000] =	vst v63  }
0x4c: {  	p0 =	sne.s32 s25, $0x9C00;
	_ =	swait.ge [sflag:s22], $0x4000  }
.Ltmp1:
0x4d: {  	[sflag:s22] =	ssyncset.done $0x0;
	(pc) =	sbr.rel @p0 .LBB2_4-.Ltmp1, $4  }
0x4e: {  	s25 =	sadd.s32 $0x2800, s26;
	[sflag:s22] =	ssyncadd.s32 $0xFFFFC000  }
0x4f: {  	[spmem:s3] =	stream.indirect.scatter.add.f32 [tilespmem:s18], [sflag:$0x2], $0x80, s25, s21, $0xb8;
	[tilespmem:$0x1D000] =	vst v63  }
0x50: {  	_ =	swait.ge [sflag:s19], $0x4000  }
0x51: {  	s25 =	smov.u32 s28;
	[sflag:s19] =	ssyncset.done $0x0  }
0x52: {  	s24 =	sshra.s32 s24, $0x2;
	[sflag:s19] =	ssyncadd.s32 $0xFFFFC000  }
0x53: {  	[tilespmem:s18], [sflag:$0x1] =	stream.indirect.gather [hbm4b:s1+s21], $0x80, s24, s21, $0xb8;
	[tilespmem:$0x1D000] =	vst v63  }
0x54: {  	_ =	swait.ge [sflag:s22], $0x4000  }
0x55: {  	[sflag:s22] =	ssyncset.done $0x0  }
0x56: {  	s24 =	sadd.s32 $0x2800, s24;
	[sflag:s22] =	ssyncadd.s32 $0xFFFFC000  }
0x57: {  	[spmem:s3] =	stream.indirect.scatter.add.f32 [tilespmem:s18], [sflag:$0x2], $0x80, s24, s21, $0xb8;
	[tilespmem:$0x1D000] =	vst v63  }
0x58: {  	_ =	swait.ge [sflag:s19], $0x4000  }
0x59: {  	[sflag:s19] =	ssyncset.done $0x0  }
0x5a: {  	[sflag:s19] =	ssyncadd.s32 $0xFFFFC000  }
0x5b: {  	[bflag:$0x0] =	sbarrier.arrive $0xFFFF  }
0x5c: {  	[tilespmem:s18], [sflag:$0x2] =	stream.linear.gather [spmem:s5], $0x4000, $0x38;
	[tilespmem:$0x1D000] =	vst v63  }
0x5d: {  	_ =	swait.ge [sflag:s19], $0x4000  }
0x5e: {  	[sflag:s19] =	ssyncset.done $0x0  }
0x5f: {  	[sflag:s19] =	ssyncadd.s32 $0xFFFFC000  }
0x60: {  	[hbm4b:s12+s4] =	stream.linear.scatter [tilespmem:s18], [sflag:$0x2], $0x4000, $0x38;
	[tilespmem:$0x1D000] =	vst v63  }
0x61: {  	_ =	swait.ge [sflag:s19], $0x4000  }
0x62: {  	[sflag:s19] =	ssyncset.done $0x0  }
0x63: {  	[sflag:s19] =	ssyncadd.s32 $0xFFFFC000  }
0x64: {  	[tilespmem:s18], [sflag:$0x2] =	stream.linear.gather [spmem:s6], $0x4000, $0x38;
	[tilespmem:$0x1D000] =	vst v63  }
0x65: {  	_ =	swait.ge [sflag:s19], $0x4000  }
0x66: {  	[sflag:s19] =	ssyncset.done $0x0  }
0x67: {  	[sflag:s19] =	ssyncadd.s32 $0xFFFFC000  }
0x68: {  	[hbm4b:s13+s4] =	stream.linear.scatter [tilespmem:s18], [sflag:$0x2], $0x4000, $0x38;
	[tilespmem:$0x1D000] =	vst v63  }
0x69: {  	_ =	swait.ge [sflag:s19], $0x4000  }
0x6a: {  	[sflag:s19] =	ssyncset.done $0x0  }
0x6b: {  	[sflag:s19] =	ssyncadd.s32 $0xFFFFC000  }
0x6c: {  	[tilespmem:s18], [sflag:$0x2] =	stream.linear.gather [spmem:s7], $0x4000, $0x38;
	[tilespmem:$0x1D000] =	vst v63  }
0x6d: {  	_ =	swait.ge [sflag:s19], $0x4000  }
0x6e: {  	[sflag:s19] =	ssyncset.done $0x0  }
0x6f: {  	[sflag:s19] =	ssyncadd.s32 $0xFFFFC000  }
0x70: {  	[hbm4b:s14+s4] =	stream.linear.scatter [tilespmem:s18], [sflag:$0x2], $0x4000, $0x38;
	[tilespmem:$0x1D000] =	vst v63  }
0x71: {  	_ =	swait.ge [sflag:s19], $0x4000  }
0x72: {  	[sflag:s19] =	ssyncset.done $0x0  }
0x73: {  	[sflag:s19] =	ssyncadd.s32 $0xFFFFC000  }
0x74: {  	[tilespmem:s18], [sflag:$0x2] =	stream.linear.gather [spmem:s8], $0x4000, $0x38;
	[tilespmem:$0x1D000] =	vst v63  }
0x75: {  	_ =	swait.ge [sflag:s19], $0x4000  }
0x76: {  	[sflag:s19] =	ssyncset.done $0x0  }
0x77: {  	[sflag:s19] =	ssyncadd.s32 $0xFFFFC000  }
0x78: {  	[hbm4b:s15+s4] =	stream.linear.scatter [tilespmem:s18], [sflag:$0x2], $0x4000, $0x38;
	[tilespmem:$0x1D000] =	vst v63  }
0x79: {  	_ =	swait.ge [sflag:s19], $0x4000  }
0x7a: {  	[sflag:s19] =	ssyncset.done $0x0  }
0x7b: {  	[sflag:s19] =	ssyncadd.s32 $0xFFFFC000  }
0x7c: {  	[tilespmem:s18], [sflag:$0x2] =	stream.linear.gather [spmem:s9], $0x4000, $0x38;
	[tilespmem:$0x1D000] =	vst v63  }
0x7d: {  	s23 =	sadd.s32 $0x1, s23;
	_ =	swait.ge [sflag:s19], $0x4000  }
0x7e: {  	p0 =	sne.s32 s23, s17;
	[sflag:s19] =	ssyncset.done $0x0  }
.Ltmp2:
0x7f: {  	[sflag:s19] =	ssyncadd.s32 $0xFFFFC000;
	(pc) =	sbr.rel @p0 .LBB2_1-.Ltmp2, $4  }
0x80: {  	[hbm4b:s16+s4] =	stream.linear.scatter [tilespmem:s18], [sflag:$0x2], $0x4000, $0x38;
	[tilespmem:$0x1D000] =	vst v63  }
0x81: {  	_ =	swait.ge [sflag:s19], $0x4000  }
0x82: {  	[sflag:s19] =	ssyncset.done $0x0  }
0x83: {  	[sflag:s19] =	ssyncadd.s32 $0xFFFFC000  }
0x84: {  	_ =	sfence.sel $0x180000  }
0x85: {  	[bflag:$0x0] =	sbarrier.arrive $0xFFFF  }
0x86: {  	p0 =	sne.s32 s0, $0x0;
	_ =	strace $0x9000004A  }
0x87: {  	s0 =	sadd.s32 @!p0 $0x100000, s2;
	[bflag:$0x2] =	sbarrier.arrive $0xFFFF  }
0x88: {  	[sflag:s0] =	ssyncadd.tile.s32 @!p0 $0x1;
	_ =	shalt  }
.Lfunc_end2:
_tile_overlayer_lowered:
.L_overlay_start_2:
0x89: {  	(tag) =	ssettag $0x2  }
0x8a: {  	s0 =	rddreg [dreg:$0x0];
	s2 =	stileid.u32  }
0x8b: {  	s1 =	rddreg [dreg:$0x1];
	p0 =	sne.s32 s2, $0x0  }
0x8c: {  	s3 =	rddreg [dreg:$0x2];
	[bflag:$0x3] =	sbarrier.arrive $0xFFFF;
	s2 =	simm.s32 @!p0 $0x1C02  }
0x8d: {  	[timem:s3], [sflag:s2] =	dma.local @!p0 [hbm:s0], s1  }
0x8e: {  	s0 =	simm.s32 @!p0 $0x2  }
0x8f: {  	_ =	swait.ge @!p0 [sflag:s0], s1  }
0x90: {  	s1 =	ssub.s32 @!p0 $0x0, s1;
	[sflag:s0] =	ssyncset.done @!p0 $0x0  }
0x91: {  	[sflag:s0] =	ssyncadd.s32 @!p0 s1  }
0x92: {  	[bflag:$0x3] =	sbarrier.arrive $0xFFFF  }
0x93: {  	_ =	shalt  }

// kernel: kernel.20.cloned.1.call-start
scs
__scs_entry_jumppad:
0x0: {  	(pc) =	sbr.rel $0x88, $3  }
0x1: {  	(tag) =	ssettag $0x0;
	lr =	simm.s32 $0x1  }
0x2: {  	[smem:$0x3F95] =	sst lr;
	_ =	strace $0xD0000000  }
0x3: {  	_ = 	snop  }
0x4: {  	_ = 	snop  }
0x5: {  	_ = 	snop  }
0x6: {  	_ = 	snop  }
0x7: {  	_ = 	snop  }
__scs_overlays_trampoline_lowered:
0x8: {  	[smem:$0x3FA4] =	sst s0  }
0x9: {  	[smem:$0x3FA5] =	sst s1  }
0xa: {  	[smem:$0x3FA6] =	sst s2  }
0xb: {  	[smem:$0x3FA7] =	sst s3  }
0xc: {  	[smem:$0x3FA8] =	sst s4  }
0xd: {  	[smem:$0x3FA9] =	sst s5  }
0xe: {  	[smem:$0x3FAA] =	sst s6  }
0xf: {  	[smem:$0x3FAB] =	sst s7  }
0x10: {  	[smem:$0x3FAC] =	sst s8  }
0x11: {  	[smem:$0x3FAD] =	sst s9;
	s0 =	simm.s32 @!p0 $0x0  }
0x12: {  	s1 =	sld [smem:$0x3F93];
	s0 =	simm.s32 @p0 $0x1  }
0x13: {  	[smem:$0x3FAE] =	sst s0;
	s0 =	simm.s32 @!p1 $0x0  }
0x14: {  	s2 =	sld [smem:$0x3F92];
	s0 =	simm.s32 @p1 $0x1  }
0x15: {  	[smem:$0x3FAF] =	sst s0;
	s0 =	simm.s32 @!p2 $0x0  }
0x16: {  	s3 =	sld [smem:$0x3FDB];
	s0 =	simm.s32 @p2 $0x1  }
0x17: {  	s4 =	simm.s32 $0x1BF5;
	[smem:$0x3FB1] =	sst s0  }
0x18: {  	s0 =	sld [smem:$0x3F94];
	_ =	swait.ge [sflag:s4], $0x0  }
0x19: {  	s7 =	sld [smem:$0x3F95]  }
0x1a: {  	s8 =	sadd.s32 $0xFFFFE003, lr  }
0x1b: {  	s9 =	sadd.s32 $0xFFFFFEF7, lr;
	s5 =	simm.s32 $0xFFFFFFFF;
	p2 =	slt.u32 s8, $0xFFFFF086  }
0x1c: {  	p1 =	slt.u32 s9, $0xF7A;
	s5 =	simm.s32 @!p2 $0x0  }
0x1d: {  	s5 =	simm.s32 @p1 $0x1;
	p0 =	seq.s32 s7, s2  }
0x1e: {  	s7 =	smul.u32 @!p0 $0xF7A, s2;
	p2 =	seq.s32 @!p0 s5, $0x0  }
0x1f: {  	s9 =	smul.u32 $0xF7A, s1;
	s8 =	simm.s32 @!p0 $0x1BF5;
	p2 =	por !p2, p0  }
0x20: {  	[sflag:s8] =	ssyncset.s32 @!p0 $0xFFFFF086;
	s6 =	sadd.s32 @!p0 s3, s7;
	s7 =	simm.s32 @!p0 $0x108  }
0x21: {  	s3 =	sadd.s32 s3, s9;
	s6 =	sadd.s32 @!p0 $0x88, s6;
	s7 =	simm.s32 @p2 $0x1082  }
0x22: {  	[simem:s7], [sflag:s8] =	dma.local @!p0 [hbm:s6], $0xF7A  }
0x23: {  	s9 =	sor.u32 $0xD0000000, s2;
	s6 =	simm.s32 $0x108;
	_ =	swait.ge @!p0 [sflag:s8], $0x0  }
0x24: {  	s3 =	sadd.s32 $0x88, s3;
	s6 =	simm.s32 @!p1 $0x1082;
	[sflag:s4] =	ssyncset.s32 $0xFFFFF086  }
0x25: {  	[simem:s6], [sflag:s4] =	dma.local [hbm:s3], $0xF7A  }
0x26: {  	[smem:$0x3F95] =	sst s1;
	(tag) =	ssettag s2;
	_ =	strace s9  }
0x27: {  	s1 =	sld [smem:$0x3FA5]  }
0x28: {  	s2 =	sld [smem:$0x3FA6]  }
0x29: {  	s4 =	sld [smem:$0x3FA8]  }
0x2a: {  	p0 =	seq.s32 s5, $0x0;
	s5 =	sld [smem:$0x3FA9]  }
0x2b: {  	s6 =	sld [smem:$0x3FAA]  }
0x2c: {  	s7 =	sld [smem:$0x3FAB]  }
0x2d: {  	s3 =	simm.s32 $0x108;
	s8 =	sld [smem:$0x3FAC]  }
0x2e: {  	s3 =	simm.s32 @!p0 $0x1082;
	s9 =	sld [smem:$0x3FAD]  }
0x2f: {  	lr =	sadd.s32 s0, s3;
	s0 =	sld [smem:$0x3FA4]  }
0x30: {  	s3 =	sld [smem:$0x3FA7]  }
0x31: {  	[smem:$0x3FB0] =	sst s10  }
0x32: {  	s10 =	sld [smem:$0x3FAE];
	_ =	sdelay $0x3  }
0x33: {  	p0 =	seq.s32 s10, $0x1;
	s10 =	sld [smem:$0x3FB0];
	_ =	sdelay $0x3  }
0x34: {  	[smem:$0x3FB0] =	sst s10  }
0x35: {  	s10 =	sld [smem:$0x3FAF];
	_ =	sdelay $0x3  }
0x36: {  	p1 =	seq.s32 s10, $0x1;
	s10 =	sld [smem:$0x3FB0];
	_ =	sdelay $0x3  }
0x37: {  	[smem:$0x3FB0] =	sst s10  }
0x38: {  	s10 =	sld [smem:$0x3FB1]  }
0x39: {  	_ = 	snop;
	(pc) =	sbr.ind lr, $3  }
0x3a: {  	_ = 	snop  }
0x3b: {  	_ = 	snop  }
0x3c: {  	p2 =	seq.s32 s10, $0x1;
	s10 =	sld [smem:$0x3FB0]  }
0x3d: {  	_ =	shalt  }
0x3e: {  	_ =	shalt  }
0x3f: {  	_ =	shalt  }
0x40: {  	_ =	shalt  }
0x41: {  	_ =	shalt  }
0x42: {  	_ =	shalt  }
0x43: {  	_ =	shalt  }
0x44: {  	_ =	shalt  }
0x45: {  	_ =	shalt  }
0x46: {  	_ =	shalt  }
0x47: {  	_ =	shalt  }
0x48: {  	_ =	shalt  }
0x49: {  	_ =	shalt  }
0x4a: {  	_ =	shalt  }
0x4b: {  	_ =	shalt  }
0x4c: {  	_ =	shalt  }
0x4d: {  	_ =	shalt  }
0x4e: {  	_ =	shalt  }
0x4f: {  	_ =	shalt  }
0x50: {  	_ =	shalt  }
0x51: {  	_ =	shalt  }
0x52: {  	_ =	shalt  }
0x53: {  	_ =	shalt  }
0x54: {  	_ =	shalt  }
0x55: {  	_ =	shalt  }
0x56: {  	_ =	shalt  }
0x57: {  	_ =	shalt  }
0x58: {  	_ =	shalt  }
0x59: {  	_ =	shalt  }
0x5a: {  	_ =	shalt  }
0x5b: {  	_ =	shalt  }
0x5c: {  	_ =	shalt  }
0x5d: {  	_ =	shalt  }
0x5e: {  	_ =	shalt  }
0x5f: {  	_ =	shalt  }
0x60: {  	_ =	shalt  }
0x61: {  	_ =	shalt  }
0x62: {  	_ =	shalt  }
0x63: {  	_ =	shalt  }
0x64: {  	_ =	shalt  }
0x65: {  	_ =	shalt  }
0x66: {  	_ =	shalt  }
0x67: {  	_ =	shalt  }
0x68: {  	_ =	shalt  }
0x69: {  	_ =	shalt  }
0x6a: {  	_ =	shalt  }
0x6b: {  	_ =	shalt  }
0x6c: {  	_ =	shalt  }
0x6d: {  	_ =	shalt  }
0x6e: {  	_ =	shalt  }
0x6f: {  	_ =	shalt  }
0x70: {  	_ =	shalt  }
0x71: {  	_ =	shalt  }
0x72: {  	_ =	shalt  }
0x73: {  	_ =	shalt  }
0x74: {  	_ =	shalt  }
0x75: {  	_ =	shalt  }
0x76: {  	_ =	shalt  }
0x77: {  	_ =	shalt  }
0x78: {  	_ =	shalt  }
0x79: {  	_ =	shalt  }
0x7a: {  	_ =	shalt  }
0x7b: {  	_ =	shalt  }
0x7c: {  	_ =	shalt  }
0x7d: {  	_ =	shalt  }
0x7e: {  	_ =	shalt  }
0x7f: {  	_ =	shalt  }
0x80: {  	_ =	shalt  }
0x81: {  	_ =	shalt  }
0x82: {  	_ =	shalt  }
0x83: {  	_ =	shalt  }
0x84: {  	_ =	shalt  }
0x85: {  	_ =	shalt  }
0x86: {  	_ =	shalt  }
0x87: {  	_ =	shalt  }
.Lfunc_end0:
.L_simem_size_0:
called_computation.2_lowered:
.L_overlay_start_0:
0x88: {  	s2 =	sld [smem:$0x3FD9]  }
0x89: {  	s3 =	sld [smem:$0x3FFE];
	_ =	sdelay $0x1  }
0x8a: {  	s1 =	srdreg.scid  }
0x8b: {  	s0 =	sand.u32 $0x1, s1  }
0x8c: {  	s17 =	sshll.u32 s0, $0xA;
	s2 =	sadd.s32 s3, s2  }
0x8d: {  	s2 =	sadd.s32 s2, s17  }
0x8e: {  	[smem:$0x3FBC] =	sst s2  }
0x8f: {  	_ = 	snop  }
0x90: {  	s2 =	sld [smem:$0x3FD0];
	(tm) =	ssettm $0x1  }
0x91: {  	s18 =	sld [smem:$0x3FFB];
	_ =	sdelay $0x3  }
0x92: {  	_ =	strace s18  }
0x93: {  	s3 =	sld [smem:$0x3FFC];
	_ =	sdelay $0x3  }
0x94: {  	_ =	strace s3  }
0x95: {  	s3 =	sld [smem:$0x3FFD];
	_ =	sdelay $0x3  }
0x96: {  	_ =	strace s3  }
0x97: {  	_ =	strace $0x8FFFFFFF  }
0x98: {  	s19 =	sld [smem:$0x3FDB];
	_ =	sdelay $0x1  }
0x99: {  	s4 =	simm.s32 $_scs_section_size  }
0x9a: {  	s5 =	simm.s32 $_size__tile_overlayer_lowered;
	s6 =	simm.s32 $_tile_overlayer_lowered  }
0x9b: {  	s22 =	simm.s32 $0x1BFF;
	s21 =	sshll.u32 s6, $0x1;
	s3 =	sadd.s32 s4, s19  }
0x9c: {  	s7 =	simm.s32 $0x0;
	s20 =	sshll.u32 s5, $0x1;
	s5 =	sadd.s32 s21, s3  }
0x9d: {  	[timem:s7], [sflag:s22] =	dma.local [hbm:s5], s20  }
0x9e: {  	_ =	swait.ge [sflag:s22], s20  }
0x9f: {  	s4 =	ssub.s32 $0x0, s20;
	[sflag:s22] =	ssyncset.done $0x0  }
0xa0: {  	[sflag:s22] =	ssyncadd.s32 s4;
	_ =	sdelay $0x1  }
0xa1: {  	s23 =	simm.s32 $0x1B8B  }
0xa2: {  	_ =	swait.ge [sflag:s23], $0x1  }
0xa3: {  	[sflag:s23] =	ssyncset.done $0x0  }
0xa4: {  	s25 =	simm.s32 $0x1B8E;
	s24 =	sld [smem:$0x3FFE];
	[sflag:s23] =	ssyncadd.s32 $0xFFFFFFFF  }
0xa5: {  	s26 =	simm.s32 $execute0_lowered;
	[smem:$0x3FD2] =	sst s25  }
0xa6: {  	s5 =	sshll.u32 s26, $0x1;
	_ =	strace $0x8000004C;
	[dreg:$0x1] =	wrdreg $0xFFFFFFFF  }
0xa7: {  	s28 =	simm.s32 $_size_execute0_lowered;
	s3 =	sadd.s32 s3, s5;
	[dreg:$0x0] =	wrdreg $0x0  }
0xa8: {  	s5 =	sshll.u32 s28, $0x1;
	[dreg:$0x2] =	wrdreg s3  }
0xa9: {  	[dreg:$0x3] =	wrdreg s5  }
0xaa: {  	[dreg:$0x4] =	wrdreg $0xC0  }
0xab: {  	_ =	task [dreg:s7], $0x5FFFF  }
0xac: {  	[dreg:$0x1] =	wrdreg $0xFFFFFFFF  }
0xad: {  	[dreg:$0x0] =	wrdreg $0x60  }
0xae: {  	[dreg:$0x2] =	wrdreg s2  }
0xaf: {  	[dreg:$0x3] =	wrdreg s24  }
0xb0: {  	[dreg:$0x4] =	wrdreg $0x90000  }
0xb1: {  	[dreg:$0x5] =	wrdreg $0x9  }
0xb2: {  	_ =	task.clear_ibuf [dreg:s7], $0x6FFFF;
	_ =	strace $0x9000004C  }
0xb3: {  	s29 =	simm.s32 $0x9;
	_ =	strace $0x8000004E  }
0xb4: {  	_ =	swait.ge [sflag:s29], $0x1  }
0xb5: {  	[sflag:s29] =	ssyncadd.s32 $0xFFFFFFFF  }
0xb6: {  	_ =	strace $0x9000004E  }
0xb7: {  	_ =	sfence  }
0xb8: {  	s30 =	sld [smem:$0x0];
	_ =	sdelay $0x2  }
0xb9: {  	s31 =	sshll.u32 s1, $0xD;
	s1 =	sshrl.u32 s1, $0x2  }
0xba: {  	s3 =	sand.u32 $0x4000, s31;
	s1 =	sadd.s32 s1, s30  }
0xbb: {  	s0 =	sor.u32 s3, s0;
	s1 =	sshll.u32 s1, $0x11  }
0xbc: {  	s0 =	sor.u32 s1, s0  }
0xbd: {  	s0 =	sadd.s32 $0x8F2B, s0  }
0xbe: {  	[sflag:s0] =	ssyncadd.remote.s32 $0x1  }
0xbf: {  	_ =	sfence.sel $0xFFFF  }
0xc0: {  	[dreg:$0x0] =	wrdreg $0xFFFFFFFF;
	(pc) =	sbr.abs _section_cstart, $3  }
0xc1: {  	[dreg:$0x1] =	wrdreg $0xFFFFFFFF  }
0xc2: {  	_ =	task.clear_ibuf [dreg:s7], $0x2FFFF;
	_ =	strace $0x9FFFFFFF  }
0xc3: {  	(tm) =	ssettm $0x7FFFFFFF  }
tec
execute0_lowered:
.L_overlay_start_1:
0x0: {  	(tag) =	ssettag $0x1  }
0x1: {  	s1 =	rddreg [dreg:$0x0];
	s2 =	srdreg.scid  }
0x2: {  	s0 =	stileid.u32;
	s5 =	rddreg [dreg:$0x1]  }
0x3: {  	s3 =	rddreg [dreg:$0x2];
	s4 =	simm.s32 $0x0;
	s21 =	simm.s32 $0x80  }
0x4: {  	s22 =	simm.s32 $0x1;
	s23 =	simm.s32 $0x0;
	s7 =	sand.u32 $0x1, s2  }
0x5: {  	s28 =	sshll.u32 s0, $0x1;
	s2 =	rddreg [dreg:$0x3];
	s8 =	smul.u32 $0x50000, s0  }
0x6: {  	[smem:$0x7FF] =	sst s4;
	s11 =	smul.u32 $0x14000, s0;
	s16 =	sadd.s32 $0x42200, s5  }
0x7: {  	s6 =	sor.u32 s7, s28;
	s9 =	ssub.s32 $0x2, s7;
	s19 =	smul.u32 $0x140000, s7  }
0x8: {  	_ =	strace $0x8000004D;
	s6 =	smul.u32 $0x500, s6;
	s29 =	sshrl.u32 s9, $0x1  }
0x9: {  	s30 =	sshrl.u32 s8, $0x2;
	s13 =	sadd.s32 $0x4000, s11;
	s14 =	sadd.s32 $0x8000, s11  }
0xa: {  	s15 =	sadd.s32 $0xC000, s11;
	s18 =	sadd.s32 $0x10000, s11;
	s17 =	ssub.s32 s9, s29  }
0xb: {  	s7 =	sadd.s32 s14, s3;
	s8 =	sadd.s32 s15, s3;
	s9 =	sadd.s32 s18, s3  }
0xc: {  	s20 =	sadd.s32 s11, s19;
	s14 =	sadd.s32 s19, s14;
	s15 =	sadd.s32 s19, s15  }
0xd: {  	s18 =	sadd.s32 s19, s18;
	s12 =	sadd.s32 s6, s5;
	s5 =	sadd.s32 s30, s3  }
0xe: {  	s6 =	sadd.s32 s13, s3;
	s13 =	sadd.s32 s19, s13;
	s31 =	sshrl.u32 s20, $0x3  }
0xf: {  	s14 =	sshrl.u32 s14, $0x3;
	s15 =	sshrl.u32 s15, $0x3;
	s18 =	sshrl.u32 s18, $0x3  }
0x10: {  	s17 =	smax.u32 s17, $0x1;
	s19 =	simm.s32 $0x2;
	s20 =	simm.s32 $0x2800  }
0x11: {  	s10 =	sadd.s32 $0x11000, s12;
	s11 =	sadd.s32 $0x7000, s12;
	s13 =	sshrl.u32 s13, $0x3  }
0x12: {  	s12 =	sadd.s32 s16, s31;
	s14 =	sadd.s32 s16, s14;
	s15 =	sadd.s32 s16, s15  }
0x13: {  	v0 =	vimm.f32 $0.0e+00;
	s13 =	sadd.s32 s16, s13;
	s16 =	sadd.s32 s16, s18;
	s18 =	simm.s32 $0x5000  }
.LBB2_1:
0x14: {  	s24 =	simm.s32 $0x0;
	s25 =	simm.s32 $0x200  }
.LBB2_2:
0x15: {  	p0 =	sne.s32 s25, $0xFE00;
	[tilespmem:s24+$0x5070] =	vst v0  }
0x16: {  	[tilespmem:s24+$0x5000] =	vst v0  }
0x17: {  	[tilespmem:s24+$0x5010] =	vst v0  }
.Ltmp0:
0x18: {  	[tilespmem:s24+$0x5020] =	vst v0;
	(pc) =	sbr.rel @p0 .LBB2_2-.Ltmp0, $4  }
0x19: {  	[tilespmem:s24+$0x5030] =	vst v0  }
0x1a: {  	[tilespmem:s24+$0x5040] =	vst v0  }
0x1b: {  	[tilespmem:s24+$0x5050] =	vst v0  }
0x1c: {  	[tilespmem:s24+$0x5060] =	vst v0;
	s24 =	sshra.s32 s25, $0x2;
	s25 =	sadd.s32 $0x200, s25  }
0x1d: {  	[tilespmem:s24+$0x5070] =	vst v0  }
0x1e: {  	[tilespmem:s24+$0x5000] =	vst v0  }
0x1f: {  	[tilespmem:s24+$0x5010] =	vst v0  }
0x20: {  	[tilespmem:s24+$0x5020] =	vst v0  }
0x21: {  	[tilespmem:s24+$0x5030] =	vst v0  }
0x22: {  	[tilespmem:s24+$0x5040] =	vst v0  }
0x23: {  	[tilespmem:s24+$0x5050] =	vst v0  }
0x24: {  	[tilespmem:s24+$0x5060] =	vst v0  }
0x25: {  	[spmem:s5] =	stream.linear.scatter [tilespmem:s18], [sflag:$0x2], $0x4000, $0x38;
	[tilespmem:$0x1D000] =	vst v63  }
0x26: {  	_ =	swait.ge [sflag:s19], $0x4000  }
0x27: {  	[sflag:s19] =	ssyncset.done $0x0  }
0x28: {  	[sflag:s19] =	ssyncadd.s32 $0xFFFFC000  }
0x29: {  	[spmem:s6] =	stream.linear.scatter [tilespmem:s18], [sflag:$0x2], $0x4000, $0x38;
	[tilespmem:$0x1D000] =	vst v63  }
0x2a: {  	_ =	swait.ge [sflag:s19], $0x4000  }
0x2b: {  	[sflag:s19] =	ssyncset.done $0x0  }
0x2c: {  	[sflag:s19] =	ssyncadd.s32 $0xFFFFC000  }
0x2d: {  	[spmem:s7] =	stream.linear.scatter [tilespmem:s18], [sflag:$0x2], $0x4000, $0x38;
	[tilespmem:$0x1D000] =	vst v63  }
0x2e: {  	_ =	swait.ge [sflag:s19], $0x4000  }
0x2f: {  	[sflag:s19] =	ssyncset.done $0x0  }
0x30: {  	[sflag:s19] =	ssyncadd.s32 $0xFFFFC000  }
0x31: {  	[spmem:s8] =	stream.linear.scatter [tilespmem:s18], [sflag:$0x2], $0x4000, $0x38;
	[tilespmem:$0x1D000] =	vst v63  }
0x32: {  	_ =	swait.ge [sflag:s19], $0x4000  }
0x33: {  	[sflag:s19] =	ssyncset.done $0x0  }
0x34: {  	[sflag:s19] =	ssyncadd.s32 $0xFFFFC000  }
0x35: {  	[spmem:s9] =	stream.linear.scatter [tilespmem:s18], [sflag:$0x2], $0x4000, $0x38;
	[tilespmem:$0x1D000] =	vst v63  }
0x36: {  	_ =	swait.ge [sflag:s19], $0x4000  }
0x37: {  	[sflag:s19] =	ssyncset.done $0x0  }
0x38: {  	s29 =	simm.s32 $0x0;
	[sflag:s19] =	ssyncadd.s32 $0xFFFFC000  }
0x39: {  	[tilespmem:s29], [sflag:$0x2] =	stream.linear.gather [hbm4b:s10+s29], $0x2780, $0x38;
	[tilespmem:$0x1D000] =	vst v63  }
0x3a: {  	_ =	swait.ge [sflag:s19], $0x2780  }
0x3b: {  	[sflag:s19] =	ssyncset.done $0x0  }
0x3c: {  	[sflag:s19] =	ssyncadd.s32 $0xFFFFD880  }
0x3d: {  	[tilespmem:s20], [sflag:$0x2] =	stream.linear.gather [hbm4b:s11+s29], $0x2780, $0x38;
	[tilespmem:$0x1D000] =	vst v63  }
0x3e: {  	_ =	swait.ge [sflag:s19], $0x2780  }
0x3f: {  	[sflag:s19] =	ssyncset.done $0x0  }
0x40: {  	[sflag:s19] =	ssyncadd.s32 $0xFFFFD880  }
0x41: {  	s30 =	simm.s32 $0x0;
	[bflag:$0x0] =	sbarrier.arrive $0xFFFF  }
0x42: {  	[tilespmem:s18], [sflag:$0x1] =	stream.indirect.gather [hbm4b:s1+s21], $0x80, s30, s21, $0xb8;
	[tilespmem:$0x1D000] =	vst v63  }
0x43: {  	_ =	swait.ge [sflag:s22], $0x4000  }
0x44: {  	[sflag:s22] =	ssyncset.done $0x0  }
0x45: {  	s31 =	simm.s32 $0x2800;
	[sflag:s22] =	ssyncadd.s32 $0xFFFFC000  }
0x46: {  	[spmem:s3] =	stream.indirect.scatter.add.f32 [tilespmem:s18], [sflag:$0x2], $0x80, s31, s21, $0xb8;
	[tilespmem:$0x1D000] =	vst v63  }
0x47: {  	_ =	swait.ge [sflag:s19], $0x4000  }
0x48: {  	s24 =	simm.s32 $0x200;
	s25 =	simm.s32 $0x400;
	[sflag:s19] =	ssyncset.done $0x0  }
.LBB2_4:
0x49: {  	s26 =	sshra.s32 s24, $0x2  }
0x4a: {  	[sflag:s19] =	ssyncadd.s32 $0xFFFFC000;
	s24 =	smov.u32 s25;
	s28 =	sadd.s32 $0x200, s25  }
0x4b: {  	[tilespmem:s18], [sflag:$0x1] =	stream.indirect.gather [hbm4b:s1+s21], $0x80, s26, s21, $0xb8;
	[tilespmem:$0x1D000] =	vst v63  }
0x4c: {  	p0 =	sne.s32 s25, $0x9C00;
	_ =	swait.ge [sflag:s22], $0x4000  }
.Ltmp1:
0x4d: {  	[sflag:s22] =	ssyncset.done $0x0;
	(pc) =	sbr.rel @p0 .LBB2_4-.Ltmp1, $4  }
0x4e: {  	s25 =	sadd.s32 $0x2800, s26;
	[sflag:s22] =	ssyncadd.s32 $0xFFFFC000  }
0x4f: {  	[spmem:s3] =	stream.indirect.scatter.add.f32 [tilespmem:s18], [sflag:$0x2], $0x80, s25, s21, $0xb8;
	[tilespmem:$0x1D000] =	vst v63  }
0x50: {  	_ =	swait.ge [sflag:s19], $0x4000  }
0x51: {  	s25 =	smov.u32 s28;
	[sflag:s19] =	ssyncset.done $0x0  }
0x52: {  	s24 =	sshra.s32 s24, $0x2;
	[sflag:s19] =	ssyncadd.s32 $0xFFFFC000  }
0x53: {  	[tilespmem:s18], [sflag:$0x1] =	stream.indirect.gather [hbm4b:s1+s21], $0x80, s24, s21, $0xb8;
	[tilespmem:$0x1D000] =	vst v63  }
0x54: {  	_ =	swait.ge [sflag:s22], $0x4000  }
0x55: {  	[sflag:s22] =	ssyncset.done $0x0  }
0x56: {  	s24 =	sadd.s32 $0x2800, s24;
	[sflag:s22] =	ssyncadd.s32 $0xFFFFC000  }
0x57: {  	[spmem:s3] =	stream.indirect.scatter.add.f32 [tilespmem:s18], [sflag:$0x2], $0x80, s24, s21, $0xb8;
	[tilespmem:$0x1D000] =	vst v63  }
0x58: {  	_ =	swait.ge [sflag:s19], $0x4000  }
0x59: {  	[sflag:s19] =	ssyncset.done $0x0  }
0x5a: {  	[sflag:s19] =	ssyncadd.s32 $0xFFFFC000  }
0x5b: {  	[bflag:$0x0] =	sbarrier.arrive $0xFFFF  }
0x5c: {  	[tilespmem:s18], [sflag:$0x2] =	stream.linear.gather [spmem:s5], $0x4000, $0x38;
	[tilespmem:$0x1D000] =	vst v63  }
0x5d: {  	_ =	swait.ge [sflag:s19], $0x4000  }
0x5e: {  	[sflag:s19] =	ssyncset.done $0x0  }
0x5f: {  	[sflag:s19] =	ssyncadd.s32 $0xFFFFC000  }
0x60: {  	[hbm4b:s12+s4] =	stream.linear.scatter [tilespmem:s18], [sflag:$0x2], $0x4000, $0x38;
	[tilespmem:$0x1D000] =	vst v63  }
0x61: {  	_ =	swait.ge [sflag:s19], $0x4000  }
0x62: {  	[sflag:s19] =	ssyncset.done $0x0  }
0x63: {  	[sflag:s19] =	ssyncadd.s32 $0xFFFFC000  }
0x64: {  	[tilespmem:s18], [sflag:$0x2] =	stream.linear.gather [spmem:s6], $0x4000, $0x38;
	[tilespmem:$0x1D000] =	vst v63  }
0x65: {  	_ =	swait.ge [sflag:s19], $0x4000  }
0x66: {  	[sflag:s19] =	ssyncset.done $0x0  }
0x67: {  	[sflag:s19] =	ssyncadd.s32 $0xFFFFC000  }
0x68: {  	[hbm4b:s13+s4] =	stream.linear.scatter [tilespmem:s18], [sflag:$0x2], $0x4000, $0x38;
	[tilespmem:$0x1D000] =	vst v63  }
0x69: {  	_ =	swait.ge [sflag:s19], $0x4000  }
0x6a: {  	[sflag:s19] =	ssyncset.done $0x0  }
0x6b: {  	[sflag:s19] =	ssyncadd.s32 $0xFFFFC000  }
0x6c: {  	[tilespmem:s18], [sflag:$0x2] =	stream.linear.gather [spmem:s7], $0x4000, $0x38;
	[tilespmem:$0x1D000] =	vst v63  }
0x6d: {  	_ =	swait.ge [sflag:s19], $0x4000  }
0x6e: {  	[sflag:s19] =	ssyncset.done $0x0  }
0x6f: {  	[sflag:s19] =	ssyncadd.s32 $0xFFFFC000  }
0x70: {  	[hbm4b:s14+s4] =	stream.linear.scatter [tilespmem:s18], [sflag:$0x2], $0x4000, $0x38;
	[tilespmem:$0x1D000] =	vst v63  }
0x71: {  	_ =	swait.ge [sflag:s19], $0x4000  }
0x72: {  	[sflag:s19] =	ssyncset.done $0x0  }
0x73: {  	[sflag:s19] =	ssyncadd.s32 $0xFFFFC000  }
0x74: {  	[tilespmem:s18], [sflag:$0x2] =	stream.linear.gather [spmem:s8], $0x4000, $0x38;
	[tilespmem:$0x1D000] =	vst v63  }
0x75: {  	_ =	swait.ge [sflag:s19], $0x4000  }
0x76: {  	[sflag:s19] =	ssyncset.done $0x0  }
0x77: {  	[sflag:s19] =	ssyncadd.s32 $0xFFFFC000  }
0x78: {  	[hbm4b:s15+s4] =	stream.linear.scatter [tilespmem:s18], [sflag:$0x2], $0x4000, $0x38;
	[tilespmem:$0x1D000] =	vst v63  }
0x79: {  	_ =	swait.ge [sflag:s19], $0x4000  }
0x7a: {  	[sflag:s19] =	ssyncset.done $0x0  }
0x7b: {  	[sflag:s19] =	ssyncadd.s32 $0xFFFFC000  }
0x7c: {  	[tilespmem:s18], [sflag:$0x2] =	stream.linear.gather [spmem:s9], $0x4000, $0x38;
	[tilespmem:$0x1D000] =	vst v63  }
0x7d: {  	s23 =	sadd.s32 $0x1, s23;
	_ =	swait.ge [sflag:s19], $0x4000  }
0x7e: {  	p0 =	sne.s32 s23, s17;
	[sflag:s19] =	ssyncset.done $0x0  }
.Ltmp2:
0x7f: {  	[sflag:s19] =	ssyncadd.s32 $0xFFFFC000;
	(pc) =	sbr.rel @p0 .LBB2_1-.Ltmp2, $4  }
0x80: {  	[hbm4b:s16+s4] =	stream.linear.scatter [tilespmem:s18], [sflag:$0x2], $0x4000, $0x38;
	[tilespmem:$0x1D000] =	vst v63  }
0x81: {  	_ =	swait.ge [sflag:s19], $0x4000  }
0x82: {  	[sflag:s19] =	ssyncset.done $0x0  }
0x83: {  	[sflag:s19] =	ssyncadd.s32 $0xFFFFC000  }
0x84: {  	_ =	sfence.sel $0x180000  }
0x85: {  	[bflag:$0x0] =	sbarrier.arrive $0xFFFF  }
0x86: {  	p0 =	sne.s32 s0, $0x0;
	_ =	strace $0x9000004D  }
0x87: {  	s0 =	sadd.s32 @!p0 $0x100000, s2;
	[bflag:$0x2] =	sbarrier.arrive $0xFFFF  }
0x88: {  	[sflag:s0] =	ssyncadd.tile.s32 @!p0 $0x1;
	_ =	shalt  }
.Lfunc_end2:
_tile_overlayer_lowered:
.L_overlay_start_2:
0x89: {  	(tag) =	ssettag $0x2  }
0x8a: {  	s0 =	rddreg [dreg:$0x0];
	s2 =	stileid.u32  }
0x8b: {  	s1 =	rddreg [dreg:$0x1];
	p0 =	sne.s32 s2, $0x0  }
0x8c: {  	s3 =	rddreg [dreg:$0x2];
	[bflag:$0x3] =	sbarrier.arrive $0xFFFF;
	s2 =	simm.s32 @!p0 $0x1C02  }
0x8d: {  	[timem:s3], [sflag:s2] =	dma.local @!p0 [hbm:s0], s1  }
0x8e: {  	s0 =	simm.s32 @!p0 $0x2  }
0x8f: {  	_ =	swait.ge @!p0 [sflag:s0], s1  }
0x90: {  	s1 =	ssub.s32 @!p0 $0x0, s1;
	[sflag:s0] =	ssyncset.done @!p0 $0x0  }
0x91: {  	[sflag:s0] =	ssyncadd.s32 @!p0 s1  }
0x92: {  	[bflag:$0x3] =	sbarrier.arrive $0xFFFF  }
0x93: {  	_ =	shalt  }

// kernel: kernel.23.cloned.1.call-start
scs
__scs_entry_jumppad:
0x0: {  	(pc) =	sbr.rel $0x88, $3  }
0x1: {  	(tag) =	ssettag $0x0;
	lr =	simm.s32 $0x1  }
0x2: {  	[smem:$0x3F95] =	sst lr;
	_ =	strace $0xD0000000  }
0x3: {  	_ = 	snop  }
0x4: {  	_ = 	snop  }
0x5: {  	_ = 	snop  }
0x6: {  	_ = 	snop  }
0x7: {  	_ = 	snop  }
__scs_overlays_trampoline_lowered:
0x8: {  	[smem:$0x3FA4] =	sst s0  }
0x9: {  	[smem:$0x3FA5] =	sst s1  }
0xa: {  	[smem:$0x3FA6] =	sst s2  }
0xb: {  	[smem:$0x3FA7] =	sst s3  }
0xc: {  	[smem:$0x3FA8] =	sst s4  }
0xd: {  	[smem:$0x3FA9] =	sst s5  }
0xe: {  	[smem:$0x3FAA] =	sst s6  }
0xf: {  	[smem:$0x3FAB] =	sst s7  }
0x10: {  	[smem:$0x3FAC] =	sst s8  }
0x11: {  	[smem:$0x3FAD] =	sst s9;
	s0 =	simm.s32 @!p0 $0x0  }
0x12: {  	s1 =	sld [smem:$0x3F93];
	s0 =	simm.s32 @p0 $0x1  }
0x13: {  	[smem:$0x3FAE] =	sst s0;
	s0 =	simm.s32 @!p1 $0x0  }
0x14: {  	s2 =	sld [smem:$0x3F92];
	s0 =	simm.s32 @p1 $0x1  }
0x15: {  	[smem:$0x3FAF] =	sst s0;
	s0 =	simm.s32 @!p2 $0x0  }
0x16: {  	s3 =	sld [smem:$0x3FDB];
	s0 =	simm.s32 @p2 $0x1  }
0x17: {  	s4 =	simm.s32 $0x1BF5;
	[smem:$0x3FB1] =	sst s0  }
0x18: {  	s0 =	sld [smem:$0x3F94];
	_ =	swait.ge [sflag:s4], $0x0  }
0x19: {  	s7 =	sld [smem:$0x3F95]  }
0x1a: {  	s8 =	sadd.s32 $0xFFFFE003, lr  }
0x1b: {  	s9 =	sadd.s32 $0xFFFFFEF7, lr;
	s5 =	simm.s32 $0xFFFFFFFF;
	p2 =	slt.u32 s8, $0xFFFFF086  }
0x1c: {  	p1 =	slt.u32 s9, $0xF7A;
	s5 =	simm.s32 @!p2 $0x0  }
0x1d: {  	s5 =	simm.s32 @p1 $0x1;
	p0 =	seq.s32 s7, s2  }
0x1e: {  	s7 =	smul.u32 @!p0 $0xF7A, s2;
	p2 =	seq.s32 @!p0 s5, $0x0  }
0x1f: {  	s9 =	smul.u32 $0xF7A, s1;
	s8 =	simm.s32 @!p0 $0x1BF5;
	p2 =	por !p2, p0  }
0x20: {  	[sflag:s8] =	ssyncset.s32 @!p0 $0xFFFFF086;
	s6 =	sadd.s32 @!p0 s3, s7;
	s7 =	simm.s32 @!p0 $0x108  }
0x21: {  	s3 =	sadd.s32 s3, s9;
	s6 =	sadd.s32 @!p0 $0x88, s6;
	s7 =	simm.s32 @p2 $0x1082  }
0x22: {  	[simem:s7], [sflag:s8] =	dma.local @!p0 [hbm:s6], $0xF7A  }
0x23: {  	s9 =	sor.u32 $0xD0000000, s2;
	s6 =	simm.s32 $0x108;
	_ =	swait.ge @!p0 [sflag:s8], $0x0  }
0x24: {  	s3 =	sadd.s32 $0x88, s3;
	s6 =	simm.s32 @!p1 $0x1082;
	[sflag:s4] =	ssyncset.s32 $0xFFFFF086  }
0x25: {  	[simem:s6], [sflag:s4] =	dma.local [hbm:s3], $0xF7A  }
0x26: {  	[smem:$0x3F95] =	sst s1;
	(tag) =	ssettag s2;
	_ =	strace s9  }
0x27: {  	s1 =	sld [smem:$0x3FA5]  }
0x28: {  	s2 =	sld [smem:$0x3FA6]  }
0x29: {  	s4 =	sld [smem:$0x3FA8]  }
0x2a: {  	p0 =	seq.s32 s5, $0x0;
	s5 =	sld [smem:$0x3FA9]  }
0x2b: {  	s6 =	sld [smem:$0x3FAA]  }
0x2c: {  	s7 =	sld [smem:$0x3FAB]  }
0x2d: {  	s3 =	simm.s32 $0x108;
	s8 =	sld [smem:$0x3FAC]  }
0x2e: {  	s3 =	simm.s32 @!p0 $0x1082;
	s9 =	sld [smem:$0x3FAD]  }
0x2f: {  	lr =	sadd.s32 s0, s3;
	s0 =	sld [smem:$0x3FA4]  }
0x30: {  	s3 =	sld [smem:$0x3FA7]  }
0x31: {  	[smem:$0x3FB0] =	sst s10  }
0x32: {  	s10 =	sld [smem:$0x3FAE];
	_ =	sdelay $0x3  }
0x33: {  	p0 =	seq.s32 s10, $0x1;
	s10 =	sld [smem:$0x3FB0];
	_ =	sdelay $0x3  }
0x34: {  	[smem:$0x3FB0] =	sst s10  }
0x35: {  	s10 =	sld [smem:$0x3FAF];
	_ =	sdelay $0x3  }
0x36: {  	p1 =	seq.s32 s10, $0x1;
	s10 =	sld [smem:$0x3FB0];
	_ =	sdelay $0x3  }
0x37: {  	[smem:$0x3FB0] =	sst s10  }
0x38: {  	s10 =	sld [smem:$0x3FB1]  }
0x39: {  	_ = 	snop;
	(pc) =	sbr.ind lr, $3  }
0x3a: {  	_ = 	snop  }
0x3b: {  	_ = 	snop  }
0x3c: {  	p2 =	seq.s32 s10, $0x1;
	s10 =	sld [smem:$0x3FB0]  }
0x3d: {  	_ =	shalt  }
0x3e: {  	_ =	shalt  }
0x3f: {  	_ =	shalt  }
0x40: {  	_ =	shalt  }
0x41: {  	_ =	shalt  }
0x42: {  	_ =	shalt  }
0x43: {  	_ =	shalt  }
0x44: {  	_ =	shalt  }
0x45: {  	_ =	shalt  }
0x46: {  	_ =	shalt  }
0x47: {  	_ =	shalt  }
0x48: {  	_ =	shalt  }
0x49: {  	_ =	shalt  }
0x4a: {  	_ =	shalt  }
0x4b: {  	_ =	shalt  }
0x4c: {  	_ =	shalt  }
0x4d: {  	_ =	shalt  }
0x4e: {  	_ =	shalt  }
0x4f: {  	_ =	shalt  }
0x50: {  	_ =	shalt  }
0x51: {  	_ =	shalt  }
0x52: {  	_ =	shalt  }
0x53: {  	_ =	shalt  }
0x54: {  	_ =	shalt  }
0x55: {  	_ =	shalt  }
0x56: {  	_ =	shalt  }
0x57: {  	_ =	shalt  }
0x58: {  	_ =	shalt  }
0x59: {  	_ =	shalt  }
0x5a: {  	_ =	shalt  }
0x5b: {  	_ =	shalt  }
0x5c: {  	_ =	shalt  }
0x5d: {  	_ =	shalt  }
0x5e: {  	_ =	shalt  }
0x5f: {  	_ =	shalt  }
0x60: {  	_ =	shalt  }
0x61: {  	_ =	shalt  }
0x62: {  	_ =	shalt  }
0x63: {  	_ =	shalt  }
0x64: {  	_ =	shalt  }
0x65: {  	_ =	shalt  }
0x66: {  	_ =	shalt  }
0x67: {  	_ =	shalt  }
0x68: {  	_ =	shalt  }
0x69: {  	_ =	shalt  }
0x6a: {  	_ =	shalt  }
0x6b: {  	_ =	shalt  }
0x6c: {  	_ =	shalt  }
0x6d: {  	_ =	shalt  }
0x6e: {  	_ =	shalt  }
0x6f: {  	_ =	shalt  }
0x70: {  	_ =	shalt  }
0x71: {  	_ =	shalt  }
0x72: {  	_ =	shalt  }
0x73: {  	_ =	shalt  }
0x74: {  	_ =	shalt  }
0x75: {  	_ =	shalt  }
0x76: {  	_ =	shalt  }
0x77: {  	_ =	shalt  }
0x78: {  	_ =	shalt  }
0x79: {  	_ =	shalt  }
0x7a: {  	_ =	shalt  }
0x7b: {  	_ =	shalt  }
0x7c: {  	_ =	shalt  }
0x7d: {  	_ =	shalt  }
0x7e: {  	_ =	shalt  }
0x7f: {  	_ =	shalt  }
0x80: {  	_ =	shalt  }
0x81: {  	_ =	shalt  }
0x82: {  	_ =	shalt  }
0x83: {  	_ =	shalt  }
0x84: {  	_ =	shalt  }
0x85: {  	_ =	shalt  }
0x86: {  	_ =	shalt  }
0x87: {  	_ =	shalt  }
.Lfunc_end0:
.L_simem_size_0:
called_computation.3_lowered:
.L_overlay_start_0:
0x88: {  	s2 =	sld [smem:$0x3FD9]  }
0x89: {  	s3 =	sld [smem:$0x3FFE];
	_ =	sdelay $0x1  }
0x8a: {  	s1 =	srdreg.scid  }
0x8b: {  	s0 =	sand.u32 $0x1, s1  }
0x8c: {  	s17 =	sshll.u32 s0, $0xA;
	s2 =	sadd.s32 s3, s2  }
0x8d: {  	s2 =	sadd.s32 s2, s17  }
0x8e: {  	[smem:$0x3FBC] =	sst s2  }
0x8f: {  	_ = 	snop  }
0x90: {  	s2 =	sld [smem:$0x3FD0];
	(tm) =	ssettm $0x1  }
0x91: {  	s18 =	sld [smem:$0x3FFB];
	_ =	sdelay $0x3  }
0x92: {  	_ =	strace s18  }
0x93: {  	s3 =	sld [smem:$0x3FFC];
	_ =	sdelay $0x3  }
0x94: {  	_ =	strace s3  }
0x95: {  	s3 =	sld [smem:$0x3FFD];
	_ =	sdelay $0x3  }
0x96: {  	_ =	strace s3  }
0x97: {  	_ =	strace $0x8FFFFFFF  }
0x98: {  	s19 =	sld [smem:$0x3FDB];
	_ =	sdelay $0x1  }
0x99: {  	s4 =	simm.s32 $_scs_section_size  }
0x9a: {  	s5 =	simm.s32 $_size__tile_overlayer_lowered;
	s6 =	simm.s32 $_tile_overlayer_lowered  }
0x9b: {  	s22 =	simm.s32 $0x1BFF;
	s21 =	sshll.u32 s6, $0x1;
	s3 =	sadd.s32 s4, s19  }
0x9c: {  	s7 =	simm.s32 $0x0;
	s20 =	sshll.u32 s5, $0x1;
	s5 =	sadd.s32 s21, s3  }
0x9d: {  	[timem:s7], [sflag:s22] =	dma.local [hbm:s5], s20  }
0x9e: {  	_ =	swait.ge [sflag:s22], s20  }
0x9f: {  	s4 =	ssub.s32 $0x0, s20;
	[sflag:s22] =	ssyncset.done $0x0  }
0xa0: {  	[sflag:s22] =	ssyncadd.s32 s4;
	_ =	sdelay $0x1  }
0xa1: {  	s23 =	simm.s32 $0x1B8B  }
0xa2: {  	_ =	swait.ge [sflag:s23], $0x1  }
0xa3: {  	[sflag:s23] =	ssyncset.done $0x0  }
0xa4: {  	s25 =	simm.s32 $0x1B8E;
	s24 =	sld [smem:$0x3FFE];
	[sflag:s23] =	ssyncadd.s32 $0xFFFFFFFF  }
0xa5: {  	s26 =	simm.s32 $execute0_lowered;
	[smem:$0x3FD2] =	sst s25  }
0xa6: {  	s5 =	sshll.u32 s26, $0x1;
	_ =	strace $0x8000004F;
	[dreg:$0x1] =	wrdreg $0xFFFFFFFF  }
0xa7: {  	s28 =	simm.s32 $_size_execute0_lowered;
	s3 =	sadd.s32 s3, s5;
	[dreg:$0x0] =	wrdreg $0x0  }
0xa8: {  	s5 =	sshll.u32 s28, $0x1;
	[dreg:$0x2] =	wrdreg s3  }
0xa9: {  	[dreg:$0x3] =	wrdreg s5  }
0xaa: {  	[dreg:$0x4] =	wrdreg $0xC0  }
0xab: {  	_ =	task [dreg:s7], $0x5FFFF  }
0xac: {  	[dreg:$0x1] =	wrdreg $0xFFFFFFFF  }
0xad: {  	[dreg:$0x0] =	wrdreg $0x60  }
0xae: {  	[dreg:$0x2] =	wrdreg s2  }
0xaf: {  	[dreg:$0x3] =	wrdreg s24  }
0xb0: {  	[dreg:$0x4] =	wrdreg $0x90000  }
0xb1: {  	[dreg:$0x5] =	wrdreg $0x9  }
0xb2: {  	_ =	task.clear_ibuf [dreg:s7], $0x6FFFF;
	_ =	strace $0x9000004F  }
0xb3: {  	s29 =	simm.s32 $0x9;
	_ =	strace $0x80000051  }
0xb4: {  	_ =	swait.ge [sflag:s29], $0x1  }
0xb5: {  	[sflag:s29] =	ssyncadd.s32 $0xFFFFFFFF  }
0xb6: {  	_ =	strace $0x90000051  }
0xb7: {  	_ =	sfence  }
0xb8: {  	s30 =	sld [smem:$0x0];
	_ =	sdelay $0x2  }
0xb9: {  	s31 =	sshll.u32 s1, $0xD;
	s1 =	sshrl.u32 s1, $0x2  }
0xba: {  	s3 =	sand.u32 $0x4000, s31;
	s1 =	sadd.s32 s1, s30  }
0xbb: {  	s0 =	sor.u32 s3, s0;
	s1 =	sshll.u32 s1, $0x11  }
0xbc: {  	s0 =	sor.u32 s1, s0  }
0xbd: {  	s0 =	sadd.s32 $0x8F2B, s0  }
0xbe: {  	[sflag:s0] =	ssyncadd.remote.s32 $0x1  }
0xbf: {  	_ =	sfence.sel $0xFFFF  }
0xc0: {  	[dreg:$0x0] =	wrdreg $0xFFFFFFFF;
	(pc) =	sbr.abs _section_cstart, $3  }
0xc1: {  	[dreg:$0x1] =	wrdreg $0xFFFFFFFF  }
0xc2: {  	_ =	task.clear_ibuf [dreg:s7], $0x2FFFF;
	_ =	strace $0x9FFFFFFF  }
0xc3: {  	(tm) =	ssettm $0x7FFFFFFF  }
tec
execute0_lowered:
.L_overlay_start_1:
0x0: {  	(tag) =	ssettag $0x1  }
0x1: {  	s1 =	rddreg [dreg:$0x0];
	s2 =	srdreg.scid  }
0x2: {  	s0 =	stileid.u32;
	s5 =	rddreg [dreg:$0x1]  }
0x3: {  	s3 =	rddreg [dreg:$0x2];
	s4 =	simm.s32 $0x0;
	s21 =	simm.s32 $0x80  }
0x4: {  	s22 =	simm.s32 $0x1;
	s23 =	simm.s32 $0x0;
	s7 =	sand.u32 $0x1, s2  }
0x5: {  	s28 =	sshll.u32 s0, $0x1;
	s2 =	rddreg [dreg:$0x3];
	s8 =	smul.u32 $0x50000, s0  }
0x6: {  	[smem:$0x7FF] =	sst s4;
	s11 =	smul.u32 $0x14000, s0;
	s16 =	sadd.s32 $0x42200, s5  }
0x7: {  	s6 =	sor.u32 s7, s28;
	s9 =	ssub.s32 $0x2, s7;
	s19 =	smul.u32 $0x140000, s7  }
0x8: {  	_ =	strace $0x80000050;
	s6 =	smul.u32 $0x500, s6;
	s29 =	sshrl.u32 s9, $0x1  }
0x9: {  	s30 =	sshrl.u32 s8, $0x2;
	s13 =	sadd.s32 $0x4000, s11;
	s14 =	sadd.s32 $0x8000, s11  }
0xa: {  	s15 =	sadd.s32 $0xC000, s11;
	s18 =	sadd.s32 $0x10000, s11;
	s17 =	ssub.s32 s9, s29  }
0xb: {  	s7 =	sadd.s32 s14, s3;
	s8 =	sadd.s32 s15, s3;
	s9 =	sadd.s32 s18, s3  }
0xc: {  	s20 =	sadd.s32 s11, s19;
	s14 =	sadd.s32 s19, s14;
	s15 =	sadd.s32 s19, s15  }
0xd: {  	s18 =	sadd.s32 s19, s18;
	s12 =	sadd.s32 s6, s5;
	s5 =	sadd.s32 s30, s3  }
0xe: {  	s6 =	sadd.s32 s13, s3;
	s13 =	sadd.s32 s19, s13;
	s31 =	sshrl.u32 s20, $0x3  }
0xf: {  	s14 =	sshrl.u32 s14, $0x3;
	s15 =	sshrl.u32 s15, $0x3;
	s18 =	sshrl.u32 s18, $0x3  }
0x10: {  	s17 =	smax.u32 s17, $0x1;
	s19 =	simm.s32 $0x2;
	s20 =	simm.s32 $0x2800  }
0x11: {  	s10 =	sadd.s32 $0x11000, s12;
	s11 =	sadd.s32 $0x7000, s12;
	s13 =	sshrl.u32 s13, $0x3  }
0x12: {  	s12 =	sadd.s32 s16, s31;
	s14 =	sadd.s32 s16, s14;
	s15 =	sadd.s32 s16, s15  }
0x13: {  	v0 =	vimm.f32 $0.0e+00;
	s13 =	sadd.s32 s16, s13;
	s16 =	sadd.s32 s16, s18;
	s18 =	simm.s32 $0x5000  }
.LBB2_1:
0x14: {  	s24 =	simm.s32 $0x0;
	s25 =	simm.s32 $0x200  }
.LBB2_2:
0x15: {  	p0 =	sne.s32 s25, $0xFE00;
	[tilespmem:s24+$0x5070] =	vst v0  }
0x16: {  	[tilespmem:s24+$0x5000] =	vst v0  }
0x17: {  	[tilespmem:s24+$0x5010] =	vst v0  }
.Ltmp0:
0x18: {  	[tilespmem:s24+$0x5020] =	vst v0;
	(pc) =	sbr.rel @p0 .LBB2_2-.Ltmp0, $4  }
0x19: {  	[tilespmem:s24+$0x5030] =	vst v0  }
0x1a: {  	[tilespmem:s24+$0x5040] =	vst v0  }
0x1b: {  	[tilespmem:s24+$0x5050] =	vst v0  }
0x1c: {  	[tilespmem:s24+$0x5060] =	vst v0;
	s24 =	sshra.s32 s25, $0x2;
	s25 =	sadd.s32 $0x200, s25  }
0x1d: {  	[tilespmem:s24+$0x5070] =	vst v0  }
0x1e: {  	[tilespmem:s24+$0x5000] =	vst v0  }
0x1f: {  	[tilespmem:s24+$0x5010] =	vst v0  }
0x20: {  	[tilespmem:s24+$0x5020] =	vst v0  }
0x21: {  	[tilespmem:s24+$0x5030] =	vst v0  }
0x22: {  	[tilespmem:s24+$0x5040] =	vst v0  }
0x23: {  	[tilespmem:s24+$0x5050] =	vst v0  }
0x24: {  	[tilespmem:s24+$0x5060] =	vst v0  }
0x25: {  	[spmem:s5] =	stream.linear.scatter [tilespmem:s18], [sflag:$0x2], $0x4000, $0x38;
	[tilespmem:$0x1D000] =	vst v63  }
0x26: {  	_ =	swait.ge [sflag:s19], $0x4000  }
0x27: {  	[sflag:s19] =	ssyncset.done $0x0  }
0x28: {  	[sflag:s19] =	ssyncadd.s32 $0xFFFFC000  }
0x29: {  	[spmem:s6] =	stream.linear.scatter [tilespmem:s18], [sflag:$0x2], $0x4000, $0x38;
	[tilespmem:$0x1D000] =	vst v63  }
0x2a: {  	_ =	swait.ge [sflag:s19], $0x4000  }
0x2b: {  	[sflag:s19] =	ssyncset.done $0x0  }
0x2c: {  	[sflag:s19] =	ssyncadd.s32 $0xFFFFC000  }
0x2d: {  	[spmem:s7] =	stream.linear.scatter [tilespmem:s18], [sflag:$0x2], $0x4000, $0x38;
	[tilespmem:$0x1D000] =	vst v63  }
0x2e: {  	_ =	swait.ge [sflag:s19], $0x4000  }
0x2f: {  	[sflag:s19] =	ssyncset.done $0x0  }
0x30: {  	[sflag:s19] =	ssyncadd.s32 $0xFFFFC000  }
0x31: {  	[spmem:s8] =	stream.linear.scatter [tilespmem:s18], [sflag:$0x2], $0x4000, $0x38;
	[tilespmem:$0x1D000] =	vst v63  }
0x32: {  	_ =	swait.ge [sflag:s19], $0x4000  }
0x33: {  	[sflag:s19] =	ssyncset.done $0x0  }
0x34: {  	[sflag:s19] =	ssyncadd.s32 $0xFFFFC000  }
0x35: {  	[spmem:s9] =	stream.linear.scatter [tilespmem:s18], [sflag:$0x2], $0x4000, $0x38;
	[tilespmem:$0x1D000] =	vst v63  }
0x36: {  	_ =	swait.ge [sflag:s19], $0x4000  }
0x37: {  	[sflag:s19] =	ssyncset.done $0x0  }
0x38: {  	s29 =	simm.s32 $0x0;
	[sflag:s19] =	ssyncadd.s32 $0xFFFFC000  }
0x39: {  	[tilespmem:s29], [sflag:$0x2] =	stream.linear.gather [hbm4b:s10+s29], $0x2780, $0x38;
	[tilespmem:$0x1D000] =	vst v63  }
0x3a: {  	_ =	swait.ge [sflag:s19], $0x2780  }
0x3b: {  	[sflag:s19] =	ssyncset.done $0x0  }
0x3c: {  	[sflag:s19] =	ssyncadd.s32 $0xFFFFD880  }
0x3d: {  	[tilespmem:s20], [sflag:$0x2] =	stream.linear.gather [hbm4b:s11+s29], $0x2780, $0x38;
	[tilespmem:$0x1D000] =	vst v63  }
0x3e: {  	_ =	swait.ge [sflag:s19], $0x2780  }
0x3f: {  	[sflag:s19] =	ssyncset.done $0x0  }
0x40: {  	[sflag:s19] =	ssyncadd.s32 $0xFFFFD880  }
0x41: {  	s30 =	simm.s32 $0x0;
	[bflag:$0x0] =	sbarrier.arrive $0xFFFF  }
0x42: {  	[tilespmem:s18], [sflag:$0x1] =	stream.indirect.gather [hbm4b:s1+s21], $0x80, s30, s21, $0xb8;
	[tilespmem:$0x1D000] =	vst v63  }
0x43: {  	_ =	swait.ge [sflag:s22], $0x4000  }
0x44: {  	[sflag:s22] =	ssyncset.done $0x0  }
0x45: {  	s31 =	simm.s32 $0x2800;
	[sflag:s22] =	ssyncadd.s32 $0xFFFFC000  }
0x46: {  	[spmem:s3] =	stream.indirect.scatter.add.f32 [tilespmem:s18], [sflag:$0x2], $0x80, s31, s21, $0xb8;
	[tilespmem:$0x1D000] =	vst v63  }
0x47: {  	_ =	swait.ge [sflag:s19], $0x4000  }
0x48: {  	s24 =	simm.s32 $0x200;
	s25 =	simm.s32 $0x400;
	[sflag:s19] =	ssyncset.done $0x0  }
.LBB2_4:
0x49: {  	s26 =	sshra.s32 s24, $0x2  }
0x4a: {  	[sflag:s19] =	ssyncadd.s32 $0xFFFFC000;
	s24 =	smov.u32 s25;
	s28 =	sadd.s32 $0x200, s25  }
0x4b: {  	[tilespmem:s18], [sflag:$0x1] =	stream.indirect.gather [hbm4b:s1+s21], $0x80, s26, s21, $0xb8;
	[tilespmem:$0x1D000] =	vst v63  }
0x4c: {  	p0 =	sne.s32 s25, $0x9C00;
	_ =	swait.ge [sflag:s22], $0x4000  }
.Ltmp1:
0x4d: {  	[sflag:s22] =	ssyncset.done $0x0;
	(pc) =	sbr.rel @p0 .LBB2_4-.Ltmp1, $4  }
0x4e: {  	s25 =	sadd.s32 $0x2800, s26;
	[sflag:s22] =	ssyncadd.s32 $0xFFFFC000  }
0x4f: {  	[spmem:s3] =	stream.indirect.scatter.add.f32 [tilespmem:s18], [sflag:$0x2], $0x80, s25, s21, $0xb8;
	[tilespmem:$0x1D000] =	vst v63  }
0x50: {  	_ =	swait.ge [sflag:s19], $0x4000  }
0x51: {  	s25 =	smov.u32 s28;
	[sflag:s19] =	ssyncset.done $0x0  }
0x52: {  	s24 =	sshra.s32 s24, $0x2;
	[sflag:s19] =	ssyncadd.s32 $0xFFFFC000  }
0x53: {  	[tilespmem:s18], [sflag:$0x1] =	stream.indirect.gather [hbm4b:s1+s21], $0x80, s24, s21, $0xb8;
	[tilespmem:$0x1D000] =	vst v63  }
0x54: {  	_ =	swait.ge [sflag:s22], $0x4000  }
0x55: {  	[sflag:s22] =	ssyncset.done $0x0  }
0x56: {  	s24 =	sadd.s32 $0x2800, s24;
	[sflag:s22] =	ssyncadd.s32 $0xFFFFC000  }
0x57: {  	[spmem:s3] =	stream.indirect.scatter.add.f32 [tilespmem:s18], [sflag:$0x2], $0x80, s24, s21, $0xb8;
	[tilespmem:$0x1D000] =	vst v63  }
0x58: {  	_ =	swait.ge [sflag:s19], $0x4000  }
0x59: {  	[sflag:s19] =	ssyncset.done $0x0  }
0x5a: {  	[sflag:s19] =	ssyncadd.s32 $0xFFFFC000  }
0x5b: {  	[bflag:$0x0] =	sbarrier.arrive $0xFFFF  }
0x5c: {  	[tilespmem:s18], [sflag:$0x2] =	stream.linear.gather [spmem:s5], $0x4000, $0x38;
	[tilespmem:$0x1D000] =	vst v63  }
0x5d: {  	_ =	swait.ge [sflag:s19], $0x4000  }
0x5e: {  	[sflag:s19] =	ssyncset.done $0x0  }
0x5f: {  	[sflag:s19] =	ssyncadd.s32 $0xFFFFC000  }
0x60: {  	[hbm4b:s12+s4] =	stream.linear.scatter [tilespmem:s18], [sflag:$0x2], $0x4000, $0x38;
	[tilespmem:$0x1D000] =	vst v63  }
0x61: {  	_ =	swait.ge [sflag:s19], $0x4000  }
0x62: {  	[sflag:s19] =	ssyncset.done $0x0  }
0x63: {  	[sflag:s19] =	ssyncadd.s32 $0xFFFFC000  }
0x64: {  	[tilespmem:s18], [sflag:$0x2] =	stream.linear.gather [spmem:s6], $0x4000, $0x38;
	[tilespmem:$0x1D000] =	vst v63  }
0x65: {  	_ =	swait.ge [sflag:s19], $0x4000  }
0x66: {  	[sflag:s19] =	ssyncset.done $0x0  }
0x67: {  	[sflag:s19] =	ssyncadd.s32 $0xFFFFC000  }
0x68: {  	[hbm4b:s13+s4] =	stream.linear.scatter [tilespmem:s18], [sflag:$0x2], $0x4000, $0x38;
	[tilespmem:$0x1D000] =	vst v63  }
0x69: {  	_ =	swait.ge [sflag:s19], $0x4000  }
0x6a: {  	[sflag:s19] =	ssyncset.done $0x0  }
0x6b: {  	[sflag:s19] =	ssyncadd.s32 $0xFFFFC000  }
0x6c: {  	[tilespmem:s18], [sflag:$0x2] =	stream.linear.gather [spmem:s7], $0x4000, $0x38;
	[tilespmem:$0x1D000] =	vst v63  }
0x6d: {  	_ =	swait.ge [sflag:s19], $0x4000  }
0x6e: {  	[sflag:s19] =	ssyncset.done $0x0  }
0x6f: {  	[sflag:s19] =	ssyncadd.s32 $0xFFFFC000  }
0x70: {  	[hbm4b:s14+s4] =	stream.linear.scatter [tilespmem:s18], [sflag:$0x2], $0x4000, $0x38;
	[tilespmem:$0x1D000] =	vst v63  }
0x71: {  	_ =	swait.ge [sflag:s19], $0x4000  }
0x72: {  	[sflag:s19] =	ssyncset.done $0x0  }
0x73: {  	[sflag:s19] =	ssyncadd.s32 $0xFFFFC000  }
0x74: {  	[tilespmem:s18], [sflag:$0x2] =	stream.linear.gather [spmem:s8], $0x4000, $0x38;
	[tilespmem:$0x1D000] =	vst v63  }
0x75: {  	_ =	swait.ge [sflag:s19], $0x4000  }
0x76: {  	[sflag:s19] =	ssyncset.done $0x0  }
0x77: {  	[sflag:s19] =	ssyncadd.s32 $0xFFFFC000  }
0x78: {  	[hbm4b:s15+s4] =	stream.linear.scatter [tilespmem:s18], [sflag:$0x2], $0x4000, $0x38;
	[tilespmem:$0x1D000] =	vst v63  }
0x79: {  	_ =	swait.ge [sflag:s19], $0x4000  }
0x7a: {  	[sflag:s19] =	ssyncset.done $0x0  }
0x7b: {  	[sflag:s19] =	ssyncadd.s32 $0xFFFFC000  }
0x7c: {  	[tilespmem:s18], [sflag:$0x2] =	stream.linear.gather [spmem:s9], $0x4000, $0x38;
	[tilespmem:$0x1D000] =	vst v63  }
0x7d: {  	s23 =	sadd.s32 $0x1, s23;
	_ =	swait.ge [sflag:s19], $0x4000  }
0x7e: {  	p0 =	sne.s32 s23, s17;
	[sflag:s19] =	ssyncset.done $0x0  }
.Ltmp2:
0x7f: {  	[sflag:s19] =	ssyncadd.s32 $0xFFFFC000;
	(pc) =	sbr.rel @p0 .LBB2_1-.Ltmp2, $4  }
0x80: {  	[hbm4b:s16+s4] =	stream.linear.scatter [tilespmem:s18], [sflag:$0x2], $0x4000, $0x38;
	[tilespmem:$0x1D000] =	vst v63  }
0x81: {  	_ =	swait.ge [sflag:s19], $0x4000  }
0x82: {  	[sflag:s19] =	ssyncset.done $0x0  }
0x83: {  	[sflag:s19] =	ssyncadd.s32 $0xFFFFC000  }
0x84: {  	_ =	sfence.sel $0x180000  }
0x85: {  	[bflag:$0x0] =	sbarrier.arrive $0xFFFF  }
0x86: {  	p0 =	sne.s32 s0, $0x0;
	_ =	strace $0x90000050  }
0x87: {  	s0 =	sadd.s32 @!p0 $0x100000, s2;
	[bflag:$0x2] =	sbarrier.arrive $0xFFFF  }
0x88: {  	[sflag:s0] =	ssyncadd.tile.s32 @!p0 $0x1;
	_ =	shalt  }
.Lfunc_end2:
_tile_overlayer_lowered:
.L_overlay_start_2:
0x89: {  	(tag) =	ssettag $0x2  }
0x8a: {  	s0 =	rddreg [dreg:$0x0];
	s2 =	stileid.u32  }
0x8b: {  	s1 =	rddreg [dreg:$0x1];
	p0 =	sne.s32 s2, $0x0  }
0x8c: {  	s3 =	rddreg [dreg:$0x2];
	[bflag:$0x3] =	sbarrier.arrive $0xFFFF;
	s2 =	simm.s32 @!p0 $0x1C02  }
0x8d: {  	[timem:s3], [sflag:s2] =	dma.local @!p0 [hbm:s0], s1  }
0x8e: {  	s0 =	simm.s32 @!p0 $0x2  }
0x8f: {  	_ =	swait.ge @!p0 [sflag:s0], s1  }
0x90: {  	s1 =	ssub.s32 @!p0 $0x0, s1;
	[sflag:s0] =	ssyncset.done @!p0 $0x0  }
0x91: {  	[sflag:s0] =	ssyncadd.s32 @!p0 s1  }
0x92: {  	[bflag:$0x3] =	sbarrier.arrive $0xFFFF  }
0x93: {  	_ =	shalt  }

// kernel: kernel.26.cloned.1.call-start
scs
__scs_entry_jumppad:
0x0: {  	(pc) =	sbr.rel $0x88, $3  }
0x1: {  	(tag) =	ssettag $0x0;
	lr =	simm.s32 $0x1  }
0x2: {  	[smem:$0x3F95] =	sst lr;
	_ =	strace $0xD0000000  }
0x3: {  	_ = 	snop  }
0x4: {  	_ = 	snop  }
0x5: {  	_ = 	snop  }
0x6: {  	_ = 	snop  }
0x7: {  	_ = 	snop  }
__scs_overlays_trampoline_lowered:
0x8: {  	[smem:$0x3FA4] =	sst s0  }
0x9: {  	[smem:$0x3FA5] =	sst s1  }
0xa: {  	[smem:$0x3FA6] =	sst s2  }
0xb: {  	[smem:$0x3FA7] =	sst s3  }
0xc: {  	[smem:$0x3FA8] =	sst s4  }
0xd: {  	[smem:$0x3FA9] =	sst s5  }
0xe: {  	[smem:$0x3FAA] =	sst s6  }
0xf: {  	[smem:$0x3FAB] =	sst s7  }
0x10: {  	[smem:$0x3FAC] =	sst s8  }
0x11: {  	[smem:$0x3FAD] =	sst s9;
	s0 =	simm.s32 @!p0 $0x0  }
0x12: {  	s1 =	sld [smem:$0x3F93];
	s0 =	simm.s32 @p0 $0x1  }
0x13: {  	[smem:$0x3FAE] =	sst s0;
	s0 =	simm.s32 @!p1 $0x0  }
0x14: {  	s2 =	sld [smem:$0x3F92];
	s0 =	simm.s32 @p1 $0x1  }
0x15: {  	[smem:$0x3FAF] =	sst s0;
	s0 =	simm.s32 @!p2 $0x0  }
0x16: {  	s3 =	sld [smem:$0x3FDB];
	s0 =	simm.s32 @p2 $0x1  }
0x17: {  	s4 =	simm.s32 $0x1BF5;
	[smem:$0x3FB1] =	sst s0  }
0x18: {  	s0 =	sld [smem:$0x3F94];
	_ =	swait.ge [sflag:s4], $0x0  }
0x19: {  	s7 =	sld [smem:$0x3F95]  }
0x1a: {  	s8 =	sadd.s32 $0xFFFFE003, lr  }
0x1b: {  	s9 =	sadd.s32 $0xFFFFFEF7, lr;
	s5 =	simm.s32 $0xFFFFFFFF;
	p2 =	slt.u32 s8, $0xFFFFF086  }
0x1c: {  	p1 =	slt.u32 s9, $0xF7A;
	s5 =	simm.s32 @!p2 $0x0  }
0x1d: {  	s5 =	simm.s32 @p1 $0x1;
	p0 =	seq.s32 s7, s2  }
0x1e: {  	s7 =	smul.u32 @!p0 $0xF7A, s2;
	p2 =	seq.s32 @!p0 s5, $0x0  }
0x1f: {  	s9 =	smul.u32 $0xF7A, s1;
	s8 =	simm.s32 @!p0 $0x1BF5;
	p2 =	por !p2, p0  }
0x20: {  	[sflag:s8] =	ssyncset.s32 @!p0 $0xFFFFF086;
	s6 =	sadd.s32 @!p0 s3, s7;
	s7 =	simm.s32 @!p0 $0x108  }
0x21: {  	s3 =	sadd.s32 s3, s9;
	s6 =	sadd.s32 @!p0 $0x88, s6;
	s7 =	simm.s32 @p2 $0x1082  }
0x22: {  	[simem:s7], [sflag:s8] =	dma.local @!p0 [hbm:s6], $0xF7A  }
0x23: {  	s9 =	sor.u32 $0xD0000000, s2;
	s6 =	simm.s32 $0x108;
	_ =	swait.ge @!p0 [sflag:s8], $0x0  }
0x24: {  	s3 =	sadd.s32 $0x88, s3;
	s6 =	simm.s32 @!p1 $0x1082;
	[sflag:s4] =	ssyncset.s32 $0xFFFFF086  }
0x25: {  	[simem:s6], [sflag:s4] =	dma.local [hbm:s3], $0xF7A  }
0x26: {  	[smem:$0x3F95] =	sst s1;
	(tag) =	ssettag s2;
	_ =	strace s9  }
0x27: {  	s1 =	sld [smem:$0x3FA5]  }
0x28: {  	s2 =	sld [smem:$0x3FA6]  }
0x29: {  	s4 =	sld [smem:$0x3FA8]  }
0x2a: {  	p0 =	seq.s32 s5, $0x0;
	s5 =	sld [smem:$0x3FA9]  }
0x2b: {  	s6 =	sld [smem:$0x3FAA]  }
0x2c: {  	s7 =	sld [smem:$0x3FAB]  }
0x2d: {  	s3 =	simm.s32 $0x108;
	s8 =	sld [smem:$0x3FAC]  }
0x2e: {  	s3 =	simm.s32 @!p0 $0x1082;
	s9 =	sld [smem:$0x3FAD]  }
0x2f: {  	lr =	sadd.s32 s0, s3;
	s0 =	sld [smem:$0x3FA4]  }
0x30: {  	s3 =	sld [smem:$0x3FA7]  }
0x31: {  	[smem:$0x3FB0] =	sst s10  }
0x32: {  	s10 =	sld [smem:$0x3FAE];
	_ =	sdelay $0x3  }
0x33: {  	p0 =	seq.s32 s10, $0x1;
	s10 =	sld [smem:$0x3FB0];
	_ =	sdelay $0x3  }
0x34: {  	[smem:$0x3FB0] =	sst s10  }
0x35: {  	s10 =	sld [smem:$0x3FAF];
	_ =	sdelay $0x3  }
0x36: {  	p1 =	seq.s32 s10, $0x1;
	s10 =	sld [smem:$0x3FB0];
	_ =	sdelay $0x3  }
0x37: {  	[smem:$0x3FB0] =	sst s10  }
0x38: {  	s10 =	sld [smem:$0x3FB1]  }
0x39: {  	_ = 	snop;
	(pc) =	sbr.ind lr, $3  }
0x3a: {  	_ = 	snop  }
0x3b: {  	_ = 	snop  }
0x3c: {  	p2 =	seq.s32 s10, $0x1;
	s10 =	sld [smem:$0x3FB0]  }
0x3d: {  	_ =	shalt  }
0x3e: {  	_ =	shalt  }
0x3f: {  	_ =	shalt  }
0x40: {  	_ =	shalt  }
0x41: {  	_ =	shalt  }
0x42: {  	_ =	shalt  }
0x43: {  	_ =	shalt  }
0x44: {  	_ =	shalt  }
0x45: {  	_ =	shalt  }
0x46: {  	_ =	shalt  }
0x47: {  	_ =	shalt  }
0x48: {  	_ =	shalt  }
0x49: {  	_ =	shalt  }
0x4a: {  	_ =	shalt  }
0x4b: {  	_ =	shalt  }
0x4c: {  	_ =	shalt  }
0x4d: {  	_ =	shalt  }
0x4e: {  	_ =	shalt  }
0x4f: {  	_ =	shalt  }
0x50: {  	_ =	shalt  }
0x51: {  	_ =	shalt  }
0x52: {  	_ =	shalt  }
0x53: {  	_ =	shalt  }
0x54: {  	_ =	shalt  }
0x55: {  	_ =	shalt  }
0x56: {  	_ =	shalt  }
0x57: {  	_ =	shalt  }
0x58: {  	_ =	shalt  }
0x59: {  	_ =	shalt  }
0x5a: {  	_ =	shalt  }
0x5b: {  	_ =	shalt  }
0x5c: {  	_ =	shalt  }
0x5d: {  	_ =	shalt  }
0x5e: {  	_ =	shalt  }
0x5f: {  	_ =	shalt  }
0x60: {  	_ =	shalt  }
0x61: {  	_ =	shalt  }
0x62: {  	_ =	shalt  }
0x63: {  	_ =	shalt  }
0x64: {  	_ =	shalt  }
0x65: {  	_ =	shalt  }
0x66: {  	_ =	shalt  }
0x67: {  	_ =	shalt  }
0x68: {  	_ =	shalt  }
0x69: {  	_ =	shalt  }
0x6a: {  	_ =	shalt  }
0x6b: {  	_ =	shalt  }
0x6c: {  	_ =	shalt  }
0x6d: {  	_ =	shalt  }
0x6e: {  	_ =	shalt  }
0x6f: {  	_ =	shalt  }
0x70: {  	_ =	shalt  }
0x71: {  	_ =	shalt  }
0x72: {  	_ =	shalt  }
0x73: {  	_ =	shalt  }
0x74: {  	_ =	shalt  }
0x75: {  	_ =	shalt  }
0x76: {  	_ =	shalt  }
0x77: {  	_ =	shalt  }
0x78: {  	_ =	shalt  }
0x79: {  	_ =	shalt  }
0x7a: {  	_ =	shalt  }
0x7b: {  	_ =	shalt  }
0x7c: {  	_ =	shalt  }
0x7d: {  	_ =	shalt  }
0x7e: {  	_ =	shalt  }
0x7f: {  	_ =	shalt  }
0x80: {  	_ =	shalt  }
0x81: {  	_ =	shalt  }
0x82: {  	_ =	shalt  }
0x83: {  	_ =	shalt  }
0x84: {  	_ =	shalt  }
0x85: {  	_ =	shalt  }
0x86: {  	_ =	shalt  }
0x87: {  	_ =	shalt  }
.Lfunc_end0:
.L_simem_size_0:
called_computation.4_lowered:
.L_overlay_start_0:
0x88: {  	s2 =	sld [smem:$0x3FD9]  }
0x89: {  	s3 =	sld [smem:$0x3FFE];
	_ =	sdelay $0x1  }
0x8a: {  	s1 =	srdreg.scid  }
0x8b: {  	s0 =	sand.u32 $0x1, s1  }
0x8c: {  	s17 =	sshll.u32 s0, $0xA;
	s2 =	sadd.s32 s3, s2  }
0x8d: {  	s2 =	sadd.s32 s2, s17  }
0x8e: {  	[smem:$0x3FBC] =	sst s2  }
0x8f: {  	_ = 	snop  }
0x90: {  	s2 =	sld [smem:$0x3FD0];
	(tm) =	ssettm $0x1  }
0x91: {  	s18 =	sld [smem:$0x3FFB];
	_ =	sdelay $0x3  }
0x92: {  	_ =	strace s18  }
0x93: {  	s3 =	sld [smem:$0x3FFC];
	_ =	sdelay $0x3  }
0x94: {  	_ =	strace s3  }
0x95: {  	s3 =	sld [smem:$0x3FFD];
	_ =	sdelay $0x3  }
0x96: {  	_ =	strace s3  }
0x97: {  	_ =	strace $0x8FFFFFFF  }
0x98: {  	s19 =	sld [smem:$0x3FDB];
	_ =	sdelay $0x1  }
0x99: {  	s4 =	simm.s32 $_scs_section_size  }
0x9a: {  	s5 =	simm.s32 $_size__tile_overlayer_lowered;
	s6 =	simm.s32 $_tile_overlayer_lowered  }
0x9b: {  	s22 =	simm.s32 $0x1BFF;
	s21 =	sshll.u32 s6, $0x1;
	s3 =	sadd.s32 s4, s19  }
0x9c: {  	s7 =	simm.s32 $0x0;
	s20 =	sshll.u32 s5, $0x1;
	s5 =	sadd.s32 s21, s3  }
0x9d: {  	[timem:s7], [sflag:s22] =	dma.local [hbm:s5], s20  }
0x9e: {  	_ =	swait.ge [sflag:s22], s20  }
0x9f: {  	s4 =	ssub.s32 $0x0, s20;
	[sflag:s22] =	ssyncset.done $0x0  }
0xa0: {  	[sflag:s22] =	ssyncadd.s32 s4;
	_ =	sdelay $0x1  }
0xa1: {  	s23 =	simm.s32 $0x1B8B  }
0xa2: {  	_ =	swait.ge [sflag:s23], $0x1  }
0xa3: {  	[sflag:s23] =	ssyncset.done $0x0  }
0xa4: {  	s25 =	simm.s32 $0x1B8E;
	s24 =	sld [smem:$0x3FFE];
	[sflag:s23] =	ssyncadd.s32 $0xFFFFFFFF  }
0xa5: {  	s26 =	simm.s32 $execute0_lowered;
	[smem:$0x3FD2] =	sst s25  }
0xa6: {  	s5 =	sshll.u32 s26, $0x1;
	_ =	strace $0x80000052;
	[dreg:$0x1] =	wrdreg $0xFFFFFFFF  }
0xa7: {  	s28 =	simm.s32 $_size_execute0_lowered;
	s3 =	sadd.s32 s3, s5;
	[dreg:$0x0] =	wrdreg $0x0  }
0xa8: {  	s5 =	sshll.u32 s28, $0x1;
	[dreg:$0x2] =	wrdreg s3  }
0xa9: {  	[dreg:$0x3] =	wrdreg s5  }
0xaa: {  	[dreg:$0x4] =	wrdreg $0xC0  }
0xab: {  	_ =	task [dreg:s7], $0x5FFFF  }
0xac: {  	[dreg:$0x1] =	wrdreg $0xFFFFFFFF  }
0xad: {  	[dreg:$0x0] =	wrdreg $0x60  }
0xae: {  	[dreg:$0x2] =	wrdreg s2  }
0xaf: {  	[dreg:$0x3] =	wrdreg s24  }
0xb0: {  	[dreg:$0x4] =	wrdreg $0x90000  }
0xb1: {  	[dreg:$0x5] =	wrdreg $0x9  }
0xb2: {  	_ =	task.clear_ibuf [dreg:s7], $0x6FFFF;
	_ =	strace $0x90000052  }
0xb3: {  	s29 =	simm.s32 $0x9;
	_ =	strace $0x80000054  }
0xb4: {  	_ =	swait.ge [sflag:s29], $0x1  }
0xb5: {  	[sflag:s29] =	ssyncadd.s32 $0xFFFFFFFF  }
0xb6: {  	_ =	strace $0x90000054  }
0xb7: {  	_ =	sfence  }
0xb8: {  	s30 =	sld [smem:$0x0];
	_ =	sdelay $0x2  }
0xb9: {  	s31 =	sshll.u32 s1, $0xD;
	s1 =	sshrl.u32 s1, $0x2  }
0xba: {  	s3 =	sand.u32 $0x4000, s31;
	s1 =	sadd.s32 s1, s30  }
0xbb: {  	s0 =	sor.u32 s3, s0;
	s1 =	sshll.u32 s1, $0x11  }
0xbc: {  	s0 =	sor.u32 s1, s0  }
0xbd: {  	s0 =	sadd.s32 $0x8F2B, s0  }
0xbe: {  	[sflag:s0] =	ssyncadd.remote.s32 $0x1  }
0xbf: {  	_ =	sfence.sel $0xFFFF  }
0xc0: {  	[dreg:$0x0] =	wrdreg $0xFFFFFFFF;
	(pc) =	sbr.abs _section_cstart, $3  }
0xc1: {  	[dreg:$0x1] =	wrdreg $0xFFFFFFFF  }
0xc2: {  	_ =	task.clear_ibuf [dreg:s7], $0x2FFFF;
	_ =	strace $0x9FFFFFFF  }
0xc3: {  	(tm) =	ssettm $0x7FFFFFFF  }
tec
execute0_lowered:
.L_overlay_start_1:
0x0: {  	(tag) =	ssettag $0x1  }
0x1: {  	s1 =	rddreg [dreg:$0x0];
	s2 =	srdreg.scid  }
0x2: {  	s0 =	stileid.u32;
	s5 =	rddreg [dreg:$0x1]  }
0x3: {  	s3 =	rddreg [dreg:$0x2];
	s4 =	simm.s32 $0x0;
	s21 =	simm.s32 $0x80  }
0x4: {  	s22 =	simm.s32 $0x1;
	s23 =	simm.s32 $0x0;
	s7 =	sand.u32 $0x1, s2  }
0x5: {  	s28 =	sshll.u32 s0, $0x1;
	s2 =	rddreg [dreg:$0x3];
	s8 =	smul.u32 $0x50000, s0  }
0x6: {  	[smem:$0x7FF] =	sst s4;
	s11 =	smul.u32 $0x14000, s0;
	s16 =	sadd.s32 $0x42200, s5  }
0x7: {  	s6 =	sor.u32 s7, s28;
	s9 =	ssub.s32 $0x2, s7;
	s19 =	smul.u32 $0x140000, s7  }
0x8: {  	_ =	strace $0x80000053;
	s6 =	smul.u32 $0x500, s6;
	s29 =	sshrl.u32 s9, $0x1  }
0x9: {  	s30 =	sshrl.u32 s8, $0x2;
	s13 =	sadd.s32 $0x4000, s11;
	s14 =	sadd.s32 $0x8000, s11  }
0xa: {  	s15 =	sadd.s32 $0xC000, s11;
	s18 =	sadd.s32 $0x10000, s11;
	s17 =	ssub.s32 s9, s29  }
0xb: {  	s7 =	sadd.s32 s14, s3;
	s8 =	sadd.s32 s15, s3;
	s9 =	sadd.s32 s18, s3  }
0xc: {  	s20 =	sadd.s32 s11, s19;
	s14 =	sadd.s32 s19, s14;
	s15 =	sadd.s32 s19, s15  }
0xd: {  	s18 =	sadd.s32 s19, s18;
	s12 =	sadd.s32 s6, s5;
	s5 =	sadd.s32 s30, s3  }
0xe: {  	s6 =	sadd.s32 s13, s3;
	s13 =	sadd.s32 s19, s13;
	s31 =	sshrl.u32 s20, $0x3  }
0xf: {  	s14 =	sshrl.u32 s14, $0x3;
	s15 =	sshrl.u32 s15, $0x3;
	s18 =	sshrl.u32 s18, $0x3  }
0x10: {  	s17 =	smax.u32 s17, $0x1;
	s19 =	simm.s32 $0x2;
	s20 =	simm.s32 $0x2800  }
0x11: {  	s10 =	sadd.s32 $0x11000, s12;
	s11 =	sadd.s32 $0x7000, s12;
	s13 =	sshrl.u32 s13, $0x3  }
0x12: {  	s12 =	sadd.s32 s16, s31;
	s14 =	sadd.s32 s16, s14;
	s15 =	sadd.s32 s16, s15  }
0x13: {  	v0 =	vimm.f32 $0.0e+00;
	s13 =	sadd.s32 s16, s13;
	s16 =	sadd.s32 s16, s18;
	s18 =	simm.s32 $0x5000  }
.LBB2_1:
0x14: {  	s24 =	simm.s32 $0x0;
	s25 =	simm.s32 $0x200  }
.LBB2_2:
0x15: {  	p0 =	sne.s32 s25, $0xFE00;
	[tilespmem:s24+$0x5070] =	vst v0  }
0x16: {  	[tilespmem:s24+$0x5000] =	vst v0  }
0x17: {  	[tilespmem:s24+$0x5010] =	vst v0  }
.Ltmp0:
0x18: {  	[tilespmem:s24+$0x5020] =	vst v0;
	(pc) =	sbr.rel @p0 .LBB2_2-.Ltmp0, $4  }
0x19: {  	[tilespmem:s24+$0x5030] =	vst v0  }
0x1a: {  	[tilespmem:s24+$0x5040] =	vst v0  }
0x1b: {  	[tilespmem:s24+$0x5050] =	vst v0  }
0x1c: {  	[tilespmem:s24+$0x5060] =	vst v0;
	s24 =	sshra.s32 s25, $0x2;
	s25 =	sadd.s32 $0x200, s25  }
0x1d: {  	[tilespmem:s24+$0x5070] =	vst v0  }
0x1e: {  	[tilespmem:s24+$0x5000] =	vst v0  }
0x1f: {  	[tilespmem:s24+$0x5010] =	vst v0  }
0x20: {  	[tilespmem:s24+$0x5020] =	vst v0  }
0x21: {  	[tilespmem:s24+$0x5030] =	vst v0  }
0x22: {  	[tilespmem:s24+$0x5040] =	vst v0  }
0x23: {  	[tilespmem:s24+$0x5050] =	vst v0  }
0x24: {  	[tilespmem:s24+$0x5060] =	vst v0  }
0x25: {  	[spmem:s5] =	stream.linear.scatter [tilespmem:s18], [sflag:$0x2], $0x4000, $0x38;
	[tilespmem:$0x1D000] =	vst v63  }
0x26: {  	_ =	swait.ge [sflag:s19], $0x4000  }
0x27: {  	[sflag:s19] =	ssyncset.done $0x0  }
0x28: {  	[sflag:s19] =	ssyncadd.s32 $0xFFFFC000  }
0x29: {  	[spmem:s6] =	stream.linear.scatter [tilespmem:s18], [sflag:$0x2], $0x4000, $0x38;
	[tilespmem:$0x1D000] =	vst v63  }
0x2a: {  	_ =	swait.ge [sflag:s19], $0x4000  }
0x2b: {  	[sflag:s19] =	ssyncset.done $0x0  }
0x2c: {  	[sflag:s19] =	ssyncadd.s32 $0xFFFFC000  }
0x2d: {  	[spmem:s7] =	stream.linear.scatter [tilespmem:s18], [sflag:$0x2], $0x4000, $0x38;
	[tilespmem:$0x1D000] =	vst v63  }
0x2e: {  	_ =	swait.ge [sflag:s19], $0x4000  }
0x2f: {  	[sflag:s19] =	ssyncset.done $0x0  }
0x30: {  	[sflag:s19] =	ssyncadd.s32 $0xFFFFC000  }
0x31: {  	[spmem:s8] =	stream.linear.scatter [tilespmem:s18], [sflag:$0x2], $0x4000, $0x38;
	[tilespmem:$0x1D000] =	vst v63  }
0x32: {  	_ =	swait.ge [sflag:s19], $0x4000  }
0x33: {  	[sflag:s19] =	ssyncset.done $0x0  }
0x34: {  	[sflag:s19] =	ssyncadd.s32 $0xFFFFC000  }
0x35: {  	[spmem:s9] =	stream.linear.scatter [tilespmem:s18], [sflag:$0x2], $0x4000, $0x38;
	[tilespmem:$0x1D000] =	vst v63  }
0x36: {  	_ =	swait.ge [sflag:s19], $0x4000  }
0x37: {  	[sflag:s19] =	ssyncset.done $0x0  }
0x38: {  	s29 =	simm.s32 $0x0;
	[sflag:s19] =	ssyncadd.s32 $0xFFFFC000  }
0x39: {  	[tilespmem:s29], [sflag:$0x2] =	stream.linear.gather [hbm4b:s10+s29], $0x2780, $0x38;
	[tilespmem:$0x1D000] =	vst v63  }
0x3a: {  	_ =	swait.ge [sflag:s19], $0x2780  }
0x3b: {  	[sflag:s19] =	ssyncset.done $0x0  }
0x3c: {  	[sflag:s19] =	ssyncadd.s32 $0xFFFFD880  }
0x3d: {  	[tilespmem:s20], [sflag:$0x2] =	stream.linear.gather [hbm4b:s11+s29], $0x2780, $0x38;
	[tilespmem:$0x1D000] =	vst v63  }
0x3e: {  	_ =	swait.ge [sflag:s19], $0x2780  }
0x3f: {  	[sflag:s19] =	ssyncset.done $0x0  }
0x40: {  	[sflag:s19] =	ssyncadd.s32 $0xFFFFD880  }
0x41: {  	s30 =	simm.s32 $0x0;
	[bflag:$0x0] =	sbarrier.arrive $0xFFFF  }
0x42: {  	[tilespmem:s18], [sflag:$0x1] =	stream.indirect.gather [hbm4b:s1+s21], $0x80, s30, s21, $0xb8;
	[tilespmem:$0x1D000] =	vst v63  }
0x43: {  	_ =	swait.ge [sflag:s22], $0x4000  }
0x44: {  	[sflag:s22] =	ssyncset.done $0x0  }
0x45: {  	s31 =	simm.s32 $0x2800;
	[sflag:s22] =	ssyncadd.s32 $0xFFFFC000  }
0x46: {  	[spmem:s3] =	stream.indirect.scatter.add.f32 [tilespmem:s18], [sflag:$0x2], $0x80, s31, s21, $0xb8;
	[tilespmem:$0x1D000] =	vst v63  }
0x47: {  	_ =	swait.ge [sflag:s19], $0x4000  }
0x48: {  	s24 =	simm.s32 $0x200;
	s25 =	simm.s32 $0x400;
	[sflag:s19] =	ssyncset.done $0x0  }
.LBB2_4:
0x49: {  	s26 =	sshra.s32 s24, $0x2  }
0x4a: {  	[sflag:s19] =	ssyncadd.s32 $0xFFFFC000;
	s24 =	smov.u32 s25;
	s28 =	sadd.s32 $0x200, s25  }
0x4b: {  	[tilespmem:s18], [sflag:$0x1] =	stream.indirect.gather [hbm4b:s1+s21], $0x80, s26, s21, $0xb8;
	[tilespmem:$0x1D000] =	vst v63  }
0x4c: {  	p0 =	sne.s32 s25, $0x9C00;
	_ =	swait.ge [sflag:s22], $0x4000  }
.Ltmp1:
0x4d: {  	[sflag:s22] =	ssyncset.done $0x0;
	(pc) =	sbr.rel @p0 .LBB2_4-.Ltmp1, $4  }
0x4e: {  	s25 =	sadd.s32 $0x2800, s26;
	[sflag:s22] =	ssyncadd.s32 $0xFFFFC000  }
0x4f: {  	[spmem:s3] =	stream.indirect.scatter.add.f32 [tilespmem:s18], [sflag:$0x2], $0x80, s25, s21, $0xb8;
	[tilespmem:$0x1D000] =	vst v63  }
0x50: {  	_ =	swait.ge [sflag:s19], $0x4000  }
0x51: {  	s25 =	smov.u32 s28;
	[sflag:s19] =	ssyncset.done $0x0  }
0x52: {  	s24 =	sshra.s32 s24, $0x2;
	[sflag:s19] =	ssyncadd.s32 $0xFFFFC000  }
0x53: {  	[tilespmem:s18], [sflag:$0x1] =	stream.indirect.gather [hbm4b:s1+s21], $0x80, s24, s21, $0xb8;
	[tilespmem:$0x1D000] =	vst v63  }
0x54: {  	_ =	swait.ge [sflag:s22], $0x4000  }
0x55: {  	[sflag:s22] =	ssyncset.done $0x0  }
0x56: {  	s24 =	sadd.s32 $0x2800, s24;
	[sflag:s22] =	ssyncadd.s32 $0xFFFFC000  }
0x57: {  	[spmem:s3] =	stream.indirect.scatter.add.f32 [tilespmem:s18], [sflag:$0x2], $0x80, s24, s21, $0xb8;
	[tilespmem:$0x1D000] =	vst v63  }
0x58: {  	_ =	swait.ge [sflag:s19], $0x4000  }
0x59: {  	[sflag:s19] =	ssyncset.done $0x0  }
0x5a: {  	[sflag:s19] =	ssyncadd.s32 $0xFFFFC000  }
0x5b: {  	[bflag:$0x0] =	sbarrier.arrive $0xFFFF  }
0x5c: {  	[tilespmem:s18], [sflag:$0x2] =	stream.linear.gather [spmem:s5], $0x4000, $0x38;
	[tilespmem:$0x1D000] =	vst v63  }
0x5d: {  	_ =	swait.ge [sflag:s19], $0x4000  }
0x5e: {  	[sflag:s19] =	ssyncset.done $0x0  }
0x5f: {  	[sflag:s19] =	ssyncadd.s32 $0xFFFFC000  }
0x60: {  	[hbm4b:s12+s4] =	stream.linear.scatter [tilespmem:s18], [sflag:$0x2], $0x4000, $0x38;
	[tilespmem:$0x1D000] =	vst v63  }
0x61: {  	_ =	swait.ge [sflag:s19], $0x4000  }
0x62: {  	[sflag:s19] =	ssyncset.done $0x0  }
0x63: {  	[sflag:s19] =	ssyncadd.s32 $0xFFFFC000  }
0x64: {  	[tilespmem:s18], [sflag:$0x2] =	stream.linear.gather [spmem:s6], $0x4000, $0x38;
	[tilespmem:$0x1D000] =	vst v63  }
0x65: {  	_ =	swait.ge [sflag:s19], $0x4000  }
0x66: {  	[sflag:s19] =	ssyncset.done $0x0  }
0x67: {  	[sflag:s19] =	ssyncadd.s32 $0xFFFFC000  }
0x68: {  	[hbm4b:s13+s4] =	stream.linear.scatter [tilespmem:s18], [sflag:$0x2], $0x4000, $0x38;
	[tilespmem:$0x1D000] =	vst v63  }
0x69: {  	_ =	swait.ge [sflag:s19], $0x4000  }
0x6a: {  	[sflag:s19] =	ssyncset.done $0x0  }
0x6b: {  	[sflag:s19] =	ssyncadd.s32 $0xFFFFC000  }
0x6c: {  	[tilespmem:s18], [sflag:$0x2] =	stream.linear.gather [spmem:s7], $0x4000, $0x38;
	[tilespmem:$0x1D000] =	vst v63  }
0x6d: {  	_ =	swait.ge [sflag:s19], $0x4000  }
0x6e: {  	[sflag:s19] =	ssyncset.done $0x0  }
0x6f: {  	[sflag:s19] =	ssyncadd.s32 $0xFFFFC000  }
0x70: {  	[hbm4b:s14+s4] =	stream.linear.scatter [tilespmem:s18], [sflag:$0x2], $0x4000, $0x38;
	[tilespmem:$0x1D000] =	vst v63  }
0x71: {  	_ =	swait.ge [sflag:s19], $0x4000  }
0x72: {  	[sflag:s19] =	ssyncset.done $0x0  }
0x73: {  	[sflag:s19] =	ssyncadd.s32 $0xFFFFC000  }
0x74: {  	[tilespmem:s18], [sflag:$0x2] =	stream.linear.gather [spmem:s8], $0x4000, $0x38;
	[tilespmem:$0x1D000] =	vst v63  }
0x75: {  	_ =	swait.ge [sflag:s19], $0x4000  }
0x76: {  	[sflag:s19] =	ssyncset.done $0x0  }
0x77: {  	[sflag:s19] =	ssyncadd.s32 $0xFFFFC000  }
0x78: {  	[hbm4b:s15+s4] =	stream.linear.scatter [tilespmem:s18], [sflag:$0x2], $0x4000, $0x38;
	[tilespmem:$0x1D000] =	vst v63  }
0x79: {  	_ =	swait.ge [sflag:s19], $0x4000  }
0x7a: {  	[sflag:s19] =	ssyncset.done $0x0  }
0x7b: {  	[sflag:s19] =	ssyncadd.s32 $0xFFFFC000  }
0x7c: {  	[tilespmem:s18], [sflag:$0x2] =	stream.linear.gather [spmem:s9], $0x4000, $0x38;
	[tilespmem:$0x1D000] =	vst v63  }
0x7d: {  	s23 =	sadd.s32 $0x1, s23;
	_ =	swait.ge [sflag:s19], $0x4000  }
0x7e: {  	p0 =	sne.s32 s23, s17;
	[sflag:s19] =	ssyncset.done $0x0  }
.Ltmp2:
0x7f: {  	[sflag:s19] =	ssyncadd.s32 $0xFFFFC000;
	(pc) =	sbr.rel @p0 .LBB2_1-.Ltmp2, $4  }
0x80: {  	[hbm4b:s16+s4] =	stream.linear.scatter [tilespmem:s18], [sflag:$0x2], $0x4000, $0x38;
	[tilespmem:$0x1D000] =	vst v63  }
0x81: {  	_ =	swait.ge [sflag:s19], $0x4000  }
0x82: {  	[sflag:s19] =	ssyncset.done $0x0  }
0x83: {  	[sflag:s19] =	ssyncadd.s32 $0xFFFFC000  }
0x84: {  	_ =	sfence.sel $0x180000  }
0x85: {  	[bflag:$0x0] =	sbarrier.arrive $0xFFFF  }
0x86: {  	p0 =	sne.s32 s0, $0x0;
	_ =	strace $0x90000053  }
0x87: {  	s0 =	sadd.s32 @!p0 $0x100000, s2;
	[bflag:$0x2] =	sbarrier.arrive $0xFFFF  }
0x88: {  	[sflag:s0] =	ssyncadd.tile.s32 @!p0 $0x1;
	_ =	shalt  }
.Lfunc_end2:
_tile_overlayer_lowered:
.L_overlay_start_2:
0x89: {  	(tag) =	ssettag $0x2  }
0x8a: {  	s0 =	rddreg [dreg:$0x0];
	s2 =	stileid.u32  }
0x8b: {  	s1 =	rddreg [dreg:$0x1];
	p0 =	sne.s32 s2, $0x0  }
0x8c: {  	s3 =	rddreg [dreg:$0x2];
	[bflag:$0x3] =	sbarrier.arrive $0xFFFF;
	s2 =	simm.s32 @!p0 $0x1C02  }
0x8d: {  	[timem:s3], [sflag:s2] =	dma.local @!p0 [hbm:s0], s1  }
0x8e: {  	s0 =	simm.s32 @!p0 $0x2  }
0x8f: {  	_ =	swait.ge @!p0 [sflag:s0], s1  }
0x90: {  	s1 =	ssub.s32 @!p0 $0x0, s1;
	[sflag:s0] =	ssyncset.done @!p0 $0x0  }
0x91: {  	[sflag:s0] =	ssyncadd.s32 @!p0 s1  }
0x92: {  	[bflag:$0x3] =	sbarrier.arrive $0xFFFF  }
0x93: {  	_ =	shalt  }

// kernel: kernel.29.cloned.1.call-start
scs
__scs_entry_jumppad:
0x0: {  	(pc) =	sbr.rel $0x88, $3  }
0x1: {  	(tag) =	ssettag $0x0;
	lr =	simm.s32 $0x1  }
0x2: {  	[smem:$0x3F95] =	sst lr;
	_ =	strace $0xD0000000  }
0x3: {  	_ = 	snop  }
0x4: {  	_ = 	snop  }
0x5: {  	_ = 	snop  }
0x6: {  	_ = 	snop  }
0x7: {  	_ = 	snop  }
__scs_overlays_trampoline_lowered:
0x8: {  	[smem:$0x3FA4] =	sst s0  }
0x9: {  	[smem:$0x3FA5] =	sst s1  }
0xa: {  	[smem:$0x3FA6] =	sst s2  }
0xb: {  	[smem:$0x3FA7] =	sst s3  }
0xc: {  	[smem:$0x3FA8] =	sst s4  }
0xd: {  	[smem:$0x3FA9] =	sst s5  }
0xe: {  	[smem:$0x3FAA] =	sst s6  }
0xf: {  	[smem:$0x3FAB] =	sst s7  }
0x10: {  	[smem:$0x3FAC] =	sst s8  }
0x11: {  	[smem:$0x3FAD] =	sst s9;
	s0 =	simm.s32 @!p0 $0x0  }
0x12: {  	s1 =	sld [smem:$0x3F93];
	s0 =	simm.s32 @p0 $0x1  }
0x13: {  	[smem:$0x3FAE] =	sst s0;
	s0 =	simm.s32 @!p1 $0x0  }
0x14: {  	s2 =	sld [smem:$0x3F92];
	s0 =	simm.s32 @p1 $0x1  }
0x15: {  	[smem:$0x3FAF] =	sst s0;
	s0 =	simm.s32 @!p2 $0x0  }
0x16: {  	s3 =	sld [smem:$0x3FDB];
	s0 =	simm.s32 @p2 $0x1  }
0x17: {  	s4 =	simm.s32 $0x1BF5;
	[smem:$0x3FB1] =	sst s0  }
0x18: {  	s0 =	sld [smem:$0x3F94];
	_ =	swait.ge [sflag:s4], $0x0  }
0x19: {  	s7 =	sld [smem:$0x3F95]  }
0x1a: {  	s8 =	sadd.s32 $0xFFFFE003, lr  }
0x1b: {  	s9 =	sadd.s32 $0xFFFFFEF7, lr;
	s5 =	simm.s32 $0xFFFFFFFF;
	p2 =	slt.u32 s8, $0xFFFFF086  }
0x1c: {  	p1 =	slt.u32 s9, $0xF7A;
	s5 =	simm.s32 @!p2 $0x0  }
0x1d: {  	s5 =	simm.s32 @p1 $0x1;
	p0 =	seq.s32 s7, s2  }
0x1e: {  	s7 =	smul.u32 @!p0 $0xF7A, s2;
	p2 =	seq.s32 @!p0 s5, $0x0  }
0x1f: {  	s9 =	smul.u32 $0xF7A, s1;
	s8 =	simm.s32 @!p0 $0x1BF5;
	p2 =	por !p2, p0  }
0x20: {  	[sflag:s8] =	ssyncset.s32 @!p0 $0xFFFFF086;
	s6 =	sadd.s32 @!p0 s3, s7;
	s7 =	simm.s32 @!p0 $0x108  }
0x21: {  	s3 =	sadd.s32 s3, s9;
	s6 =	sadd.s32 @!p0 $0x88, s6;
	s7 =	simm.s32 @p2 $0x1082  }
0x22: {  	[simem:s7], [sflag:s8] =	dma.local @!p0 [hbm:s6], $0xF7A  }
0x23: {  	s9 =	sor.u32 $0xD0000000, s2;
	s6 =	simm.s32 $0x108;
	_ =	swait.ge @!p0 [sflag:s8], $0x0  }
0x24: {  	s3 =	sadd.s32 $0x88, s3;
	s6 =	simm.s32 @!p1 $0x1082;
	[sflag:s4] =	ssyncset.s32 $0xFFFFF086  }
0x25: {  	[simem:s6], [sflag:s4] =	dma.local [hbm:s3], $0xF7A  }
0x26: {  	[smem:$0x3F95] =	sst s1;
	(tag) =	ssettag s2;
	_ =	strace s9  }
0x27: {  	s1 =	sld [smem:$0x3FA5]  }
0x28: {  	s2 =	sld [smem:$0x3FA6]  }
0x29: {  	s4 =	sld [smem:$0x3FA8]  }
0x2a: {  	p0 =	seq.s32 s5, $0x0;
	s5 =	sld [smem:$0x3FA9]  }
0x2b: {  	s6 =	sld [smem:$0x3FAA]  }
0x2c: {  	s7 =	sld [smem:$0x3FAB]  }
0x2d: {  	s3 =	simm.s32 $0x108;
	s8 =	sld [smem:$0x3FAC]  }
0x2e: {  	s3 =	simm.s32 @!p0 $0x1082;
	s9 =	sld [smem:$0x3FAD]  }
0x2f: {  	lr =	sadd.s32 s0, s3;
	s0 =	sld [smem:$0x3FA4]  }
0x30: {  	s3 =	sld [smem:$0x3FA7]  }
0x31: {  	[smem:$0x3FB0] =	sst s10  }
0x32: {  	s10 =	sld [smem:$0x3FAE];
	_ =	sdelay $0x3  }
0x33: {  	p0 =	seq.s32 s10, $0x1;
	s10 =	sld [smem:$0x3FB0];
	_ =	sdelay $0x3  }
0x34: {  	[smem:$0x3FB0] =	sst s10  }
0x35: {  	s10 =	sld [smem:$0x3FAF];
	_ =	sdelay $0x3  }
0x36: {  	p1 =	seq.s32 s10, $0x1;
	s10 =	sld [smem:$0x3FB0];
	_ =	sdelay $0x3  }
0x37: {  	[smem:$0x3FB0] =	sst s10  }
0x38: {  	s10 =	sld [smem:$0x3FB1]  }
0x39: {  	_ = 	snop;
	(pc) =	sbr.ind lr, $3  }
0x3a: {  	_ = 	snop  }
0x3b: {  	_ = 	snop  }
0x3c: {  	p2 =	seq.s32 s10, $0x1;
	s10 =	sld [smem:$0x3FB0]  }
0x3d: {  	_ =	shalt  }
0x3e: {  	_ =	shalt  }
0x3f: {  	_ =	shalt  }
0x40: {  	_ =	shalt  }
0x41: {  	_ =	shalt  }
0x42: {  	_ =	shalt  }
0x43: {  	_ =	shalt  }
0x44: {  	_ =	shalt  }
0x45: {  	_ =	shalt  }
0x46: {  	_ =	shalt  }
0x47: {  	_ =	shalt  }
0x48: {  	_ =	shalt  }
0x49: {  	_ =	shalt  }
0x4a: {  	_ =	shalt  }
0x4b: {  	_ =	shalt  }
0x4c: {  	_ =	shalt  }
0x4d: {  	_ =	shalt  }
0x4e: {  	_ =	shalt  }
0x4f: {  	_ =	shalt  }
0x50: {  	_ =	shalt  }
0x51: {  	_ =	shalt  }
0x52: {  	_ =	shalt  }
0x53: {  	_ =	shalt  }
0x54: {  	_ =	shalt  }
0x55: {  	_ =	shalt  }
0x56: {  	_ =	shalt  }
0x57: {  	_ =	shalt  }
0x58: {  	_ =	shalt  }
0x59: {  	_ =	shalt  }
0x5a: {  	_ =	shalt  }
0x5b: {  	_ =	shalt  }
0x5c: {  	_ =	shalt  }
0x5d: {  	_ =	shalt  }
0x5e: {  	_ =	shalt  }
0x5f: {  	_ =	shalt  }
0x60: {  	_ =	shalt  }
0x61: {  	_ =	shalt  }
0x62: {  	_ =	shalt  }
0x63: {  	_ =	shalt  }
0x64: {  	_ =	shalt  }
0x65: {  	_ =	shalt  }
0x66: {  	_ =	shalt  }
0x67: {  	_ =	shalt  }
0x68: {  	_ =	shalt  }
0x69: {  	_ =	shalt  }
0x6a: {  	_ =	shalt  }
0x6b: {  	_ =	shalt  }
0x6c: {  	_ =	shalt  }
0x6d: {  	_ =	shalt  }
0x6e: {  	_ =	shalt  }
0x6f: {  	_ =	shalt  }
0x70: {  	_ =	shalt  }
0x71: {  	_ =	shalt  }
0x72: {  	_ =	shalt  }
0x73: {  	_ =	shalt  }
0x74: {  	_ =	shalt  }
0x75: {  	_ =	shalt  }
0x76: {  	_ =	shalt  }
0x77: {  	_ =	shalt  }
0x78: {  	_ =	shalt  }
0x79: {  	_ =	shalt  }
0x7a: {  	_ =	shalt  }
0x7b: {  	_ =	shalt  }
0x7c: {  	_ =	shalt  }
0x7d: {  	_ =	shalt  }
0x7e: {  	_ =	shalt  }
0x7f: {  	_ =	shalt  }
0x80: {  	_ =	shalt  }
0x81: {  	_ =	shalt  }
0x82: {  	_ =	shalt  }
0x83: {  	_ =	shalt  }
0x84: {  	_ =	shalt  }
0x85: {  	_ =	shalt  }
0x86: {  	_ =	shalt  }
0x87: {  	_ =	shalt  }
.Lfunc_end0:
.L_simem_size_0:
called_computation.5_lowered:
.L_overlay_start_0:
0x88: {  	s2 =	sld [smem:$0x3FD9]  }
0x89: {  	s3 =	sld [smem:$0x3FFE];
	_ =	sdelay $0x1  }
0x8a: {  	s1 =	srdreg.scid  }
0x8b: {  	s0 =	sand.u32 $0x1, s1  }
0x8c: {  	s17 =	sshll.u32 s0, $0xA;
	s2 =	sadd.s32 s3, s2  }
0x8d: {  	s2 =	sadd.s32 s2, s17  }
0x8e: {  	[smem:$0x3FBC] =	sst s2  }
0x8f: {  	_ = 	snop  }
0x90: {  	s2 =	sld [smem:$0x3FD0];
	(tm) =	ssettm $0x1  }
0x91: {  	s18 =	sld [smem:$0x3FFB];
	_ =	sdelay $0x3  }
0x92: {  	_ =	strace s18  }
0x93: {  	s3 =	sld [smem:$0x3FFC];
	_ =	sdelay $0x3  }
0x94: {  	_ =	strace s3  }
0x95: {  	s3 =	sld [smem:$0x3FFD];
	_ =	sdelay $0x3  }
0x96: {  	_ =	strace s3  }
0x97: {  	_ =	strace $0x8FFFFFFF  }
0x98: {  	s19 =	sld [smem:$0x3FDB];
	_ =	sdelay $0x1  }
0x99: {  	s4 =	simm.s32 $_scs_section_size  }
0x9a: {  	s5 =	simm.s32 $_size__tile_overlayer_lowered;
	s6 =	simm.s32 $_tile_overlayer_lowered  }
0x9b: {  	s22 =	simm.s32 $0x1BFF;
	s21 =	sshll.u32 s6, $0x1;
	s3 =	sadd.s32 s4, s19  }
0x9c: {  	s7 =	simm.s32 $0x0;
	s20 =	sshll.u32 s5, $0x1;
	s5 =	sadd.s32 s21, s3  }
0x9d: {  	[timem:s7], [sflag:s22] =	dma.local [hbm:s5], s20  }
0x9e: {  	_ =	swait.ge [sflag:s22], s20  }
0x9f: {  	s4 =	ssub.s32 $0x0, s20;
	[sflag:s22] =	ssyncset.done $0x0  }
0xa0: {  	[sflag:s22] =	ssyncadd.s32 s4;
	_ =	sdelay $0x1  }
0xa1: {  	s23 =	simm.s32 $0x1B8B  }
0xa2: {  	_ =	swait.ge [sflag:s23], $0x1  }
0xa3: {  	[sflag:s23] =	ssyncset.done $0x0  }
0xa4: {  	s25 =	simm.s32 $0x1B8E;
	s24 =	sld [smem:$0x3FFE];
	[sflag:s23] =	ssyncadd.s32 $0xFFFFFFFF  }
0xa5: {  	s26 =	simm.s32 $execute0_lowered;
	[smem:$0x3FD2] =	sst s25  }
0xa6: {  	s5 =	sshll.u32 s26, $0x1;
	_ =	strace $0x80000055;
	[dreg:$0x1] =	wrdreg $0xFFFFFFFF  }
0xa7: {  	s28 =	simm.s32 $_size_execute0_lowered;
	s3 =	sadd.s32 s3, s5;
	[dreg:$0x0] =	wrdreg $0x0  }
0xa8: {  	s5 =	sshll.u32 s28, $0x1;
	[dreg:$0x2] =	wrdreg s3  }
0xa9: {  	[dreg:$0x3] =	wrdreg s5  }
0xaa: {  	[dreg:$0x4] =	wrdreg $0xC0  }
0xab: {  	_ =	task [dreg:s7], $0x5FFFF  }
0xac: {  	[dreg:$0x1] =	wrdreg $0xFFFFFFFF  }
0xad: {  	[dreg:$0x0] =	wrdreg $0x60  }
0xae: {  	[dreg:$0x2] =	wrdreg s2  }
0xaf: {  	[dreg:$0x3] =	wrdreg s24  }
0xb0: {  	[dreg:$0x4] =	wrdreg $0x90000  }
0xb1: {  	[dreg:$0x5] =	wrdreg $0x9  }
0xb2: {  	_ =	task.clear_ibuf [dreg:s7], $0x6FFFF;
	_ =	strace $0x90000055  }
0xb3: {  	s29 =	simm.s32 $0x9;
	_ =	strace $0x80000057  }
0xb4: {  	_ =	swait.ge [sflag:s29], $0x1  }
0xb5: {  	[sflag:s29] =	ssyncadd.s32 $0xFFFFFFFF  }
0xb6: {  	_ =	strace $0x90000057  }
0xb7: {  	_ =	sfence  }
0xb8: {  	s30 =	sld [smem:$0x0];
	_ =	sdelay $0x2  }
0xb9: {  	s31 =	sshll.u32 s1, $0xD;
	s1 =	sshrl.u32 s1, $0x2  }
0xba: {  	s3 =	sand.u32 $0x4000, s31;
	s1 =	sadd.s32 s1, s30  }
0xbb: {  	s0 =	sor.u32 s3, s0;
	s1 =	sshll.u32 s1, $0x11  }
0xbc: {  	s0 =	sor.u32 s1, s0  }
0xbd: {  	s0 =	sadd.s32 $0x8F2B, s0  }
0xbe: {  	[sflag:s0] =	ssyncadd.remote.s32 $0x1  }
0xbf: {  	_ =	sfence.sel $0xFFFF  }
0xc0: {  	[dreg:$0x0] =	wrdreg $0xFFFFFFFF;
	(pc) =	sbr.abs _section_cstart, $3  }
0xc1: {  	[dreg:$0x1] =	wrdreg $0xFFFFFFFF  }
0xc2: {  	_ =	task.clear_ibuf [dreg:s7], $0x2FFFF;
	_ =	strace $0x9FFFFFFF  }
0xc3: {  	(tm) =	ssettm $0x7FFFFFFF  }
tec
execute0_lowered:
.L_overlay_start_1:
0x0: {  	(tag) =	ssettag $0x1  }
0x1: {  	s1 =	rddreg [dreg:$0x0];
	s2 =	srdreg.scid  }
0x2: {  	s0 =	stileid.u32;
	s5 =	rddreg [dreg:$0x1]  }
0x3: {  	s3 =	rddreg [dreg:$0x2];
	s4 =	simm.s32 $0x0;
	s21 =	simm.s32 $0x80  }
0x4: {  	s22 =	simm.s32 $0x1;
	s23 =	simm.s32 $0x0;
	s7 =	sand.u32 $0x1, s2  }
0x5: {  	s28 =	sshll.u32 s0, $0x1;
	s2 =	rddreg [dreg:$0x3];
	s8 =	smul.u32 $0x50000, s0  }
0x6: {  	[smem:$0x7FF] =	sst s4;
	s11 =	smul.u32 $0x14000, s0;
	s16 =	sadd.s32 $0x42200, s5  }
0x7: {  	s6 =	sor.u32 s7, s28;
	s9 =	ssub.s32 $0x2, s7;
	s19 =	smul.u32 $0x140000, s7  }
0x8: {  	_ =	strace $0x80000056;
	s6 =	smul.u32 $0x500, s6;
	s29 =	sshrl.u32 s9, $0x1  }
0x9: {  	s30 =	sshrl.u32 s8, $0x2;
	s13 =	sadd.s32 $0x4000, s11;
	s14 =	sadd.s32 $0x8000, s11  }
0xa: {  	s15 =	sadd.s32 $0xC000, s11;
	s18 =	sadd.s32 $0x10000, s11;
	s17 =	ssub.s32 s9, s29  }
0xb: {  	s7 =	sadd.s32 s14, s3;
	s8 =	sadd.s32 s15, s3;
	s9 =	sadd.s32 s18, s3  }
0xc: {  	s20 =	sadd.s32 s11, s19;
	s14 =	sadd.s32 s19, s14;
	s15 =	sadd.s32 s19, s15  }
0xd: {  	s18 =	sadd.s32 s19, s18;
	s12 =	sadd.s32 s6, s5;
	s5 =	sadd.s32 s30, s3  }
0xe: {  	s6 =	sadd.s32 s13, s3;
	s13 =	sadd.s32 s19, s13;
	s31 =	sshrl.u32 s20, $0x3  }
0xf: {  	s14 =	sshrl.u32 s14, $0x3;
	s15 =	sshrl.u32 s15, $0x3;
	s18 =	sshrl.u32 s18, $0x3  }
0x10: {  	s17 =	smax.u32 s17, $0x1;
	s19 =	simm.s32 $0x2;
	s20 =	simm.s32 $0x2800  }
0x11: {  	s10 =	sadd.s32 $0x11000, s12;
	s11 =	sadd.s32 $0x7000, s12;
	s13 =	sshrl.u32 s13, $0x3  }
0x12: {  	s12 =	sadd.s32 s16, s31;
	s14 =	sadd.s32 s16, s14;
	s15 =	sadd.s32 s16, s15  }
0x13: {  	v0 =	vimm.f32 $0.0e+00;
	s13 =	sadd.s32 s16, s13;
	s16 =	sadd.s32 s16, s18;
	s18 =	simm.s32 $0x5000  }
.LBB2_1:
0x14: {  	s24 =	simm.s32 $0x0;
	s25 =	simm.s32 $0x200  }
.LBB2_2:
0x15: {  	p0 =	sne.s32 s25, $0xFE00;
	[tilespmem:s24+$0x5070] =	vst v0  }
0x16: {  	[tilespmem:s24+$0x5000] =	vst v0  }
0x17: {  	[tilespmem:s24+$0x5010] =	vst v0  }
.Ltmp0:
0x18: {  	[tilespmem:s24+$0x5020] =	vst v0;
	(pc) =	sbr.rel @p0 .LBB2_2-.Ltmp0, $4  }
0x19: {  	[tilespmem:s24+$0x5030] =	vst v0  }
0x1a: {  	[tilespmem:s24+$0x5040] =	vst v0  }
0x1b: {  	[tilespmem:s24+$0x5050] =	vst v0  }
0x1c: {  	[tilespmem:s24+$0x5060] =	vst v0;
	s24 =	sshra.s32 s25, $0x2;
	s25 =	sadd.s32 $0x200, s25  }
0x1d: {  	[tilespmem:s24+$0x5070] =	vst v0  }
0x1e: {  	[tilespmem:s24+$0x5000] =	vst v0  }
0x1f: {  	[tilespmem:s24+$0x5010] =	vst v0  }
0x20: {  	[tilespmem:s24+$0x5020] =	vst v0  }
0x21: {  	[tilespmem:s24+$0x5030] =	vst v0  }
0x22: {  	[tilespmem:s24+$0x5040] =	vst v0  }
0x23: {  	[tilespmem:s24+$0x5050] =	vst v0  }
0x24: {  	[tilespmem:s24+$0x5060] =	vst v0  }
0x25: {  	[spmem:s5] =	stream.linear.scatter [tilespmem:s18], [sflag:$0x2], $0x4000, $0x38;
	[tilespmem:$0x1D000] =	vst v63  }
0x26: {  	_ =	swait.ge [sflag:s19], $0x4000  }
0x27: {  	[sflag:s19] =	ssyncset.done $0x0  }
0x28: {  	[sflag:s19] =	ssyncadd.s32 $0xFFFFC000  }
0x29: {  	[spmem:s6] =	stream.linear.scatter [tilespmem:s18], [sflag:$0x2], $0x4000, $0x38;
	[tilespmem:$0x1D000] =	vst v63  }
0x2a: {  	_ =	swait.ge [sflag:s19], $0x4000  }
0x2b: {  	[sflag:s19] =	ssyncset.done $0x0  }
0x2c: {  	[sflag:s19] =	ssyncadd.s32 $0xFFFFC000  }
0x2d: {  	[spmem:s7] =	stream.linear.scatter [tilespmem:s18], [sflag:$0x2], $0x4000, $0x38;
	[tilespmem:$0x1D000] =	vst v63  }
0x2e: {  	_ =	swait.ge [sflag:s19], $0x4000  }
0x2f: {  	[sflag:s19] =	ssyncset.done $0x0  }
0x30: {  	[sflag:s19] =	ssyncadd.s32 $0xFFFFC000  }
0x31: {  	[spmem:s8] =	stream.linear.scatter [tilespmem:s18], [sflag:$0x2], $0x4000, $0x38;
	[tilespmem:$0x1D000] =	vst v63  }
0x32: {  	_ =	swait.ge [sflag:s19], $0x4000  }
0x33: {  	[sflag:s19] =	ssyncset.done $0x0  }
0x34: {  	[sflag:s19] =	ssyncadd.s32 $0xFFFFC000  }
0x35: {  	[spmem:s9] =	stream.linear.scatter [tilespmem:s18], [sflag:$0x2], $0x4000, $0x38;
	[tilespmem:$0x1D000] =	vst v63  }
0x36: {  	_ =	swait.ge [sflag:s19], $0x4000  }
0x37: {  	[sflag:s19] =	ssyncset.done $0x0  }
0x38: {  	s29 =	simm.s32 $0x0;
	[sflag:s19] =	ssyncadd.s32 $0xFFFFC000  }
0x39: {  	[tilespmem:s29], [sflag:$0x2] =	stream.linear.gather [hbm4b:s10+s29], $0x2780, $0x38;
	[tilespmem:$0x1D000] =	vst v63  }
0x3a: {  	_ =	swait.ge [sflag:s19], $0x2780  }
0x3b: {  	[sflag:s19] =	ssyncset.done $0x0  }
0x3c: {  	[sflag:s19] =	ssyncadd.s32 $0xFFFFD880  }
0x3d: {  	[tilespmem:s20], [sflag:$0x2] =	stream.linear.gather [hbm4b:s11+s29], $0x2780, $0x38;
	[tilespmem:$0x1D000] =	vst v63  }
0x3e: {  	_ =	swait.ge [sflag:s19], $0x2780  }
0x3f: {  	[sflag:s19] =	ssyncset.done $0x0  }
0x40: {  	[sflag:s19] =	ssyncadd.s32 $0xFFFFD880  }
0x41: {  	s30 =	simm.s32 $0x0;
	[bflag:$0x0] =	sbarrier.arrive $0xFFFF  }
0x42: {  	[tilespmem:s18], [sflag:$0x1] =	stream.indirect.gather [hbm4b:s1+s21], $0x80, s30, s21, $0xb8;
	[tilespmem:$0x1D000] =	vst v63  }
0x43: {  	_ =	swait.ge [sflag:s22], $0x4000  }
0x44: {  	[sflag:s22] =	ssyncset.done $0x0  }
0x45: {  	s31 =	simm.s32 $0x2800;
	[sflag:s22] =	ssyncadd.s32 $0xFFFFC000  }
0x46: {  	[spmem:s3] =	stream.indirect.scatter.add.f32 [tilespmem:s18], [sflag:$0x2], $0x80, s31, s21, $0xb8;
	[tilespmem:$0x1D000] =	vst v63  }
0x47: {  	_ =	swait.ge [sflag:s19], $0x4000  }
0x48: {  	s24 =	simm.s32 $0x200;
	s25 =	simm.s32 $0x400;
	[sflag:s19] =	ssyncset.done $0x0  }
.LBB2_4:
0x49: {  	s26 =	sshra.s32 s24, $0x2  }
0x4a: {  	[sflag:s19] =	ssyncadd.s32 $0xFFFFC000;
	s24 =	smov.u32 s25;
	s28 =	sadd.s32 $0x200, s25  }
0x4b: {  	[tilespmem:s18], [sflag:$0x1] =	stream.indirect.gather [hbm4b:s1+s21], $0x80, s26, s21, $0xb8;
	[tilespmem:$0x1D000] =	vst v63  }
0x4c: {  	p0 =	sne.s32 s25, $0x9C00;
	_ =	swait.ge [sflag:s22], $0x4000  }
.Ltmp1:
0x4d: {  	[sflag:s22] =	ssyncset.done $0x0;
	(pc) =	sbr.rel @p0 .LBB2_4-.Ltmp1, $4  }
0x4e: {  	s25 =	sadd.s32 $0x2800, s26;
	[sflag:s22] =	ssyncadd.s32 $0xFFFFC000  }
0x4f: {  	[spmem:s3] =	stream.indirect.scatter.add.f32 [tilespmem:s18], [sflag:$0x2], $0x80, s25, s21, $0xb8;
	[tilespmem:$0x1D000] =	vst v63  }
0x50: {  	_ =	swait.ge [sflag:s19], $0x4000  }
0x51: {  	s25 =	smov.u32 s28;
	[sflag:s19] =	ssyncset.done $0x0  }
0x52: {  	s24 =	sshra.s32 s24, $0x2;
	[sflag:s19] =	ssyncadd.s32 $0xFFFFC000  }
0x53: {  	[tilespmem:s18], [sflag:$0x1] =	stream.indirect.gather [hbm4b:s1+s21], $0x80, s24, s21, $0xb8;
	[tilespmem:$0x1D000] =	vst v63  }
0x54: {  	_ =	swait.ge [sflag:s22], $0x4000  }
0x55: {  	[sflag:s22] =	ssyncset.done $0x0  }
0x56: {  	s24 =	sadd.s32 $0x2800, s24;
	[sflag:s22] =	ssyncadd.s32 $0xFFFFC000  }
0x57: {  	[spmem:s3] =	stream.indirect.scatter.add.f32 [tilespmem:s18], [sflag:$0x2], $0x80, s24, s21, $0xb8;
	[tilespmem:$0x1D000] =	vst v63  }
0x58: {  	_ =	swait.ge [sflag:s19], $0x4000  }
0x59: {  	[sflag:s19] =	ssyncset.done $0x0  }
0x5a: {  	[sflag:s19] =	ssyncadd.s32 $0xFFFFC000  }
0x5b: {  	[bflag:$0x0] =	sbarrier.arrive $0xFFFF  }
0x5c: {  	[tilespmem:s18], [sflag:$0x2] =	stream.linear.gather [spmem:s5], $0x4000, $0x38;
	[tilespmem:$0x1D000] =	vst v63  }
0x5d: {  	_ =	swait.ge [sflag:s19], $0x4000  }
0x5e: {  	[sflag:s19] =	ssyncset.done $0x0  }
0x5f: {  	[sflag:s19] =	ssyncadd.s32 $0xFFFFC000  }
0x60: {  	[hbm4b:s12+s4] =	stream.linear.scatter [tilespmem:s18], [sflag:$0x2], $0x4000, $0x38;
	[tilespmem:$0x1D000] =	vst v63  }
0x61: {  	_ =	swait.ge [sflag:s19], $0x4000  }
0x62: {  	[sflag:s19] =	ssyncset.done $0x0  }
0x63: {  	[sflag:s19] =	ssyncadd.s32 $0xFFFFC000  }
0x64: {  	[tilespmem:s18], [sflag:$0x2] =	stream.linear.gather [spmem:s6], $0x4000, $0x38;
	[tilespmem:$0x1D000] =	vst v63  }
0x65: {  	_ =	swait.ge [sflag:s19], $0x4000  }
0x66: {  	[sflag:s19] =	ssyncset.done $0x0  }
0x67: {  	[sflag:s19] =	ssyncadd.s32 $0xFFFFC000  }
0x68: {  	[hbm4b:s13+s4] =	stream.linear.scatter [tilespmem:s18], [sflag:$0x2], $0x4000, $0x38;
	[tilespmem:$0x1D000] =	vst v63  }
0x69: {  	_ =	swait.ge [sflag:s19], $0x4000  }
0x6a: {  	[sflag:s19] =	ssyncset.done $0x0  }
0x6b: {  	[sflag:s19] =	ssyncadd.s32 $0xFFFFC000  }
0x6c: {  	[tilespmem:s18], [sflag:$0x2] =	stream.linear.gather [spmem:s7], $0x4000, $0x38;
	[tilespmem:$0x1D000] =	vst v63  }
0x6d: {  	_ =	swait.ge [sflag:s19], $0x4000  }
0x6e: {  	[sflag:s19] =	ssyncset.done $0x0  }
0x6f: {  	[sflag:s19] =	ssyncadd.s32 $0xFFFFC000  }
0x70: {  	[hbm4b:s14+s4] =	stream.linear.scatter [tilespmem:s18], [sflag:$0x2], $0x4000, $0x38;
	[tilespmem:$0x1D000] =	vst v63  }
0x71: {  	_ =	swait.ge [sflag:s19], $0x4000  }
0x72: {  	[sflag:s19] =	ssyncset.done $0x0  }
0x73: {  	[sflag:s19] =	ssyncadd.s32 $0xFFFFC000  }
0x74: {  	[tilespmem:s18], [sflag:$0x2] =	stream.linear.gather [spmem:s8], $0x4000, $0x38;
	[tilespmem:$0x1D000] =	vst v63  }
0x75: {  	_ =	swait.ge [sflag:s19], $0x4000  }
0x76: {  	[sflag:s19] =	ssyncset.done $0x0  }
0x77: {  	[sflag:s19] =	ssyncadd.s32 $0xFFFFC000  }
0x78: {  	[hbm4b:s15+s4] =	stream.linear.scatter [tilespmem:s18], [sflag:$0x2], $0x4000, $0x38;
	[tilespmem:$0x1D000] =	vst v63  }
0x79: {  	_ =	swait.ge [sflag:s19], $0x4000  }
0x7a: {  	[sflag:s19] =	ssyncset.done $0x0  }
0x7b: {  	[sflag:s19] =	ssyncadd.s32 $0xFFFFC000  }
0x7c: {  	[tilespmem:s18], [sflag:$0x2] =	stream.linear.gather [spmem:s9], $0x4000, $0x38;
	[tilespmem:$0x1D000] =	vst v63  }
0x7d: {  	s23 =	sadd.s32 $0x1, s23;
	_ =	swait.ge [sflag:s19], $0x4000  }
0x7e: {  	p0 =	sne.s32 s23, s17;
	[sflag:s19] =	ssyncset.done $0x0  }
.Ltmp2:
0x7f: {  	[sflag:s19] =	ssyncadd.s32 $0xFFFFC000;
	(pc) =	sbr.rel @p0 .LBB2_1-.Ltmp2, $4  }
0x80: {  	[hbm4b:s16+s4] =	stream.linear.scatter [tilespmem:s18], [sflag:$0x2], $0x4000, $0x38;
	[tilespmem:$0x1D000] =	vst v63  }
0x81: {  	_ =	swait.ge [sflag:s19], $0x4000  }
0x82: {  	[sflag:s19] =	ssyncset.done $0x0  }
0x83: {  	[sflag:s19] =	ssyncadd.s32 $0xFFFFC000  }
0x84: {  	_ =	sfence.sel $0x180000  }
0x85: {  	[bflag:$0x0] =	sbarrier.arrive $0xFFFF  }
0x86: {  	p0 =	sne.s32 s0, $0x0;
	_ =	strace $0x90000056  }
0x87: {  	s0 =	sadd.s32 @!p0 $0x100000, s2;
	[bflag:$0x2] =	sbarrier.arrive $0xFFFF  }
0x88: {  	[sflag:s0] =	ssyncadd.tile.s32 @!p0 $0x1;
	_ =	shalt  }
.Lfunc_end2:
_tile_overlayer_lowered:
.L_overlay_start_2:
0x89: {  	(tag) =	ssettag $0x2  }
0x8a: {  	s0 =	rddreg [dreg:$0x0];
	s2 =	stileid.u32  }
0x8b: {  	s1 =	rddreg [dreg:$0x1];
	p0 =	sne.s32 s2, $0x0  }
0x8c: {  	s3 =	rddreg [dreg:$0x2];
	[bflag:$0x3] =	sbarrier.arrive $0xFFFF;
	s2 =	simm.s32 @!p0 $0x1C02  }
0x8d: {  	[timem:s3], [sflag:s2] =	dma.local @!p0 [hbm:s0], s1  }
0x8e: {  	s0 =	simm.s32 @!p0 $0x2  }
0x8f: {  	_ =	swait.ge @!p0 [sflag:s0], s1  }
0x90: {  	s1 =	ssub.s32 @!p0 $0x0, s1;
	[sflag:s0] =	ssyncset.done @!p0 $0x0  }
0x91: {  	[sflag:s0] =	ssyncadd.s32 @!p0 s1  }
0x92: {  	[bflag:$0x3] =	sbarrier.arrive $0xFFFF  }
0x93: {  	_ =	shalt  }

</sc_bundles>
